<compile_context>
chip_gen: v7x
topology: tpu7x:2x2x1
jax: 0.10.2.dev20260603
libtpu: 0.0.44.dev20260713+nightly
codegen_flags: <defaults>
</compile_context>

<pallas_src>
import functools

import jax
import jax.numpy as jnp
from jax import lax
from jax.experimental import pallas as pl
from jax.experimental.pallas import tpu as pltpu
from jax.experimental.pallas import tpu_sc as plsc

_MARGIN = 1.0
_MAX_ITER = 15
_NEAREST = 3
_NUM = 2
_BIG = 1e30

_B = 256
_C = 128
_NSUB = 16
_RPW = _B // _NSUB
_L = 16
_NCH = _C // _L


def _prep_body(f_ref, c_ref, workd_ref, tworkd_ref, same_ref):
    f = f_ref[:]
    c = c_ref[:]
    B, K = f.shape
    C = c.shape[0]

    hi = lax.Precision.HIGHEST
    fn = jnp.sum(f * f, axis=1, keepdims=True)
    ones_row = jnp.ones((1, K), jnp.float32)
    cn_row = lax.dot_general(
        ones_row, c * c, (((1,), (1,)), ((), ())),
        precision=hi, preferred_element_type=jnp.float32)
    fc = lax.dot_general(
        f, c, (((1,), (1,)), ((), ())),
        precision=hi, preferred_element_type=jnp.float32)
    D = jnp.sqrt(jnp.maximum(fn + cn_row - 2.0 * fc, 0.0))

    cc = lax.dot_general(
        c, c, (((1,), (1,)), ((), ())),
        precision=hi, preferred_element_type=jnp.float32)
    cn_col = lax.dot_general(
        c * c, ones_row, (((1,), (1,)), ((), ())),
        precision=hi, preferred_element_type=jnp.float32)
    S2 = jnp.maximum(cn_col + cn_row - 2.0 * cc, 0.0)
    rowc = lax.broadcasted_iota(jnp.int32, (C, C), 0)
    colc = lax.broadcasted_iota(jnp.int32, (C, C), 1)
    S2 = jnp.where(rowc == colc, 0.0, S2)

    near = jnp.zeros((C, C), jnp.float32)
    work = S2
    for _ in range(_NEAREST):
        m = jnp.min(work, axis=1, keepdims=True)
        eq = work == m
        first = jnp.min(jnp.where(eq, colc, C + 1), axis=1, keepdims=True)
        oh = colc == first
        near = jnp.where(oh, 1.0, near)
        work = jnp.where(oh, _BIG, work)
    trust = 1.0 - near

    rowb = lax.broadcasted_iota(jnp.int32, (B, C), 0)
    colb = lax.broadcasted_iota(jnp.int32, (B, C), 1)
    lbl = rowb // _NUM
    onehot = (colb == lbl).astype(jnp.float32)
    tmask = lax.dot_general(
        onehot, trust, (((1,), (1,)), ((), ())),
        preferred_element_type=jnp.float32)

    own = colb == lbl
    same = jnp.sum(jnp.where(own, D, 0.0), axis=1, keepdims=True)
    same_ref[:] = jnp.broadcast_to(same, (B, _L))
    workd = jnp.where(own, _BIG, D)
    workd_ref[:] = workd
    tworkd_ref[:] = jnp.where(tmask > 0.5, workd, _BIG)


@functools.partial(
    pl.kernel,
    mesh=plsc.VectorSubcoreMesh(
        core_axis_name="c", subcore_axis_name="s", num_cores=1),
    out_type=[
        jax.ShapeDtypeStruct((_NSUB, _L), jnp.float32),
        jax.ShapeDtypeStruct((_L,), jnp.float32),
    ],
    scratch_types=[
        pltpu.VMEM((_RPW, _C), jnp.float32),
        pltpu.VMEM((_RPW, _C), jnp.float32),
        pltpu.VMEM((_RPW, _L), jnp.float32),
        pltpu.VMEM((_L,), jnp.float32),
        pltpu.VMEM((_NSUB, _L), jnp.float32),
        pltpu.SemaphoreType.DMA,
        pltpu.SemaphoreType.DMA,
        pltpu.SemaphoreType.DMA,
    ],
)
def _sc_select(workd_hbm, tworkd_hbm, same_hbm, part_hbm, out_hbm,
               wd_v, td_v, same_v, acc_v, sh_v, sem1, sem2, sem3):
    sid = lax.axis_index("s")
    base = sid * _RPW
    cp1 = pltpu.async_copy(workd_hbm.at[pl.ds(base, _RPW)], wd_v, sem1)
    cp2 = pltpu.async_copy(tworkd_hbm.at[pl.ds(base, _RPW)], td_v, sem2)
    cp3 = pltpu.async_copy(same_hbm.at[pl.ds(base, _RPW)], same_v, sem3)
    cp1.wait()
    cp2.wait()
    cp3.wait()

    lane = lax.broadcasted_iota(jnp.int32, (_L,), 0)

    def splat_min(v):
        for s in (8, 4, 2, 1):
            v = jnp.minimum(v, v.at[lane ^ s].get(mode="promise_in_bounds"))
        return v

    def splat_sum(v):
        for s in (8, 4, 2, 1):
            v = v + v.at[lane ^ s].get(mode="promise_in_bounds")
        return v

    hacc = jnp.zeros((_L,), jnp.float32)
    for r in range(_RPW):
        tm = td_v[r, pl.ds(0, _L)]
        for k in range(1, _NCH):
            tm = jnp.minimum(tm, td_v[r, pl.ds(k * _L, _L)])
        uv = splat_min(tm)
        cnt = jnp.zeros((_L,), jnp.float32)
        for k in range(_NCH):
            dk = wd_v[r, pl.ds(k * _L, _L)]
            cnt = cnt + jnp.where(dk < uv, 1.0, 0.0)
        cnt = splat_sum(cnt)
        md = jnp.where(
            cnt < float(_MAX_ITER), jnp.where(uv < _BIG * 0.5, uv, 0.0), 0.0)
        hacc = hacc + jnp.maximum(_MARGIN + same_v[r, :] - md, 0.0)
    acc_v[:] = hacc
    pltpu.sync_copy(acc_v, part_hbm.at[sid])
    plsc.subcore_barrier()

    @pl.when(sid == 0)
    def _():
        pltpu.sync_copy(part_hbm, sh_v)
        tot = sh_v[0, :]
        for w in range(1, _NSUB):
            tot = tot + sh_v[w, :]
        acc_v[:] = tot * (1.0 / _B)
        pltpu.sync_copy(acc_v, out_hbm)


def kernel(feature, centers):
    workd, tworkd, same = pl.pallas_call(
        _prep_body,
        out_shape=[
            jax.ShapeDtypeStruct((_B, _C), jnp.float32),
            jax.ShapeDtypeStruct((_B, _C), jnp.float32),
            jax.ShapeDtypeStruct((_B, _L), jnp.float32),
        ],
    )(feature, centers)
    _, loss = _sc_select(workd, tworkd, same)
    return loss[0]

# --- scband reference (transcript-rebuilt; emitter-appended) ---
"""Pipeline reference for scband-ipfl-26482768347622 (READ-ONLY COPY).

The authoritative reference and input builder live on the scoring server;
editing this copy changes nothing except your own understanding.
"""

import jax, jax.numpy as jnp
import numpy as np

MARGIN = 1.0
P = 2
MAX_ITER = 15
NEAREST = 3
NUM = 2


def setup_inputs(seed: int = 0) -> dict:
    key = jax.random.key(seed)
    k1, k2 = jax.random.split(key)
    feature = jax.random.normal(k1, (256, 128), dtype=jnp.float32)
    centers = jax.random.normal(k2, (128, 128), dtype=jnp.float32)
    return {"feature": feature, "centers": centers}


def reference(feature, centers):
    B = feature.shape[0]
    C = B // NUM
    image_label = np.reshape(np.transpose(np.tile(np.arange(C), (NUM, 1))), (-1,))
    center_label = np.arange(C)
    loss = jnp.asarray(0.0, dtype=feature.dtype)
    size = 0
    for i in range(B):
        label = int(image_label[i])
        diff = jnp.sqrt(jnp.sum((feature[i][None, :] - centers) ** P, axis=1))
        same = diff[center_label == label]
        mask_idx = np.nonzero(center_label != label)[0]
        other = diff[mask_idx]
        sorted_vals = jnp.sort(other)
        order = jnp.argsort(other)
        centers_other = centers[mask_idx]
        m = MAX_ITER if MAX_ITER < int(order.shape[0]) else int(order.shape[0])
        sel = centers_other[order[:m]]
        sout = jnp.sum((sel[:, None, :] - centers) ** P, axis=2) ** (1.0 / P)
        sindex = jnp.argsort(sout, axis=1)
        near = jnp.asarray(center_label)[sindex[:, :NEAREST]]
        cond = jnp.logical_not(jnp.any(near == label, axis=1))
        first_j = jnp.argmax(cond)
        found = jnp.any(cond)
        min_diff = jnp.where(
            found, sorted_vals[first_j], jnp.asarray(0.0, dtype=feature.dtype)
        )
        dist_hinge = jnp.maximum(MARGIN + same.mean() - min_diff, 0.0)
        size += 1
        loss = loss + dist_hinge
    return loss / size

if __name__ == "__main__":
    import jax
    _d = setup_inputs()
    print(jax.jit(kernel)(*tuple(_d.values())))

</pallas_src>

<mosaic_0001>
#map = affine_map<(d0, d1) -> (0, 0)>
#map1 = affine_map<(d0, d1) -> (0)>
module attributes {stable_mosaic.version = 14 : i64} {
  func.func @_sc_select(%arg0: i32, %arg1: i32, %arg2: memref<256x128xf32, #tpu.memory_space<hbm>>, %arg3: memref<256x128xf32, #tpu.memory_space<hbm>>, %arg4: memref<256x16xf32, #tpu.memory_space<hbm>>, %arg5: memref<16x16xf32, #tpu.memory_space<hbm>>, %arg6: memref<16xf32, #tpu.memory_space<hbm>>, %arg7: memref<16x128xf32, #tpu.memory_space<vmem>>, %arg8: memref<16x128xf32, #tpu.memory_space<vmem>>, %arg9: memref<16x16xf32, #tpu.memory_space<vmem>>, %arg10: memref<16xf32, #tpu.memory_space<vmem>>, %arg11: memref<16x16xf32, #tpu.memory_space<vmem>>, %arg12: memref<!tpu.dma_semaphore, #tpu.memory_space<semaphore_mem>>, %arg13: memref<!tpu.dma_semaphore, #tpu.memory_space<semaphore_mem>>, %arg14: memref<!tpu.dma_semaphore, #tpu.memory_space<semaphore_mem>>) attributes {dimension_semantics = [#tpu.dimension_semantics<core_parallel>, #tpu.dimension_semantics<subcore_parallel>], iteration_bounds = array<i64: 1, 16>, scalar_prefetch = 0 : i64, scratch_operands = 8 : i64, tpu.core_type = #tpu.core_type<sc_vector_subcore>, window_params = [{transform_indices = #map}, {transform_indices = #map}, {transform_indices = #map}, {transform_indices = #map}, {transform_indices = #map1}]} {
    %mul3A = arith.constant 16 : i32
    %mul3A_0 = arith.muli %arg1, %mul3A : i32
    %dma_start3A = arith.constant 0 : i32
    %dma_start3A_1 = tpu.memref_slice %arg2[%mul3A_0, %dma_start3A] : memref<256x128xf32, #tpu.memory_space<hbm>> -> memref<16x128xf32, #tpu.memory_space<hbm>>
    %dma_start3A_2 = arith.constant 0 : i32
    %dma_start3A_3 = tpu.memref_slice %arg2[%mul3A_0, %dma_start3A_2] : memref<256x128xf32, #tpu.memory_space<hbm>> -> memref<16x128xf32, #tpu.memory_space<hbm>>
    tpu.enqueue_dma source(%dma_start3A_3 : memref<16x128xf32, #tpu.memory_space<hbm>>) target(%arg7 : memref<16x128xf32, #tpu.memory_space<vmem>>) target_semaphore(%arg12 : memref<!tpu.dma_semaphore, #tpu.memory_space<semaphore_mem>>)
    %dma_start3A_4 = arith.constant 0 : i32
    %dma_start3A_5 = tpu.memref_slice %arg3[%mul3A_0, %dma_start3A_4] : memref<256x128xf32, #tpu.memory_space<hbm>> -> memref<16x128xf32, #tpu.memory_space<hbm>>
    %dma_start3A_6 = arith.constant 0 : i32
    %dma_start3A_7 = tpu.memref_slice %arg3[%mul3A_0, %dma_start3A_6] : memref<256x128xf32, #tpu.memory_space<hbm>> -> memref<16x128xf32, #tpu.memory_space<hbm>>
    tpu.enqueue_dma source(%dma_start3A_7 : memref<16x128xf32, #tpu.memory_space<hbm>>) target(%arg8 : memref<16x128xf32, #tpu.memory_space<vmem>>) target_semaphore(%arg13 : memref<!tpu.dma_semaphore, #tpu.memory_space<semaphore_mem>>)
    %dma_start3A_8 = arith.constant 0 : i32
    %dma_start3A_9 = tpu.memref_slice %arg4[%mul3A_0, %dma_start3A_8] : memref<256x16xf32, #tpu.memory_space<hbm>> -> memref<16x16xf32, #tpu.memory_space<hbm>>
    %dma_start3A_10 = arith.constant 0 : i32
    %dma_start3A_11 = tpu.memref_slice %arg4[%mul3A_0, %dma_start3A_10] : memref<256x16xf32, #tpu.memory_space<hbm>> -> memref<16x16xf32, #tpu.memory_space<hbm>>
    tpu.enqueue_dma source(%dma_start3A_11 : memref<16x16xf32, #tpu.memory_space<hbm>>) target(%arg9 : memref<16x16xf32, #tpu.memory_space<vmem>>) target_semaphore(%arg14 : memref<!tpu.dma_semaphore, #tpu.memory_space<semaphore_mem>>)
    %dma_wait3A = arith.constant 0 : i32
    %dma_wait3A_12 = tpu.memref_slice %arg2[%mul3A_0, %dma_wait3A] : memref<256x128xf32, #tpu.memory_space<hbm>> -> memref<16x128xf32, #tpu.memory_space<hbm>>
    %dma_wait3A_13 = arith.constant 0 : i32
    %dma_wait3A_14 = tpu.memref_slice %arg2[%mul3A_0, %dma_wait3A_13] : memref<256x128xf32, #tpu.memory_space<hbm>> -> memref<16x128xf32, #tpu.memory_space<hbm>>
    tpu.wait_dma2 semaphore(%arg12 : memref<!tpu.dma_semaphore, #tpu.memory_space<semaphore_mem>>) src(%dma_wait3A_14 : memref<16x128xf32, #tpu.memory_space<hbm>>) dst(%arg7 : memref<16x128xf32, #tpu.memory_space<vmem>>)
    %dma_wait3A_15 = arith.constant 0 : i32
    %dma_wait3A_16 = tpu.memref_slice %arg3[%mul3A_0, %dma_wait3A_15] : memref<256x128xf32, #tpu.memory_space<hbm>> -> memref<16x128xf32, #tpu.memory_space<hbm>>
    %dma_wait3A_17 = arith.constant 0 : i32
    %dma_wait3A_18 = tpu.memref_slice %arg3[%mul3A_0, %dma_wait3A_17] : memref<256x128xf32, #tpu.memory_space<hbm>> -> memref<16x128xf32, #tpu.memory_space<hbm>>
    tpu.wait_dma2 semaphore(%arg13 : memref<!tpu.dma_semaphore, #tpu.memory_space<semaphore_mem>>) src(%dma_wait3A_18 : memref<16x128xf32, #tpu.memory_space<hbm>>) dst(%arg8 : memref<16x128xf32, #tpu.memory_space<vmem>>)
    %dma_wait3A_19 = arith.constant 0 : i32
    %dma_wait3A_20 = tpu.memref_slice %arg4[%mul3A_0, %dma_wait3A_19] : memref<256x16xf32, #tpu.memory_space<hbm>> -> memref<16x16xf32, #tpu.memory_space<hbm>>
    %dma_wait3A_21 = arith.constant 0 : i32
    %dma_wait3A_22 = tpu.memref_slice %arg4[%mul3A_0, %dma_wait3A_21] : memref<256x16xf32, #tpu.memory_space<hbm>> -> memref<16x16xf32, #tpu.memory_space<hbm>>
    tpu.wait_dma2 semaphore(%arg14 : memref<!tpu.dma_semaphore, #tpu.memory_space<semaphore_mem>>) src(%dma_wait3A_22 : memref<16x16xf32, #tpu.memory_space<hbm>>) dst(%arg9 : memref<16x16xf32, #tpu.memory_space<vmem>>)
    %iota3A = tpu.iota {dimensions = array<i32: 0>} : vector<16xi32>
    %broadcast_in_dim3A = arith.constant 0.000000e+00 : f32
    %broadcast_in_dim3A_23 = vector.broadcast %broadcast_in_dim3A : f32 to vector<16xf32>
    %get3A = arith.constant 0 : i32
    %get3A_24 = arith.index_cast %get3A : i32 to index
    %get3A_25 = arith.constant 0 : index
    %get3A_26 = tpu.vector_load %arg8[%get3A_24, %get3A_25] {strides = array<i32>} : memref<16x128xf32, #tpu.memory_space<vmem>>, vector<1x16xf32>,
    %get3A_27 = vector.shape_cast %get3A_26 : vector<1x16xf32> to vector<16xf32>
    %get3A_28 = arith.constant 0 : i32
    %get3A_29 = arith.index_cast %get3A_28 : i32 to index
    %get3A_30 = arith.constant 16 : index
    %get3A_31 = tpu.vector_load %arg8[%get3A_29, %get3A_30] {strides = array<i32>} : memref<16x128xf32, #tpu.memory_space<vmem>>, vector<1x16xf32>,
    %get3A_32 = vector.shape_cast %get3A_31 : vector<1x16xf32> to vector<16xf32>
    %min3A = arith.minimumf %get3A_27, %get3A_32 : vector<16xf32>
    %get3A_33 = arith.constant 0 : i32
    %get3A_34 = arith.index_cast %get3A_33 : i32 to index
    %get3A_35 = arith.constant 32 : index
    %get3A_36 = tpu.vector_load %arg8[%get3A_34, %get3A_35] {strides = array<i32>} : memref<16x128xf32, #tpu.memory_space<vmem>>, vector<1x16xf32>,
    %get3A_37 = vector.shape_cast %get3A_36 : vector<1x16xf32> to vector<16xf32>
    %min3A_38 = arith.minimumf %min3A, %get3A_37 : vector<16xf32>
    %get3A_39 = arith.constant 0 : i32
    %get3A_40 = arith.index_cast %get3A_39 : i32 to index
    %get3A_41 = arith.constant 48 : index
    %get3A_42 = tpu.vector_load %arg8[%get3A_40, %get3A_41] {strides = array<i32>} : memref<16x128xf32, #tpu.memory_space<vmem>>, vector<1x16xf32>,
    %get3A_43 = vector.shape_cast %get3A_42 : vector<1x16xf32> to vector<16xf32>
    %min3A_44 = arith.minimumf %min3A_38, %get3A_43 : vector<16xf32>
    %get3A_45 = arith.constant 0 : i32
    %get3A_46 = arith.index_cast %get3A_45 : i32 to index
    %get3A_47 = arith.constant 64 : index
    %get3A_48 = tpu.vector_load %arg8[%get3A_46, %get3A_47] {strides = array<i32>} : memref<16x128xf32, #tpu.memory_space<vmem>>, vector<1x16xf32>,
    %get3A_49 = vector.shape_cast %get3A_48 : vector<1x16xf32> to vector<16xf32>
    %min3A_50 = arith.minimumf %min3A_44, %get3A_49 : vector<16xf32>
    %get3A_51 = arith.constant 0 : i32
    %get3A_52 = arith.index_cast %get3A_51 : i32 to index
    %get3A_53 = arith.constant 80 : index
    %get3A_54 = tpu.vector_load %arg8[%get3A_52, %get3A_53] {strides = array<i32>} : memref<16x128xf32, #tpu.memory_space<vmem>>, vector<1x16xf32>,
    %get3A_55 = vector.shape_cast %get3A_54 : vector<1x16xf32> to vector<16xf32>
    %min3A_56 = arith.minimumf %min3A_50, %get3A_55 : vector<16xf32>
    %get3A_57 = arith.constant 0 : i32
    %get3A_58 = arith.index_cast %get3A_57 : i32 to index
    %get3A_59 = arith.constant 96 : index
    %get3A_60 = tpu.vector_load %arg8[%get3A_58, %get3A_59] {strides = array<i32>} : memref<16x128xf32, #tpu.memory_space<vmem>>, vector<1x16xf32>,
    %get3A_61 = vector.shape_cast %get3A_60 : vector<1x16xf32> to vector<16xf32>
    %min3A_62 = arith.minimumf %min3A_56, %get3A_61 : vector<16xf32>
    %get3A_63 = arith.constant 0 : i32
    %get3A_64 = arith.index_cast %get3A_63 : i32 to index
    %get3A_65 = arith.constant 112 : index
    %get3A_66 = tpu.vector_load %arg8[%get3A_64, %get3A_65] {strides = array<i32>} : memref<16x128xf32, #tpu.memory_space<vmem>>, vector<1x16xf32>,
    %get3A_67 = vector.shape_cast %get3A_66 : vector<1x16xf32> to vector<16xf32>
    %min3A_68 = arith.minimumf %min3A_62, %get3A_67 : vector<16xf32>
    %xor3A = arith.constant 8 : i32
    %xor3A_69 = vector.broadcast %xor3A : i32 to vector<16xi32>
    %xor3A_70 = arith.xori %iota3A, %xor3A_69 : vector<16xi32>
    %lt3A = arith.constant 0 : i32
    %lt3A_71 = vector.broadcast %lt3A : i32 to vector<16xi32>
    %lt3A_72 = arith.cmpi slt, %xor3A_70, %lt3A_71 : vector<16xi32>
    %add3A = arith.constant 16 : i32
    %add3A_73 = vector.broadcast %add3A : i32 to vector<16xi32>
    %add3A_74 = arith.addi %xor3A_70, %add3A_73 : vector<16xi32>
    %select_n3A = arith.select %lt3A_72, %add3A_74, %xor3A_70 : vector<16xi1>, vector<16xi32>
    %broadcast_in_dim3A_75 = vector.shape_cast %select_n3A : vector<16xi32> to vector<16x1xi32>
    %gather3A = vector.shape_cast %broadcast_in_dim3A_75 : vector<16x1xi32> to vector<16xi32>
    %gather3A_76 = tpu.dynamic_gather %min3A_68[%gather3A] in [0] : vector<16xf32>, vector<16xi32> -> vector<16xf32>
    %min3A_77 = arith.minimumf %min3A_68, %gather3A_76 : vector<16xf32>
    %xor3A_78 = arith.constant 4 : i32
    %xor3A_79 = vector.broadcast %xor3A_78 : i32 to vector<16xi32>
    %xor3A_80 = arith.xori %iota3A, %xor3A_79 : vector<16xi32>
    %lt3A_81 = arith.constant 0 : i32
    %lt3A_82 = vector.broadcast %lt3A_81 : i32 to vector<16xi32>
    %lt3A_83 = arith.cmpi slt, %xor3A_80, %lt3A_82 : vector<16xi32>
    %add3A_84 = arith.constant 16 : i32
    %add3A_85 = vector.broadcast %add3A_84 : i32 to vector<16xi32>
    %add3A_86 = arith.addi %xor3A_80, %add3A_85 : vector<16xi32>
    %select_n3A_87 = arith.select %lt3A_83, %add3A_86, %xor3A_80 : vector<16xi1>, vector<16xi32>
    %broadcast_in_dim3A_88 = vector.shape_cast %select_n3A_87 : vector<16xi32> to vector<16x1xi32>
    %gather3A_89 = vector.shape_cast %broadcast_in_dim3A_88 : vector<16x1xi32> to vector<16xi32>
    %gather3A_90 = tpu.dynamic_gather %min3A_77[%gather3A_89] in [0] : vector<16xf32>, vector<16xi32> -> vector<16xf32>
    %min3A_91 = arith.minimumf %min3A_77, %gather3A_90 : vector<16xf32>
    %xor3A_92 = arith.constant 2 : i32
    %xor3A_93 = vector.broadcast %xor3A_92 : i32 to vector<16xi32>
    %xor3A_94 = arith.xori %iota3A, %xor3A_93 : vector<16xi32>
    %lt3A_95 = arith.constant 0 : i32
    %lt3A_96 = vector.broadcast %lt3A_95 : i32 to vector<16xi32>
    %lt3A_97 = arith.cmpi slt, %xor3A_94, %lt3A_96 : vector<16xi32>
    %add3A_98 = arith.constant 16 : i32
    %add3A_99 = vector.broadcast %add3A_98 : i32 to vector<16xi32>
    %add3A_100 = arith.addi %xor3A_94, %add3A_99 : vector<16xi32>
    %select_n3A_101 = arith.select %lt3A_97, %add3A_100, %xor3A_94 : vector<16xi1>, vector<16xi32>
    %broadcast_in_dim3A_102 = vector.shape_cast %select_n3A_101 : vector<16xi32> to vector<16x1xi32>
    %gather3A_103 = vector.shape_cast %broadcast_in_dim3A_102 : vector<16x1xi32> to vector<16xi32>
    %gather3A_104 = tpu.dynamic_gather %min3A_91[%gather3A_103] in [0] : vector<16xf32>, vector<16xi32> -> vector<16xf32>
    %min3A_105 = arith.minimumf %min3A_91, %gather3A_104 : vector<16xf32>
    %xor3A_106 = arith.constant 1 : i32
    %xor3A_107 = vector.broadcast %xor3A_106 : i32 to vector<16xi32>
    %xor3A_108 = arith.xori %iota3A, %xor3A_107 : vector<16xi32>
    %lt3A_109 = arith.constant 0 : i32
    %lt3A_110 = vector.broadcast %lt3A_109 : i32 to vector<16xi32>
    %lt3A_111 = arith.cmpi slt, %xor3A_108, %lt3A_110 : vector<16xi32>
    %add3A_112 = arith.constant 16 : i32
    %add3A_113 = vector.broadcast %add3A_112 : i32 to vector<16xi32>
    %add3A_114 = arith.addi %xor3A_108, %add3A_113 : vector<16xi32>
    %select_n3A_115 = arith.select %lt3A_111, %add3A_114, %xor3A_108 : vector<16xi1>, vector<16xi32>
    %broadcast_in_dim3A_116 = vector.shape_cast %select_n3A_115 : vector<16xi32> to vector<16x1xi32>
    %gather3A_117 = vector.shape_cast %broadcast_in_dim3A_116 : vector<16x1xi32> to vector<16xi32>
    %gather3A_118 = tpu.dynamic_gather %min3A_105[%gather3A_117] in [0] : vector<16xf32>, vector<16xi32> -> vector<16xf32>
    %min3A_119 = arith.minimumf %min3A_105, %gather3A_118 : vector<16xf32>
    %broadcast_in_dim3A_120 = arith.constant 0.000000e+00 : f32
    %broadcast_in_dim3A_121 = vector.broadcast %broadcast_in_dim3A_120 : f32 to vector<16xf32>
    %get3A_122 = arith.constant 0 : i32
    %get3A_123 = arith.index_cast %get3A_122 : i32 to index
    %get3A_124 = arith.constant 0 : index
    %get3A_125 = tpu.vector_load %arg7[%get3A_123, %get3A_124] {strides = array<i32>} : memref<16x128xf32, #tpu.memory_space<vmem>>, vector<1x16xf32>,
    %get3A_126 = vector.shape_cast %get3A_125 : vector<1x16xf32> to vector<16xf32>
    %lt3A_127 = arith.cmpf olt, %get3A_126, %min3A_119 : vector<16xf32>
    %jit3A = arith.constant 1.000000e+00 : f32
    %jit3A_128 = arith.constant 0.000000e+00 : f32
    %broadcast_in_dim3A_129 = vector.broadcast %jit3A : f32 to vector<16xf32>
    %broadcast_in_dim3A_130 = vector.broadcast %jit3A_128 : f32 to vector<16xf32>
    %select_n3A_131 = arith.select %lt3A_127, %broadcast_in_dim3A_129, %broadcast_in_dim3A_130 : vector<16xi1>, vector<16xf32>
    %add3A_132 = arith.addf %broadcast_in_dim3A_121, %select_n3A_131 : vector<16xf32>
    %get3A_133 = arith.constant 0 : i32
    %get3A_134 = arith.index_cast %get3A_133 : i32 to index
    %get3A_135 = arith.constant 16 : index
    %get3A_136 = tpu.vector_load %arg7[%get3A_134, %get3A_135] {strides = array<i32>} : memref<16x128xf32, #tpu.memory_space<vmem>>, vector<1x16xf32>,
    %get3A_137 = vector.shape_cast %get3A_136 : vector<1x16xf32> to vector<16xf32>
    %lt3A_138 = arith.cmpf olt, %get3A_137, %min3A_119 : vector<16xf32>
    %jit3A_139 = arith.constant 1.000000e+00 : f32
    %jit3A_140 = arith.constant 0.000000e+00 : f32
    %broadcast_in_dim3A_141 = vector.broadcast %jit3A_139 : f32 to vector<16xf32>
    %broadcast_in_dim3A_142 = vector.broadcast %jit3A_140 : f32 to vector<16xf32>
    %select_n3A_143 = arith.select %lt3A_138, %broadcast_in_dim3A_141, %broadcast_in_dim3A_142 : vector<16xi1>, vector<16xf32>
    %add3A_144 = arith.addf %add3A_132, %select_n3A_143 : vector<16xf32>
    %get3A_145 = arith.constant 0 : i32
    %get3A_146 = arith.index_cast %get3A_145 : i32 to index
    %get3A_147 = arith.constant 32 : index
    %get3A_148 = tpu.vector_load %arg7[%get3A_146, %get3A_147] {strides = array<i32>} : memref<16x128xf32, #tpu.memory_space<vmem>>, vector<1x16xf32>,
    %get3A_149 = vector.shape_cast %get3A_148 : vector<1x16xf32> to vector<16xf32>
    %lt3A_150 = arith.cmpf olt, %get3A_149, %min3A_119 : vector<16xf32>
    %jit3A_151 = arith.constant 1.000000e+00 : f32
    %jit3A_152 = arith.constant 0.000000e+00 : f32
    %broadcast_in_dim3A_153 = vector.broadcast %jit3A_151 : f32 to vector<16xf32>
    %broadcast_in_dim3A_154 = vector.broadcast %jit3A_152 : f32 to vector<16xf32>
    %select_n3A_155 = arith.select %lt3A_150, %broadcast_in_dim3A_153, %broadcast_in_dim3A_154 : vector<16xi1>, vector<16xf32>
    %add3A_156 = arith.addf %add3A_144, %select_n3A_155 : vector<16xf32>
    %get3A_157 = arith.constant 0 : i32
    %get3A_158 = arith.index_cast %get3A_157 : i32 to index
    %get3A_159 = arith.constant 48 : index
    %get3A_160 = tpu.vector_load %arg7[%get3A_158, %get3A_159] {strides = array<i32>} : memref<16x128xf32, #tpu.memory_space<vmem>>, vector<1x16xf32>,
    %get3A_161 = vector.shape_cast %get3A_160 : vector<1x16xf32> to vector<16xf32>
    %lt3A_162 = arith.cmpf olt, %get3A_161, %min3A_119 : vector<16xf32>
    %jit3A_163 = arith.constant 1.000000e+00 : f32
    %jit3A_164 = arith.constant 0.000000e+00 : f32
    %broadcast_in_dim3A_165 = vector.broadcast %jit3A_163 : f32 to vector<16xf32>
    %broadcast_in_dim3A_166 = vector.broadcast %jit3A_164 : f32 to vector<16xf32>
    %select_n3A_167 = arith.select %lt3A_162, %broadcast_in_dim3A_165, %broadcast_in_dim3A_166 : vector<16xi1>, vector<16xf32>
    %add3A_168 = arith.addf %add3A_156, %select_n3A_167 : vector<16xf32>
    %get3A_169 = arith.constant 0 : i32
    %get3A_170 = arith.index_cast %get3A_169 : i32 to index
    %get3A_171 = arith.constant 64 : index
    %get3A_172 = tpu.vector_load %arg7[%get3A_170, %get3A_171] {strides = array<i32>} : memref<16x128xf32, #tpu.memory_space<vmem>>, vector<1x16xf32>,
    %get3A_173 = vector.shape_cast %get3A_172 : vector<1x16xf32> to vector<16xf32>
    %lt3A_174 = arith.cmpf olt, %get3A_173, %min3A_119 : vector<16xf32>
    %jit3A_175 = arith.constant 1.000000e+00 : f32
    %jit3A_176 = arith.constant 0.000000e+00 : f32
    %broadcast_in_dim3A_177 = vector.broadcast %jit3A_175 : f32 to vector<16xf32>
    %broadcast_in_dim3A_178 = vector.broadcast %jit3A_176 : f32 to vector<16xf32>
    %select_n3A_179 = arith.select %lt3A_174, %broadcast_in_dim3A_177, %broadcast_in_dim3A_178 : vector<16xi1>, vector<16xf32>
    %add3A_180 = arith.addf %add3A_168, %select_n3A_179 : vector<16xf32>
    %get3A_181 = arith.constant 0 : i32
    %get3A_182 = arith.index_cast %get3A_181 : i32 to index
    %get3A_183 = arith.constant 80 : index
    %get3A_184 = tpu.vector_load %arg7[%get3A_182, %get3A_183] {strides = array<i32>} : memref<16x128xf32, #tpu.memory_space<vmem>>, vector<1x16xf32>,
    %get3A_185 = vector.shape_cast %get3A_184 : vector<1x16xf32> to vector<16xf32>
    %lt3A_186 = arith.cmpf olt, %get3A_185, %min3A_119 : vector<16xf32>
    %jit3A_187 = arith.constant 1.000000e+00 : f32
    %jit3A_188 = arith.constant 0.000000e+00 : f32
    %broadcast_in_dim3A_189 = vector.broadcast %jit3A_187 : f32 to vector<16xf32>
    %broadcast_in_dim3A_190 = vector.broadcast %jit3A_188 : f32 to vector<16xf32>
    %select_n3A_191 = arith.select %lt3A_186, %broadcast_in_dim3A_189, %broadcast_in_dim3A_190 : vector<16xi1>, vector<16xf32>
    %add3A_192 = arith.addf %add3A_180, %select_n3A_191 : vector<16xf32>
    %get3A_193 = arith.constant 0 : i32
    %get3A_194 = arith.index_cast %get3A_193 : i32 to index
    %get3A_195 = arith.constant 96 : index
    %get3A_196 = tpu.vector_load %arg7[%get3A_194, %get3A_195] {strides = array<i32>} : memref<16x128xf32, #tpu.memory_space<vmem>>, vector<1x16xf32>,
    %get3A_197 = vector.shape_cast %get3A_196 : vector<1x16xf32> to vector<16xf32>
    %lt3A_198 = arith.cmpf olt, %get3A_197, %min3A_119 : vector<16xf32>
    %jit3A_199 = arith.constant 1.000000e+00 : f32
    %jit3A_200 = arith.constant 0.000000e+00 : f32
    %broadcast_in_dim3A_201 = vector.broadcast %jit3A_199 : f32 to vector<16xf32>
    %broadcast_in_dim3A_202 = vector.broadcast %jit3A_200 : f32 to vector<16xf32>
    %select_n3A_203 = arith.select %lt3A_198, %broadcast_in_dim3A_201, %broadcast_in_dim3A_202 : vector<16xi1>, vector<16xf32>
    %add3A_204 = arith.addf %add3A_192, %select_n3A_203 : vector<16xf32>
    %get3A_205 = arith.constant 0 : i32
    %get3A_206 = arith.index_cast %get3A_205 : i32 to index
    %get3A_207 = arith.constant 112 : index
    %get3A_208 = tpu.vector_load %arg7[%get3A_206, %get3A_207] {strides = array<i32>} : memref<16x128xf32, #tpu.memory_space<vmem>>, vector<1x16xf32>,
    %get3A_209 = vector.shape_cast %get3A_208 : vector<1x16xf32> to vector<16xf32>
    %lt3A_210 = arith.cmpf olt, %get3A_209, %min3A_119 : vector<16xf32>
    %jit3A_211 = arith.constant 1.000000e+00 : f32
    %jit3A_212 = arith.constant 0.000000e+00 : f32
    %broadcast_in_dim3A_213 = vector.broadcast %jit3A_211 : f32 to vector<16xf32>
    %broadcast_in_dim3A_214 = vector.broadcast %jit3A_212 : f32 to vector<16xf32>
    %select_n3A_215 = arith.select %lt3A_210, %broadcast_in_dim3A_213, %broadcast_in_dim3A_214 : vector<16xi1>, vector<16xf32>
    %add3A_216 = arith.addf %add3A_204, %select_n3A_215 : vector<16xf32>
    %xor3A_217 = arith.constant 8 : i32
    %xor3A_218 = vector.broadcast %xor3A_217 : i32 to vector<16xi32>
    %xor3A_219 = arith.xori %iota3A, %xor3A_218 : vector<16xi32>
    %lt3A_220 = arith.constant 0 : i32
    %lt3A_221 = vector.broadcast %lt3A_220 : i32 to vector<16xi32>
    %lt3A_222 = arith.cmpi slt, %xor3A_219, %lt3A_221 : vector<16xi32>
    %add3A_223 = arith.constant 16 : i32
    %add3A_224 = vector.broadcast %add3A_223 : i32 to vector<16xi32>
    %add3A_225 = arith.addi %xor3A_219, %add3A_224 : vector<16xi32>
    %select_n3A_226 = arith.select %lt3A_222, %add3A_225, %xor3A_219 : vector<16xi1>, vector<16xi32>
    %broadcast_in_dim3A_227 = vector.shape_cast %select_n3A_226 : vector<16xi32> to vector<16x1xi32>
    %gather3A_228 = vector.shape_cast %broadcast_in_dim3A_227 : vector<16x1xi32> to vector<16xi32>
    %gather3A_229 = tpu.dynamic_gather %add3A_216[%gather3A_228] in [0] : vector<16xf32>, vector<16xi32> -> vector<16xf32>
    %add3A_230 = arith.addf %add3A_216, %gather3A_229 : vector<16xf32>
    %xor3A_231 = arith.constant 4 : i32
    %xor3A_232 = vector.broadcast %xor3A_231 : i32 to vector<16xi32>
    %xor3A_233 = arith.xori %iota3A, %xor3A_232 : vector<16xi32>
    %lt3A_234 = arith.constant 0 : i32
    %lt3A_235 = vector.broadcast %lt3A_234 : i32 to vector<16xi32>
    %lt3A_236 = arith.cmpi slt, %xor3A_233, %lt3A_235 : vector<16xi32>
    %add3A_237 = arith.constant 16 : i32
    %add3A_238 = vector.broadcast %add3A_237 : i32 to vector<16xi32>
    %add3A_239 = arith.addi %xor3A_233, %add3A_238 : vector<16xi32>
    %select_n3A_240 = arith.select %lt3A_236, %add3A_239, %xor3A_233 : vector<16xi1>, vector<16xi32>
    %broadcast_in_dim3A_241 = vector.shape_cast %select_n3A_240 : vector<16xi32> to vector<16x1xi32>
    %gather3A_242 = vector.shape_cast %broadcast_in_dim3A_241 : vector<16x1xi32> to vector<16xi32>
    %gather3A_243 = tpu.dynamic_gather %add3A_230[%gather3A_242] in [0] : vector<16xf32>, vector<16xi32> -> vector<16xf32>
    %add3A_244 = arith.addf %add3A_230, %gather3A_243 : vector<16xf32>
    %xor3A_245 = arith.constant 2 : i32
    %xor3A_246 = vector.broadcast %xor3A_245 : i32 to vector<16xi32>
    %xor3A_247 = arith.xori %iota3A, %xor3A_246 : vector<16xi32>
    %lt3A_248 = arith.constant 0 : i32
    %lt3A_249 = vector.broadcast %lt3A_248 : i32 to vector<16xi32>
    %lt3A_250 = arith.cmpi slt, %xor3A_247, %lt3A_249 : vector<16xi32>
    %add3A_251 = arith.constant 16 : i32
    %add3A_252 = vector.broadcast %add3A_251 : i32 to vector<16xi32>
    %add3A_253 = arith.addi %xor3A_247, %add3A_252 : vector<16xi32>
    %select_n3A_254 = arith.select %lt3A_250, %add3A_253, %xor3A_247 : vector<16xi1>, vector<16xi32>
    %broadcast_in_dim3A_255 = vector.shape_cast %select_n3A_254 : vector<16xi32> to vector<16x1xi32>
    %gather3A_256 = vector.shape_cast %broadcast_in_dim3A_255 : vector<16x1xi32> to vector<16xi32>
    %gather3A_257 = tpu.dynamic_gather %add3A_244[%gather3A_256] in [0] : vector<16xf32>, vector<16xi32> -> vector<16xf32>
    %add3A_258 = arith.addf %add3A_244, %gather3A_257 : vector<16xf32>
    %xor3A_259 = arith.constant 1 : i32
    %xor3A_260 = vector.broadcast %xor3A_259 : i32 to vector<16xi32>
    %xor3A_261 = arith.xori %iota3A, %xor3A_260 : vector<16xi32>
    %lt3A_262 = arith.constant 0 : i32
    %lt3A_263 = vector.broadcast %lt3A_262 : i32 to vector<16xi32>
    %lt3A_264 = arith.cmpi slt, %xor3A_261, %lt3A_263 : vector<16xi32>
    %add3A_265 = arith.constant 16 : i32
    %add3A_266 = vector.broadcast %add3A_265 : i32 to vector<16xi32>
    %add3A_267 = arith.addi %xor3A_261, %add3A_266 : vector<16xi32>
    %select_n3A_268 = arith.select %lt3A_264, %add3A_267, %xor3A_261 : vector<16xi1>, vector<16xi32>
    %broadcast_in_dim3A_269 = vector.shape_cast %select_n3A_268 : vector<16xi32> to vector<16x1xi32>
    %gather3A_270 = vector.shape_cast %broadcast_in_dim3A_269 : vector<16x1xi32> to vector<16xi32>
    %gather3A_271 = tpu.dynamic_gather %add3A_258[%gather3A_270] in [0] : vector<16xf32>, vector<16xi32> -> vector<16xf32>
    %add3A_272 = arith.addf %add3A_258, %gather3A_271 : vector<16xf32>
    %lt3A_273 = arith.constant 1.500000e+01 : f32
    %lt3A_274 = vector.broadcast %lt3A_273 : f32 to vector<16xf32>
    %lt3A_275 = arith.cmpf olt, %add3A_272, %lt3A_274 : vector<16xf32>
    %lt3A_276 = arith.constant 5.000000e+29 : f32
    %lt3A_277 = vector.broadcast %lt3A_276 : f32 to vector<16xf32>
    %lt3A_278 = arith.cmpf olt, %min3A_119, %lt3A_277 : vector<16xf32>
    %jit3A_279 = arith.constant 0.000000e+00 : f32
    %broadcast_in_dim3A_280 = vector.broadcast %jit3A_279 : f32 to vector<16xf32>
    %select_n3A_281 = arith.select %lt3A_278, %min3A_119, %broadcast_in_dim3A_280 : vector<16xi1>, vector<16xf32>
    %jit3A_282 = arith.constant 0.000000e+00 : f32
    %broadcast_in_dim3A_283 = vector.broadcast %jit3A_282 : f32 to vector<16xf32>
    %select_n3A_284 = arith.select %lt3A_275, %select_n3A_281, %broadcast_in_dim3A_283 : vector<16xi1>, vector<16xf32>
    %get3A_285 = arith.constant 0 : i32
    %get3A_286 = arith.index_cast %get3A_285 : i32 to index
    %get3A_287 = arith.constant 0 : index
    %get3A_288 = tpu.vector_load %arg9[%get3A_286, %get3A_287] {strides = array<i32>} : memref<16x16xf32, #tpu.memory_space<vmem>>, vector<1x16xf32>,
    %get3A_289 = vector.shape_cast %get3A_288 : vector<1x16xf32> to vector<16xf32>
    %add3A_290 = arith.constant 1.000000e+00 : f32
    %add3A_291 = vector.broadcast %add3A_290 : f32 to vector<16xf32>
    %add3A_292 = arith.addf %add3A_291, %get3A_289 : vector<16xf32>
    %sub3A = arith.subf %add3A_292, %select_n3A_284 : vector<16xf32>
    %max3A = arith.constant 0.000000e+00 : f32
    %max3A_293 = vector.broadcast %max3A : f32 to vector<16xf32>
    %max3A_294 = arith.maximumf %sub3A, %max3A_293 : vector<16xf32>
    %add3A_295 = arith.addf %broadcast_in_dim3A_23, %max3A_294 : vector<16xf32>
    %get3A_296 = arith.constant 1 : i32
    %get3A_297 = arith.index_cast %get3A_296 : i32 to index
    %get3A_298 = arith.constant 0 : index
    %get3A_299 = tpu.vector_load %arg8[%get3A_297, %get3A_298] {strides = array<i32>} : memref<16x128xf32, #tpu.memory_space<vmem>>, vector<1x16xf32>,
    %get3A_300 = vector.shape_cast %get3A_299 : vector<1x16xf32> to vector<16xf32>
    %get3A_301 = arith.constant 1 : i32
    %get3A_302 = arith.index_cast %get3A_301 : i32 to index
    %get3A_303 = arith.constant 16 : index
    %get3A_304 = tpu.vector_load %arg8[%get3A_302, %get3A_303] {strides = array<i32>} : memref<16x128xf32, #tpu.memory_space<vmem>>, vector<1x16xf32>,
    %get3A_305 = vector.shape_cast %get3A_304 : vector<1x16xf32> to vector<16xf32>
    %min3A_306 = arith.minimumf %get3A_300, %get3A_305 : vector<16xf32>
    %get3A_307 = arith.constant 1 : i32
    %get3A_308 = arith.index_cast %get3A_307 : i32 to index
    %get3A_309 = arith.constant 32 : index
    %get3A_310 = tpu.vector_load %arg8[%get3A_308, %get3A_309] {strides = array<i32>} : memref<16x128xf32, #tpu.memory_space<vmem>>, vector<1x16xf32>,
    %get3A_311 = vector.shape_cast %get3A_310 : vector<1x16xf32> to vector<16xf32>
    %min3A_312 = arith.minimumf %min3A_306, %get3A_311 : vector<16xf32>
    %get3A_313 = arith.constant 1 : i32
    %get3A_314 = arith.index_cast %get3A_313 : i32 to index
    %get3A_315 = arith.constant 48 : index
    %get3A_316 = tpu.vector_load %arg8[%get3A_314, %get3A_315] {strides = array<i32>} : memref<16x128xf32, #tpu.memory_space<vmem>>, vector<1x16xf32>,
    %get3A_317 = vector.shape_cast %get3A_316 : vector<1x16xf32> to vector<16xf32>
    %min3A_318 = arith.minimumf %min3A_312, %get3A_317 : vector<16xf32>
    %get3A_319 = arith.constant 1 : i32
    %get3A_320 = arith.index_cast %get3A_319 : i32 to index
    %get3A_321 = arith.constant 64 : index
    %get3A_322 = tpu.vector_load %arg8[%get3A_320, %get3A_321] {strides = array<i32>} : memref<16x128xf32, #tpu.memory_space<vmem>>, vector<1x16xf32>,
    %get3A_323 = vector.shape_cast %get3A_322 : vector<1x16xf32> to vector<16xf32>
    %min3A_324 = arith.minimumf %min3A_318, %get3A_323 : vector<16xf32>
    %get3A_325 = arith.constant 1 : i32
    %get3A_326 = arith.index_cast %get3A_325 : i32 to index
    %get3A_327 = arith.constant 80 : index
    %get3A_328 = tpu.vector_load %arg8[%get3A_326, %get3A_327] {strides = array<i32>} : memref<16x128xf32, #tpu.memory_space<vmem>>, vector<1x16xf32>,
    %get3A_329 = vector.shape_cast %get3A_328 : vector<1x16xf32> to vector<16xf32>
    %min3A_330 = arith.minimumf %min3A_324, %get3A_329 : vector<16xf32>
    %get3A_331 = arith.constant 1 : i32
    %get3A_332 = arith.index_cast %get3A_331 : i32 to index
    %get3A_333 = arith.constant 96 : index
    %get3A_334 = tpu.vector_load %arg8[%get3A_332, %get3A_333] {strides = array<i32>} : memref<16x128xf32, #tpu.memory_space<vmem>>, vector<1x16xf32>,
    %get3A_335 = vector.shape_cast %get3A_334 : vector<1x16xf32> to vector<16xf32>
    %min3A_336 = arith.minimumf %min3A_330, %get3A_335 : vector<16xf32>
    %get3A_337 = arith.constant 1 : i32
    %get3A_338 = arith.index_cast %get3A_337 : i32 to index
    %get3A_339 = arith.constant 112 : index
    %get3A_340 = tpu.vector_load %arg8[%get3A_338, %get3A_339] {strides = array<i32>} : memref<16x128xf32, #tpu.memory_space<vmem>>, vector<1x16xf32>,
    %get3A_341 = vector.shape_cast %get3A_340 : vector<1x16xf32> to vector<16xf32>
    %min3A_342 = arith.minimumf %min3A_336, %get3A_341 : vector<16xf32>
    %xor3A_343 = arith.constant 8 : i32
    %xor3A_344 = vector.broadcast %xor3A_343 : i32 to vector<16xi32>
    %xor3A_345 = arith.xori %iota3A, %xor3A_344 : vector<16xi32>
    %lt3A_346 = arith.constant 0 : i32
    %lt3A_347 = vector.broadcast %lt3A_346 : i32 to vector<16xi32>
    %lt3A_348 = arith.cmpi slt, %xor3A_345, %lt3A_347 : vector<16xi32>
    %add3A_349 = arith.constant 16 : i32
    %add3A_350 = vector.broadcast %add3A_349 : i32 to vector<16xi32>
    %add3A_351 = arith.addi %xor3A_345, %add3A_350 : vector<16xi32>
    %select_n3A_352 = arith.select %lt3A_348, %add3A_351, %xor3A_345 : vector<16xi1>, vector<16xi32>
    %broadcast_in_dim3A_353 = vector.shape_cast %select_n3A_352 : vector<16xi32> to vector<16x1xi32>
    %gather3A_354 = vector.shape_cast %broadcast_in_dim3A_353 : vector<16x1xi32> to vector<16xi32>
    %gather3A_355 = tpu.dynamic_gather %min3A_342[%gather3A_354] in [0] : vector<16xf32>, vector<16xi32> -> vector<16xf32>
    %min3A_356 = arith.minimumf %min3A_342, %gather3A_355 : vector<16xf32>
    %xor3A_357 = arith.constant 4 : i32
    %xor3A_358 = vector.broadcast %xor3A_357 : i32 to vector<16xi32>
    %xor3A_359 = arith.xori %iota3A, %xor3A_358 : vector<16xi32>
    %lt3A_360 = arith.constant 0 : i32
    %lt3A_361 = vector.broadcast %lt3A_360 : i32 to vector<16xi32>
    %lt3A_362 = arith.cmpi slt, %xor3A_359, %lt3A_361 : vector<16xi32>
    %add3A_363 = arith.constant 16 : i32
    %add3A_364 = vector.broadcast %add3A_363 : i32 to vector<16xi32>
    %add3A_365 = arith.addi %xor3A_359, %add3A_364 : vector<16xi32>
    %select_n3A_366 = arith.select %lt3A_362, %add3A_365, %xor3A_359 : vector<16xi1>, vector<16xi32>
    %broadcast_in_dim3A_367 = vector.shape_cast %select_n3A_366 : vector<16xi32> to vector<16x1xi32>
    %gather3A_368 = vector.shape_cast %broadcast_in_dim3A_367 : vector<16x1xi32> to vector<16xi32>
    %gather3A_369 = tpu.dynamic_gather %min3A_356[%gather3A_368] in [0] : vector<16xf32>, vector<16xi32> -> vector<16xf32>
    %min3A_370 = arith.minimumf %min3A_356, %gather3A_369 : vector<16xf32>
    %xor3A_371 = arith.constant 2 : i32
    %xor3A_372 = vector.broadcast %xor3A_371 : i32 to vector<16xi32>
    %xor3A_373 = arith.xori %iota3A, %xor3A_372 : vector<16xi32>
    %lt3A_374 = arith.constant 0 : i32
    %lt3A_375 = vector.broadcast %lt3A_374 : i32 to vector<16xi32>
    %lt3A_376 = arith.cmpi slt, %xor3A_373, %lt3A_375 : vector<16xi32>
    %add3A_377 = arith.constant 16 : i32
    %add3A_378 = vector.broadcast %add3A_377 : i32 to vector<16xi32>
    %add3A_379 = arith.addi %xor3A_373, %add3A_378 : vector<16xi32>
    %select_n3A_380 = arith.select %lt3A_376, %add3A_379, %xor3A_373 : vector<16xi1>, vector<16xi32>
    %broadcast_in_dim3A_381 = vector.shape_cast %select_n3A_380 : vector<16xi32> to vector<16x1xi32>
    %gather3A_382 = vector.shape_cast %broadcast_in_dim3A_381 : vector<16x1xi32> to vector<16xi32>
    %gather3A_383 = tpu.dynamic_gather %min3A_370[%gather3A_382] in [0] : vector<16xf32>, vector<16xi32> -> vector<16xf32>
    %min3A_384 = arith.minimumf %min3A_370, %gather3A_383 : vector<16xf32>
    %xor3A_385 = arith.constant 1 : i32
    %xor3A_386 = vector.broadcast %xor3A_385 : i32 to vector<16xi32>
    %xor3A_387 = arith.xori %iota3A, %xor3A_386 : vector<16xi32>
    %lt3A_388 = arith.constant 0 : i32
    %lt3A_389 = vector.broadcast %lt3A_388 : i32 to vector<16xi32>
    %lt3A_390 = arith.cmpi slt, %xor3A_387, %lt3A_389 : vector<16xi32>
    %add3A_391 = arith.constant 16 : i32
    %add3A_392 = vector.broadcast %add3A_391 : i32 to vector<16xi32>
    %add3A_393 = arith.addi %xor3A_387, %add3A_392 : vector<16xi32>
    %select_n3A_394 = arith.select %lt3A_390, %add3A_393, %xor3A_387 : vector<16xi1>, vector<16xi32>
    %broadcast_in_dim3A_395 = vector.shape_cast %select_n3A_394 : vector<16xi32> to vector<16x1xi32>
    %gather3A_396 = vector.shape_cast %broadcast_in_dim3A_395 : vector<16x1xi32> to vector<16xi32>
    %gather3A_397 = tpu.dynamic_gather %min3A_384[%gather3A_396] in [0] : vector<16xf32>, vector<16xi32> -> vector<16xf32>
    %min3A_398 = arith.minimumf %min3A_384, %gather3A_397 : vector<16xf32>
    %broadcast_in_dim3A_399 = arith.constant 0.000000e+00 : f32
    %broadcast_in_dim3A_400 = vector.broadcast %broadcast_in_dim3A_399 : f32 to vector<16xf32>
    %get3A_401 = arith.constant 1 : i32
    %get3A_402 = arith.index_cast %get3A_401 : i32 to index
    %get3A_403 = arith.constant 0 : index
    %get3A_404 = tpu.vector_load %arg7[%get3A_402, %get3A_403] {strides = array<i32>} : memref<16x128xf32, #tpu.memory_space<vmem>>, vector<1x16xf32>,
    %get3A_405 = vector.shape_cast %get3A_404 : vector<1x16xf32> to vector<16xf32>
    %lt3A_406 = arith.cmpf olt, %get3A_405, %min3A_398 : vector<16xf32>
    %jit3A_407 = arith.constant 1.000000e+00 : f32
    %jit3A_408 = arith.constant 0.000000e+00 : f32
    %broadcast_in_dim3A_409 = vector.broadcast %jit3A_407 : f32 to vector<16xf32>
    %broadcast_in_dim3A_410 = vector.broadcast %jit3A_408 : f32 to vector<16xf32>
    %select_n3A_411 = arith.select %lt3A_406, %broadcast_in_dim3A_409, %broadcast_in_dim3A_410 : vector<16xi1>, vector<16xf32>
    %add3A_412 = arith.addf %broadcast_in_dim3A_400, %select_n3A_411 : vector<16xf32>
    %get3A_413 = arith.constant 1 : i32
    %get3A_414 = arith.index_cast %get3A_413 : i32 to index
    %get3A_415 = arith.constant 16 : index
    %get3A_416 = tpu.vector_load %arg7[%get3A_414, %get3A_415] {strides = array<i32>} : memref<16x128xf32, #tpu.memory_space<vmem>>, vector<1x16xf32>,
    %get3A_417 = vector.shape_cast %get3A_416 : vector<1x16xf32> to vector<16xf32>
    %lt3A_418 = arith.cmpf olt, %get3A_417, %min3A_398 : vector<16xf32>
    %jit3A_419 = arith.constant 1.000000e+00 : f32
    %jit3A_420 = arith.constant 0.000000e+00 : f32
    %broadcast_in_dim3A_421 = vector.broadcast %jit3A_419 : f32 to vector<16xf32>
    %broadcast_in_dim3A_422 = vector.broadcast %jit3A_420 : f32 to vector<16xf32>
    %select_n3A_423 = arith.select %lt3A_418, %broadcast_in_dim3A_421, %broadcast_in_dim3A_422 : vector<16xi1>, vector<16xf32>
    %add3A_424 = arith.addf %add3A_412, %select_n3A_423 : vector<16xf32>
    %get3A_425 = arith.constant 1 : i32
    %get3A_426 = arith.index_cast %get3A_425 : i32 to index
    %get3A_427 = arith.constant 32 : index
    %get3A_428 = tpu.vector_load %arg7[%get3A_426, %get3A_427] {strides = array<i32>} : memref<16x128xf32, #tpu.memory_space<vmem>>, vector<1x16xf32>,
    %get3A_429 = vector.shape_cast %get3A_428 : vector<1x16xf32> to vector<16xf32>
    %lt3A_430 = arith.cmpf olt, %get3A_429, %min3A_398 : vector<16xf32>
    %jit3A_431 = arith.constant 1.000000e+00 : f32
    %jit3A_432 = arith.constant 0.000000e+00 : f32
    %broadcast_in_dim3A_433 = vector.broadcast %jit3A_431 : f32 to vector<16xf32>
    %broadcast_in_dim3A_434 = vector.broadcast %jit3A_432 : f32 to vector<16xf32>
    %select_n3A_435 = arith.select %lt3A_430, %broadcast_in_dim3A_433, %broadcast_in_dim3A_434 : vector<16xi1>, vector<16xf32>
    %add3A_436 = arith.addf %add3A_424, %select_n3A_435 : vector<16xf32>
    %get3A_437 = arith.constant 1 : i32
    %get3A_438 = arith.index_cast %get3A_437 : i32 to index
    %get3A_439 = arith.constant 48 : index
    %get3A_440 = tpu.vector_load %arg7[%get3A_438, %get3A_439] {strides = array<i32>} : memref<16x128xf32, #tpu.memory_space<vmem>>, vector<1x16xf32>,
    %get3A_441 = vector.shape_cast %get3A_440 : vector<1x16xf32> to vector<16xf32>
    %lt3A_442 = arith.cmpf olt, %get3A_441, %min3A_398 : vector<16xf32>
    %jit3A_443 = arith.constant 1.000000e+00 : f32
    %jit3A_444 = arith.constant 0.000000e+00 : f32
    %broadcast_in_dim3A_445 = vector.broadcast %jit3A_443 : f32 to vector<16xf32>
    %broadcast_in_dim3A_446 = vector.broadcast %jit3A_444 : f32 to vector<16xf32>
    %select_n3A_447 = arith.select %lt3A_442, %broadcast_in_dim3A_445, %broadcast_in_dim3A_446 : vector<16xi1>, vector<16xf32>
    %add3A_448 = arith.addf %add3A_436, %select_n3A_447 : vector<16xf32>
    %get3A_449 = arith.constant 1 : i32
    %get3A_450 = arith.index_cast %get3A_449 : i32 to index
    %get3A_451 = arith.constant 64 : index
    %get3A_452 = tpu.vector_load %arg7[%get3A_450, %get3A_451] {strides = array<i32>} : memref<16x128xf32, #tpu.memory_space<vmem>>, vector<1x16xf32>,
    %get3A_453 = vector.shape_cast %get3A_452 : vector<1x16xf32> to vector<16xf32>
    %lt3A_454 = arith.cmpf olt, %get3A_453, %min3A_398 : vector<16xf32>
    %jit3A_455 = arith.constant 1.000000e+00 : f32
    %jit3A_456 = arith.constant 0.000000e+00 : f32
    %broadcast_in_dim3A_457 = vector.broadcast %jit3A_455 : f32 to vector<16xf32>
    %broadcast_in_dim3A_458 = vector.broadcast %jit3A_456 : f32 to vector<16xf32>
    %select_n3A_459 = arith.select %lt3A_454, %broadcast_in_dim3A_457, %broadcast_in_dim3A_458 : vector<16xi1>, vector<16xf32>
    %add3A_460 = arith.addf %add3A_448, %select_n3A_459 : vector<16xf32>
    %get3A_461 = arith.constant 1 : i32
    %get3A_462 = arith.index_cast %get3A_461 : i32 to index
    %get3A_463 = arith.constant 80 : index
    %get3A_464 = tpu.vector_load %arg7[%get3A_462, %get3A_463] {strides = array<i32>} : memref<16x128xf32, #tpu.memory_space<vmem>>, vector<1x16xf32>,
    %get3A_465 = vector.shape_cast %get3A_464 : vector<1x16xf32> to vector<16xf32>
    %lt3A_466 = arith.cmpf olt, %get3A_465, %min3A_398 : vector<16xf32>
    %jit3A_467 = arith.constant 1.000000e+00 : f32
    %jit3A_468 = arith.constant 0.000000e+00 : f32
    %broadcast_in_dim3A_469 = vector.broadcast %jit3A_467 : f32 to vector<16xf32>
    %broadcast_in_dim3A_470 = vector.broadcast %jit3A_468 : f32 to vector<16xf32>
    %select_n3A_471 = arith.select %lt3A_466, %broadcast_in_dim3A_469, %broadcast_in_dim3A_470 : vector<16xi1>, vector<16xf32>
    %add3A_472 = arith.addf %add3A_460, %select_n3A_471 : vector<16xf32>
    %get3A_473 = arith.constant 1 : i32
    %get3A_474 = arith.index_cast %get3A_473 : i32 to index
    %get3A_475 = arith.constant 96 : index
    %get3A_476 = tpu.vector_load %arg7[%get3A_474, %get3A_475] {strides = array<i32>} : memref<16x128xf32, #tpu.memory_space<vmem>>, vector<1x16xf32>,
    %get3A_477 = vector.shape_cast %get3A_476 : vector<1x16xf32> to vector<16xf32>
    %lt3A_478 = arith.cmpf olt, %get3A_477, %min3A_398 : vector<16xf32>
    %jit3A_479 = arith.constant 1.000000e+00 : f32
    %jit3A_480 = arith.constant 0.000000e+00 : f32
    %broadcast_in_dim3A_481 = vector.broadcast %jit3A_479 : f32 to vector<16xf32>
    %broadcast_in_dim3A_482 = vector.broadcast %jit3A_480 : f32 to vector<16xf32>
    %select_n3A_483 = arith.select %lt3A_478, %broadcast_in_dim3A_481, %broadcast_in_dim3A_482 : vector<16xi1>, vector<16xf32>
    %add3A_484 = arith.addf %add3A_472, %select_n3A_483 : vector<16xf32>
    %get3A_485 = arith.constant 1 : i32
    %get3A_486 = arith.index_cast %get3A_485 : i32 to index
    %get3A_487 = arith.constant 112 : index
    %get3A_488 = tpu.vector_load %arg7[%get3A_486, %get3A_487] {strides = array<i32>} : memref<16x128xf32, #tpu.memory_space<vmem>>, vector<1x16xf32>,
    %get3A_489 = vector.shape_cast %get3A_488 : vector<1x16xf32> to vector<16xf32>
    %lt3A_490 = arith.cmpf olt, %get3A_489, %min3A_398 : vector<16xf32>
    %jit3A_491 = arith.constant 1.000000e+00 : f32
    %jit3A_492 = arith.constant 0.000000e+00 : f32
    %broadcast_in_dim3A_493 = vector.broadcast %jit3A_491 : f32 to vector<16xf32>
    %broadcast_in_dim3A_494 = vector.broadcast %jit3A_492 : f32 to vector<16xf32>
    %select_n3A_495 = arith.select %lt3A_490, %broadcast_in_dim3A_493, %broadcast_in_dim3A_494 : vector<16xi1>, vector<16xf32>
    %add3A_496 = arith.addf %add3A_484, %select_n3A_495 : vector<16xf32>
    %xor3A_497 = arith.constant 8 : i32
    %xor3A_498 = vector.broadcast %xor3A_497 : i32 to vector<16xi32>
    %xor3A_499 = arith.xori %iota3A, %xor3A_498 : vector<16xi32>
    %lt3A_500 = arith.constant 0 : i32
    %lt3A_501 = vector.broadcast %lt3A_500 : i32 to vector<16xi32>
    %lt3A_502 = arith.cmpi slt, %xor3A_499, %lt3A_501 : vector<16xi32>
    %add3A_503 = arith.constant 16 : i32
    %add3A_504 = vector.broadcast %add3A_503 : i32 to vector<16xi32>
    %add3A_505 = arith.addi %xor3A_499, %add3A_504 : vector<16xi32>
    %select_n3A_506 = arith.select %lt3A_502, %add3A_505, %xor3A_499 : vector<16xi1>, vector<16xi32>
    %broadcast_in_dim3A_507 = vector.shape_cast %select_n3A_506 : vector<16xi32> to vector<16x1xi32>
    %gather3A_508 = vector.shape_cast %broadcast_in_dim3A_507 : vector<16x1xi32> to vector<16xi32>
    %gather3A_509 = tpu.dynamic_gather %add3A_496[%gather3A_508] in [0] : vector<16xf32>, vector<16xi32> -> vector<16xf32>
    %add3A_510 = arith.addf %add3A_496, %gather3A_509 : vector<16xf32>
    %xor3A_511 = arith.constant 4 : i32
    %xor3A_512 = vector.broadcast %xor3A_511 : i32 to vector<16xi32>
    %xor3A_513 = arith.xori %iota3A, %xor3A_512 : vector<16xi32>
    %lt3A_514 = arith.constant 0 : i32
    %lt3A_515 = vector.broadcast %lt3A_514 : i32 to vector<16xi32>
    %lt3A_516 = arith.cmpi slt, %xor3A_513, %lt3A_515 : vector<16xi32>
    %add3A_517 = arith.constant 16 : i32
    %add3A_518 = vector.broadcast %add3A_517 : i32 to vector<16xi32>
    %add3A_519 = arith.addi %xor3A_513, %add3A_518 : vector<16xi32>
    %select_n3A_520 = arith.select %lt3A_516, %add3A_519, %xor3A_513 : vector<16xi1>, vector<16xi32>
    %broadcast_in_dim3A_521 = vector.shape_cast %select_n3A_520 : vector<16xi32> to vector<16x1xi32>
    %gather3A_522 = vector.shape_cast %broadcast_in_dim3A_521 : vector<16x1xi32> to vector<16xi32>
    %gather3A_523 = tpu.dynamic_gather %add3A_510[%gather3A_522] in [0] : vector<16xf32>, vector<16xi32> -> vector<16xf32>
    %add3A_524 = arith.addf %add3A_510, %gather3A_523 : vector<16xf32>
    %xor3A_525 = arith.constant 2 : i32
    %xor3A_526 = vector.broadcast %xor3A_525 : i32 to vector<16xi32>
    %xor3A_527 = arith.xori %iota3A, %xor3A_526 : vector<16xi32>
    %lt3A_528 = arith.constant 0 : i32
    %lt3A_529 = vector.broadcast %lt3A_528 : i32 to vector<16xi32>
    %lt3A_530 = arith.cmpi slt, %xor3A_527, %lt3A_529 : vector<16xi32>
    %add3A_531 = arith.constant 16 : i32
    %add3A_532 = vector.broadcast %add3A_531 : i32 to vector<16xi32>
    %add3A_533 = arith.addi %xor3A_527, %add3A_532 : vector<16xi32>
    %select_n3A_534 = arith.select %lt3A_530, %add3A_533, %xor3A_527 : vector<16xi1>, vector<16xi32>
    %broadcast_in_dim3A_535 = vector.shape_cast %select_n3A_534 : vector<16xi32> to vector<16x1xi32>
    %gather3A_536 = vector.shape_cast %broadcast_in_dim3A_535 : vector<16x1xi32> to vector<16xi32>
    %gather3A_537 = tpu.dynamic_gather %add3A_524[%gather3A_536] in [0] : vector<16xf32>, vector<16xi32> -> vector<16xf32>
    %add3A_538 = arith.addf %add3A_524, %gather3A_537 : vector<16xf32>
    %xor3A_539 = arith.constant 1 : i32
    %xor3A_540 = vector.broadcast %xor3A_539 : i32 to vector<16xi32>
    %xor3A_541 = arith.xori %iota3A, %xor3A_540 : vector<16xi32>
    %lt3A_542 = arith.constant 0 : i32
    %lt3A_543 = vector.broadcast %lt3A_542 : i32 to vector<16xi32>
    %lt3A_544 = arith.cmpi slt, %xor3A_541, %lt3A_543 : vector<16xi32>
    %add3A_545 = arith.constant 16 : i32
    %add3A_546 = vector.broadcast %add3A_545 : i32 to vector<16xi32>
    %add3A_547 = arith.addi %xor3A_541, %add3A_546 : vector<16xi32>
    %select_n3A_548 = arith.select %lt3A_544, %add3A_547, %xor3A_541 : vector<16xi1>, vector<16xi32>
    %broadcast_in_dim3A_549 = vector.shape_cast %select_n3A_548 : vector<16xi32> to vector<16x1xi32>
    %gather3A_550 = vector.shape_cast %broadcast_in_dim3A_549 : vector<16x1xi32> to vector<16xi32>
    %gather3A_551 = tpu.dynamic_gather %add3A_538[%gather3A_550] in [0] : vector<16xf32>, vector<16xi32> -> vector<16xf32>
    %add3A_552 = arith.addf %add3A_538, %gather3A_551 : vector<16xf32>
    %lt3A_553 = arith.constant 1.500000e+01 : f32
    %lt3A_554 = vector.broadcast %lt3A_553 : f32 to vector<16xf32>
    %lt3A_555 = arith.cmpf olt, %add3A_552, %lt3A_554 : vector<16xf32>
    %lt3A_556 = arith.constant 5.000000e+29 : f32
    %lt3A_557 = vector.broadcast %lt3A_556 : f32 to vector<16xf32>
    %lt3A_558 = arith.cmpf olt, %min3A_398, %lt3A_557 : vector<16xf32>
    %jit3A_559 = arith.constant 0.000000e+00 : f32
    %broadcast_in_dim3A_560 = vector.broadcast %jit3A_559 : f32 to vector<16xf32>
    %select_n3A_561 = arith.select %lt3A_558, %min3A_398, %broadcast_in_dim3A_560 : vector<16xi1>, vector<16xf32>
    %jit3A_562 = arith.constant 0.000000e+00 : f32
    %broadcast_in_dim3A_563 = vector.broadcast %jit3A_562 : f32 to vector<16xf32>
    %select_n3A_564 = arith.select %lt3A_555, %select_n3A_561, %broadcast_in_dim3A_563 : vector<16xi1>, vector<16xf32>
    %get3A_565 = arith.constant 1 : i32
    %get3A_566 = arith.index_cast %get3A_565 : i32 to index
    %get3A_567 = arith.constant 0 : index
    %get3A_568 = tpu.vector_load %arg9[%get3A_566, %get3A_567] {strides = array<i32>} : memref<16x16xf32, #tpu.memory_space<vmem>>, vector<1x16xf32>,
    %get3A_569 = vector.shape_cast %get3A_568 : vector<1x16xf32> to vector<16xf32>
    %add3A_570 = arith.constant 1.000000e+00 : f32
    %add3A_571 = vector.broadcast %add3A_570 : f32 to vector<16xf32>
    %add3A_572 = arith.addf %add3A_571, %get3A_569 : vector<16xf32>
    %sub3A_573 = arith.subf %add3A_572, %select_n3A_564 : vector<16xf32>
    %max3A_574 = arith.constant 0.000000e+00 : f32
    %max3A_575 = vector.broadcast %max3A_574 : f32 to vector<16xf32>
    %max3A_576 = arith.maximumf %sub3A_573, %max3A_575 : vector<16xf32>
    %add3A_577 = arith.addf %add3A_295, %max3A_576 : vector<16xf32>
    %get3A_578 = arith.constant 2 : i32
    %get3A_579 = arith.index_cast %get3A_578 : i32 to index
    %get3A_580 = arith.constant 0 : index
    %get3A_581 = tpu.vector_load %arg8[%get3A_579, %get3A_580] {strides = array<i32>} : memref<16x128xf32, #tpu.memory_space<vmem>>, vector<1x16xf32>,
    %get3A_582 = vector.shape_cast %get3A_581 : vector<1x16xf32> to vector<16xf32>
    %get3A_583 = arith.constant 2 : i32
    %get3A_584 = arith.index_cast %get3A_583 : i32 to index
    %get3A_585 = arith.constant 16 : index
    %get3A_586 = tpu.vector_load %arg8[%get3A_584, %get3A_585] {strides = array<i32>} : memref<16x128xf32, #tpu.memory_space<vmem>>, vector<1x16xf32>,
    %get3A_587 = vector.shape_cast %get3A_586 : vector<1x16xf32> to vector<16xf32>
    %min3A_588 = arith.minimumf %get3A_582, %get3A_587 : vector<16xf32>
    %get3A_589 = arith.constant 2 : i32
    %get3A_590 = arith.index_cast %get3A_589 : i32 to index
    %get3A_591 = arith.constant 32 : index
    %get3A_592 = tpu.vector_load %arg8[%get3A_590, %get3A_591] {strides = array<i32>} : memref<16x128xf32, #tpu.memory_space<vmem>>, vector<1x16xf32>,
    %get3A_593 = vector.shape_cast %get3A_592 : vector<1x16xf32> to vector<16xf32>
    %min3A_594 = arith.minimumf %min3A_588, %get3A_593 : vector<16xf32>
    %get3A_595 = arith.constant 2 : i32
    %get3A_596 = arith.index_cast %get3A_595 : i32 to index
    %get3A_597 = arith.constant 48 : index
    %get3A_598 = tpu.vector_load %arg8[%get3A_596, %get3A_597] {strides = array<i32>} : memref<16x128xf32, #tpu.memory_space<vmem>>, vector<1x16xf32>,
    %get3A_599 = vector.shape_cast %get3A_598 : vector<1x16xf32> to vector<16xf32>
    %min3A_600 = arith.minimumf %min3A_594, %get3A_599 : vector<16xf32>
    %get3A_601 = arith.constant 2 : i32
    %get3A_602 = arith.index_cast %get3A_601 : i32 to index
    %get3A_603 = arith.constant 64 : index
    %get3A_604 = tpu.vector_load %arg8[%get3A_602, %get3A_603] {strides = array<i32>} : memref<16x128xf32, #tpu.memory_space<vmem>>, vector<1x16xf32>,
    %get3A_605 = vector.shape_cast %get3A_604 : vector<1x16xf32> to vector<16xf32>
    %min3A_606 = arith.minimumf %min3A_600, %get3A_605 : vector<16xf32>
    %get3A_607 = arith.constant 2 : i32
    %get3A_608 = arith.index_cast %get3A_607 : i32 to index
    %get3A_609 = arith.constant 80 : index
    %get3A_610 = tpu.vector_load %arg8[%get3A_608, %get3A_609] {strides = array<i32>} : memref<16x128xf32, #tpu.memory_space<vmem>>, vector<1x16xf32>,
    %get3A_611 = vector.shape_cast %get3A_610 : vector<1x16xf32> to vector<16xf32>
    %min3A_612 = arith.minimumf %min3A_606, %get3A_611 : vector<16xf32>
    %get3A_613 = arith.constant 2 : i32
    %get3A_614 = arith.index_cast %get3A_613 : i32 to index
    %get3A_615 = arith.constant 96 : index
    %get3A_616 = tpu.vector_load %arg8[%get3A_614, %get3A_615] {strides = array<i32>} : memref<16x128xf32, #tpu.memory_space<vmem>>, vector<1x16xf32>,
    %get3A_617 = vector.shape_cast %get3A_616 : vector<1x16xf32> to vector<16xf32>
    %min3A_618 = arith.minimumf %min3A_612, %get3A_617 : vector<16xf32>
    %get3A_619 = arith.constant 2 : i32
    %get3A_620 = arith.index_cast %get3A_619 : i32 to index
    %get3A_621 = arith.constant 112 : index
    %get3A_622 = tpu.vector_load %arg8[%get3A_620, %get3A_621] {strides = array<i32>} : memref<16x128xf32, #tpu.memory_space<vmem>>, vector<1x16xf32>,
    %get3A_623 = vector.shape_cast %get3A_622 : vector<1x16xf32> to vector<16xf32>
    %min3A_624 = arith.minimumf %min3A_618, %get3A_623 : vector<16xf32>
    %xor3A_625 = arith.constant 8 : i32
    %xor3A_626 = vector.broadcast %xor3A_625 : i32 to vector<16xi32>
    %xor3A_627 = arith.xori %iota3A, %xor3A_626 : vector<16xi32>
    %lt3A_628 = arith.constant 0 : i32
    %lt3A_629 = vector.broadcast %lt3A_628 : i32 to vector<16xi32>
    %lt3A_630 = arith.cmpi slt, %xor3A_627, %lt3A_629 : vector<16xi32>
    %add3A_631 = arith.constant 16 : i32
    %add3A_632 = vector.broadcast %add3A_631 : i32 to vector<16xi32>
    %add3A_633 = arith.addi %xor3A_627, %add3A_632 : vector<16xi32>
    %select_n3A_634 = arith.select %lt3A_630, %add3A_633, %xor3A_627 : vector<16xi1>, vector<16xi32>
    %broadcast_in_dim3A_635 = vector.shape_cast %select_n3A_634 : vector<16xi32> to vector<16x1xi32>
    %gather3A_636 = vector.shape_cast %broadcast_in_dim3A_635 : vector<16x1xi32> to vector<16xi32>
    %gather3A_637 = tpu.dynamic_gather %min3A_624[%gather3A_636] in [0] : vector<16xf32>, vector<16xi32> -> vector<16xf32>
    %min3A_638 = arith.minimumf %min3A_624, %gather3A_637 : vector<16xf32>
    %xor3A_639 = arith.constant 4 : i32
    %xor3A_640 = vector.broadcast %xor3A_639 : i32 to vector<16xi32>
    %xor3A_641 = arith.xori %iota3A, %xor3A_640 : vector<16xi32>
    %lt3A_642 = arith.constant 0 : i32
    %lt3A_643 = vector.broadcast %lt3A_642 : i32 to vector<16xi32>
    %lt3A_644 = arith.cmpi slt, %xor3A_641, %lt3A_643 : vector<16xi32>
    %add3A_645 = arith.constant 16 : i32
    %add3A_646 = vector.broadcast %add3A_645 : i32 to vector<16xi32>
    %add3A_647 = arith.addi %xor3A_641, %add3A_646 : vector<16xi32>
    %select_n3A_648 = arith.select %lt3A_644, %add3A_647, %xor3A_641 : vector<16xi1>, vector<16xi32>
    %broadcast_in_dim3A_649 = vector.shape_cast %select_n3A_648 : vector<16xi32> to vector<16x1xi32>
    %gather3A_650 = vector.shape_cast %broadcast_in_dim3A_649 : vector<16x1xi32> to vector<16xi32>
    %gather3A_651 = tpu.dynamic_gather %min3A_638[%gather3A_650] in [0] : vector<16xf32>, vector<16xi32> -> vector<16xf32>
    %min3A_652 = arith.minimumf %min3A_638, %gather3A_651 : vector<16xf32>
    %xor3A_653 = arith.constant 2 : i32
    %xor3A_654 = vector.broadcast %xor3A_653 : i32 to vector<16xi32>
    %xor3A_655 = arith.xori %iota3A, %xor3A_654 : vector<16xi32>
    %lt3A_656 = arith.constant 0 : i32
    %lt3A_657 = vector.broadcast %lt3A_656 : i32 to vector<16xi32>
    %lt3A_658 = arith.cmpi slt, %xor3A_655, %lt3A_657 : vector<16xi32>
    %add3A_659 = arith.constant 16 : i32
    %add3A_660 = vector.broadcast %add3A_659 : i32 to vector<16xi32>
    %add3A_661 = arith.addi %xor3A_655, %add3A_660 : vector<16xi32>
    %select_n3A_662 = arith.select %lt3A_658, %add3A_661, %xor3A_655 : vector<16xi1>, vector<16xi32>
    %broadcast_in_dim3A_663 = vector.shape_cast %select_n3A_662 : vector<16xi32> to vector<16x1xi32>
    %gather3A_664 = vector.shape_cast %broadcast_in_dim3A_663 : vector<16x1xi32> to vector<16xi32>
    %gather3A_665 = tpu.dynamic_gather %min3A_652[%gather3A_664] in [0] : vector<16xf32>, vector<16xi32> -> vector<16xf32>
    %min3A_666 = arith.minimumf %min3A_652, %gather3A_665 : vector<16xf32>
    %xor3A_667 = arith.constant 1 : i32
    %xor3A_668 = vector.broadcast %xor3A_667 : i32 to vector<16xi32>
    %xor3A_669 = arith.xori %iota3A, %xor3A_668 : vector<16xi32>
    %lt3A_670 = arith.constant 0 : i32
    %lt3A_671 = vector.broadcast %lt3A_670 : i32 to vector<16xi32>
    %lt3A_672 = arith.cmpi slt, %xor3A_669, %lt3A_671 : vector<16xi32>
    %add3A_673 = arith.constant 16 : i32
    %add3A_674 = vector.broadcast %add3A_673 : i32 to vector<16xi32>
    %add3A_675 = arith.addi %xor3A_669, %add3A_674 : vector<16xi32>
    %select_n3A_676 = arith.select %lt3A_672, %add3A_675, %xor3A_669 : vector<16xi1>, vector<16xi32>
    %broadcast_in_dim3A_677 = vector.shape_cast %select_n3A_676 : vector<16xi32> to vector<16x1xi32>
    %gather3A_678 = vector.shape_cast %broadcast_in_dim3A_677 : vector<16x1xi32> to vector<16xi32>
    %gather3A_679 = tpu.dynamic_gather %min3A_666[%gather3A_678] in [0] : vector<16xf32>, vector<16xi32> -> vector<16xf32>
    %min3A_680 = arith.minimumf %min3A_666, %gather3A_679 : vector<16xf32>
    %broadcast_in_dim3A_681 = arith.constant 0.000000e+00 : f32
    %broadcast_in_dim3A_682 = vector.broadcast %broadcast_in_dim3A_681 : f32 to vector<16xf32>
    %get3A_683 = arith.constant 2 : i32
    %get3A_684 = arith.index_cast %get3A_683 : i32 to index
    %get3A_685 = arith.constant 0 : index
    %get3A_686 = tpu.vector_load %arg7[%get3A_684, %get3A_685] {strides = array<i32>} : memref<16x128xf32, #tpu.memory_space<vmem>>, vector<1x16xf32>,
    %get3A_687 = vector.shape_cast %get3A_686 : vector<1x16xf32> to vector<16xf32>
    %lt3A_688 = arith.cmpf olt, %get3A_687, %min3A_680 : vector<16xf32>
    %jit3A_689 = arith.constant 1.000000e+00 : f32
    %jit3A_690 = arith.constant 0.000000e+00 : f32
    %broadcast_in_dim3A_691 = vector.broadcast %jit3A_689 : f32 to vector<16xf32>
    %broadcast_in_dim3A_692 = vector.broadcast %jit3A_690 : f32 to vector<16xf32>
    %select_n3A_693 = arith.select %lt3A_688, %broadcast_in_dim3A_691, %broadcast_in_dim3A_692 : vector<16xi1>, vector<16xf32>
    %add3A_694 = arith.addf %broadcast_in_dim3A_682, %select_n3A_693 : vector<16xf32>
    %get3A_695 = arith.constant 2 : i32
    %get3A_696 = arith.index_cast %get3A_695 : i32 to index
    %get3A_697 = arith.constant 16 : index
    %get3A_698 = tpu.vector_load %arg7[%get3A_696, %get3A_697] {strides = array<i32>} : memref<16x128xf32, #tpu.memory_space<vmem>>, vector<1x16xf32>,
    %get3A_699 = vector.shape_cast %get3A_698 : vector<1x16xf32> to vector<16xf32>
    %lt3A_700 = arith.cmpf olt, %get3A_699, %min3A_680 : vector<16xf32>
    %jit3A_701 = arith.constant 1.000000e+00 : f32
    %jit3A_702 = arith.constant 0.000000e+00 : f32
    %broadcast_in_dim3A_703 = vector.broadcast %jit3A_701 : f32 to vector<16xf32>
    %broadcast_in_dim3A_704 = vector.broadcast %jit3A_702 : f32 to vector<16xf32>
    %select_n3A_705 = arith.select %lt3A_700, %broadcast_in_dim3A_703, %broadcast_in_dim3A_704 : vector<16xi1>, vector<16xf32>
    %add3A_706 = arith.addf %add3A_694, %select_n3A_705 : vector<16xf32>
    %get3A_707 = arith.constant 2 : i32
    %get3A_708 = arith.index_cast %get3A_707 : i32 to index
    %get3A_709 = arith.constant 32 : index
    %get3A_710 = tpu.vector_load %arg7[%get3A_708, %get3A_709] {strides = array<i32>} : memref<16x128xf32, #tpu.memory_space<vmem>>, vector<1x16xf32>,
    %get3A_711 = vector.shape_cast %get3A_710 : vector<1x16xf32> to vector<16xf32>
    %lt3A_712 = arith.cmpf olt, %get3A_711, %min3A_680 : vector<16xf32>
    %jit3A_713 = arith.constant 1.000000e+00 : f32
    %jit3A_714 = arith.constant 0.000000e+00 : f32
    %broadcast_in_dim3A_715 = vector.broadcast %jit3A_713 : f32 to vector<16xf32>
    %broadcast_in_dim3A_716 = vector.broadcast %jit3A_714 : f32 to vector<16xf32>
    %select_n3A_717 = arith.select %lt3A_712, %broadcast_in_dim3A_715, %broadcast_in_dim3A_716 : vector<16xi1>, vector<16xf32>
    %add3A_718 = arith.addf %add3A_706, %select_n3A_717 : vector<16xf32>
    %get3A_719 = arith.constant 2 : i32
    %get3A_720 = arith.index_cast %get3A_719 : i32 to index
    %get3A_721 = arith.constant 48 : index
    %get3A_722 = tpu.vector_load %arg7[%get3A_720, %get3A_721] {strides = array<i32>} : memref<16x128xf32, #tpu.memory_space<vmem>>, vector<1x16xf32>,
    %get3A_723 = vector.shape_cast %get3A_722 : vector<1x16xf32> to vector<16xf32>
    %lt3A_724 = arith.cmpf olt, %get3A_723, %min3A_680 : vector<16xf32>
    %jit3A_725 = arith.constant 1.000000e+00 : f32
    %jit3A_726 = arith.constant 0.000000e+00 : f32
    %broadcast_in_dim3A_727 = vector.broadcast %jit3A_725 : f32 to vector<16xf32>
    %broadcast_in_dim3A_728 = vector.broadcast %jit3A_726 : f32 to vector<16xf32>
    %select_n3A_729 = arith.select %lt3A_724, %broadcast_in_dim3A_727, %broadcast_in_dim3A_728 : vector<16xi1>, vector<16xf32>
    %add3A_730 = arith.addf %add3A_718, %select_n3A_729 : vector<16xf32>
    %get3A_731 = arith.constant 2 : i32
    %get3A_732 = arith.index_cast %get3A_731 : i32 to index
    %get3A_733 = arith.constant 64 : index
    %get3A_734 = tpu.vector_load %arg7[%get3A_732, %get3A_733] {strides = array<i32>} : memref<16x128xf32, #tpu.memory_space<vmem>>, vector<1x16xf32>,
    %get3A_735 = vector.shape_cast %get3A_734 : vector<1x16xf32> to vector<16xf32>
    %lt3A_736 = arith.cmpf olt, %get3A_735, %min3A_680 : vector<16xf32>
    %jit3A_737 = arith.constant 1.000000e+00 : f32
    %jit3A_738 = arith.constant 0.000000e+00 : f32
    %broadcast_in_dim3A_739 = vector.broadcast %jit3A_737 : f32 to vector<16xf32>
    %broadcast_in_dim3A_740 = vector.broadcast %jit3A_738 : f32 to vector<16xf32>
    %select_n3A_741 = arith.select %lt3A_736, %broadcast_in_dim3A_739, %broadcast_in_dim3A_740 : vector<16xi1>, vector<16xf32>
    %add3A_742 = arith.addf %add3A_730, %select_n3A_741 : vector<16xf32>
    %get3A_743 = arith.constant 2 : i32
    %get3A_744 = arith.index_cast %get3A_743 : i32 to index
    %get3A_745 = arith.constant 80 : index
    %get3A_746 = tpu.vector_load %arg7[%get3A_744, %get3A_745] {strides = array<i32>} : memref<16x128xf32, #tpu.memory_space<vmem>>, vector<1x16xf32>,
    %get3A_747 = vector.shape_cast %get3A_746 : vector<1x16xf32> to vector<16xf32>
    %lt3A_748 = arith.cmpf olt, %get3A_747, %min3A_680 : vector<16xf32>
    %jit3A_749 = arith.constant 1.000000e+00 : f32
    %jit3A_750 = arith.constant 0.000000e+00 : f32
    %broadcast_in_dim3A_751 = vector.broadcast %jit3A_749 : f32 to vector<16xf32>
    %broadcast_in_dim3A_752 = vector.broadcast %jit3A_750 : f32 to vector<16xf32>
    %select_n3A_753 = arith.select %lt3A_748, %broadcast_in_dim3A_751, %broadcast_in_dim3A_752 : vector<16xi1>, vector<16xf32>
    %add3A_754 = arith.addf %add3A_742, %select_n3A_753 : vector<16xf32>
    %get3A_755 = arith.constant 2 : i32
    %get3A_756 = arith.index_cast %get3A_755 : i32 to index
    %get3A_757 = arith.constant 96 : index
    %get3A_758 = tpu.vector_load %arg7[%get3A_756, %get3A_757] {strides = array<i32>} : memref<16x128xf32, #tpu.memory_space<vmem>>, vector<1x16xf32>,
    %get3A_759 = vector.shape_cast %get3A_758 : vector<1x16xf32> to vector<16xf32>
    %lt3A_760 = arith.cmpf olt, %get3A_759, %min3A_680 : vector<16xf32>
    %jit3A_761 = arith.constant 1.000000e+00 : f32
    %jit3A_762 = arith.constant 0.000000e+00 : f32
    %broadcast_in_dim3A_763 = vector.broadcast %jit3A_761 : f32 to vector<16xf32>
    %broadcast_in_dim3A_764 = vector.broadcast %jit3A_762 : f32 to vector<16xf32>
    %select_n3A_765 = arith.select %lt3A_760, %broadcast_in_dim3A_763, %broadcast_in_dim3A_764 : vector<16xi1>, vector<16xf32>
    %add3A_766 = arith.addf %add3A_754, %select_n3A_765 : vector<16xf32>
    %get3A_767 = arith.constant 2 : i32
    %get3A_768 = arith.index_cast %get3A_767 : i32 to index
    %get3A_769 = arith.constant 112 : index
    %get3A_770 = tpu.vector_load %arg7[%get3A_768, %get3A_769] {strides = array<i32>} : memref<16x128xf32, #tpu.memory_space<vmem>>, vector<1x16xf32>,
    %get3A_771 = vector.shape_cast %get3A_770 : vector<1x16xf32> to vector<16xf32>
    %lt3A_772 = arith.cmpf olt, %get3A_771, %min3A_680 : vector<16xf32>
    %jit3A_773 = arith.constant 1.000000e+00 : f32
    %jit3A_774 = arith.constant 0.000000e+00 : f32
    %broadcast_in_dim3A_775 = vector.broadcast %jit3A_773 : f32 to vector<16xf32>
    %broadcast_in_dim3A_776 = vector.broadcast %jit3A_774 : f32 to vector<16xf32>
    %select_n3A_777 = arith.select %lt3A_772, %broadcast_in_dim3A_775, %broadcast_in_dim3A_776 : vector<16xi1>, vector<16xf32>
    %add3A_778 = arith.addf %add3A_766, %select_n3A_777 : vector<16xf32>
    %xor3A_779 = arith.constant 8 : i32
    %xor3A_780 = vector.broadcast %xor3A_779 : i32 to vector<16xi32>
    %xor3A_781 = arith.xori %iota3A, %xor3A_780 : vector<16xi32>
    %lt3A_782 = arith.constant 0 : i32
    %lt3A_783 = vector.broadcast %lt3A_782 : i32 to vector<16xi32>
    %lt3A_784 = arith.cmpi slt, %xor3A_781, %lt3A_783 : vector<16xi32>
    %add3A_785 = arith.constant 16 : i32
    %add3A_786 = vector.broadcast %add3A_785 : i32 to vector<16xi32>
    %add3A_787 = arith.addi %xor3A_781, %add3A_786 : vector<16xi32>
    %select_n3A_788 = arith.select %lt3A_784, %add3A_787, %xor3A_781 : vector<16xi1>, vector<16xi32>
    %broadcast_in_dim3A_789 = vector.shape_cast %select_n3A_788 : vector<16xi32> to vector<16x1xi32>
    %gather3A_790 = vector.shape_cast %broadcast_in_dim3A_789 : vector<16x1xi32> to vector<16xi32>
    %gather3A_791 = tpu.dynamic_gather %add3A_778[%gather3A_790] in [0] : vector<16xf32>, vector<16xi32> -> vector<16xf32>
    %add3A_792 = arith.addf %add3A_778, %gather3A_791 : vector<16xf32>
    %xor3A_793 = arith.constant 4 : i32
    %xor3A_794 = vector.broadcast %xor3A_793 : i32 to vector<16xi32>
    %xor3A_795 = arith.xori %iota3A, %xor3A_794 : vector<16xi32>
    %lt3A_796 = arith.constant 0 : i32
    %lt3A_797 = vector.broadcast %lt3A_796 : i32 to vector<16xi32>
    %lt3A_798 = arith.cmpi slt, %xor3A_795, %lt3A_797 : vector<16xi32>
    %add3A_799 = arith.constant 16 : i32
    %add3A_800 = vector.broadcast %add3A_799 : i32 to vector<16xi32>
    %add3A_801 = arith.addi %xor3A_795, %add3A_800 : vector<16xi32>
    %select_n3A_802 = arith.select %lt3A_798, %add3A_801, %xor3A_795 : vector<16xi1>, vector<16xi32>
    %broadcast_in_dim3A_803 = vector.shape_cast %select_n3A_802 : vector<16xi32> to vector<16x1xi32>
    %gather3A_804 = vector.shape_cast %broadcast_in_dim3A_803 : vector<16x1xi32> to vector<16xi32>
    %gather3A_805 = tpu.dynamic_gather %add3A_792[%gather3A_804] in [0] : vector<16xf32>, vector<16xi32> -> vector<16xf32>
    %add3A_806 = arith.addf %add3A_792, %gather3A_805 : vector<16xf32>
    %xor3A_807 = arith.constant 2 : i32
    %xor3A_808 = vector.broadcast %xor3A_807 : i32 to vector<16xi32>
    %xor3A_809 = arith.xori %iota3A, %xor3A_808 : vector<16xi32>
    %lt3A_810 = arith.constant 0 : i32
    %lt3A_811 = vector.broadcast %lt3A_810 : i32 to vector<16xi32>
    %lt3A_812 = arith.cmpi slt, %xor3A_809, %lt3A_811 : vector<16xi32>
    %add3A_813 = arith.constant 16 : i32
    %add3A_814 = vector.broadcast %add3A_813 : i32 to vector<16xi32>
    %add3A_815 = arith.addi %xor3A_809, %add3A_814 : vector<16xi32>
    %select_n3A_816 = arith.select %lt3A_812, %add3A_815, %xor3A_809 : vector<16xi1>, vector<16xi32>
    %broadcast_in_dim3A_817 = vector.shape_cast %select_n3A_816 : vector<16xi32> to vector<16x1xi32>
    %gather3A_818 = vector.shape_cast %broadcast_in_dim3A_817 : vector<16x1xi32> to vector<16xi32>
    %gather3A_819 = tpu.dynamic_gather %add3A_806[%gather3A_818] in [0] : vector<16xf32>, vector<16xi32> -> vector<16xf32>
    %add3A_820 = arith.addf %add3A_806, %gather3A_819 : vector<16xf32>
    %xor3A_821 = arith.constant 1 : i32
    %xor3A_822 = vector.broadcast %xor3A_821 : i32 to vector<16xi32>
    %xor3A_823 = arith.xori %iota3A, %xor3A_822 : vector<16xi32>
    %lt3A_824 = arith.constant 0 : i32
    %lt3A_825 = vector.broadcast %lt3A_824 : i32 to vector<16xi32>
    %lt3A_826 = arith.cmpi slt, %xor3A_823, %lt3A_825 : vector<16xi32>
    %add3A_827 = arith.constant 16 : i32
    %add3A_828 = vector.broadcast %add3A_827 : i32 to vector<16xi32>
    %add3A_829 = arith.addi %xor3A_823, %add3A_828 : vector<16xi32>
    %select_n3A_830 = arith.select %lt3A_826, %add3A_829, %xor3A_823 : vector<16xi1>, vector<16xi32>
    %broadcast_in_dim3A_831 = vector.shape_cast %select_n3A_830 : vector<16xi32> to vector<16x1xi32>
    %gather3A_832 = vector.shape_cast %broadcast_in_dim3A_831 : vector<16x1xi32> to vector<16xi32>
    %gather3A_833 = tpu.dynamic_gather %add3A_820[%gather3A_832] in [0] : vector<16xf32>, vector<16xi32> -> vector<16xf32>
    %add3A_834 = arith.addf %add3A_820, %gather3A_833 : vector<16xf32>
    %lt3A_835 = arith.constant 1.500000e+01 : f32
    %lt3A_836 = vector.broadcast %lt3A_835 : f32 to vector<16xf32>
    %lt3A_837 = arith.cmpf olt, %add3A_834, %lt3A_836 : vector<16xf32>
    %lt3A_838 = arith.constant 5.000000e+29 : f32
    %lt3A_839 = vector.broadcast %lt3A_838 : f32 to vector<16xf32>
    %lt3A_840 = arith.cmpf olt, %min3A_680, %lt3A_839 : vector<16xf32>
    %jit3A_841 = arith.constant 0.000000e+00 : f32
    %broadcast_in_dim3A_842 = vector.broadcast %jit3A_841 : f32 to vector<16xf32>
    %select_n3A_843 = arith.select %lt3A_840, %min3A_680, %broadcast_in_dim3A_842 : vector<16xi1>, vector<16xf32>
    %jit3A_844 = arith.constant 0.000000e+00 : f32
    %broadcast_in_dim3A_845 = vector.broadcast %jit3A_844 : f32 to vector<16xf32>
    %select_n3A_846 = arith.select %lt3A_837, %select_n3A_843, %broadcast_in_dim3A_845 : vector<16xi1>, vector<16xf32>
    %get3A_847 = arith.constant 2 : i32
    %get3A_848 = arith.index_cast %get3A_847 : i32 to index
    %get3A_849 = arith.constant 0 : index
    %get3A_850 = tpu.vector_load %arg9[%get3A_848, %get3A_849] {strides = array<i32>} : memref<16x16xf32, #tpu.memory_space<vmem>>, vector<1x16xf32>,
    %get3A_851 = vector.shape_cast %get3A_850 : vector<1x16xf32> to vector<16xf32>
    %add3A_852 = arith.constant 1.000000e+00 : f32
    %add3A_853 = vector.broadcast %add3A_852 : f32 to vector<16xf32>
    %add3A_854 = arith.addf %add3A_853, %get3A_851 : vector<16xf32>
    %sub3A_855 = arith.subf %add3A_854, %select_n3A_846 : vector<16xf32>
    %max3A_856 = arith.constant 0.000000e+00 : f32
    %max3A_857 = vector.broadcast %max3A_856 : f32 to vector<16xf32>
    %max3A_858 = arith.maximumf %sub3A_855, %max3A_857 : vector<16xf32>
    %add3A_859 = arith.addf %add3A_577, %max3A_858 : vector<16xf32>
    %get3A_860 = arith.constant 3 : i32
    %get3A_861 = arith.index_cast %get3A_860 : i32 to index
    %get3A_862 = arith.constant 0 : index
    %get3A_863 = tpu.vector_load %arg8[%get3A_861, %get3A_862] {strides = array<i32>} : memref<16x128xf32, #tpu.memory_space<vmem>>, vector<1x16xf32>,
    %get3A_864 = vector.shape_cast %get3A_863 : vector<1x16xf32> to vector<16xf32>
    %get3A_865 = arith.constant 3 : i32
    %get3A_866 = arith.index_cast %get3A_865 : i32 to index
    %get3A_867 = arith.constant 16 : index
    %get3A_868 = tpu.vector_load %arg8[%get3A_866, %get3A_867] {strides = array<i32>} : memref<16x128xf32, #tpu.memory_space<vmem>>, vector<1x16xf32>,
    %get3A_869 = vector.shape_cast %get3A_868 : vector<1x16xf32> to vector<16xf32>
    %min3A_870 = arith.minimumf %get3A_864, %get3A_869 : vector<16xf32>
    %get3A_871 = arith.constant 3 : i32
    %get3A_872 = arith.index_cast %get3A_871 : i32 to index
    %get3A_873 = arith.constant 32 : index
    %get3A_874 = tpu.vector_load %arg8[%get3A_872, %get3A_873] {strides = array<i32>} : memref<16x128xf32, #tpu.memory_space<vmem>>, vector<1x16xf32>,
    %get3A_875 = vector.shape_cast %get3A_874 : vector<1x16xf32> to vector<16xf32>
    %min3A_876 = arith.minimumf %min3A_870, %get3A_875 : vector<16xf32>
    %get3A_877 = arith.constant 3 : i32
    %get3A_878 = arith.index_cast %get3A_877 : i32 to index
    %get3A_879 = arith.constant 48 : index
    %get3A_880 = tpu.vector_load %arg8[%get3A_878, %get3A_879] {strides = array<i32>} : memref<16x128xf32, #tpu.memory_space<vmem>>, vector<1x16xf32>,
    %get3A_881 = vector.shape_cast %get3A_880 : vector<1x16xf32> to vector<16xf32>
    %min3A_882 = arith.minimumf %min3A_876, %get3A_881 : vector<16xf32>
    %get3A_883 = arith.constant 3 : i32
    %get3A_884 = arith.index_cast %get3A_883 : i32 to index
    %get3A_885 = arith.constant 64 : index
    %get3A_886 = tpu.vector_load %arg8[%get3A_884, %get3A_885] {strides = array<i32>} : memref<16x128xf32, #tpu.memory_space<vmem>>, vector<1x16xf32>,
    %get3A_887 = vector.shape_cast %get3A_886 : vector<1x16xf32> to vector<16xf32>
    %min3A_888 = arith.minimumf %min3A_882, %get3A_887 : vector<16xf32>
    %get3A_889 = arith.constant 3 : i32
    %get3A_890 = arith.index_cast %get3A_889 : i32 to index
    %get3A_891 = arith.constant 80 : index
    %get3A_892 = tpu.vector_load %arg8[%get3A_890, %get3A_891] {strides = array<i32>} : memref<16x128xf32, #tpu.memory_space<vmem>>, vector<1x16xf32>,
    %get3A_893 = vector.shape_cast %get3A_892 : vector<1x16xf32> to vector<16xf32>
    %min3A_894 = arith.minimumf %min3A_888, %get3A_893 : vector<16xf32>
    %get3A_895 = arith.constant 3 : i32
    %get3A_896 = arith.index_cast %get3A_895 : i32 to index
    %get3A_897 = arith.constant 96 : index
    %get3A_898 = tpu.vector_load %arg8[%get3A_896, %get3A_897] {strides = array<i32>} : memref<16x128xf32, #tpu.memory_space<vmem>>, vector<1x16xf32>,
    %get3A_899 = vector.shape_cast %get3A_898 : vector<1x16xf32> to vector<16xf32>
    %min3A_900 = arith.minimumf %min3A_894, %get3A_899 : vector<16xf32>
    %get3A_901 = arith.constant 3 : i32
    %get3A_902 = arith.index_cast %get3A_901 : i32 to index
    %get3A_903 = arith.constant 112 : index
    %get3A_904 = tpu.vector_load %arg8[%get3A_902, %get3A_903] {strides = array<i32>} : memref<16x128xf32, #tpu.memory_space<vmem>>, vector<1x16xf32>,
    %get3A_905 = vector.shape_cast %get3A_904 : vector<1x16xf32> to vector<16xf32>
    %min3A_906 = arith.minimumf %min3A_900, %get3A_905 : vector<16xf32>
    %xor3A_907 = arith.constant 8 : i32
    %xor3A_908 = vector.broadcast %xor3A_907 : i32 to vector<16xi32>
    %xor3A_909 = arith.xori %iota3A, %xor3A_908 : vector<16xi32>
    %lt3A_910 = arith.constant 0 : i32
    %lt3A_911 = vector.broadcast %lt3A_910 : i32 to vector<16xi32>
    %lt3A_912 = arith.cmpi slt, %xor3A_909, %lt3A_911 : vector<16xi32>
    %add3A_913 = arith.constant 16 : i32
    %add3A_914 = vector.broadcast %add3A_913 : i32 to vector<16xi32>
    %add3A_915 = arith.addi %xor3A_909, %add3A_914 : vector<16xi32>
    %select_n3A_916 = arith.select %lt3A_912, %add3A_915, %xor3A_909 : vector<16xi1>, vector<16xi32>
    %broadcast_in_dim3A_917 = vector.shape_cast %select_n3A_916 : vector<16xi32> to vector<16x1xi32>
    %gather3A_918 = vector.shape_cast %broadcast_in_dim3A_917 : vector<16x1xi32> to vector<16xi32>
    %gather3A_919 = tpu.dynamic_gather %min3A_906[%gather3A_918] in [0] : vector<16xf32>, vector<16xi32> -> vector<16xf32>
    %min3A_920 = arith.minimumf %min3A_906, %gather3A_919 : vector<16xf32>
    %xor3A_921 = arith.constant 4 : i32
    %xor3A_922 = vector.broadcast %xor3A_921 : i32 to vector<16xi32>
    %xor3A_923 = arith.xori %iota3A, %xor3A_922 : vector<16xi32>
    %lt3A_924 = arith.constant 0 : i32
    %lt3A_925 = vector.broadcast %lt3A_924 : i32 to vector<16xi32>
    %lt3A_926 = arith.cmpi slt, %xor3A_923, %lt3A_925 : vector<16xi32>
    %add3A_927 = arith.constant 16 : i32
    %add3A_928 = vector.broadcast %add3A_927 : i32 to vector<16xi32>
    %add3A_929 = arith.addi %xor3A_923, %add3A_928 : vector<16xi32>
    %select_n3A_930 = arith.select %lt3A_926, %add3A_929, %xor3A_923 : vector<16xi1>, vector<16xi32>
    %broadcast_in_dim3A_931 = vector.shape_cast %select_n3A_930 : vector<16xi32> to vector<16x1xi32>
    %gather3A_932 = vector.shape_cast %broadcast_in_dim3A_931 : vector<16x1xi32> to vector<16xi32>
    %gather3A_933 = tpu.dynamic_gather %min3A_920[%gather3A_932] in [0] : vector<16xf32>, vector<16xi32> -> vector<16xf32>
    %min3A_934 = arith.minimumf %min3A_920, %gather3A_933 : vector<16xf32>
    %xor3A_935 = arith.constant 2 : i32
    %xor3A_936 = vector.broadcast %xor3A_935 : i32 to vector<16xi32>
    %xor3A_937 = arith.xori %iota3A, %xor3A_936 : vector<16xi32>
    %lt3A_938 = arith.constant 0 : i32
    %lt3A_939 = vector.broadcast %lt3A_938 : i32 to vector<16xi32>
    %lt3A_940 = arith.cmpi slt, %xor3A_937, %lt3A_939 : vector<16xi32>
    %add3A_941 = arith.constant 16 : i32
    %add3A_942 = vector.broadcast %add3A_941 : i32 to vector<16xi32>
    %add3A_943 = arith.addi %xor3A_937, %add3A_942 : vector<16xi32>
    %select_n3A_944 = arith.select %lt3A_940, %add3A_943, %xor3A_937 : vector<16xi1>, vector<16xi32>
    %broadcast_in_dim3A_945 = vector.shape_cast %select_n3A_944 : vector<16xi32> to vector<16x1xi32>
    %gather3A_946 = vector.shape_cast %broadcast_in_dim3A_945 : vector<16x1xi32> to vector<16xi32>
    %gather3A_947 = tpu.dynamic_gather %min3A_934[%gather3A_946] in [0] : vector<16xf32>, vector<16xi32> -> vector<16xf32>
    %min3A_948 = arith.minimumf %min3A_934, %gather3A_947 : vector<16xf32>
    %xor3A_949 = arith.constant 1 : i32
    %xor3A_950 = vector.broadcast %xor3A_949 : i32 to vector<16xi32>
    %xor3A_951 = arith.xori %iota3A, %xor3A_950 : vector<16xi32>
    %lt3A_952 = arith.constant 0 : i32
    %lt3A_953 = vector.broadcast %lt3A_952 : i32 to vector<16xi32>
    %lt3A_954 = arith.cmpi slt, %xor3A_951, %lt3A_953 : vector<16xi32>
    %add3A_955 = arith.constant 16 : i32
    %add3A_956 = vector.broadcast %add3A_955 : i32 to vector<16xi32>
    %add3A_957 = arith.addi %xor3A_951, %add3A_956 : vector<16xi32>
    %select_n3A_958 = arith.select %lt3A_954, %add3A_957, %xor3A_951 : vector<16xi1>, vector<16xi32>
    %broadcast_in_dim3A_959 = vector.shape_cast %select_n3A_958 : vector<16xi32> to vector<16x1xi32>
    %gather3A_960 = vector.shape_cast %broadcast_in_dim3A_959 : vector<16x1xi32> to vector<16xi32>
    %gather3A_961 = tpu.dynamic_gather %min3A_948[%gather3A_960] in [0] : vector<16xf32>, vector<16xi32> -> vector<16xf32>
    %min3A_962 = arith.minimumf %min3A_948, %gather3A_961 : vector<16xf32>
    %broadcast_in_dim3A_963 = arith.constant 0.000000e+00 : f32
    %broadcast_in_dim3A_964 = vector.broadcast %broadcast_in_dim3A_963 : f32 to vector<16xf32>
    %get3A_965 = arith.constant 3 : i32
    %get3A_966 = arith.index_cast %get3A_965 : i32 to index
    %get3A_967 = arith.constant 0 : index
    %get3A_968 = tpu.vector_load %arg7[%get3A_966, %get3A_967] {strides = array<i32>} : memref<16x128xf32, #tpu.memory_space<vmem>>, vector<1x16xf32>,
    %get3A_969 = vector.shape_cast %get3A_968 : vector<1x16xf32> to vector<16xf32>
    %lt3A_970 = arith.cmpf olt, %get3A_969, %min3A_962 : vector<16xf32>
    %jit3A_971 = arith.constant 1.000000e+00 : f32
    %jit3A_972 = arith.constant 0.000000e+00 : f32
    %broadcast_in_dim3A_973 = vector.broadcast %jit3A_971 : f32 to vector<16xf32>
    %broadcast_in_dim3A_974 = vector.broadcast %jit3A_972 : f32 to vector<16xf32>
    %select_n3A_975 = arith.select %lt3A_970, %broadcast_in_dim3A_973, %broadcast_in_dim3A_974 : vector<16xi1>, vector<16xf32>
    %add3A_976 = arith.addf %broadcast_in_dim3A_964, %select_n3A_975 : vector<16xf32>
    %get3A_977 = arith.constant 3 : i32
    %get3A_978 = arith.index_cast %get3A_977 : i32 to index
    %get3A_979 = arith.constant 16 : index
    %get3A_980 = tpu.vector_load %arg7[%get3A_978, %get3A_979] {strides = array<i32>} : memref<16x128xf32, #tpu.memory_space<vmem>>, vector<1x16xf32>,
    %get3A_981 = vector.shape_cast %get3A_980 : vector<1x16xf32> to vector<16xf32>
    %lt3A_982 = arith.cmpf olt, %get3A_981, %min3A_962 : vector<16xf32>
    %jit3A_983 = arith.constant 1.000000e+00 : f32
    %jit3A_984 = arith.constant 0.000000e+00 : f32
    %broadcast_in_dim3A_985 = vector.broadcast %jit3A_983 : f32 to vector<16xf32>
    %broadcast_in_dim3A_986 = vector.broadcast %jit3A_984 : f32 to vector<16xf32>
    %select_n3A_987 = arith.select %lt3A_982, %broadcast_in_dim3A_985, %broadcast_in_dim3A_986 : vector<16xi1>, vector<16xf32>
    %add3A_988 = arith.addf %add3A_976, %select_n3A_987 : vector<16xf32>
    %get3A_989 = arith.constant 3 : i32
    %get3A_990 = arith.index_cast %get3A_989 : i32 to index
    %get3A_991 = arith.constant 32 : index
    %get3A_992 = tpu.vector_load %arg7[%get3A_990, %get3A_991] {strides = array<i32>} : memref<16x128xf32, #tpu.memory_space<vmem>>, vector<1x16xf32>,
    %get3A_993 = vector.shape_cast %get3A_992 : vector<1x16xf32> to vector<16xf32>
    %lt3A_994 = arith.cmpf olt, %get3A_993, %min3A_962 : vector<16xf32>
    %jit3A_995 = arith.constant 1.000000e+00 : f32
    %jit3A_996 = arith.constant 0.000000e+00 : f32
    %broadcast_in_dim3A_997 = vector.broadcast %jit3A_995 : f32 to vector<16xf32>
    %broadcast_in_dim3A_998 = vector.broadcast %jit3A_996 : f32 to vector<16xf32>
    %select_n3A_999 = arith.select %lt3A_994, %broadcast_in_dim3A_997, %broadcast_in_dim3A_998 : vector<16xi1>, vector<16xf32>
    %add3A_1000 = arith.addf %add3A_988, %select_n3A_999 : vector<16xf32>
    %get3A_1001 = arith.constant 3 : i32
    %get3A_1002 = arith.index_cast %get3A_1001 : i32 to index
    %get3A_1003 = arith.constant 48 : index
    %get3A_1004 = tpu.vector_load %arg7[%get3A_1002, %get3A_1003] {strides = array<i32>} : memref<16x128xf32, #tpu.memory_space<vmem>>, vector<1x16xf32>,
    %get3A_1005 = vector.shape_cast %get3A_1004 : vector<1x16xf32> to vector<16xf32>
    %lt3A_1006 = arith.cmpf olt, %get3A_1005, %min3A_962 : vector<16xf32>
    %jit3A_1007 = arith.constant 1.000000e+00 : f32
    %jit3A_1008 = arith.constant 0.000000e+00 : f32
    %broadcast_in_dim3A_1009 = vector.broadcast %jit3A_1007 : f32 to vector<16xf32>
    %broadcast_in_dim3A_1010 = vector.broadcast %jit3A_1008 : f32 to vector<16xf32>
    %select_n3A_1011 = arith.select %lt3A_1006, %broadcast_in_dim3A_1009, %broadcast_in_dim3A_1010 : vector<16xi1>, vector<16xf32>
    %add3A_1012 = arith.addf %add3A_1000, %select_n3A_1011 : vector<16xf32>
    %get3A_1013 = arith.constant 3 : i32
    %get3A_1014 = arith.index_cast %get3A_1013 : i32 to index
    %get3A_1015 = arith.constant 64 : index
    %get3A_1016 = tpu.vector_load %arg7[%get3A_1014, %get3A_1015] {strides = array<i32>} : memref<16x128xf32, #tpu.memory_space<vmem>>, vector<1x16xf32>,
    %get3A_1017 = vector.shape_cast %get3A_1016 : vector<1x16xf32> to vector<16xf32>
    %lt3A_1018 = arith.cmpf olt, %get3A_1017, %min3A_962 : vector<16xf32>
    %jit3A_1019 = arith.constant 1.000000e+00 : f32
    %jit3A_1020 = arith.constant 0.000000e+00 : f32
    %broadcast_in_dim3A_1021 = vector.broadcast %jit3A_1019 : f32 to vector<16xf32>
    %broadcast_in_dim3A_1022 = vector.broadcast %jit3A_1020 : f32 to vector<16xf32>
    %select_n3A_1023 = arith.select %lt3A_1018, %broadcast_in_dim3A_1021, %broadcast_in_dim3A_1022 : vector<16xi1>, vector<16xf32>
    %add3A_1024 = arith.addf %add3A_1012, %select_n3A_1023 : vector<16xf32>
    %get3A_1025 = arith.constant 3 : i32
    %get3A_1026 = arith.index_cast %get3A_1025 : i32 to index
    %get3A_1027 = arith.constant 80 : index
    %get3A_1028 = tpu.vector_load %arg7[%get3A_1026, %get3A_1027] {strides = array<i32>} : memref<16x128xf32, #tpu.memory_space<vmem>>, vector<1x16xf32>,
    %get3A_1029 = vector.shape_cast %get3A_1028 : vector<1x16xf32> to vector<16xf32>
    %lt3A_1030 = arith.cmpf olt, %get3A_1029, %min3A_962 : vector<16xf32>
    %jit3A_1031 = arith.constant 1.000000e+00 : f32
    %jit3A_1032 = arith.constant 0.000000e+00 : f32
    %broadcast_in_dim3A_1033 = vector.broadcast %jit3A_1031 : f32 to vector<16xf32>
    %broadcast_in_dim3A_1034 = vector.broadcast %jit3A_1032 : f32 to vector<16xf32>
    %select_n3A_1035 = arith.select %lt3A_1030, %broadcast_in_dim3A_1033, %broadcast_in_dim3A_1034 : vector<16xi1>, vector<16xf32>
    %add3A_1036 = arith.addf %add3A_1024, %select_n3A_1035 : vector<16xf32>
    %get3A_1037 = arith.constant 3 : i32
    %get3A_1038 = arith.index_cast %get3A_1037 : i32 to index
    %get3A_1039 = arith.constant 96 : index
    %get3A_1040 = tpu.vector_load %arg7[%get3A_1038, %get3A_1039] {strides = array<i32>} : memref<16x128xf32, #tpu.memory_space<vmem>>, vector<1x16xf32>,
    %get3A_1041 = vector.shape_cast %get3A_1040 : vector<1x16xf32> to vector<16xf32>
    %lt3A_1042 = arith.cmpf olt, %get3A_1041, %min3A_962 : vector<16xf32>
    %jit3A_1043 = arith.constant 1.000000e+00 : f32
    %jit3A_1044 = arith.constant 0.000000e+00 : f32
    %broadcast_in_dim3A_1045 = vector.broadcast %jit3A_1043 : f32 to vector<16xf32>
    %broadcast_in_dim3A_1046 = vector.broadcast %jit3A_1044 : f32 to vector<16xf32>
    %select_n3A_1047 = arith.select %lt3A_1042, %broadcast_in_dim3A_1045, %broadcast_in_dim3A_1046 : vector<16xi1>, vector<16xf32>
    %add3A_1048 = arith.addf %add3A_1036, %select_n3A_1047 : vector<16xf32>
    %get3A_1049 = arith.constant 3 : i32
    %get3A_1050 = arith.index_cast %get3A_1049 : i32 to index
    %get3A_1051 = arith.constant 112 : index
    %get3A_1052 = tpu.vector_load %arg7[%get3A_1050, %get3A_1051] {strides = array<i32>} : memref<16x128xf32, #tpu.memory_space<vmem>>, vector<1x16xf32>,
    %get3A_1053 = vector.shape_cast %get3A_1052 : vector<1x16xf32> to vector<16xf32>
    %lt3A_1054 = arith.cmpf olt, %get3A_1053, %min3A_962 : vector<16xf32>
    %jit3A_1055 = arith.constant 1.000000e+00 : f32
    %jit3A_1056 = arith.constant 0.000000e+00 : f32
    %broadcast_in_dim3A_1057 = vector.broadcast %jit3A_1055 : f32 to vector<16xf32>
    %broadcast_in_dim3A_1058 = vector.broadcast %jit3A_1056 : f32 to vector<16xf32>
    %select_n3A_1059 = arith.select %lt3A_1054, %broadcast_in_dim3A_1057, %broadcast_in_dim3A_1058 : vector<16xi1>, vector<16xf32>
    %add3A_1060 = arith.addf %add3A_1048, %select_n3A_1059 : vector<16xf32>
    %xor3A_1061 = arith.constant 8 : i32
    %xor3A_1062 = vector.broadcast %xor3A_1061 : i32 to vector<16xi32>
    %xor3A_1063 = arith.xori %iota3A, %xor3A_1062 : vector<16xi32>
    %lt3A_1064 = arith.constant 0 : i32
    %lt3A_1065 = vector.broadcast %lt3A_1064 : i32 to vector<16xi32>
    %lt3A_1066 = arith.cmpi slt, %xor3A_1063, %lt3A_1065 : vector<16xi32>
    %add3A_1067 = arith.constant 16 : i32
    %add3A_1068 = vector.broadcast %add3A_1067 : i32 to vector<16xi32>
    %add3A_1069 = arith.addi %xor3A_1063, %add3A_1068 : vector<16xi32>
    %select_n3A_1070 = arith.select %lt3A_1066, %add3A_1069, %xor3A_1063 : vector<16xi1>, vector<16xi32>
    %broadcast_in_dim3A_1071 = vector.shape_cast %select_n3A_1070 : vector<16xi32> to vector<16x1xi32>
    %gather3A_1072 = vector.shape_cast %broadcast_in_dim3A_1071 : vector<16x1xi32> to vector<16xi32>
    %gather3A_1073 = tpu.dynamic_gather %add3A_1060[%gather3A_1072] in [0] : vector<16xf32>, vector<16xi32> -> vector<16xf32>
    %add3A_1074 = arith.addf %add3A_1060, %gather3A_1073 : vector<16xf32>
    %xor3A_1075 = arith.constant 4 : i32
    %xor3A_1076 = vector.broadcast %xor3A_1075 : i32 to vector<16xi32>
    %xor3A_1077 = arith.xori %iota3A, %xor3A_1076 : vector<16xi32>
    %lt3A_1078 = arith.constant 0 : i32
    %lt3A_1079 = vector.broadcast %lt3A_1078 : i32 to vector<16xi32>
    %lt3A_1080 = arith.cmpi slt, %xor3A_1077, %lt3A_1079 : vector<16xi32>
    %add3A_1081 = arith.constant 16 : i32
    %add3A_1082 = vector.broadcast %add3A_1081 : i32 to vector<16xi32>
    %add3A_1083 = arith.addi %xor3A_1077, %add3A_1082 : vector<16xi32>
    %select_n3A_1084 = arith.select %lt3A_1080, %add3A_1083, %xor3A_1077 : vector<16xi1>, vector<16xi32>
    %broadcast_in_dim3A_1085 = vector.shape_cast %select_n3A_1084 : vector<16xi32> to vector<16x1xi32>
    %gather3A_1086 = vector.shape_cast %broadcast_in_dim3A_1085 : vector<16x1xi32> to vector<16xi32>
    %gather3A_1087 = tpu.dynamic_gather %add3A_1074[%gather3A_1086] in [0] : vector<16xf32>, vector<16xi32> -> vector<16xf32>
    %add3A_1088 = arith.addf %add3A_1074, %gather3A_1087 : vector<16xf32>
    %xor3A_1089 = arith.constant 2 : i32
    %xor3A_1090 = vector.broadcast %xor3A_1089 : i32 to vector<16xi32>
    %xor3A_1091 = arith.xori %iota3A, %xor3A_1090 : vector<16xi32>
    %lt3A_1092 = arith.constant 0 : i32
    %lt3A_1093 = vector.broadcast %lt3A_1092 : i32 to vector<16xi32>
    %lt3A_1094 = arith.cmpi slt, %xor3A_1091, %lt3A_1093 : vector<16xi32>
    %add3A_1095 = arith.constant 16 : i32
    %add3A_1096 = vector.broadcast %add3A_1095 : i32 to vector<16xi32>
    %add3A_1097 = arith.addi %xor3A_1091, %add3A_1096 : vector<16xi32>
    %select_n3A_1098 = arith.select %lt3A_1094, %add3A_1097, %xor3A_1091 : vector<16xi1>, vector<16xi32>
    %broadcast_in_dim3A_1099 = vector.shape_cast %select_n3A_1098 : vector<16xi32> to vector<16x1xi32>
    %gather3A_1100 = vector.shape_cast %broadcast_in_dim3A_1099 : vector<16x1xi32> to vector<16xi32>
    %gather3A_1101 = tpu.dynamic_gather %add3A_1088[%gather3A_1100] in [0] : vector<16xf32>, vector<16xi32> -> vector<16xf32>
    %add3A_1102 = arith.addf %add3A_1088, %gather3A_1101 : vector<16xf32>
    %xor3A_1103 = arith.constant 1 : i32
    %xor3A_1104 = vector.broadcast %xor3A_1103 : i32 to vector<16xi32>
    %xor3A_1105 = arith.xori %iota3A, %xor3A_1104 : vector<16xi32>
    %lt3A_1106 = arith.constant 0 : i32
    %lt3A_1107 = vector.broadcast %lt3A_1106 : i32 to vector<16xi32>
    %lt3A_1108 = arith.cmpi slt, %xor3A_1105, %lt3A_1107 : vector<16xi32>
    %add3A_1109 = arith.constant 16 : i32
    %add3A_1110 = vector.broadcast %add3A_1109 : i32 to vector<16xi32>
    %add3A_1111 = arith.addi %xor3A_1105, %add3A_1110 : vector<16xi32>
    %select_n3A_1112 = arith.select %lt3A_1108, %add3A_1111, %xor3A_1105 : vector<16xi1>, vector<16xi32>
    %broadcast_in_dim3A_1113 = vector.shape_cast %select_n3A_1112 : vector<16xi32> to vector<16x1xi32>
    %gather3A_1114 = vector.shape_cast %broadcast_in_dim3A_1113 : vector<16x1xi32> to vector<16xi32>
    %gather3A_1115 = tpu.dynamic_gather %add3A_1102[%gather3A_1114] in [0] : vector<16xf32>, vector<16xi32> -> vector<16xf32>
    %add3A_1116 = arith.addf %add3A_1102, %gather3A_1115 : vector<16xf32>
    %lt3A_1117 = arith.constant 1.500000e+01 : f32
    %lt3A_1118 = vector.broadcast %lt3A_1117 : f32 to vector<16xf32>
    %lt3A_1119 = arith.cmpf olt, %add3A_1116, %lt3A_1118 : vector<16xf32>
    %lt3A_1120 = arith.constant 5.000000e+29 : f32
    %lt3A_1121 = vector.broadcast %lt3A_1120 : f32 to vector<16xf32>
    %lt3A_1122 = arith.cmpf olt, %min3A_962, %lt3A_1121 : vector<16xf32>
    %jit3A_1123 = arith.constant 0.000000e+00 : f32
    %broadcast_in_dim3A_1124 = vector.broadcast %jit3A_1123 : f32 to vector<16xf32>
    %select_n3A_1125 = arith.select %lt3A_1122, %min3A_962, %broadcast_in_dim3A_1124 : vector<16xi1>, vector<16xf32>
    %jit3A_1126 = arith.constant 0.000000e+00 : f32
    %broadcast_in_dim3A_1127 = vector.broadcast %jit3A_1126 : f32 to vector<16xf32>
    %select_n3A_1128 = arith.select %lt3A_1119, %select_n3A_1125, %broadcast_in_dim3A_1127 : vector<16xi1>, vector<16xf32>
    %get3A_1129 = arith.constant 3 : i32
    %get3A_1130 = arith.index_cast %get3A_1129 : i32 to index
    %get3A_1131 = arith.constant 0 : index
    %get3A_1132 = tpu.vector_load %arg9[%get3A_1130, %get3A_1131] {strides = array<i32>} : memref<16x16xf32, #tpu.memory_space<vmem>>, vector<1x16xf32>,
    %get3A_1133 = vector.shape_cast %get3A_1132 : vector<1x16xf32> to vector<16xf32>
    %add3A_1134 = arith.constant 1.000000e+00 : f32
    %add3A_1135 = vector.broadcast %add3A_1134 : f32 to vector<16xf32>
    %add3A_1136 = arith.addf %add3A_1135, %get3A_1133 : vector<16xf32>
    %sub3A_1137 = arith.subf %add3A_1136, %select_n3A_1128 : vector<16xf32>
    %max3A_1138 = arith.constant 0.000000e+00 : f32
    %max3A_1139 = vector.broadcast %max3A_1138 : f32 to vector<16xf32>
    %max3A_1140 = arith.maximumf %sub3A_1137, %max3A_1139 : vector<16xf32>
    %add3A_1141 = arith.addf %add3A_859, %max3A_1140 : vector<16xf32>
    %get3A_1142 = arith.constant 4 : i32
    %get3A_1143 = arith.index_cast %get3A_1142 : i32 to index
    %get3A_1144 = arith.constant 0 : index
    %get3A_1145 = tpu.vector_load %arg8[%get3A_1143, %get3A_1144] {strides = array<i32>} : memref<16x128xf32, #tpu.memory_space<vmem>>, vector<1x16xf32>,
    %get3A_1146 = vector.shape_cast %get3A_1145 : vector<1x16xf32> to vector<16xf32>
    %get3A_1147 = arith.constant 4 : i32
    %get3A_1148 = arith.index_cast %get3A_1147 : i32 to index
    %get3A_1149 = arith.constant 16 : index
    %get3A_1150 = tpu.vector_load %arg8[%get3A_1148, %get3A_1149] {strides = array<i32>} : memref<16x128xf32, #tpu.memory_space<vmem>>, vector<1x16xf32>,
    %get3A_1151 = vector.shape_cast %get3A_1150 : vector<1x16xf32> to vector<16xf32>
    %min3A_1152 = arith.minimumf %get3A_1146, %get3A_1151 : vector<16xf32>
    %get3A_1153 = arith.constant 4 : i32
    %get3A_1154 = arith.index_cast %get3A_1153 : i32 to index
    %get3A_1155 = arith.constant 32 : index
    %get3A_1156 = tpu.vector_load %arg8[%get3A_1154, %get3A_1155] {strides = array<i32>} : memref<16x128xf32, #tpu.memory_space<vmem>>, vector<1x16xf32>,
    %get3A_1157 = vector.shape_cast %get3A_1156 : vector<1x16xf32> to vector<16xf32>
    %min3A_1158 = arith.minimumf %min3A_1152, %get3A_1157 : vector<16xf32>
    %get3A_1159 = arith.constant 4 : i32
    %get3A_1160 = arith.index_cast %get3A_1159 : i32 to index
    %get3A_1161 = arith.constant 48 : index
    %get3A_1162 = tpu.vector_load %arg8[%get3A_1160, %get3A_1161] {strides = array<i32>} : memref<16x128xf32, #tpu.memory_space<vmem>>, vector<1x16xf32>,
    %get3A_1163 = vector.shape_cast %get3A_1162 : vector<1x16xf32> to vector<16xf32>
    %min3A_1164 = arith.minimumf %min3A_1158, %get3A_1163 : vector<16xf32>
    %get3A_1165 = arith.constant 4 : i32
    %get3A_1166 = arith.index_cast %get3A_1165 : i32 to index
    %get3A_1167 = arith.constant 64 : index
    %get3A_1168 = tpu.vector_load %arg8[%get3A_1166, %get3A_1167] {strides = array<i32>} : memref<16x128xf32, #tpu.memory_space<vmem>>, vector<1x16xf32>,
    %get3A_1169 = vector.shape_cast %get3A_1168 : vector<1x16xf32> to vector<16xf32>
    %min3A_1170 = arith.minimumf %min3A_1164, %get3A_1169 : vector<16xf32>
    %get3A_1171 = arith.constant 4 : i32
    %get3A_1172 = arith.index_cast %get3A_1171 : i32 to index
    %get3A_1173 = arith.constant 80 : index
    %get3A_1174 = tpu.vector_load %arg8[%get3A_1172, %get3A_1173] {strides = array<i32>} : memref<16x128xf32, #tpu.memory_space<vmem>>, vector<1x16xf32>,
    %get3A_1175 = vector.shape_cast %get3A_1174 : vector<1x16xf32> to vector<16xf32>
    %min3A_1176 = arith.minimumf %min3A_1170, %get3A_1175 : vector<16xf32>
    %get3A_1177 = arith.constant 4 : i32
    %get3A_1178 = arith.index_cast %get3A_1177 : i32 to index
    %get3A_1179 = arith.constant 96 : index
    %get3A_1180 = tpu.vector_load %arg8[%get3A_1178, %get3A_1179] {strides = array<i32>} : memref<16x128xf32, #tpu.memory_space<vmem>>, vector<1x16xf32>,
    %get3A_1181 = vector.shape_cast %get3A_1180 : vector<1x16xf32> to vector<16xf32>
    %min3A_1182 = arith.minimumf %min3A_1176, %get3A_1181 : vector<16xf32>
    %get3A_1183 = arith.constant 4 : i32
    %get3A_1184 = arith.index_cast %get3A_1183 : i32 to index
    %get3A_1185 = arith.constant 112 : index
    %get3A_1186 = tpu.vector_load %arg8[%get3A_1184, %get3A_1185] {strides = array<i32>} : memref<16x128xf32, #tpu.memory_space<vmem>>, vector<1x16xf32>,
    %get3A_1187 = vector.shape_cast %get3A_1186 : vector<1x16xf32> to vector<16xf32>
    %min3A_1188 = arith.minimumf %min3A_1182, %get3A_1187 : vector<16xf32>
    %xor3A_1189 = arith.constant 8 : i32
    %xor3A_1190 = vector.broadcast %xor3A_1189 : i32 to vector<16xi32>
    %xor3A_1191 = arith.xori %iota3A, %xor3A_1190 : vector<16xi32>
    %lt3A_1192 = arith.constant 0 : i32
    %lt3A_1193 = vector.broadcast %lt3A_1192 : i32 to vector<16xi32>
    %lt3A_1194 = arith.cmpi slt, %xor3A_1191, %lt3A_1193 : vector<16xi32>
    %add3A_1195 = arith.constant 16 : i32
    %add3A_1196 = vector.broadcast %add3A_1195 : i32 to vector<16xi32>
    %add3A_1197 = arith.addi %xor3A_1191, %add3A_1196 : vector<16xi32>
    %select_n3A_1198 = arith.select %lt3A_1194, %add3A_1197, %xor3A_1191 : vector<16xi1>, vector<16xi32>
    %broadcast_in_dim3A_1199 = vector.shape_cast %select_n3A_1198 : vector<16xi32> to vector<16x1xi32>
    %gather3A_1200 = vector.shape_cast %broadcast_in_dim3A_1199 : vector<16x1xi32> to vector<16xi32>
    %gather3A_1201 = tpu.dynamic_gather %min3A_1188[%gather3A_1200] in [0] : vector<16xf32>, vector<16xi32> -> vector<16xf32>
    %min3A_1202 = arith.minimumf %min3A_1188, %gather3A_1201 : vector<16xf32>
    %xor3A_1203 = arith.constant 4 : i32
    %xor3A_1204 = vector.broadcast %xor3A_1203 : i32 to vector<16xi32>
    %xor3A_1205 = arith.xori %iota3A, %xor3A_1204 : vector<16xi32>
    %lt3A_1206 = arith.constant 0 : i32
    %lt3A_1207 = vector.broadcast %lt3A_1206 : i32 to vector<16xi32>
    %lt3A_1208 = arith.cmpi slt, %xor3A_1205, %lt3A_1207 : vector<16xi32>
    %add3A_1209 = arith.constant 16 : i32
    %add3A_1210 = vector.broadcast %add3A_1209 : i32 to vector<16xi32>
    %add3A_1211 = arith.addi %xor3A_1205, %add3A_1210 : vector<16xi32>
    %select_n3A_1212 = arith.select %lt3A_1208, %add3A_1211, %xor3A_1205 : vector<16xi1>, vector<16xi32>
    %broadcast_in_dim3A_1213 = vector.shape_cast %select_n3A_1212 : vector<16xi32> to vector<16x1xi32>
    %gather3A_1214 = vector.shape_cast %broadcast_in_dim3A_1213 : vector<16x1xi32> to vector<16xi32>
    %gather3A_1215 = tpu.dynamic_gather %min3A_1202[%gather3A_1214] in [0] : vector<16xf32>, vector<16xi32> -> vector<16xf32>
    %min3A_1216 = arith.minimumf %min3A_1202, %gather3A_1215 : vector<16xf32>
    %xor3A_1217 = arith.constant 2 : i32
    %xor3A_1218 = vector.broadcast %xor3A_1217 : i32 to vector<16xi32>
    %xor3A_1219 = arith.xori %iota3A, %xor3A_1218 : vector<16xi32>
    %lt3A_1220 = arith.constant 0 : i32
    %lt3A_1221 = vector.broadcast %lt3A_1220 : i32 to vector<16xi32>
    %lt3A_1222 = arith.cmpi slt, %xor3A_1219, %lt3A_1221 : vector<16xi32>
    %add3A_1223 = arith.constant 16 : i32
    %add3A_1224 = vector.broadcast %add3A_1223 : i32 to vector<16xi32>
    %add3A_1225 = arith.addi %xor3A_1219, %add3A_1224 : vector<16xi32>
    %select_n3A_1226 = arith.select %lt3A_1222, %add3A_1225, %xor3A_1219 : vector<16xi1>, vector<16xi32>
    %broadcast_in_dim3A_1227 = vector.shape_cast %select_n3A_1226 : vector<16xi32> to vector<16x1xi32>
    %gather3A_1228 = vector.shape_cast %broadcast_in_dim3A_1227 : vector<16x1xi32> to vector<16xi32>
    %gather3A_1229 = tpu.dynamic_gather %min3A_1216[%gather3A_1228] in [0] : vector<16xf32>, vector<16xi32> -> vector<16xf32>
    %min3A_1230 = arith.minimumf %min3A_1216, %gather3A_1229 : vector<16xf32>
    %xor3A_1231 = arith.constant 1 : i32
    %xor3A_1232 = vector.broadcast %xor3A_1231 : i32 to vector<16xi32>
    %xor3A_1233 = arith.xori %iota3A, %xor3A_1232 : vector<16xi32>
    %lt3A_1234 = arith.constant 0 : i32
    %lt3A_1235 = vector.broadcast %lt3A_1234 : i32 to vector<16xi32>
    %lt3A_1236 = arith.cmpi slt, %xor3A_1233, %lt3A_1235 : vector<16xi32>
    %add3A_1237 = arith.constant 16 : i32
    %add3A_1238 = vector.broadcast %add3A_1237 : i32 to vector<16xi32>
    %add3A_1239 = arith.addi %xor3A_1233, %add3A_1238 : vector<16xi32>
    %select_n3A_1240 = arith.select %lt3A_1236, %add3A_1239, %xor3A_1233 : vector<16xi1>, vector<16xi32>
    %broadcast_in_dim3A_1241 = vector.shape_cast %select_n3A_1240 : vector<16xi32> to vector<16x1xi32>
    %gather3A_1242 = vector.shape_cast %broadcast_in_dim3A_1241 : vector<16x1xi32> to vector<16xi32>
    %gather3A_1243 = tpu.dynamic_gather %min3A_1230[%gather3A_1242] in [0] : vector<16xf32>, vector<16xi32> -> vector<16xf32>
    %min3A_1244 = arith.minimumf %min3A_1230, %gather3A_1243 : vector<16xf32>
    %broadcast_in_dim3A_1245 = arith.constant 0.000000e+00 : f32
    %broadcast_in_dim3A_1246 = vector.broadcast %broadcast_in_dim3A_1245 : f32 to vector<16xf32>
    %get3A_1247 = arith.constant 4 : i32
    %get3A_1248 = arith.index_cast %get3A_1247 : i32 to index
    %get3A_1249 = arith.constant 0 : index
    %get3A_1250 = tpu.vector_load %arg7[%get3A_1248, %get3A_1249] {strides = array<i32>} : memref<16x128xf32, #tpu.memory_space<vmem>>, vector<1x16xf32>,
    %get3A_1251 = vector.shape_cast %get3A_1250 : vector<1x16xf32> to vector<16xf32>
    %lt3A_1252 = arith.cmpf olt, %get3A_1251, %min3A_1244 : vector<16xf32>
    %jit3A_1253 = arith.constant 1.000000e+00 : f32
    %jit3A_1254 = arith.constant 0.000000e+00 : f32
    %broadcast_in_dim3A_1255 = vector.broadcast %jit3A_1253 : f32 to vector<16xf32>
    %broadcast_in_dim3A_1256 = vector.broadcast %jit3A_1254 : f32 to vector<16xf32>
    %select_n3A_1257 = arith.select %lt3A_1252, %broadcast_in_dim3A_1255, %broadcast_in_dim3A_1256 : vector<16xi1>, vector<16xf32>
    %add3A_1258 = arith.addf %broadcast_in_dim3A_1246, %select_n3A_1257 : vector<16xf32>
    %get3A_1259 = arith.constant 4 : i32
    %get3A_1260 = arith.index_cast %get3A_1259 : i32 to index
    %get3A_1261 = arith.constant 16 : index
    %get3A_1262 = tpu.vector_load %arg7[%get3A_1260, %get3A_1261] {strides = array<i32>} : memref<16x128xf32, #tpu.memory_space<vmem>>, vector<1x16xf32>,
    %get3A_1263 = vector.shape_cast %get3A_1262 : vector<1x16xf32> to vector<16xf32>
    %lt3A_1264 = arith.cmpf olt, %get3A_1263, %min3A_1244 : vector<16xf32>
    %jit3A_1265 = arith.constant 1.000000e+00 : f32
    %jit3A_1266 = arith.constant 0.000000e+00 : f32
    %broadcast_in_dim3A_1267 = vector.broadcast %jit3A_1265 : f32 to vector<16xf32>
    %broadcast_in_dim3A_1268 = vector.broadcast %jit3A_1266 : f32 to vector<16xf32>
    %select_n3A_1269 = arith.select %lt3A_1264, %broadcast_in_dim3A_1267, %broadcast_in_dim3A_1268 : vector<16xi1>, vector<16xf32>
    %add3A_1270 = arith.addf %add3A_1258, %select_n3A_1269 : vector<16xf32>
    %get3A_1271 = arith.constant 4 : i32
    %get3A_1272 = arith.index_cast %get3A_1271 : i32 to index
    %get3A_1273 = arith.constant 32 : index
    %get3A_1274 = tpu.vector_load %arg7[%get3A_1272, %get3A_1273] {strides = array<i32>} : memref<16x128xf32, #tpu.memory_space<vmem>>, vector<1x16xf32>,
    %get3A_1275 = vector.shape_cast %get3A_1274 : vector<1x16xf32> to vector<16xf32>
    %lt3A_1276 = arith.cmpf olt, %get3A_1275, %min3A_1244 : vector<16xf32>
    %jit3A_1277 = arith.constant 1.000000e+00 : f32
    %jit3A_1278 = arith.constant 0.000000e+00 : f32
    %broadcast_in_dim3A_1279 = vector.broadcast %jit3A_1277 : f32 to vector<16xf32>
    %broadcast_in_dim3A_1280 = vector.broadcast %jit3A_1278 : f32 to vector<16xf32>
    %select_n3A_1281 = arith.select %lt3A_1276, %broadcast_in_dim3A_1279, %broadcast_in_dim3A_1280 : vector<16xi1>, vector<16xf32>
    %add3A_1282 = arith.addf %add3A_1270, %select_n3A_1281 : vector<16xf32>
    %get3A_1283 = arith.constant 4 : i32
    %get3A_1284 = arith.index_cast %get3A_1283 : i32 to index
    %get3A_1285 = arith.constant 48 : index
    %get3A_1286 = tpu.vector_load %arg7[%get3A_1284, %get3A_1285] {strides = array<i32>} : memref<16x128xf32, #tpu.memory_space<vmem>>, vector<1x16xf32>,
    %get3A_1287 = vector.shape_cast %get3A_1286 : vector<1x16xf32> to vector<16xf32>
    %lt3A_1288 = arith.cmpf olt, %get3A_1287, %min3A_1244 : vector<16xf32>
    %jit3A_1289 = arith.constant 1.000000e+00 : f32
    %jit3A_1290 = arith.constant 0.000000e+00 : f32
    %broadcast_in_dim3A_1291 = vector.broadcast %jit3A_1289 : f32 to vector<16xf32>
    %broadcast_in_dim3A_1292 = vector.broadcast %jit3A_1290 : f32 to vector<16xf32>
    %select_n3A_1293 = arith.select %lt3A_1288, %broadcast_in_dim3A_1291, %broadcast_in_dim3A_1292 : vector<16xi1>, vector<16xf32>
    %add3A_1294 = arith.addf %add3A_1282, %select_n3A_1293 : vector<16xf32>
    %get3A_1295 = arith.constant 4 : i32
    %get3A_1296 = arith.index_cast %get3A_1295 : i32 to index
    %get3A_1297 = arith.constant 64 : index
    %get3A_1298 = tpu.vector_load %arg7[%get3A_1296, %get3A_1297] {strides = array<i32>} : memref<16x128xf32, #tpu.memory_space<vmem>>, vector<1x16xf32>,
    %get3A_1299 = vector.shape_cast %get3A_1298 : vector<1x16xf32> to vector<16xf32>
    %lt3A_1300 = arith.cmpf olt, %get3A_1299, %min3A_1244 : vector<16xf32>
    %jit3A_1301 = arith.constant 1.000000e+00 : f32
    %jit3A_1302 = arith.constant 0.000000e+00 : f32
    %broadcast_in_dim3A_1303 = vector.broadcast %jit3A_1301 : f32 to vector<16xf32>
    %broadcast_in_dim3A_1304 = vector.broadcast %jit3A_1302 : f32 to vector<16xf32>
    %select_n3A_1305 = arith.select %lt3A_1300, %broadcast_in_dim3A_1303, %broadcast_in_dim3A_1304 : vector<16xi1>, vector<16xf32>
    %add3A_1306 = arith.addf %add3A_1294, %select_n3A_1305 : vector<16xf32>
    %get3A_1307 = arith.constant 4 : i32
    %get3A_1308 = arith.index_cast %get3A_1307 : i32 to index
    %get3A_1309 = arith.constant 80 : index
    %get3A_1310 = tpu.vector_load %arg7[%get3A_1308, %get3A_1309] {strides = array<i32>} : memref<16x128xf32, #tpu.memory_space<vmem>>, vector<1x16xf32>,
    %get3A_1311 = vector.shape_cast %get3A_1310 : vector<1x16xf32> to vector<16xf32>
    %lt3A_1312 = arith.cmpf olt, %get3A_1311, %min3A_1244 : vector<16xf32>
    %jit3A_1313 = arith.constant 1.000000e+00 : f32
    %jit3A_1314 = arith.constant 0.000000e+00 : f32
    %broadcast_in_dim3A_1315 = vector.broadcast %jit3A_1313 : f32 to vector<16xf32>
    %broadcast_in_dim3A_1316 = vector.broadcast %jit3A_1314 : f32 to vector<16xf32>
    %select_n3A_1317 = arith.select %lt3A_1312, %broadcast_in_dim3A_1315, %broadcast_in_dim3A_1316 : vector<16xi1>, vector<16xf32>
    %add3A_1318 = arith.addf %add3A_1306, %select_n3A_1317 : vector<16xf32>
    %get3A_1319 = arith.constant 4 : i32
    %get3A_1320 = arith.index_cast %get3A_1319 : i32 to index
    %get3A_1321 = arith.constant 96 : index
    %get3A_1322 = tpu.vector_load %arg7[%get3A_1320, %get3A_1321] {strides = array<i32>} : memref<16x128xf32, #tpu.memory_space<vmem>>, vector<1x16xf32>,
    %get3A_1323 = vector.shape_cast %get3A_1322 : vector<1x16xf32> to vector<16xf32>
    %lt3A_1324 = arith.cmpf olt, %get3A_1323, %min3A_1244 : vector<16xf32>
    %jit3A_1325 = arith.constant 1.000000e+00 : f32
    %jit3A_1326 = arith.constant 0.000000e+00 : f32
    %broadcast_in_dim3A_1327 = vector.broadcast %jit3A_1325 : f32 to vector<16xf32>
    %broadcast_in_dim3A_1328 = vector.broadcast %jit3A_1326 : f32 to vector<16xf32>
    %select_n3A_1329 = arith.select %lt3A_1324, %broadcast_in_dim3A_1327, %broadcast_in_dim3A_1328 : vector<16xi1>, vector<16xf32>
    %add3A_1330 = arith.addf %add3A_1318, %select_n3A_1329 : vector<16xf32>
    %get3A_1331 = arith.constant 4 : i32
    %get3A_1332 = arith.index_cast %get3A_1331 : i32 to index
    %get3A_1333 = arith.constant 112 : index
    %get3A_1334 = tpu.vector_load %arg7[%get3A_1332, %get3A_1333] {strides = array<i32>} : memref<16x128xf32, #tpu.memory_space<vmem>>, vector<1x16xf32>,
    %get3A_1335 = vector.shape_cast %get3A_1334 : vector<1x16xf32> to vector<16xf32>
    %lt3A_1336 = arith.cmpf olt, %get3A_1335, %min3A_1244 : vector<16xf32>
    %jit3A_1337 = arith.constant 1.000000e+00 : f32
    %jit3A_1338 = arith.constant 0.000000e+00 : f32
    %broadcast_in_dim3A_1339 = vector.broadcast %jit3A_1337 : f32 to vector<16xf32>
    %broadcast_in_dim3A_1340 = vector.broadcast %jit3A_1338 : f32 to vector<16xf32>
    %select_n3A_1341 = arith.select %lt3A_1336, %broadcast_in_dim3A_1339, %broadcast_in_dim3A_1340 : vector<16xi1>, vector<16xf32>
    %add3A_1342 = arith.addf %add3A_1330, %select_n3A_1341 : vector<16xf32>
    %xor3A_1343 = arith.constant 8 : i32
    %xor3A_1344 = vector.broadcast %xor3A_1343 : i32 to vector<16xi32>
    %xor3A_1345 = arith.xori %iota3A, %xor3A_1344 : vector<16xi32>
    %lt3A_1346 = arith.constant 0 : i32
    %lt3A_1347 = vector.broadcast %lt3A_1346 : i32 to vector<16xi32>
    %lt3A_1348 = arith.cmpi slt, %xor3A_1345, %lt3A_1347 : vector<16xi32>
    %add3A_1349 = arith.constant 16 : i32
    %add3A_1350 = vector.broadcast %add3A_1349 : i32 to vector<16xi32>
    %add3A_1351 = arith.addi %xor3A_1345, %add3A_1350 : vector<16xi32>
    %select_n3A_1352 = arith.select %lt3A_1348, %add3A_1351, %xor3A_1345 : vector<16xi1>, vector<16xi32>
    %broadcast_in_dim3A_1353 = vector.shape_cast %select_n3A_1352 : vector<16xi32> to vector<16x1xi32>
    %gather3A_1354 = vector.shape_cast %broadcast_in_dim3A_1353 : vector<16x1xi32> to vector<16xi32>
    %gather3A_1355 = tpu.dynamic_gather %add3A_1342[%gather3A_1354] in [0] : vector<16xf32>, vector<16xi32> -> vector<16xf32>
    %add3A_1356 = arith.addf %add3A_1342, %gather3A_1355 : vector<16xf32>
    %xor3A_1357 = arith.constant 4 : i32
    %xor3A_1358 = vector.broadcast %xor3A_1357 : i32 to vector<16xi32>
    %xor3A_1359 = arith.xori %iota3A, %xor3A_1358 : vector<16xi32>
    %lt3A_1360 = arith.constant 0 : i32
    %lt3A_1361 = vector.broadcast %lt3A_1360 : i32 to vector<16xi32>
    %lt3A_1362 = arith.cmpi slt, %xor3A_1359, %lt3A_1361 : vector<16xi32>
    %add3A_1363 = arith.constant 16 : i32
    %add3A_1364 = vector.broadcast %add3A_1363 : i32 to vector<16xi32>
    %add3A_1365 = arith.addi %xor3A_1359, %add3A_1364 : vector<16xi32>
    %select_n3A_1366 = arith.select %lt3A_1362, %add3A_1365, %xor3A_1359 : vector<16xi1>, vector<16xi32>
    %broadcast_in_dim3A_1367 = vector.shape_cast %select_n3A_1366 : vector<16xi32> to vector<16x1xi32>
    %gather3A_1368 = vector.shape_cast %broadcast_in_dim3A_1367 : vector<16x1xi32> to vector<16xi32>
    %gather3A_1369 = tpu.dynamic_gather %add3A_1356[%gather3A_1368] in [0] : vector<16xf32>, vector<16xi32> -> vector<16xf32>
    %add3A_1370 = arith.addf %add3A_1356, %gather3A_1369 : vector<16xf32>
    %xor3A_1371 = arith.constant 2 : i32
    %xor3A_1372 = vector.broadcast %xor3A_1371 : i32 to vector<16xi32>
    %xor3A_1373 = arith.xori %iota3A, %xor3A_1372 : vector<16xi32>
    %lt3A_1374 = arith.constant 0 : i32
    %lt3A_1375 = vector.broadcast %lt3A_1374 : i32 to vector<16xi32>
    %lt3A_1376 = arith.cmpi slt, %xor3A_1373, %lt3A_1375 : vector<16xi32>
    %add3A_1377 = arith.constant 16 : i32
    %add3A_1378 = vector.broadcast %add3A_1377 : i32 to vector<16xi32>
    %add3A_1379 = arith.addi %xor3A_1373, %add3A_1378 : vector<16xi32>
    %select_n3A_1380 = arith.select %lt3A_1376, %add3A_1379, %xor3A_1373 : vector<16xi1>, vector<16xi32>
    %broadcast_in_dim3A_1381 = vector.shape_cast %select_n3A_1380 : vector<16xi32> to vector<16x1xi32>
    %gather3A_1382 = vector.shape_cast %broadcast_in_dim3A_1381 : vector<16x1xi32> to vector<16xi32>
    %gather3A_1383 = tpu.dynamic_gather %add3A_1370[%gather3A_1382] in [0] : vector<16xf32>, vector<16xi32> -> vector<16xf32>
    %add3A_1384 = arith.addf %add3A_1370, %gather3A_1383 : vector<16xf32>
    %xor3A_1385 = arith.constant 1 : i32
    %xor3A_1386 = vector.broadcast %xor3A_1385 : i32 to vector<16xi32>
    %xor3A_1387 = arith.xori %iota3A, %xor3A_1386 : vector<16xi32>
    %lt3A_1388 = arith.constant 0 : i32
    %lt3A_1389 = vector.broadcast %lt3A_1388 : i32 to vector<16xi32>
    %lt3A_1390 = arith.cmpi slt, %xor3A_1387, %lt3A_1389 : vector<16xi32>
    %add3A_1391 = arith.constant 16 : i32
    %add3A_1392 = vector.broadcast %add3A_1391 : i32 to vector<16xi32>
    %add3A_1393 = arith.addi %xor3A_1387, %add3A_1392 : vector<16xi32>
    %select_n3A_1394 = arith.select %lt3A_1390, %add3A_1393, %xor3A_1387 : vector<16xi1>, vector<16xi32>
    %broadcast_in_dim3A_1395 = vector.shape_cast %select_n3A_1394 : vector<16xi32> to vector<16x1xi32>
    %gather3A_1396 = vector.shape_cast %broadcast_in_dim3A_1395 : vector<16x1xi32> to vector<16xi32>
    %gather3A_1397 = tpu.dynamic_gather %add3A_1384[%gather3A_1396] in [0] : vector<16xf32>, vector<16xi32> -> vector<16xf32>
    %add3A_1398 = arith.addf %add3A_1384, %gather3A_1397 : vector<16xf32>
    %lt3A_1399 = arith.constant 1.500000e+01 : f32
    %lt3A_1400 = vector.broadcast %lt3A_1399 : f32 to vector<16xf32>
    %lt3A_1401 = arith.cmpf olt, %add3A_1398, %lt3A_1400 : vector<16xf32>
    %lt3A_1402 = arith.constant 5.000000e+29 : f32
    %lt3A_1403 = vector.broadcast %lt3A_1402 : f32 to vector<16xf32>
    %lt3A_1404 = arith.cmpf olt, %min3A_1244, %lt3A_1403 : vector<16xf32>
    %jit3A_1405 = arith.constant 0.000000e+00 : f32
    %broadcast_in_dim3A_1406 = vector.broadcast %jit3A_1405 : f32 to vector<16xf32>
    %select_n3A_1407 = arith.select %lt3A_1404, %min3A_1244, %broadcast_in_dim3A_1406 : vector<16xi1>, vector<16xf32>
    %jit3A_1408 = arith.constant 0.000000e+00 : f32
    %broadcast_in_dim3A_1409 = vector.broadcast %jit3A_1408 : f32 to vector<16xf32>
    %select_n3A_1410 = arith.select %lt3A_1401, %select_n3A_1407, %broadcast_in_dim3A_1409 : vector<16xi1>, vector<16xf32>
    %get3A_1411 = arith.constant 4 : i32
    %get3A_1412 = arith.index_cast %get3A_1411 : i32 to index
    %get3A_1413 = arith.constant 0 : index
    %get3A_1414 = tpu.vector_load %arg9[%get3A_1412, %get3A_1413] {strides = array<i32>} : memref<16x16xf32, #tpu.memory_space<vmem>>, vector<1x16xf32>,
    %get3A_1415 = vector.shape_cast %get3A_1414 : vector<1x16xf32> to vector<16xf32>
    %add3A_1416 = arith.constant 1.000000e+00 : f32
    %add3A_1417 = vector.broadcast %add3A_1416 : f32 to vector<16xf32>
    %add3A_1418 = arith.addf %add3A_1417, %get3A_1415 : vector<16xf32>
    %sub3A_1419 = arith.subf %add3A_1418, %select_n3A_1410 : vector<16xf32>
    %max3A_1420 = arith.constant 0.000000e+00 : f32
    %max3A_1421 = vector.broadcast %max3A_1420 : f32 to vector<16xf32>
    %max3A_1422 = arith.maximumf %sub3A_1419, %max3A_1421 : vector<16xf32>
    %add3A_1423 = arith.addf %add3A_1141, %max3A_1422 : vector<16xf32>
    %get3A_1424 = arith.constant 5 : i32
    %get3A_1425 = arith.index_cast %get3A_1424 : i32 to index
    %get3A_1426 = arith.constant 0 : index
    %get3A_1427 = tpu.vector_load %arg8[%get3A_1425, %get3A_1426] {strides = array<i32>} : memref<16x128xf32, #tpu.memory_space<vmem>>, vector<1x16xf32>,
    %get3A_1428 = vector.shape_cast %get3A_1427 : vector<1x16xf32> to vector<16xf32>
    %get3A_1429 = arith.constant 5 : i32
    %get3A_1430 = arith.index_cast %get3A_1429 : i32 to index
    %get3A_1431 = arith.constant 16 : index
    %get3A_1432 = tpu.vector_load %arg8[%get3A_1430, %get3A_1431] {strides = array<i32>} : memref<16x128xf32, #tpu.memory_space<vmem>>, vector<1x16xf32>,
    %get3A_1433 = vector.shape_cast %get3A_1432 : vector<1x16xf32> to vector<16xf32>
    %min3A_1434 = arith.minimumf %get3A_1428, %get3A_1433 : vector<16xf32>
    %get3A_1435 = arith.constant 5 : i32
    %get3A_1436 = arith.index_cast %get3A_1435 : i32 to index
    %get3A_1437 = arith.constant 32 : index
    %get3A_1438 = tpu.vector_load %arg8[%get3A_1436, %get3A_1437] {strides = array<i32>} : memref<16x128xf32, #tpu.memory_space<vmem>>, vector<1x16xf32>,
    %get3A_1439 = vector.shape_cast %get3A_1438 : vector<1x16xf32> to vector<16xf32>
    %min3A_1440 = arith.minimumf %min3A_1434, %get3A_1439 : vector<16xf32>
    %get3A_1441 = arith.constant 5 : i32
    %get3A_1442 = arith.index_cast %get3A_1441 : i32 to index
    %get3A_1443 = arith.constant 48 : index
    %get3A_1444 = tpu.vector_load %arg8[%get3A_1442, %get3A_1443] {strides = array<i32>} : memref<16x128xf32, #tpu.memory_space<vmem>>, vector<1x16xf32>,
    %get3A_1445 = vector.shape_cast %get3A_1444 : vector<1x16xf32> to vector<16xf32>
    %min3A_1446 = arith.minimumf %min3A_1440, %get3A_1445 : vector<16xf32>
    %get3A_1447 = arith.constant 5 : i32
    %get3A_1448 = arith.index_cast %get3A_1447 : i32 to index
    %get3A_1449 = arith.constant 64 : index
    %get3A_1450 = tpu.vector_load %arg8[%get3A_1448, %get3A_1449] {strides = array<i32>} : memref<16x128xf32, #tpu.memory_space<vmem>>, vector<1x16xf32>,
    %get3A_1451 = vector.shape_cast %get3A_1450 : vector<1x16xf32> to vector<16xf32>
    %min3A_1452 = arith.minimumf %min3A_1446, %get3A_1451 : vector<16xf32>
    %get3A_1453 = arith.constant 5 : i32
    %get3A_1454 = arith.index_cast %get3A_1453 : i32 to index
    %get3A_1455 = arith.constant 80 : index
    %get3A_1456 = tpu.vector_load %arg8[%get3A_1454, %get3A_1455] {strides = array<i32>} : memref<16x128xf32, #tpu.memory_space<vmem>>, vector<1x16xf32>,
    %get3A_1457 = vector.shape_cast %get3A_1456 : vector<1x16xf32> to vector<16xf32>
    %min3A_1458 = arith.minimumf %min3A_1452, %get3A_1457 : vector<16xf32>
    %get3A_1459 = arith.constant 5 : i32
    %get3A_1460 = arith.index_cast %get3A_1459 : i32 to index
    %get3A_1461 = arith.constant 96 : index
    %get3A_1462 = tpu.vector_load %arg8[%get3A_1460, %get3A_1461] {strides = array<i32>} : memref<16x128xf32, #tpu.memory_space<vmem>>, vector<1x16xf32>,
    %get3A_1463 = vector.shape_cast %get3A_1462 : vector<1x16xf32> to vector<16xf32>
    %min3A_1464 = arith.minimumf %min3A_1458, %get3A_1463 : vector<16xf32>
    %get3A_1465 = arith.constant 5 : i32
    %get3A_1466 = arith.index_cast %get3A_1465 : i32 to index
    %get3A_1467 = arith.constant 112 : index
    %get3A_1468 = tpu.vector_load %arg8[%get3A_1466, %get3A_1467] {strides = array<i32>} : memref<16x128xf32, #tpu.memory_space<vmem>>, vector<1x16xf32>,
    %get3A_1469 = vector.shape_cast %get3A_1468 : vector<1x16xf32> to vector<16xf32>
    %min3A_1470 = arith.minimumf %min3A_1464, %get3A_1469 : vector<16xf32>
    %xor3A_1471 = arith.constant 8 : i32
    %xor3A_1472 = vector.broadcast %xor3A_1471 : i32 to vector<16xi32>
    %xor3A_1473 = arith.xori %iota3A, %xor3A_1472 : vector<16xi32>
    %lt3A_1474 = arith.constant 0 : i32
    %lt3A_1475 = vector.broadcast %lt3A_1474 : i32 to vector<16xi32>
    %lt3A_1476 = arith.cmpi slt, %xor3A_1473, %lt3A_1475 : vector<16xi32>
    %add3A_1477 = arith.constant 16 : i32
    %add3A_1478 = vector.broadcast %add3A_1477 : i32 to vector<16xi32>
    %add3A_1479 = arith.addi %xor3A_1473, %add3A_1478 : vector<16xi32>
    %select_n3A_1480 = arith.select %lt3A_1476, %add3A_1479, %xor3A_1473 : vector<16xi1>, vector<16xi32>
    %broadcast_in_dim3A_1481 = vector.shape_cast %select_n3A_1480 : vector<16xi32> to vector<16x1xi32>
    %gather3A_1482 = vector.shape_cast %broadcast_in_dim3A_1481 : vector<16x1xi32> to vector<16xi32>
    %gather3A_1483 = tpu.dynamic_gather %min3A_1470[%gather3A_1482] in [0] : vector<16xf32>, vector<16xi32> -> vector<16xf32>
    %min3A_1484 = arith.minimumf %min3A_1470, %gather3A_1483 : vector<16xf32>
    %xor3A_1485 = arith.constant 4 : i32
    %xor3A_1486 = vector.broadcast %xor3A_1485 : i32 to vector<16xi32>
    %xor3A_1487 = arith.xori %iota3A, %xor3A_1486 : vector<16xi32>
    %lt3A_1488 = arith.constant 0 : i32
    %lt3A_1489 = vector.broadcast %lt3A_1488 : i32 to vector<16xi32>
    %lt3A_1490 = arith.cmpi slt, %xor3A_1487, %lt3A_1489 : vector<16xi32>
    %add3A_1491 = arith.constant 16 : i32
    %add3A_1492 = vector.broadcast %add3A_1491 : i32 to vector<16xi32>
    %add3A_1493 = arith.addi %xor3A_1487, %add3A_1492 : vector<16xi32>
    %select_n3A_1494 = arith.select %lt3A_1490, %add3A_1493, %xor3A_1487 : vector<16xi1>, vector<16xi32>
    %broadcast_in_dim3A_1495 = vector.shape_cast %select_n3A_1494 : vector<16xi32> to vector<16x1xi32>
    %gather3A_1496 = vector.shape_cast %broadcast_in_dim3A_1495 : vector<16x1xi32> to vector<16xi32>
    %gather3A_1497 = tpu.dynamic_gather %min3A_1484[%gather3A_1496] in [0] : vector<16xf32>, vector<16xi32> -> vector<16xf32>
    %min3A_1498 = arith.minimumf %min3A_1484, %gather3A_1497 : vector<16xf32>
    %xor3A_1499 = arith.constant 2 : i32
    %xor3A_1500 = vector.broadcast %xor3A_1499 : i32 to vector<16xi32>
    %xor3A_1501 = arith.xori %iota3A, %xor3A_1500 : vector<16xi32>
    %lt3A_1502 = arith.constant 0 : i32
    %lt3A_1503 = vector.broadcast %lt3A_1502 : i32 to vector<16xi32>
    %lt3A_1504 = arith.cmpi slt, %xor3A_1501, %lt3A_1503 : vector<16xi32>
    %add3A_1505 = arith.constant 16 : i32
    %add3A_1506 = vector.broadcast %add3A_1505 : i32 to vector<16xi32>
    %add3A_1507 = arith.addi %xor3A_1501, %add3A_1506 : vector<16xi32>
    %select_n3A_1508 = arith.select %lt3A_1504, %add3A_1507, %xor3A_1501 : vector<16xi1>, vector<16xi32>
    %broadcast_in_dim3A_1509 = vector.shape_cast %select_n3A_1508 : vector<16xi32> to vector<16x1xi32>
    %gather3A_1510 = vector.shape_cast %broadcast_in_dim3A_1509 : vector<16x1xi32> to vector<16xi32>
    %gather3A_1511 = tpu.dynamic_gather %min3A_1498[%gather3A_1510] in [0] : vector<16xf32>, vector<16xi32> -> vector<16xf32>
    %min3A_1512 = arith.minimumf %min3A_1498, %gather3A_1511 : vector<16xf32>
    %xor3A_1513 = arith.constant 1 : i32
    %xor3A_1514 = vector.broadcast %xor3A_1513 : i32 to vector<16xi32>
    %xor3A_1515 = arith.xori %iota3A, %xor3A_1514 : vector<16xi32>
    %lt3A_1516 = arith.constant 0 : i32
    %lt3A_1517 = vector.broadcast %lt3A_1516 : i32 to vector<16xi32>
    %lt3A_1518 = arith.cmpi slt, %xor3A_1515, %lt3A_1517 : vector<16xi32>
    %add3A_1519 = arith.constant 16 : i32
    %add3A_1520 = vector.broadcast %add3A_1519 : i32 to vector<16xi32>
    %add3A_1521 = arith.addi %xor3A_1515, %add3A_1520 : vector<16xi32>
    %select_n3A_1522 = arith.select %lt3A_1518, %add3A_1521, %xor3A_1515 : vector<16xi1>, vector<16xi32>
    %broadcast_in_dim3A_1523 = vector.shape_cast %select_n3A_1522 : vector<16xi32> to vector<16x1xi32>
    %gather3A_1524 = vector.shape_cast %broadcast_in_dim3A_1523 : vector<16x1xi32> to vector<16xi32>
    %gather3A_1525 = tpu.dynamic_gather %min3A_1512[%gather3A_1524] in [0] : vector<16xf32>, vector<16xi32> -> vector<16xf32>
    %min3A_1526 = arith.minimumf %min3A_1512, %gather3A_1525 : vector<16xf32>
    %broadcast_in_dim3A_1527 = arith.constant 0.000000e+00 : f32
    %broadcast_in_dim3A_1528 = vector.broadcast %broadcast_in_dim3A_1527 : f32 to vector<16xf32>
    %get3A_1529 = arith.constant 5 : i32
    %get3A_1530 = arith.index_cast %get3A_1529 : i32 to index
    %get3A_1531 = arith.constant 0 : index
    %get3A_1532 = tpu.vector_load %arg7[%get3A_1530, %get3A_1531] {strides = array<i32>} : memref<16x128xf32, #tpu.memory_space<vmem>>, vector<1x16xf32>,
    %get3A_1533 = vector.shape_cast %get3A_1532 : vector<1x16xf32> to vector<16xf32>
    %lt3A_1534 = arith.cmpf olt, %get3A_1533, %min3A_1526 : vector<16xf32>
    %jit3A_1535 = arith.constant 1.000000e+00 : f32
    %jit3A_1536 = arith.constant 0.000000e+00 : f32
    %broadcast_in_dim3A_1537 = vector.broadcast %jit3A_1535 : f32 to vector<16xf32>
    %broadcast_in_dim3A_1538 = vector.broadcast %jit3A_1536 : f32 to vector<16xf32>
    %select_n3A_1539 = arith.select %lt3A_1534, %broadcast_in_dim3A_1537, %broadcast_in_dim3A_1538 : vector<16xi1>, vector<16xf32>
    %add3A_1540 = arith.addf %broadcast_in_dim3A_1528, %select_n3A_1539 : vector<16xf32>
    %get3A_1541 = arith.constant 5 : i32
    %get3A_1542 = arith.index_cast %get3A_1541 : i32 to index
    %get3A_1543 = arith.constant 16 : index
    %get3A_1544 = tpu.vector_load %arg7[%get3A_1542, %get3A_1543] {strides = array<i32>} : memref<16x128xf32, #tpu.memory_space<vmem>>, vector<1x16xf32>,
    %get3A_1545 = vector.shape_cast %get3A_1544 : vector<1x16xf32> to vector<16xf32>
    %lt3A_1546 = arith.cmpf olt, %get3A_1545, %min3A_1526 : vector<16xf32>
    %jit3A_1547 = arith.constant 1.000000e+00 : f32
    %jit3A_1548 = arith.constant 0.000000e+00 : f32
    %broadcast_in_dim3A_1549 = vector.broadcast %jit3A_1547 : f32 to vector<16xf32>
    %broadcast_in_dim3A_1550 = vector.broadcast %jit3A_1548 : f32 to vector<16xf32>
    %select_n3A_1551 = arith.select %lt3A_1546, %broadcast_in_dim3A_1549, %broadcast_in_dim3A_1550 : vector<16xi1>, vector<16xf32>
    %add3A_1552 = arith.addf %add3A_1540, %select_n3A_1551 : vector<16xf32>
    %get3A_1553 = arith.constant 5 : i32
    %get3A_1554 = arith.index_cast %get3A_1553 : i32 to index
    %get3A_1555 = arith.constant 32 : index
    %get3A_1556 = tpu.vector_load %arg7[%get3A_1554, %get3A_1555] {strides = array<i32>} : memref<16x128xf32, #tpu.memory_space<vmem>>, vector<1x16xf32>,
    %get3A_1557 = vector.shape_cast %get3A_1556 : vector<1x16xf32> to vector<16xf32>
    %lt3A_1558 = arith.cmpf olt, %get3A_1557, %min3A_1526 : vector<16xf32>
    %jit3A_1559 = arith.constant 1.000000e+00 : f32
    %jit3A_1560 = arith.constant 0.000000e+00 : f32
    %broadcast_in_dim3A_1561 = vector.broadcast %jit3A_1559 : f32 to vector<16xf32>
    %broadcast_in_dim3A_1562 = vector.broadcast %jit3A_1560 : f32 to vector<16xf32>
    %select_n3A_1563 = arith.select %lt3A_1558, %broadcast_in_dim3A_1561, %broadcast_in_dim3A_1562 : vector<16xi1>, vector<16xf32>
    %add3A_1564 = arith.addf %add3A_1552, %select_n3A_1563 : vector<16xf32>
    %get3A_1565 = arith.constant 5 : i32
    %get3A_1566 = arith.index_cast %get3A_1565 : i32 to index
    %get3A_1567 = arith.constant 48 : index
    %get3A_1568 = tpu.vector_load %arg7[%get3A_1566, %get3A_1567] {strides = array<i32>} : memref<16x128xf32, #tpu.memory_space<vmem>>, vector<1x16xf32>,
    %get3A_1569 = vector.shape_cast %get3A_1568 : vector<1x16xf32> to vector<16xf32>
    %lt3A_1570 = arith.cmpf olt, %get3A_1569, %min3A_1526 : vector<16xf32>
    %jit3A_1571 = arith.constant 1.000000e+00 : f32
    %jit3A_1572 = arith.constant 0.000000e+00 : f32
    %broadcast_in_dim3A_1573 = vector.broadcast %jit3A_1571 : f32 to vector<16xf32>
    %broadcast_in_dim3A_1574 = vector.broadcast %jit3A_1572 : f32 to vector<16xf32>
    %select_n3A_1575 = arith.select %lt3A_1570, %broadcast_in_dim3A_1573, %broadcast_in_dim3A_1574 : vector<16xi1>, vector<16xf32>
    %add3A_1576 = arith.addf %add3A_1564, %select_n3A_1575 : vector<16xf32>
    %get3A_1577 = arith.constant 5 : i32
    %get3A_1578 = arith.index_cast %get3A_1577 : i32 to index
    %get3A_1579 = arith.constant 64 : index
    %get3A_1580 = tpu.vector_load %arg7[%get3A_1578, %get3A_1579] {strides = array<i32>} : memref<16x128xf32, #tpu.memory_space<vmem>>, vector<1x16xf32>,
    %get3A_1581 = vector.shape_cast %get3A_1580 : vector<1x16xf32> to vector<16xf32>
    %lt3A_1582 = arith.cmpf olt, %get3A_1581, %min3A_1526 : vector<16xf32>
    %jit3A_1583 = arith.constant 1.000000e+00 : f32
    %jit3A_1584 = arith.constant 0.000000e+00 : f32
    %broadcast_in_dim3A_1585 = vector.broadcast %jit3A_1583 : f32 to vector<16xf32>
    %broadcast_in_dim3A_1586 = vector.broadcast %jit3A_1584 : f32 to vector<16xf32>
    %select_n3A_1587 = arith.select %lt3A_1582, %broadcast_in_dim3A_1585, %broadcast_in_dim3A_1586 : vector<16xi1>, vector<16xf32>
    %add3A_1588 = arith.addf %add3A_1576, %select_n3A_1587 : vector<16xf32>
    %get3A_1589 = arith.constant 5 : i32
    %get3A_1590 = arith.index_cast %get3A_1589 : i32 to index
    %get3A_1591 = arith.constant 80 : index
    %get3A_1592 = tpu.vector_load %arg7[%get3A_1590, %get3A_1591] {strides = array<i32>} : memref<16x128xf32, #tpu.memory_space<vmem>>, vector<1x16xf32>,
    %get3A_1593 = vector.shape_cast %get3A_1592 : vector<1x16xf32> to vector<16xf32>
    %lt3A_1594 = arith.cmpf olt, %get3A_1593, %min3A_1526 : vector<16xf32>
    %jit3A_1595 = arith.constant 1.000000e+00 : f32
    %jit3A_1596 = arith.constant 0.000000e+00 : f32
    %broadcast_in_dim3A_1597 = vector.broadcast %jit3A_1595 : f32 to vector<16xf32>
    %broadcast_in_dim3A_1598 = vector.broadcast %jit3A_1596 : f32 to vector<16xf32>
    %select_n3A_1599 = arith.select %lt3A_1594, %broadcast_in_dim3A_1597, %broadcast_in_dim3A_1598 : vector<16xi1>, vector<16xf32>
    %add3A_1600 = arith.addf %add3A_1588, %select_n3A_1599 : vector<16xf32>
    %get3A_1601 = arith.constant 5 : i32
    %get3A_1602 = arith.index_cast %get3A_1601 : i32 to index
    %get3A_1603 = arith.constant 96 : index
    %get3A_1604 = tpu.vector_load %arg7[%get3A_1602, %get3A_1603] {strides = array<i32>} : memref<16x128xf32, #tpu.memory_space<vmem>>, vector<1x16xf32>,
    %get3A_1605 = vector.shape_cast %get3A_1604 : vector<1x16xf32> to vector<16xf32>
    %lt3A_1606 = arith.cmpf olt, %get3A_1605, %min3A_1526 : vector<16xf32>
    %jit3A_1607 = arith.constant 1.000000e+00 : f32
    %jit3A_1608 = arith.constant 0.000000e+00 : f32
    %broadcast_in_dim3A_1609 = vector.broadcast %jit3A_1607 : f32 to vector<16xf32>
    %broadcast_in_dim3A_1610 = vector.broadcast %jit3A_1608 : f32 to vector<16xf32>
    %select_n3A_1611 = arith.select %lt3A_1606, %broadcast_in_dim3A_1609, %broadcast_in_dim3A_1610 : vector<16xi1>, vector<16xf32>
    %add3A_1612 = arith.addf %add3A_1600, %select_n3A_1611 : vector<16xf32>
    %get3A_1613 = arith.constant 5 : i32
    %get3A_1614 = arith.index_cast %get3A_1613 : i32 to index
    %get3A_1615 = arith.constant 112 : index
    %get3A_1616 = tpu.vector_load %arg7[%get3A_1614, %get3A_1615] {strides = array<i32>} : memref<16x128xf32, #tpu.memory_space<vmem>>, vector<1x16xf32>,
    %get3A_1617 = vector.shape_cast %get3A_1616 : vector<1x16xf32> to vector<16xf32>
    %lt3A_1618 = arith.cmpf olt, %get3A_1617, %min3A_1526 : vector<16xf32>
    %jit3A_1619 = arith.constant 1.000000e+00 : f32
    %jit3A_1620 = arith.constant 0.000000e+00 : f32
    %broadcast_in_dim3A_1621 = vector.broadcast %jit3A_1619 : f32 to vector<16xf32>
    %broadcast_in_dim3A_1622 = vector.broadcast %jit3A_1620 : f32 to vector<16xf32>
    %select_n3A_1623 = arith.select %lt3A_1618, %broadcast_in_dim3A_1621, %broadcast_in_dim3A_1622 : vector<16xi1>, vector<16xf32>
    %add3A_1624 = arith.addf %add3A_1612, %select_n3A_1623 : vector<16xf32>
    %xor3A_1625 = arith.constant 8 : i32
    %xor3A_1626 = vector.broadcast %xor3A_1625 : i32 to vector<16xi32>
    %xor3A_1627 = arith.xori %iota3A, %xor3A_1626 : vector<16xi32>
    %lt3A_1628 = arith.constant 0 : i32
    %lt3A_1629 = vector.broadcast %lt3A_1628 : i32 to vector<16xi32>
    %lt3A_1630 = arith.cmpi slt, %xor3A_1627, %lt3A_1629 : vector<16xi32>
    %add3A_1631 = arith.constant 16 : i32
    %add3A_1632 = vector.broadcast %add3A_1631 : i32 to vector<16xi32>
    %add3A_1633 = arith.addi %xor3A_1627, %add3A_1632 : vector<16xi32>
    %select_n3A_1634 = arith.select %lt3A_1630, %add3A_1633, %xor3A_1627 : vector<16xi1>, vector<16xi32>
    %broadcast_in_dim3A_1635 = vector.shape_cast %select_n3A_1634 : vector<16xi32> to vector<16x1xi32>
    %gather3A_1636 = vector.shape_cast %broadcast_in_dim3A_1635 : vector<16x1xi32> to vector<16xi32>
    %gather3A_1637 = tpu.dynamic_gather %add3A_1624[%gather3A_1636] in [0] : vector<16xf32>, vector<16xi32> -> vector<16xf32>
    %add3A_1638 = arith.addf %add3A_1624, %gather3A_1637 : vector<16xf32>
    %xor3A_1639 = arith.constant 4 : i32
    %xor3A_1640 = vector.broadcast %xor3A_1639 : i32 to vector<16xi32>
    %xor3A_1641 = arith.xori %iota3A, %xor3A_1640 : vector<16xi32>
    %lt3A_1642 = arith.constant 0 : i32
    %lt3A_1643 = vector.broadcast %lt3A_1642 : i32 to vector<16xi32>
    %lt3A_1644 = arith.cmpi slt, %xor3A_1641, %lt3A_1643 : vector<16xi32>
    %add3A_1645 = arith.constant 16 : i32
    %add3A_1646 = vector.broadcast %add3A_1645 : i32 to vector<16xi32>
    %add3A_1647 = arith.addi %xor3A_1641, %add3A_1646 : vector<16xi32>
    %select_n3A_1648 = arith.select %lt3A_1644, %add3A_1647, %xor3A_1641 : vector<16xi1>, vector<16xi32>
    %broadcast_in_dim3A_1649 = vector.shape_cast %select_n3A_1648 : vector<16xi32> to vector<16x1xi32>
    %gather3A_1650 = vector.shape_cast %broadcast_in_dim3A_1649 : vector<16x1xi32> to vector<16xi32>
    %gather3A_1651 = tpu.dynamic_gather %add3A_1638[%gather3A_1650] in [0] : vector<16xf32>, vector<16xi32> -> vector<16xf32>
    %add3A_1652 = arith.addf %add3A_1638, %gather3A_1651 : vector<16xf32>
    %xor3A_1653 = arith.constant 2 : i32
    %xor3A_1654 = vector.broadcast %xor3A_1653 : i32 to vector<16xi32>
    %xor3A_1655 = arith.xori %iota3A, %xor3A_1654 : vector<16xi32>
    %lt3A_1656 = arith.constant 0 : i32
    %lt3A_1657 = vector.broadcast %lt3A_1656 : i32 to vector<16xi32>
    %lt3A_1658 = arith.cmpi slt, %xor3A_1655, %lt3A_1657 : vector<16xi32>
    %add3A_1659 = arith.constant 16 : i32
    %add3A_1660 = vector.broadcast %add3A_1659 : i32 to vector<16xi32>
    %add3A_1661 = arith.addi %xor3A_1655, %add3A_1660 : vector<16xi32>
    %select_n3A_1662 = arith.select %lt3A_1658, %add3A_1661, %xor3A_1655 : vector<16xi1>, vector<16xi32>
    %broadcast_in_dim3A_1663 = vector.shape_cast %select_n3A_1662 : vector<16xi32> to vector<16x1xi32>
    %gather3A_1664 = vector.shape_cast %broadcast_in_dim3A_1663 : vector<16x1xi32> to vector<16xi32>
    %gather3A_1665 = tpu.dynamic_gather %add3A_1652[%gather3A_1664] in [0] : vector<16xf32>, vector<16xi32> -> vector<16xf32>
    %add3A_1666 = arith.addf %add3A_1652, %gather3A_1665 : vector<16xf32>
    %xor3A_1667 = arith.constant 1 : i32
    %xor3A_1668 = vector.broadcast %xor3A_1667 : i32 to vector<16xi32>
    %xor3A_1669 = arith.xori %iota3A, %xor3A_1668 : vector<16xi32>
    %lt3A_1670 = arith.constant 0 : i32
    %lt3A_1671 = vector.broadcast %lt3A_1670 : i32 to vector<16xi32>
    %lt3A_1672 = arith.cmpi slt, %xor3A_1669, %lt3A_1671 : vector<16xi32>
    %add3A_1673 = arith.constant 16 : i32
    %add3A_1674 = vector.broadcast %add3A_1673 : i32 to vector<16xi32>
    %add3A_1675 = arith.addi %xor3A_1669, %add3A_1674 : vector<16xi32>
    %select_n3A_1676 = arith.select %lt3A_1672, %add3A_1675, %xor3A_1669 : vector<16xi1>, vector<16xi32>
    %broadcast_in_dim3A_1677 = vector.shape_cast %select_n3A_1676 : vector<16xi32> to vector<16x1xi32>
    %gather3A_1678 = vector.shape_cast %broadcast_in_dim3A_1677 : vector<16x1xi32> to vector<16xi32>
    %gather3A_1679 = tpu.dynamic_gather %add3A_1666[%gather3A_1678] in [0] : vector<16xf32>, vector<16xi32> -> vector<16xf32>
    %add3A_1680 = arith.addf %add3A_1666, %gather3A_1679 : vector<16xf32>
    %lt3A_1681 = arith.constant 1.500000e+01 : f32
    %lt3A_1682 = vector.broadcast %lt3A_1681 : f32 to vector<16xf32>
    %lt3A_1683 = arith.cmpf olt, %add3A_1680, %lt3A_1682 : vector<16xf32>
    %lt3A_1684 = arith.constant 5.000000e+29 : f32
    %lt3A_1685 = vector.broadcast %lt3A_1684 : f32 to vector<16xf32>
    %lt3A_1686 = arith.cmpf olt, %min3A_1526, %lt3A_1685 : vector<16xf32>
    %jit3A_1687 = arith.constant 0.000000e+00 : f32
    %broadcast_in_dim3A_1688 = vector.broadcast %jit3A_1687 : f32 to vector<16xf32>
    %select_n3A_1689 = arith.select %lt3A_1686, %min3A_1526, %broadcast_in_dim3A_1688 : vector<16xi1>, vector<16xf32>
    %jit3A_1690 = arith.constant 0.000000e+00 : f32
    %broadcast_in_dim3A_1691 = vector.broadcast %jit3A_1690 : f32 to vector<16xf32>
    %select_n3A_1692 = arith.select %lt3A_1683, %select_n3A_1689, %broadcast_in_dim3A_1691 : vector<16xi1>, vector<16xf32>
    %get3A_1693 = arith.constant 5 : i32
    %get3A_1694 = arith.index_cast %get3A_1693 : i32 to index
    %get3A_1695 = arith.constant 0 : index
    %get3A_1696 = tpu.vector_load %arg9[%get3A_1694, %get3A_1695] {strides = array<i32>} : memref<16x16xf32, #tpu.memory_space<vmem>>, vector<1x16xf32>,
    %get3A_1697 = vector.shape_cast %get3A_1696 : vector<1x16xf32> to vector<16xf32>
    %add3A_1698 = arith.constant 1.000000e+00 : f32
    %add3A_1699 = vector.broadcast %add3A_1698 : f32 to vector<16xf32>
    %add3A_1700 = arith.addf %add3A_1699, %get3A_1697 : vector<16xf32>
    %sub3A_1701 = arith.subf %add3A_1700, %select_n3A_1692 : vector<16xf32>
    %max3A_1702 = arith.constant 0.000000e+00 : f32
    %max3A_1703 = vector.broadcast %max3A_1702 : f32 to vector<16xf32>
    %max3A_1704 = arith.maximumf %sub3A_1701, %max3A_1703 : vector<16xf32>
    %add3A_1705 = arith.addf %add3A_1423, %max3A_1704 : vector<16xf32>
    %get3A_1706 = arith.constant 6 : i32
    %get3A_1707 = arith.index_cast %get3A_1706 : i32 to index
    %get3A_1708 = arith.constant 0 : index
    %get3A_1709 = tpu.vector_load %arg8[%get3A_1707, %get3A_1708] {strides = array<i32>} : memref<16x128xf32, #tpu.memory_space<vmem>>, vector<1x16xf32>,
    %get3A_1710 = vector.shape_cast %get3A_1709 : vector<1x16xf32> to vector<16xf32>
    %get3A_1711 = arith.constant 6 : i32
    %get3A_1712 = arith.index_cast %get3A_1711 : i32 to index
    %get3A_1713 = arith.constant 16 : index
    %get3A_1714 = tpu.vector_load %arg8[%get3A_1712, %get3A_1713] {strides = array<i32>} : memref<16x128xf32, #tpu.memory_space<vmem>>, vector<1x16xf32>,
    %get3A_1715 = vector.shape_cast %get3A_1714 : vector<1x16xf32> to vector<16xf32>
    %min3A_1716 = arith.minimumf %get3A_1710, %get3A_1715 : vector<16xf32>
    %get3A_1717 = arith.constant 6 : i32
    %get3A_1718 = arith.index_cast %get3A_1717 : i32 to index
    %get3A_1719 = arith.constant 32 : index
    %get3A_1720 = tpu.vector_load %arg8[%get3A_1718, %get3A_1719] {strides = array<i32>} : memref<16x128xf32, #tpu.memory_space<vmem>>, vector<1x16xf32>,
    %get3A_1721 = vector.shape_cast %get3A_1720 : vector<1x16xf32> to vector<16xf32>
    %min3A_1722 = arith.minimumf %min3A_1716, %get3A_1721 : vector<16xf32>
    %get3A_1723 = arith.constant 6 : i32
    %get3A_1724 = arith.index_cast %get3A_1723 : i32 to index
    %get3A_1725 = arith.constant 48 : index
    %get3A_1726 = tpu.vector_load %arg8[%get3A_1724, %get3A_1725] {strides = array<i32>} : memref<16x128xf32, #tpu.memory_space<vmem>>, vector<1x16xf32>,
    %get3A_1727 = vector.shape_cast %get3A_1726 : vector<1x16xf32> to vector<16xf32>
    %min3A_1728 = arith.minimumf %min3A_1722, %get3A_1727 : vector<16xf32>
    %get3A_1729 = arith.constant 6 : i32
    %get3A_1730 = arith.index_cast %get3A_1729 : i32 to index
    %get3A_1731 = arith.constant 64 : index
    %get3A_1732 = tpu.vector_load %arg8[%get3A_1730, %get3A_1731] {strides = array<i32>} : memref<16x128xf32, #tpu.memory_space<vmem>>, vector<1x16xf32>,
    %get3A_1733 = vector.shape_cast %get3A_1732 : vector<1x16xf32> to vector<16xf32>
    %min3A_1734 = arith.minimumf %min3A_1728, %get3A_1733 : vector<16xf32>
    %get3A_1735 = arith.constant 6 : i32
    %get3A_1736 = arith.index_cast %get3A_1735 : i32 to index
    %get3A_1737 = arith.constant 80 : index
    %get3A_1738 = tpu.vector_load %arg8[%get3A_1736, %get3A_1737] {strides = array<i32>} : memref<16x128xf32, #tpu.memory_space<vmem>>, vector<1x16xf32>,
    %get3A_1739 = vector.shape_cast %get3A_1738 : vector<1x16xf32> to vector<16xf32>
    %min3A_1740 = arith.minimumf %min3A_1734, %get3A_1739 : vector<16xf32>
    %get3A_1741 = arith.constant 6 : i32
    %get3A_1742 = arith.index_cast %get3A_1741 : i32 to index
    %get3A_1743 = arith.constant 96 : index
    %get3A_1744 = tpu.vector_load %arg8[%get3A_1742, %get3A_1743] {strides = array<i32>} : memref<16x128xf32, #tpu.memory_space<vmem>>, vector<1x16xf32>,
    %get3A_1745 = vector.shape_cast %get3A_1744 : vector<1x16xf32> to vector<16xf32>
    %min3A_1746 = arith.minimumf %min3A_1740, %get3A_1745 : vector<16xf32>
    %get3A_1747 = arith.constant 6 : i32
    %get3A_1748 = arith.index_cast %get3A_1747 : i32 to index
    %get3A_1749 = arith.constant 112 : index
    %get3A_1750 = tpu.vector_load %arg8[%get3A_1748, %get3A_1749] {strides = array<i32>} : memref<16x128xf32, #tpu.memory_space<vmem>>, vector<1x16xf32>,
    %get3A_1751 = vector.shape_cast %get3A_1750 : vector<1x16xf32> to vector<16xf32>
    %min3A_1752 = arith.minimumf %min3A_1746, %get3A_1751 : vector<16xf32>
    %xor3A_1753 = arith.constant 8 : i32
    %xor3A_1754 = vector.broadcast %xor3A_1753 : i32 to vector<16xi32>
    %xor3A_1755 = arith.xori %iota3A, %xor3A_1754 : vector<16xi32>
    %lt3A_1756 = arith.constant 0 : i32
    %lt3A_1757 = vector.broadcast %lt3A_1756 : i32 to vector<16xi32>
    %lt3A_1758 = arith.cmpi slt, %xor3A_1755, %lt3A_1757 : vector<16xi32>
    %add3A_1759 = arith.constant 16 : i32
    %add3A_1760 = vector.broadcast %add3A_1759 : i32 to vector<16xi32>
    %add3A_1761 = arith.addi %xor3A_1755, %add3A_1760 : vector<16xi32>
    %select_n3A_1762 = arith.select %lt3A_1758, %add3A_1761, %xor3A_1755 : vector<16xi1>, vector<16xi32>
    %broadcast_in_dim3A_1763 = vector.shape_cast %select_n3A_1762 : vector<16xi32> to vector<16x1xi32>
    %gather3A_1764 = vector.shape_cast %broadcast_in_dim3A_1763 : vector<16x1xi32> to vector<16xi32>
    %gather3A_1765 = tpu.dynamic_gather %min3A_1752[%gather3A_1764] in [0] : vector<16xf32>, vector<16xi32> -> vector<16xf32>
    %min3A_1766 = arith.minimumf %min3A_1752, %gather3A_1765 : vector<16xf32>
    %xor3A_1767 = arith.constant 4 : i32
    %xor3A_1768 = vector.broadcast %xor3A_1767 : i32 to vector<16xi32>
    %xor3A_1769 = arith.xori %iota3A, %xor3A_1768 : vector<16xi32>
    %lt3A_1770 = arith.constant 0 : i32
    %lt3A_1771 = vector.broadcast %lt3A_1770 : i32 to vector<16xi32>
    %lt3A_1772 = arith.cmpi slt, %xor3A_1769, %lt3A_1771 : vector<16xi32>
    %add3A_1773 = arith.constant 16 : i32
    %add3A_1774 = vector.broadcast %add3A_1773 : i32 to vector<16xi32>
    %add3A_1775 = arith.addi %xor3A_1769, %add3A_1774 : vector<16xi32>
    %select_n3A_1776 = arith.select %lt3A_1772, %add3A_1775, %xor3A_1769 : vector<16xi1>, vector<16xi32>
    %broadcast_in_dim3A_1777 = vector.shape_cast %select_n3A_1776 : vector<16xi32> to vector<16x1xi32>
    %gather3A_1778 = vector.shape_cast %broadcast_in_dim3A_1777 : vector<16x1xi32> to vector<16xi32>
    %gather3A_1779 = tpu.dynamic_gather %min3A_1766[%gather3A_1778] in [0] : vector<16xf32>, vector<16xi32> -> vector<16xf32>
    %min3A_1780 = arith.minimumf %min3A_1766, %gather3A_1779 : vector<16xf32>
    %xor3A_1781 = arith.constant 2 : i32
    %xor3A_1782 = vector.broadcast %xor3A_1781 : i32 to vector<16xi32>
    %xor3A_1783 = arith.xori %iota3A, %xor3A_1782 : vector<16xi32>
    %lt3A_1784 = arith.constant 0 : i32
    %lt3A_1785 = vector.broadcast %lt3A_1784 : i32 to vector<16xi32>
    %lt3A_1786 = arith.cmpi slt, %xor3A_1783, %lt3A_1785 : vector<16xi32>
    %add3A_1787 = arith.constant 16 : i32
    %add3A_1788 = vector.broadcast %add3A_1787 : i32 to vector<16xi32>
    %add3A_1789 = arith.addi %xor3A_1783, %add3A_1788 : vector<16xi32>
    %select_n3A_1790 = arith.select %lt3A_1786, %add3A_1789, %xor3A_1783 : vector<16xi1>, vector<16xi32>
    %broadcast_in_dim3A_1791 = vector.shape_cast %select_n3A_1790 : vector<16xi32> to vector<16x1xi32>
    %gather3A_1792 = vector.shape_cast %broadcast_in_dim3A_1791 : vector<16x1xi32> to vector<16xi32>
    %gather3A_1793 = tpu.dynamic_gather %min3A_1780[%gather3A_1792] in [0] : vector<16xf32>, vector<16xi32> -> vector<16xf32>
    %min3A_1794 = arith.minimumf %min3A_1780, %gather3A_1793 : vector<16xf32>
    %xor3A_1795 = arith.constant 1 : i32
    %xor3A_1796 = vector.broadcast %xor3A_1795 : i32 to vector<16xi32>
    %xor3A_1797 = arith.xori %iota3A, %xor3A_1796 : vector<16xi32>
    %lt3A_1798 = arith.constant 0 : i32
    %lt3A_1799 = vector.broadcast %lt3A_1798 : i32 to vector<16xi32>
    %lt3A_1800 = arith.cmpi slt, %xor3A_1797, %lt3A_1799 : vector<16xi32>
    %add3A_1801 = arith.constant 16 : i32
    %add3A_1802 = vector.broadcast %add3A_1801 : i32 to vector<16xi32>
    %add3A_1803 = arith.addi %xor3A_1797, %add3A_1802 : vector<16xi32>
    %select_n3A_1804 = arith.select %lt3A_1800, %add3A_1803, %xor3A_1797 : vector<16xi1>, vector<16xi32>
    %broadcast_in_dim3A_1805 = vector.shape_cast %select_n3A_1804 : vector<16xi32> to vector<16x1xi32>
    %gather3A_1806 = vector.shape_cast %broadcast_in_dim3A_1805 : vector<16x1xi32> to vector<16xi32>
    %gather3A_1807 = tpu.dynamic_gather %min3A_1794[%gather3A_1806] in [0] : vector<16xf32>, vector<16xi32> -> vector<16xf32>
    %min3A_1808 = arith.minimumf %min3A_1794, %gather3A_1807 : vector<16xf32>
    %broadcast_in_dim3A_1809 = arith.constant 0.000000e+00 : f32
    %broadcast_in_dim3A_1810 = vector.broadcast %broadcast_in_dim3A_1809 : f32 to vector<16xf32>
    %get3A_1811 = arith.constant 6 : i32
    %get3A_1812 = arith.index_cast %get3A_1811 : i32 to index
    %get3A_1813 = arith.constant 0 : index
    %get3A_1814 = tpu.vector_load %arg7[%get3A_1812, %get3A_1813] {strides = array<i32>} : memref<16x128xf32, #tpu.memory_space<vmem>>, vector<1x16xf32>,
    %get3A_1815 = vector.shape_cast %get3A_1814 : vector<1x16xf32> to vector<16xf32>
    %lt3A_1816 = arith.cmpf olt, %get3A_1815, %min3A_1808 : vector<16xf32>
    %jit3A_1817 = arith.constant 1.000000e+00 : f32
    %jit3A_1818 = arith.constant 0.000000e+00 : f32
    %broadcast_in_dim3A_1819 = vector.broadcast %jit3A_1817 : f32 to vector<16xf32>
    %broadcast_in_dim3A_1820 = vector.broadcast %jit3A_1818 : f32 to vector<16xf32>
    %select_n3A_1821 = arith.select %lt3A_1816, %broadcast_in_dim3A_1819, %broadcast_in_dim3A_1820 : vector<16xi1>, vector<16xf32>
    %add3A_1822 = arith.addf %broadcast_in_dim3A_1810, %select_n3A_1821 : vector<16xf32>
    %get3A_1823 = arith.constant 6 : i32
    %get3A_1824 = arith.index_cast %get3A_1823 : i32 to index
    %get3A_1825 = arith.constant 16 : index
    %get3A_1826 = tpu.vector_load %arg7[%get3A_1824, %get3A_1825] {strides = array<i32>} : memref<16x128xf32, #tpu.memory_space<vmem>>, vector<1x16xf32>,
    %get3A_1827 = vector.shape_cast %get3A_1826 : vector<1x16xf32> to vector<16xf32>
    %lt3A_1828 = arith.cmpf olt, %get3A_1827, %min3A_1808 : vector<16xf32>
    %jit3A_1829 = arith.constant 1.000000e+00 : f32
    %jit3A_1830 = arith.constant 0.000000e+00 : f32
    %broadcast_in_dim3A_1831 = vector.broadcast %jit3A_1829 : f32 to vector<16xf32>
    %broadcast_in_dim3A_1832 = vector.broadcast %jit3A_1830 : f32 to vector<16xf32>
    %select_n3A_1833 = arith.select %lt3A_1828, %broadcast_in_dim3A_1831, %broadcast_in_dim3A_1832 : vector<16xi1>, vector<16xf32>
    %add3A_1834 = arith.addf %add3A_1822, %select_n3A_1833 : vector<16xf32>
    %get3A_1835 = arith.constant 6 : i32
    %get3A_1836 = arith.index_cast %get3A_1835 : i32 to index
    %get3A_1837 = arith.constant 32 : index
    %get3A_1838 = tpu.vector_load %arg7[%get3A_1836, %get3A_1837] {strides = array<i32>} : memref<16x128xf32, #tpu.memory_space<vmem>>, vector<1x16xf32>,
    %get3A_1839 = vector.shape_cast %get3A_1838 : vector<1x16xf32> to vector<16xf32>
    %lt3A_1840 = arith.cmpf olt, %get3A_1839, %min3A_1808 : vector<16xf32>
    %jit3A_1841 = arith.constant 1.000000e+00 : f32
    %jit3A_1842 = arith.constant 0.000000e+00 : f32
    %broadcast_in_dim3A_1843 = vector.broadcast %jit3A_1841 : f32 to vector<16xf32>
    %broadcast_in_dim3A_1844 = vector.broadcast %jit3A_1842 : f32 to vector<16xf32>
    %select_n3A_1845 = arith.select %lt3A_1840, %broadcast_in_dim3A_1843, %broadcast_in_dim3A_1844 : vector<16xi1>, vector<16xf32>
    %add3A_1846 = arith.addf %add3A_1834, %select_n3A_1845 : vector<16xf32>
    %get3A_1847 = arith.constant 6 : i32
    %get3A_1848 = arith.index_cast %get3A_1847 : i32 to index
    %get3A_1849 = arith.constant 48 : index
    %get3A_1850 = tpu.vector_load %arg7[%get3A_1848, %get3A_1849] {strides = array<i32>} : memref<16x128xf32, #tpu.memory_space<vmem>>, vector<1x16xf32>,
    %get3A_1851 = vector.shape_cast %get3A_1850 : vector<1x16xf32> to vector<16xf32>
    %lt3A_1852 = arith.cmpf olt, %get3A_1851, %min3A_1808 : vector<16xf32>
    %jit3A_1853 = arith.constant 1.000000e+00 : f32
    %jit3A_1854 = arith.constant 0.000000e+00 : f32
    %broadcast_in_dim3A_1855 = vector.broadcast %jit3A_1853 : f32 to vector<16xf32>
    %broadcast_in_dim3A_1856 = vector.broadcast %jit3A_1854 : f32 to vector<16xf32>
    %select_n3A_1857 = arith.select %lt3A_1852, %broadcast_in_dim3A_1855, %broadcast_in_dim3A_1856 : vector<16xi1>, vector<16xf32>
    %add3A_1858 = arith.addf %add3A_1846, %select_n3A_1857 : vector<16xf32>
    %get3A_1859 = arith.constant 6 : i32
    %get3A_1860 = arith.index_cast %get3A_1859 : i32 to index
    %get3A_1861 = arith.constant 64 : index
    %get3A_1862 = tpu.vector_load %arg7[%get3A_1860, %get3A_1861] {strides = array<i32>} : memref<16x128xf32, #tpu.memory_space<vmem>>, vector<1x16xf32>,
    %get3A_1863 = vector.shape_cast %get3A_1862 : vector<1x16xf32> to vector<16xf32>
    %lt3A_1864 = arith.cmpf olt, %get3A_1863, %min3A_1808 : vector<16xf32>
    %jit3A_1865 = arith.constant 1.000000e+00 : f32
    %jit3A_1866 = arith.constant 0.000000e+00 : f32
    %broadcast_in_dim3A_1867 = vector.broadcast %jit3A_1865 : f32 to vector<16xf32>
    %broadcast_in_dim3A_1868 = vector.broadcast %jit3A_1866 : f32 to vector<16xf32>
    %select_n3A_1869 = arith.select %lt3A_1864, %broadcast_in_dim3A_1867, %broadcast_in_dim3A_1868 : vector<16xi1>, vector<16xf32>
    %add3A_1870 = arith.addf %add3A_1858, %select_n3A_1869 : vector<16xf32>
    %get3A_1871 = arith.constant 6 : i32
    %get3A_1872 = arith.index_cast %get3A_1871 : i32 to index
    %get3A_1873 = arith.constant 80 : index
    %get3A_1874 = tpu.vector_load %arg7[%get3A_1872, %get3A_1873] {strides = array<i32>} : memref<16x128xf32, #tpu.memory_space<vmem>>, vector<1x16xf32>,
    %get3A_1875 = vector.shape_cast %get3A_1874 : vector<1x16xf32> to vector<16xf32>
    %lt3A_1876 = arith.cmpf olt, %get3A_1875, %min3A_1808 : vector<16xf32>
    %jit3A_1877 = arith.constant 1.000000e+00 : f32
    %jit3A_1878 = arith.constant 0.000000e+00 : f32
    %broadcast_in_dim3A_1879 = vector.broadcast %jit3A_1877 : f32 to vector<16xf32>
    %broadcast_in_dim3A_1880 = vector.broadcast %jit3A_1878 : f32 to vector<16xf32>
    %select_n3A_1881 = arith.select %lt3A_1876, %broadcast_in_dim3A_1879, %broadcast_in_dim3A_1880 : vector<16xi1>, vector<16xf32>
    %add3A_1882 = arith.addf %add3A_1870, %select_n3A_1881 : vector<16xf32>
    %get3A_1883 = arith.constant 6 : i32
    %get3A_1884 = arith.index_cast %get3A_1883 : i32 to index
    %get3A_1885 = arith.constant 96 : index
    %get3A_1886 = tpu.vector_load %arg7[%get3A_1884, %get3A_1885] {strides = array<i32>} : memref<16x128xf32, #tpu.memory_space<vmem>>, vector<1x16xf32>,
    %get3A_1887 = vector.shape_cast %get3A_1886 : vector<1x16xf32> to vector<16xf32>
    %lt3A_1888 = arith.cmpf olt, %get3A_1887, %min3A_1808 : vector<16xf32>
    %jit3A_1889 = arith.constant 1.000000e+00 : f32
    %jit3A_1890 = arith.constant 0.000000e+00 : f32
    %broadcast_in_dim3A_1891 = vector.broadcast %jit3A_1889 : f32 to vector<16xf32>
    %broadcast_in_dim3A_1892 = vector.broadcast %jit3A_1890 : f32 to vector<16xf32>
    %select_n3A_1893 = arith.select %lt3A_1888, %broadcast_in_dim3A_1891, %broadcast_in_dim3A_1892 : vector<16xi1>, vector<16xf32>
    %add3A_1894 = arith.addf %add3A_1882, %select_n3A_1893 : vector<16xf32>
    %get3A_1895 = arith.constant 6 : i32
    %get3A_1896 = arith.index_cast %get3A_1895 : i32 to index
    %get3A_1897 = arith.constant 112 : index
    %get3A_1898 = tpu.vector_load %arg7[%get3A_1896, %get3A_1897] {strides = array<i32>} : memref<16x128xf32, #tpu.memory_space<vmem>>, vector<1x16xf32>,
    %get3A_1899 = vector.shape_cast %get3A_1898 : vector<1x16xf32> to vector<16xf32>
    %lt3A_1900 = arith.cmpf olt, %get3A_1899, %min3A_1808 : vector<16xf32>
    %jit3A_1901 = arith.constant 1.000000e+00 : f32
    %jit3A_1902 = arith.constant 0.000000e+00 : f32
    %broadcast_in_dim3A_1903 = vector.broadcast %jit3A_1901 : f32 to vector<16xf32>
    %broadcast_in_dim3A_1904 = vector.broadcast %jit3A_1902 : f32 to vector<16xf32>
    %select_n3A_1905 = arith.select %lt3A_1900, %broadcast_in_dim3A_1903, %broadcast_in_dim3A_1904 : vector<16xi1>, vector<16xf32>
    %add3A_1906 = arith.addf %add3A_1894, %select_n3A_1905 : vector<16xf32>
    %xor3A_1907 = arith.constant 8 : i32
    %xor3A_1908 = vector.broadcast %xor3A_1907 : i32 to vector<16xi32>
    %xor3A_1909 = arith.xori %iota3A, %xor3A_1908 : vector<16xi32>
    %lt3A_1910 = arith.constant 0 : i32
    %lt3A_1911 = vector.broadcast %lt3A_1910 : i32 to vector<16xi32>
    %lt3A_1912 = arith.cmpi slt, %xor3A_1909, %lt3A_1911 : vector<16xi32>
    %add3A_1913 = arith.constant 16 : i32
    %add3A_1914 = vector.broadcast %add3A_1913 : i32 to vector<16xi32>
    %add3A_1915 = arith.addi %xor3A_1909, %add3A_1914 : vector<16xi32>
    %select_n3A_1916 = arith.select %lt3A_1912, %add3A_1915, %xor3A_1909 : vector<16xi1>, vector<16xi32>
    %broadcast_in_dim3A_1917 = vector.shape_cast %select_n3A_1916 : vector<16xi32> to vector<16x1xi32>
    %gather3A_1918 = vector.shape_cast %broadcast_in_dim3A_1917 : vector<16x1xi32> to vector<16xi32>
    %gather3A_1919 = tpu.dynamic_gather %add3A_1906[%gather3A_1918] in [0] : vector<16xf32>, vector<16xi32> -> vector<16xf32>
    %add3A_1920 = arith.addf %add3A_1906, %gather3A_1919 : vector<16xf32>
    %xor3A_1921 = arith.constant 4 : i32
    %xor3A_1922 = vector.broadcast %xor3A_1921 : i32 to vector<16xi32>
    %xor3A_1923 = arith.xori %iota3A, %xor3A_1922 : vector<16xi32>
    %lt3A_1924 = arith.constant 0 : i32
    %lt3A_1925 = vector.broadcast %lt3A_1924 : i32 to vector<16xi32>
    %lt3A_1926 = arith.cmpi slt, %xor3A_1923, %lt3A_1925 : vector<16xi32>
    %add3A_1927 = arith.constant 16 : i32
    %add3A_1928 = vector.broadcast %add3A_1927 : i32 to vector<16xi32>
    %add3A_1929 = arith.addi %xor3A_1923, %add3A_1928 : vector<16xi32>
    %select_n3A_1930 = arith.select %lt3A_1926, %add3A_1929, %xor3A_1923 : vector<16xi1>, vector<16xi32>
    %broadcast_in_dim3A_1931 = vector.shape_cast %select_n3A_1930 : vector<16xi32> to vector<16x1xi32>
    %gather3A_1932 = vector.shape_cast %broadcast_in_dim3A_1931 : vector<16x1xi32> to vector<16xi32>
    %gather3A_1933 = tpu.dynamic_gather %add3A_1920[%gather3A_1932] in [0] : vector<16xf32>, vector<16xi32> -> vector<16xf32>
    %add3A_1934 = arith.addf %add3A_1920, %gather3A_1933 : vector<16xf32>
    %xor3A_1935 = arith.constant 2 : i32
    %xor3A_1936 = vector.broadcast %xor3A_1935 : i32 to vector<16xi32>
    %xor3A_1937 = arith.xori %iota3A, %xor3A_1936 : vector<16xi32>
    %lt3A_1938 = arith.constant 0 : i32
    %lt3A_1939 = vector.broadcast %lt3A_1938 : i32 to vector<16xi32>
    %lt3A_1940 = arith.cmpi slt, %xor3A_1937, %lt3A_1939 : vector<16xi32>
    %add3A_1941 = arith.constant 16 : i32
    %add3A_1942 = vector.broadcast %add3A_1941 : i32 to vector<16xi32>
    %add3A_1943 = arith.addi %xor3A_1937, %add3A_1942 : vector<16xi32>
    %select_n3A_1944 = arith.select %lt3A_1940, %add3A_1943, %xor3A_1937 : vector<16xi1>, vector<16xi32>
    %broadcast_in_dim3A_1945 = vector.shape_cast %select_n3A_1944 : vector<16xi32> to vector<16x1xi32>
    %gather3A_1946 = vector.shape_cast %broadcast_in_dim3A_1945 : vector<16x1xi32> to vector<16xi32>
    %gather3A_1947 = tpu.dynamic_gather %add3A_1934[%gather3A_1946] in [0] : vector<16xf32>, vector<16xi32> -> vector<16xf32>
    %add3A_1948 = arith.addf %add3A_1934, %gather3A_1947 : vector<16xf32>
    %xor3A_1949 = arith.constant 1 : i32
    %xor3A_1950 = vector.broadcast %xor3A_1949 : i32 to vector<16xi32>
    %xor3A_1951 = arith.xori %iota3A, %xor3A_1950 : vector<16xi32>
    %lt3A_1952 = arith.constant 0 : i32
    %lt3A_1953 = vector.broadcast %lt3A_1952 : i32 to vector<16xi32>
    %lt3A_1954 = arith.cmpi slt, %xor3A_1951, %lt3A_1953 : vector<16xi32>
    %add3A_1955 = arith.constant 16 : i32
    %add3A_1956 = vector.broadcast %add3A_1955 : i32 to vector<16xi32>
    %add3A_1957 = arith.addi %xor3A_1951, %add3A_1956 : vector<16xi32>
    %select_n3A_1958 = arith.select %lt3A_1954, %add3A_1957, %xor3A_1951 : vector<16xi1>, vector<16xi32>
    %broadcast_in_dim3A_1959 = vector.shape_cast %select_n3A_1958 : vector<16xi32> to vector<16x1xi32>
    %gather3A_1960 = vector.shape_cast %broadcast_in_dim3A_1959 : vector<16x1xi32> to vector<16xi32>
    %gather3A_1961 = tpu.dynamic_gather %add3A_1948[%gather3A_1960] in [0] : vector<16xf32>, vector<16xi32> -> vector<16xf32>
    %add3A_1962 = arith.addf %add3A_1948, %gather3A_1961 : vector<16xf32>
    %lt3A_1963 = arith.constant 1.500000e+01 : f32
    %lt3A_1964 = vector.broadcast %lt3A_1963 : f32 to vector<16xf32>
    %lt3A_1965 = arith.cmpf olt, %add3A_1962, %lt3A_1964 : vector<16xf32>
    %lt3A_1966 = arith.constant 5.000000e+29 : f32
    %lt3A_1967 = vector.broadcast %lt3A_1966 : f32 to vector<16xf32>
    %lt3A_1968 = arith.cmpf olt, %min3A_1808, %lt3A_1967 : vector<16xf32>
    %jit3A_1969 = arith.constant 0.000000e+00 : f32
    %broadcast_in_dim3A_1970 = vector.broadcast %jit3A_1969 : f32 to vector<16xf32>
    %select_n3A_1971 = arith.select %lt3A_1968, %min3A_1808, %broadcast_in_dim3A_1970 : vector<16xi1>, vector<16xf32>
    %jit3A_1972 = arith.constant 0.000000e+00 : f32
    %broadcast_in_dim3A_1973 = vector.broadcast %jit3A_1972 : f32 to vector<16xf32>
    %select_n3A_1974 = arith.select %lt3A_1965, %select_n3A_1971, %broadcast_in_dim3A_1973 : vector<16xi1>, vector<16xf32>
    %get3A_1975 = arith.constant 6 : i32
    %get3A_1976 = arith.index_cast %get3A_1975 : i32 to index
    %get3A_1977 = arith.constant 0 : index
    %get3A_1978 = tpu.vector_load %arg9[%get3A_1976, %get3A_1977] {strides = array<i32>} : memref<16x16xf32, #tpu.memory_space<vmem>>, vector<1x16xf32>,
    %get3A_1979 = vector.shape_cast %get3A_1978 : vector<1x16xf32> to vector<16xf32>
    %add3A_1980 = arith.constant 1.000000e+00 : f32
    %add3A_1981 = vector.broadcast %add3A_1980 : f32 to vector<16xf32>
    %add3A_1982 = arith.addf %add3A_1981, %get3A_1979 : vector<16xf32>
    %sub3A_1983 = arith.subf %add3A_1982, %select_n3A_1974 : vector<16xf32>
    %max3A_1984 = arith.constant 0.000000e+00 : f32
    %max3A_1985 = vector.broadcast %max3A_1984 : f32 to vector<16xf32>
    %max3A_1986 = arith.maximumf %sub3A_1983, %max3A_1985 : vector<16xf32>
    %add3A_1987 = arith.addf %add3A_1705, %max3A_1986 : vector<16xf32>
    %get3A_1988 = arith.constant 7 : i32
    %get3A_1989 = arith.index_cast %get3A_1988 : i32 to index
    %get3A_1990 = arith.constant 0 : index
    %get3A_1991 = tpu.vector_load %arg8[%get3A_1989, %get3A_1990] {strides = array<i32>} : memref<16x128xf32, #tpu.memory_space<vmem>>, vector<1x16xf32>,
    %get3A_1992 = vector.shape_cast %get3A_1991 : vector<1x16xf32> to vector<16xf32>
    %get3A_1993 = arith.constant 7 : i32
    %get3A_1994 = arith.index_cast %get3A_1993 : i32 to index
    %get3A_1995 = arith.constant 16 : index
    %get3A_1996 = tpu.vector_load %arg8[%get3A_1994, %get3A_1995] {strides = array<i32>} : memref<16x128xf32, #tpu.memory_space<vmem>>, vector<1x16xf32>,
    %get3A_1997 = vector.shape_cast %get3A_1996 : vector<1x16xf32> to vector<16xf32>
    %min3A_1998 = arith.minimumf %get3A_1992, %get3A_1997 : vector<16xf32>
    %get3A_1999 = arith.constant 7 : i32
    %get3A_2000 = arith.index_cast %get3A_1999 : i32 to index
    %get3A_2001 = arith.constant 32 : index
    %get3A_2002 = tpu.vector_load %arg8[%get3A_2000, %get3A_2001] {strides = array<i32>} : memref<16x128xf32, #tpu.memory_space<vmem>>, vector<1x16xf32>,
    %get3A_2003 = vector.shape_cast %get3A_2002 : vector<1x16xf32> to vector<16xf32>
    %min3A_2004 = arith.minimumf %min3A_1998, %get3A_2003 : vector<16xf32>
    %get3A_2005 = arith.constant 7 : i32
    %get3A_2006 = arith.index_cast %get3A_2005 : i32 to index
    %get3A_2007 = arith.constant 48 : index
    %get3A_2008 = tpu.vector_load %arg8[%get3A_2006, %get3A_2007] {strides = array<i32>} : memref<16x128xf32, #tpu.memory_space<vmem>>, vector<1x16xf32>,
    %get3A_2009 = vector.shape_cast %get3A_2008 : vector<1x16xf32> to vector<16xf32>
    %min3A_2010 = arith.minimumf %min3A_2004, %get3A_2009 : vector<16xf32>
    %get3A_2011 = arith.constant 7 : i32
    %get3A_2012 = arith.index_cast %get3A_2011 : i32 to index
    %get3A_2013 = arith.constant 64 : index
    %get3A_2014 = tpu.vector_load %arg8[%get3A_2012, %get3A_2013] {strides = array<i32>} : memref<16x128xf32, #tpu.memory_space<vmem>>, vector<1x16xf32>,
    %get3A_2015 = vector.shape_cast %get3A_2014 : vector<1x16xf32> to vector<16xf32>
    %min3A_2016 = arith.minimumf %min3A_2010, %get3A_2015 : vector<16xf32>
    %get3A_2017 = arith.constant 7 : i32
    %get3A_2018 = arith.index_cast %get3A_2017 : i32 to index
    %get3A_2019 = arith.constant 80 : index
    %get3A_2020 = tpu.vector_load %arg8[%get3A_2018, %get3A_2019] {strides = array<i32>} : memref<16x128xf32, #tpu.memory_space<vmem>>, vector<1x16xf32>,
    %get3A_2021 = vector.shape_cast %get3A_2020 : vector<1x16xf32> to vector<16xf32>
    %min3A_2022 = arith.minimumf %min3A_2016, %get3A_2021 : vector<16xf32>
    %get3A_2023 = arith.constant 7 : i32
    %get3A_2024 = arith.index_cast %get3A_2023 : i32 to index
    %get3A_2025 = arith.constant 96 : index
    %get3A_2026 = tpu.vector_load %arg8[%get3A_2024, %get3A_2025] {strides = array<i32>} : memref<16x128xf32, #tpu.memory_space<vmem>>, vector<1x16xf32>,
    %get3A_2027 = vector.shape_cast %get3A_2026 : vector<1x16xf32> to vector<16xf32>
    %min3A_2028 = arith.minimumf %min3A_2022, %get3A_2027 : vector<16xf32>
    %get3A_2029 = arith.constant 7 : i32
    %get3A_2030 = arith.index_cast %get3A_2029 : i32 to index
    %get3A_2031 = arith.constant 112 : index
    %get3A_2032 = tpu.vector_load %arg8[%get3A_2030, %get3A_2031] {strides = array<i32>} : memref<16x128xf32, #tpu.memory_space<vmem>>, vector<1x16xf32>,
    %get3A_2033 = vector.shape_cast %get3A_2032 : vector<1x16xf32> to vector<16xf32>
    %min3A_2034 = arith.minimumf %min3A_2028, %get3A_2033 : vector<16xf32>
    %xor3A_2035 = arith.constant 8 : i32
    %xor3A_2036 = vector.broadcast %xor3A_2035 : i32 to vector<16xi32>
    %xor3A_2037 = arith.xori %iota3A, %xor3A_2036 : vector<16xi32>
    %lt3A_2038 = arith.constant 0 : i32
    %lt3A_2039 = vector.broadcast %lt3A_2038 : i32 to vector<16xi32>
    %lt3A_2040 = arith.cmpi slt, %xor3A_2037, %lt3A_2039 : vector<16xi32>
    %add3A_2041 = arith.constant 16 : i32
    %add3A_2042 = vector.broadcast %add3A_2041 : i32 to vector<16xi32>
    %add3A_2043 = arith.addi %xor3A_2037, %add3A_2042 : vector<16xi32>
    %select_n3A_2044 = arith.select %lt3A_2040, %add3A_2043, %xor3A_2037 : vector<16xi1>, vector<16xi32>
    %broadcast_in_dim3A_2045 = vector.shape_cast %select_n3A_2044 : vector<16xi32> to vector<16x1xi32>
    %gather3A_2046 = vector.shape_cast %broadcast_in_dim3A_2045 : vector<16x1xi32> to vector<16xi32>
    %gather3A_2047 = tpu.dynamic_gather %min3A_2034[%gather3A_2046] in [0] : vector<16xf32>, vector<16xi32> -> vector<16xf32>
    %min3A_2048 = arith.minimumf %min3A_2034, %gather3A_2047 : vector<16xf32>
    %xor3A_2049 = arith.constant 4 : i32
    %xor3A_2050 = vector.broadcast %xor3A_2049 : i32 to vector<16xi32>
    %xor3A_2051 = arith.xori %iota3A, %xor3A_2050 : vector<16xi32>
    %lt3A_2052 = arith.constant 0 : i32
    %lt3A_2053 = vector.broadcast %lt3A_2052 : i32 to vector<16xi32>
    %lt3A_2054 = arith.cmpi slt, %xor3A_2051, %lt3A_2053 : vector<16xi32>
    %add3A_2055 = arith.constant 16 : i32
    %add3A_2056 = vector.broadcast %add3A_2055 : i32 to vector<16xi32>
    %add3A_2057 = arith.addi %xor3A_2051, %add3A_2056 : vector<16xi32>
    %select_n3A_2058 = arith.select %lt3A_2054, %add3A_2057, %xor3A_2051 : vector<16xi1>, vector<16xi32>
    %broadcast_in_dim3A_2059 = vector.shape_cast %select_n3A_2058 : vector<16xi32> to vector<16x1xi32>
    %gather3A_2060 = vector.shape_cast %broadcast_in_dim3A_2059 : vector<16x1xi32> to vector<16xi32>
    %gather3A_2061 = tpu.dynamic_gather %min3A_2048[%gather3A_2060] in [0] : vector<16xf32>, vector<16xi32> -> vector<16xf32>
    %min3A_2062 = arith.minimumf %min3A_2048, %gather3A_2061 : vector<16xf32>
    %xor3A_2063 = arith.constant 2 : i32
    %xor3A_2064 = vector.broadcast %xor3A_2063 : i32 to vector<16xi32>
    %xor3A_2065 = arith.xori %iota3A, %xor3A_2064 : vector<16xi32>
    %lt3A_2066 = arith.constant 0 : i32
    %lt3A_2067 = vector.broadcast %lt3A_2066 : i32 to vector<16xi32>
    %lt3A_2068 = arith.cmpi slt, %xor3A_2065, %lt3A_2067 : vector<16xi32>
    %add3A_2069 = arith.constant 16 : i32
    %add3A_2070 = vector.broadcast %add3A_2069 : i32 to vector<16xi32>
    %add3A_2071 = arith.addi %xor3A_2065, %add3A_2070 : vector<16xi32>
    %select_n3A_2072 = arith.select %lt3A_2068, %add3A_2071, %xor3A_2065 : vector<16xi1>, vector<16xi32>
    %broadcast_in_dim3A_2073 = vector.shape_cast %select_n3A_2072 : vector<16xi32> to vector<16x1xi32>
    %gather3A_2074 = vector.shape_cast %broadcast_in_dim3A_2073 : vector<16x1xi32> to vector<16xi32>
    %gather3A_2075 = tpu.dynamic_gather %min3A_2062[%gather3A_2074] in [0] : vector<16xf32>, vector<16xi32> -> vector<16xf32>
    %min3A_2076 = arith.minimumf %min3A_2062, %gather3A_2075 : vector<16xf32>
    %xor3A_2077 = arith.constant 1 : i32
    %xor3A_2078 = vector.broadcast %xor3A_2077 : i32 to vector<16xi32>
    %xor3A_2079 = arith.xori %iota3A, %xor3A_2078 : vector<16xi32>
    %lt3A_2080 = arith.constant 0 : i32
    %lt3A_2081 = vector.broadcast %lt3A_2080 : i32 to vector<16xi32>
    %lt3A_2082 = arith.cmpi slt, %xor3A_2079, %lt3A_2081 : vector<16xi32>
    %add3A_2083 = arith.constant 16 : i32
    %add3A_2084 = vector.broadcast %add3A_2083 : i32 to vector<16xi32>
    %add3A_2085 = arith.addi %xor3A_2079, %add3A_2084 : vector<16xi32>
    %select_n3A_2086 = arith.select %lt3A_2082, %add3A_2085, %xor3A_2079 : vector<16xi1>, vector<16xi32>
    %broadcast_in_dim3A_2087 = vector.shape_cast %select_n3A_2086 : vector<16xi32> to vector<16x1xi32>
    %gather3A_2088 = vector.shape_cast %broadcast_in_dim3A_2087 : vector<16x1xi32> to vector<16xi32>
    %gather3A_2089 = tpu.dynamic_gather %min3A_2076[%gather3A_2088] in [0] : vector<16xf32>, vector<16xi32> -> vector<16xf32>
    %min3A_2090 = arith.minimumf %min3A_2076, %gather3A_2089 : vector<16xf32>
    %broadcast_in_dim3A_2091 = arith.constant 0.000000e+00 : f32
    %broadcast_in_dim3A_2092 = vector.broadcast %broadcast_in_dim3A_2091 : f32 to vector<16xf32>
    %get3A_2093 = arith.constant 7 : i32
    %get3A_2094 = arith.index_cast %get3A_2093 : i32 to index
    %get3A_2095 = arith.constant 0 : index
    %get3A_2096 = tpu.vector_load %arg7[%get3A_2094, %get3A_2095] {strides = array<i32>} : memref<16x128xf32, #tpu.memory_space<vmem>>, vector<1x16xf32>,
    %get3A_2097 = vector.shape_cast %get3A_2096 : vector<1x16xf32> to vector<16xf32>
    %lt3A_2098 = arith.cmpf olt, %get3A_2097, %min3A_2090 : vector<16xf32>
    %jit3A_2099 = arith.constant 1.000000e+00 : f32
    %jit3A_2100 = arith.constant 0.000000e+00 : f32
    %broadcast_in_dim3A_2101 = vector.broadcast %jit3A_2099 : f32 to vector<16xf32>
    %broadcast_in_dim3A_2102 = vector.broadcast %jit3A_2100 : f32 to vector<16xf32>
    %select_n3A_2103 = arith.select %lt3A_2098, %broadcast_in_dim3A_2101, %broadcast_in_dim3A_2102 : vector<16xi1>, vector<16xf32>
    %add3A_2104 = arith.addf %broadcast_in_dim3A_2092, %select_n3A_2103 : vector<16xf32>
    %get3A_2105 = arith.constant 7 : i32
    %get3A_2106 = arith.index_cast %get3A_2105 : i32 to index
    %get3A_2107 = arith.constant 16 : index
    %get3A_2108 = tpu.vector_load %arg7[%get3A_2106, %get3A_2107] {strides = array<i32>} : memref<16x128xf32, #tpu.memory_space<vmem>>, vector<1x16xf32>,
    %get3A_2109 = vector.shape_cast %get3A_2108 : vector<1x16xf32> to vector<16xf32>
    %lt3A_2110 = arith.cmpf olt, %get3A_2109, %min3A_2090 : vector<16xf32>
    %jit3A_2111 = arith.constant 1.000000e+00 : f32
    %jit3A_2112 = arith.constant 0.000000e+00 : f32
    %broadcast_in_dim3A_2113 = vector.broadcast %jit3A_2111 : f32 to vector<16xf32>
    %broadcast_in_dim3A_2114 = vector.broadcast %jit3A_2112 : f32 to vector<16xf32>
    %select_n3A_2115 = arith.select %lt3A_2110, %broadcast_in_dim3A_2113, %broadcast_in_dim3A_2114 : vector<16xi1>, vector<16xf32>
    %add3A_2116 = arith.addf %add3A_2104, %select_n3A_2115 : vector<16xf32>
    %get3A_2117 = arith.constant 7 : i32
    %get3A_2118 = arith.index_cast %get3A_2117 : i32 to index
    %get3A_2119 = arith.constant 32 : index
    %get3A_2120 = tpu.vector_load %arg7[%get3A_2118, %get3A_2119] {strides = array<i32>} : memref<16x128xf32, #tpu.memory_space<vmem>>, vector<1x16xf32>,
    %get3A_2121 = vector.shape_cast %get3A_2120 : vector<1x16xf32> to vector<16xf32>
    %lt3A_2122 = arith.cmpf olt, %get3A_2121, %min3A_2090 : vector<16xf32>
    %jit3A_2123 = arith.constant 1.000000e+00 : f32
    %jit3A_2124 = arith.constant 0.000000e+00 : f32
    %broadcast_in_dim3A_2125 = vector.broadcast %jit3A_2123 : f32 to vector<16xf32>
    %broadcast_in_dim3A_2126 = vector.broadcast %jit3A_2124 : f32 to vector<16xf32>
    %select_n3A_2127 = arith.select %lt3A_2122, %broadcast_in_dim3A_2125, %broadcast_in_dim3A_2126 : vector<16xi1>, vector<16xf32>
    %add3A_2128 = arith.addf %add3A_2116, %select_n3A_2127 : vector<16xf32>
    %get3A_2129 = arith.constant 7 : i32
    %get3A_2130 = arith.index_cast %get3A_2129 : i32 to index
    %get3A_2131 = arith.constant 48 : index
    %get3A_2132 = tpu.vector_load %arg7[%get3A_2130, %get3A_2131] {strides = array<i32>} : memref<16x128xf32, #tpu.memory_space<vmem>>, vector<1x16xf32>,
    %get3A_2133 = vector.shape_cast %get3A_2132 : vector<1x16xf32> to vector<16xf32>
    %lt3A_2134 = arith.cmpf olt, %get3A_2133, %min3A_2090 : vector<16xf32>
    %jit3A_2135 = arith.constant 1.000000e+00 : f32
    %jit3A_2136 = arith.constant 0.000000e+00 : f32
    %broadcast_in_dim3A_2137 = vector.broadcast %jit3A_2135 : f32 to vector<16xf32>
    %broadcast_in_dim3A_2138 = vector.broadcast %jit3A_2136 : f32 to vector<16xf32>
    %select_n3A_2139 = arith.select %lt3A_2134, %broadcast_in_dim3A_2137, %broadcast_in_dim3A_2138 : vector<16xi1>, vector<16xf32>
    %add3A_2140 = arith.addf %add3A_2128, %select_n3A_2139 : vector<16xf32>
    %get3A_2141 = arith.constant 7 : i32
    %get3A_2142 = arith.index_cast %get3A_2141 : i32 to index
    %get3A_2143 = arith.constant 64 : index
    %get3A_2144 = tpu.vector_load %arg7[%get3A_2142, %get3A_2143] {strides = array<i32>} : memref<16x128xf32, #tpu.memory_space<vmem>>, vector<1x16xf32>,
    %get3A_2145 = vector.shape_cast %get3A_2144 : vector<1x16xf32> to vector<16xf32>
    %lt3A_2146 = arith.cmpf olt, %get3A_2145, %min3A_2090 : vector<16xf32>
    %jit3A_2147 = arith.constant 1.000000e+00 : f32
    %jit3A_2148 = arith.constant 0.000000e+00 : f32
    %broadcast_in_dim3A_2149 = vector.broadcast %jit3A_2147 : f32 to vector<16xf32>
    %broadcast_in_dim3A_2150 = vector.broadcast %jit3A_2148 : f32 to vector<16xf32>
    %select_n3A_2151 = arith.select %lt3A_2146, %broadcast_in_dim3A_2149, %broadcast_in_dim3A_2150 : vector<16xi1>, vector<16xf32>
    %add3A_2152 = arith.addf %add3A_2140, %select_n3A_2151 : vector<16xf32>
    %get3A_2153 = arith.constant 7 : i32
    %get3A_2154 = arith.index_cast %get3A_2153 : i32 to index
    %get3A_2155 = arith.constant 80 : index
    %get3A_2156 = tpu.vector_load %arg7[%get3A_2154, %get3A_2155] {strides = array<i32>} : memref<16x128xf32, #tpu.memory_space<vmem>>, vector<1x16xf32>,
    %get3A_2157 = vector.shape_cast %get3A_2156 : vector<1x16xf32> to vector<16xf32>
    %lt3A_2158 = arith.cmpf olt, %get3A_2157, %min3A_2090 : vector<16xf32>
    %jit3A_2159 = arith.constant 1.000000e+00 : f32
    %jit3A_2160 = arith.constant 0.000000e+00 : f32
    %broadcast_in_dim3A_2161 = vector.broadcast %jit3A_2159 : f32 to vector<16xf32>
    %broadcast_in_dim3A_2162 = vector.broadcast %jit3A_2160 : f32 to vector<16xf32>
    %select_n3A_2163 = arith.select %lt3A_2158, %broadcast_in_dim3A_2161, %broadcast_in_dim3A_2162 : vector<16xi1>, vector<16xf32>
    %add3A_2164 = arith.addf %add3A_2152, %select_n3A_2163 : vector<16xf32>
    %get3A_2165 = arith.constant 7 : i32
    %get3A_2166 = arith.index_cast %get3A_2165 : i32 to index
    %get3A_2167 = arith.constant 96 : index
    %get3A_2168 = tpu.vector_load %arg7[%get3A_2166, %get3A_2167] {strides = array<i32>} : memref<16x128xf32, #tpu.memory_space<vmem>>, vector<1x16xf32>,
    %get3A_2169 = vector.shape_cast %get3A_2168 : vector<1x16xf32> to vector<16xf32>
    %lt3A_2170 = arith.cmpf olt, %get3A_2169, %min3A_2090 : vector<16xf32>
    %jit3A_2171 = arith.constant 1.000000e+00 : f32
    %jit3A_2172 = arith.constant 0.000000e+00 : f32
    %broadcast_in_dim3A_2173 = vector.broadcast %jit3A_2171 : f32 to vector<16xf32>
    %broadcast_in_dim3A_2174 = vector.broadcast %jit3A_2172 : f32 to vector<16xf32>
    %select_n3A_2175 = arith.select %lt3A_2170, %broadcast_in_dim3A_2173, %broadcast_in_dim3A_2174 : vector<16xi1>, vector<16xf32>
    %add3A_2176 = arith.addf %add3A_2164, %select_n3A_2175 : vector<16xf32>
    %get3A_2177 = arith.constant 7 : i32
    %get3A_2178 = arith.index_cast %get3A_2177 : i32 to index
    %get3A_2179 = arith.constant 112 : index
    %get3A_2180 = tpu.vector_load %arg7[%get3A_2178, %get3A_2179] {strides = array<i32>} : memref<16x128xf32, #tpu.memory_space<vmem>>, vector<1x16xf32>,
    %get3A_2181 = vector.shape_cast %get3A_2180 : vector<1x16xf32> to vector<16xf32>
    %lt3A_2182 = arith.cmpf olt, %get3A_2181, %min3A_2090 : vector<16xf32>
    %jit3A_2183 = arith.constant 1.000000e+00 : f32
    %jit3A_2184 = arith.constant 0.000000e+00 : f32
    %broadcast_in_dim3A_2185 = vector.broadcast %jit3A_2183 : f32 to vector<16xf32>
    %broadcast_in_dim3A_2186 = vector.broadcast %jit3A_2184 : f32 to vector<16xf32>
    %select_n3A_2187 = arith.select %lt3A_2182, %broadcast_in_dim3A_2185, %broadcast_in_dim3A_2186 : vector<16xi1>, vector<16xf32>
    %add3A_2188 = arith.addf %add3A_2176, %select_n3A_2187 : vector<16xf32>
    %xor3A_2189 = arith.constant 8 : i32
    %xor3A_2190 = vector.broadcast %xor3A_2189 : i32 to vector<16xi32>
    %xor3A_2191 = arith.xori %iota3A, %xor3A_2190 : vector<16xi32>
    %lt3A_2192 = arith.constant 0 : i32
    %lt3A_2193 = vector.broadcast %lt3A_2192 : i32 to vector<16xi32>
    %lt3A_2194 = arith.cmpi slt, %xor3A_2191, %lt3A_2193 : vector<16xi32>
    %add3A_2195 = arith.constant 16 : i32
    %add3A_2196 = vector.broadcast %add3A_2195 : i32 to vector<16xi32>
    %add3A_2197 = arith.addi %xor3A_2191, %add3A_2196 : vector<16xi32>
    %select_n3A_2198 = arith.select %lt3A_2194, %add3A_2197, %xor3A_2191 : vector<16xi1>, vector<16xi32>
    %broadcast_in_dim3A_2199 = vector.shape_cast %select_n3A_2198 : vector<16xi32> to vector<16x1xi32>
    %gather3A_2200 = vector.shape_cast %broadcast_in_dim3A_2199 : vector<16x1xi32> to vector<16xi32>
    %gather3A_2201 = tpu.dynamic_gather %add3A_2188[%gather3A_2200] in [0] : vector<16xf32>, vector<16xi32> -> vector<16xf32>
    %add3A_2202 = arith.addf %add3A_2188, %gather3A_2201 : vector<16xf32>
    %xor3A_2203 = arith.constant 4 : i32
    %xor3A_2204 = vector.broadcast %xor3A_2203 : i32 to vector<16xi32>
    %xor3A_2205 = arith.xori %iota3A, %xor3A_2204 : vector<16xi32>
    %lt3A_2206 = arith.constant 0 : i32
    %lt3A_2207 = vector.broadcast %lt3A_2206 : i32 to vector<16xi32>
    %lt3A_2208 = arith.cmpi slt, %xor3A_2205, %lt3A_2207 : vector<16xi32>
    %add3A_2209 = arith.constant 16 : i32
    %add3A_2210 = vector.broadcast %add3A_2209 : i32 to vector<16xi32>
    %add3A_2211 = arith.addi %xor3A_2205, %add3A_2210 : vector<16xi32>
    %select_n3A_2212 = arith.select %lt3A_2208, %add3A_2211, %xor3A_2205 : vector<16xi1>, vector<16xi32>
    %broadcast_in_dim3A_2213 = vector.shape_cast %select_n3A_2212 : vector<16xi32> to vector<16x1xi32>
    %gather3A_2214 = vector.shape_cast %broadcast_in_dim3A_2213 : vector<16x1xi32> to vector<16xi32>
    %gather3A_2215 = tpu.dynamic_gather %add3A_2202[%gather3A_2214] in [0] : vector<16xf32>, vector<16xi32> -> vector<16xf32>
    %add3A_2216 = arith.addf %add3A_2202, %gather3A_2215 : vector<16xf32>
    %xor3A_2217 = arith.constant 2 : i32
    %xor3A_2218 = vector.broadcast %xor3A_2217 : i32 to vector<16xi32>
    %xor3A_2219 = arith.xori %iota3A, %xor3A_2218 : vector<16xi32>
    %lt3A_2220 = arith.constant 0 : i32
    %lt3A_2221 = vector.broadcast %lt3A_2220 : i32 to vector<16xi32>
    %lt3A_2222 = arith.cmpi slt, %xor3A_2219, %lt3A_2221 : vector<16xi32>
    %add3A_2223 = arith.constant 16 : i32
    %add3A_2224 = vector.broadcast %add3A_2223 : i32 to vector<16xi32>
    %add3A_2225 = arith.addi %xor3A_2219, %add3A_2224 : vector<16xi32>
    %select_n3A_2226 = arith.select %lt3A_2222, %add3A_2225, %xor3A_2219 : vector<16xi1>, vector<16xi32>
    %broadcast_in_dim3A_2227 = vector.shape_cast %select_n3A_2226 : vector<16xi32> to vector<16x1xi32>
    %gather3A_2228 = vector.shape_cast %broadcast_in_dim3A_2227 : vector<16x1xi32> to vector<16xi32>
    %gather3A_2229 = tpu.dynamic_gather %add3A_2216[%gather3A_2228] in [0] : vector<16xf32>, vector<16xi32> -> vector<16xf32>
    %add3A_2230 = arith.addf %add3A_2216, %gather3A_2229 : vector<16xf32>
    %xor3A_2231 = arith.constant 1 : i32
    %xor3A_2232 = vector.broadcast %xor3A_2231 : i32 to vector<16xi32>
    %xor3A_2233 = arith.xori %iota3A, %xor3A_2232 : vector<16xi32>
    %lt3A_2234 = arith.constant 0 : i32
    %lt3A_2235 = vector.broadcast %lt3A_2234 : i32 to vector<16xi32>
    %lt3A_2236 = arith.cmpi slt, %xor3A_2233, %lt3A_2235 : vector<16xi32>
    %add3A_2237 = arith.constant 16 : i32
    %add3A_2238 = vector.broadcast %add3A_2237 : i32 to vector<16xi32>
    %add3A_2239 = arith.addi %xor3A_2233, %add3A_2238 : vector<16xi32>
    %select_n3A_2240 = arith.select %lt3A_2236, %add3A_2239, %xor3A_2233 : vector<16xi1>, vector<16xi32>
    %broadcast_in_dim3A_2241 = vector.shape_cast %select_n3A_2240 : vector<16xi32> to vector<16x1xi32>
    %gather3A_2242 = vector.shape_cast %broadcast_in_dim3A_2241 : vector<16x1xi32> to vector<16xi32>
    %gather3A_2243 = tpu.dynamic_gather %add3A_2230[%gather3A_2242] in [0] : vector<16xf32>, vector<16xi32> -> vector<16xf32>
    %add3A_2244 = arith.addf %add3A_2230, %gather3A_2243 : vector<16xf32>
    %lt3A_2245 = arith.constant 1.500000e+01 : f32
    %lt3A_2246 = vector.broadcast %lt3A_2245 : f32 to vector<16xf32>
    %lt3A_2247 = arith.cmpf olt, %add3A_2244, %lt3A_2246 : vector<16xf32>
    %lt3A_2248 = arith.constant 5.000000e+29 : f32
    %lt3A_2249 = vector.broadcast %lt3A_2248 : f32 to vector<16xf32>
    %lt3A_2250 = arith.cmpf olt, %min3A_2090, %lt3A_2249 : vector<16xf32>
    %jit3A_2251 = arith.constant 0.000000e+00 : f32
    %broadcast_in_dim3A_2252 = vector.broadcast %jit3A_2251 : f32 to vector<16xf32>
    %select_n3A_2253 = arith.select %lt3A_2250, %min3A_2090, %broadcast_in_dim3A_2252 : vector<16xi1>, vector<16xf32>
    %jit3A_2254 = arith.constant 0.000000e+00 : f32
    %broadcast_in_dim3A_2255 = vector.broadcast %jit3A_2254 : f32 to vector<16xf32>
    %select_n3A_2256 = arith.select %lt3A_2247, %select_n3A_2253, %broadcast_in_dim3A_2255 : vector<16xi1>, vector<16xf32>
    %get3A_2257 = arith.constant 7 : i32
    %get3A_2258 = arith.index_cast %get3A_2257 : i32 to index
    %get3A_2259 = arith.constant 0 : index
    %get3A_2260 = tpu.vector_load %arg9[%get3A_2258, %get3A_2259] {strides = array<i32>} : memref<16x16xf32, #tpu.memory_space<vmem>>, vector<1x16xf32>,
    %get3A_2261 = vector.shape_cast %get3A_2260 : vector<1x16xf32> to vector<16xf32>
    %add3A_2262 = arith.constant 1.000000e+00 : f32
    %add3A_2263 = vector.broadcast %add3A_2262 : f32 to vector<16xf32>
    %add3A_2264 = arith.addf %add3A_2263, %get3A_2261 : vector<16xf32>
    %sub3A_2265 = arith.subf %add3A_2264, %select_n3A_2256 : vector<16xf32>
    %max3A_2266 = arith.constant 0.000000e+00 : f32
    %max3A_2267 = vector.broadcast %max3A_2266 : f32 to vector<16xf32>
    %max3A_2268 = arith.maximumf %sub3A_2265, %max3A_2267 : vector<16xf32>
    %add3A_2269 = arith.addf %add3A_1987, %max3A_2268 : vector<16xf32>
    %get3A_2270 = arith.constant 8 : i32
    %get3A_2271 = arith.index_cast %get3A_2270 : i32 to index
    %get3A_2272 = arith.constant 0 : index
    %get3A_2273 = tpu.vector_load %arg8[%get3A_2271, %get3A_2272] {strides = array<i32>} : memref<16x128xf32, #tpu.memory_space<vmem>>, vector<1x16xf32>,
    %get3A_2274 = vector.shape_cast %get3A_2273 : vector<1x16xf32> to vector<16xf32>
    %get3A_2275 = arith.constant 8 : i32
    %get3A_2276 = arith.index_cast %get3A_2275 : i32 to index
    %get3A_2277 = arith.constant 16 : index
    %get3A_2278 = tpu.vector_load %arg8[%get3A_2276, %get3A_2277] {strides = array<i32>} : memref<16x128xf32, #tpu.memory_space<vmem>>, vector<1x16xf32>,
    %get3A_2279 = vector.shape_cast %get3A_2278 : vector<1x16xf32> to vector<16xf32>
    %min3A_2280 = arith.minimumf %get3A_2274, %get3A_2279 : vector<16xf32>
    %get3A_2281 = arith.constant 8 : i32
    %get3A_2282 = arith.index_cast %get3A_2281 : i32 to index
    %get3A_2283 = arith.constant 32 : index
    %get3A_2284 = tpu.vector_load %arg8[%get3A_2282, %get3A_2283] {strides = array<i32>} : memref<16x128xf32, #tpu.memory_space<vmem>>, vector<1x16xf32>,
    %get3A_2285 = vector.shape_cast %get3A_2284 : vector<1x16xf32> to vector<16xf32>
    %min3A_2286 = arith.minimumf %min3A_2280, %get3A_2285 : vector<16xf32>
    %get3A_2287 = arith.constant 8 : i32
    %get3A_2288 = arith.index_cast %get3A_2287 : i32 to index
    %get3A_2289 = arith.constant 48 : index
    %get3A_2290 = tpu.vector_load %arg8[%get3A_2288, %get3A_2289] {strides = array<i32>} : memref<16x128xf32, #tpu.memory_space<vmem>>, vector<1x16xf32>,
    %get3A_2291 = vector.shape_cast %get3A_2290 : vector<1x16xf32> to vector<16xf32>
    %min3A_2292 = arith.minimumf %min3A_2286, %get3A_2291 : vector<16xf32>
    %get3A_2293 = arith.constant 8 : i32
    %get3A_2294 = arith.index_cast %get3A_2293 : i32 to index
    %get3A_2295 = arith.constant 64 : index
    %get3A_2296 = tpu.vector_load %arg8[%get3A_2294, %get3A_2295] {strides = array<i32>} : memref<16x128xf32, #tpu.memory_space<vmem>>, vector<1x16xf32>,
    %get3A_2297 = vector.shape_cast %get3A_2296 : vector<1x16xf32> to vector<16xf32>
    %min3A_2298 = arith.minimumf %min3A_2292, %get3A_2297 : vector<16xf32>
    %get3A_2299 = arith.constant 8 : i32
    %get3A_2300 = arith.index_cast %get3A_2299 : i32 to index
    %get3A_2301 = arith.constant 80 : index
    %get3A_2302 = tpu.vector_load %arg8[%get3A_2300, %get3A_2301] {strides = array<i32>} : memref<16x128xf32, #tpu.memory_space<vmem>>, vector<1x16xf32>,
    %get3A_2303 = vector.shape_cast %get3A_2302 : vector<1x16xf32> to vector<16xf32>
    %min3A_2304 = arith.minimumf %min3A_2298, %get3A_2303 : vector<16xf32>
    %get3A_2305 = arith.constant 8 : i32
    %get3A_2306 = arith.index_cast %get3A_2305 : i32 to index
    %get3A_2307 = arith.constant 96 : index
    %get3A_2308 = tpu.vector_load %arg8[%get3A_2306, %get3A_2307] {strides = array<i32>} : memref<16x128xf32, #tpu.memory_space<vmem>>, vector<1x16xf32>,
    %get3A_2309 = vector.shape_cast %get3A_2308 : vector<1x16xf32> to vector<16xf32>
    %min3A_2310 = arith.minimumf %min3A_2304, %get3A_2309 : vector<16xf32>
    %get3A_2311 = arith.constant 8 : i32
    %get3A_2312 = arith.index_cast %get3A_2311 : i32 to index
    %get3A_2313 = arith.constant 112 : index
    %get3A_2314 = tpu.vector_load %arg8[%get3A_2312, %get3A_2313] {strides = array<i32>} : memref<16x128xf32, #tpu.memory_space<vmem>>, vector<1x16xf32>,
    %get3A_2315 = vector.shape_cast %get3A_2314 : vector<1x16xf32> to vector<16xf32>
    %min3A_2316 = arith.minimumf %min3A_2310, %get3A_2315 : vector<16xf32>
    %xor3A_2317 = arith.constant 8 : i32
    %xor3A_2318 = vector.broadcast %xor3A_2317 : i32 to vector<16xi32>
    %xor3A_2319 = arith.xori %iota3A, %xor3A_2318 : vector<16xi32>
    %lt3A_2320 = arith.constant 0 : i32
    %lt3A_2321 = vector.broadcast %lt3A_2320 : i32 to vector<16xi32>
    %lt3A_2322 = arith.cmpi slt, %xor3A_2319, %lt3A_2321 : vector<16xi32>
    %add3A_2323 = arith.constant 16 : i32
    %add3A_2324 = vector.broadcast %add3A_2323 : i32 to vector<16xi32>
    %add3A_2325 = arith.addi %xor3A_2319, %add3A_2324 : vector<16xi32>
    %select_n3A_2326 = arith.select %lt3A_2322, %add3A_2325, %xor3A_2319 : vector<16xi1>, vector<16xi32>
    %broadcast_in_dim3A_2327 = vector.shape_cast %select_n3A_2326 : vector<16xi32> to vector<16x1xi32>
    %gather3A_2328 = vector.shape_cast %broadcast_in_dim3A_2327 : vector<16x1xi32> to vector<16xi32>
    %gather3A_2329 = tpu.dynamic_gather %min3A_2316[%gather3A_2328] in [0] : vector<16xf32>, vector<16xi32> -> vector<16xf32>
    %min3A_2330 = arith.minimumf %min3A_2316, %gather3A_2329 : vector<16xf32>
    %xor3A_2331 = arith.constant 4 : i32
    %xor3A_2332 = vector.broadcast %xor3A_2331 : i32 to vector<16xi32>
    %xor3A_2333 = arith.xori %iota3A, %xor3A_2332 : vector<16xi32>
    %lt3A_2334 = arith.constant 0 : i32
    %lt3A_2335 = vector.broadcast %lt3A_2334 : i32 to vector<16xi32>
    %lt3A_2336 = arith.cmpi slt, %xor3A_2333, %lt3A_2335 : vector<16xi32>
    %add3A_2337 = arith.constant 16 : i32
    %add3A_2338 = vector.broadcast %add3A_2337 : i32 to vector<16xi32>
    %add3A_2339 = arith.addi %xor3A_2333, %add3A_2338 : vector<16xi32>
    %select_n3A_2340 = arith.select %lt3A_2336, %add3A_2339, %xor3A_2333 : vector<16xi1>, vector<16xi32>
    %broadcast_in_dim3A_2341 = vector.shape_cast %select_n3A_2340 : vector<16xi32> to vector<16x1xi32>
    %gather3A_2342 = vector.shape_cast %broadcast_in_dim3A_2341 : vector<16x1xi32> to vector<16xi32>
    %gather3A_2343 = tpu.dynamic_gather %min3A_2330[%gather3A_2342] in [0] : vector<16xf32>, vector<16xi32> -> vector<16xf32>
    %min3A_2344 = arith.minimumf %min3A_2330, %gather3A_2343 : vector<16xf32>
    %xor3A_2345 = arith.constant 2 : i32
    %xor3A_2346 = vector.broadcast %xor3A_2345 : i32 to vector<16xi32>
    %xor3A_2347 = arith.xori %iota3A, %xor3A_2346 : vector<16xi32>
    %lt3A_2348 = arith.constant 0 : i32
    %lt3A_2349 = vector.broadcast %lt3A_2348 : i32 to vector<16xi32>
    %lt3A_2350 = arith.cmpi slt, %xor3A_2347, %lt3A_2349 : vector<16xi32>
    %add3A_2351 = arith.constant 16 : i32
    %add3A_2352 = vector.broadcast %add3A_2351 : i32 to vector<16xi32>
    %add3A_2353 = arith.addi %xor3A_2347, %add3A_2352 : vector<16xi32>
    %select_n3A_2354 = arith.select %lt3A_2350, %add3A_2353, %xor3A_2347 : vector<16xi1>, vector<16xi32>
    %broadcast_in_dim3A_2355 = vector.shape_cast %select_n3A_2354 : vector<16xi32> to vector<16x1xi32>
    %gather3A_2356 = vector.shape_cast %broadcast_in_dim3A_2355 : vector<16x1xi32> to vector<16xi32>
    %gather3A_2357 = tpu.dynamic_gather %min3A_2344[%gather3A_2356] in [0] : vector<16xf32>, vector<16xi32> -> vector<16xf32>
    %min3A_2358 = arith.minimumf %min3A_2344, %gather3A_2357 : vector<16xf32>
    %xor3A_2359 = arith.constant 1 : i32
    %xor3A_2360 = vector.broadcast %xor3A_2359 : i32 to vector<16xi32>
    %xor3A_2361 = arith.xori %iota3A, %xor3A_2360 : vector<16xi32>
    %lt3A_2362 = arith.constant 0 : i32
    %lt3A_2363 = vector.broadcast %lt3A_2362 : i32 to vector<16xi32>
    %lt3A_2364 = arith.cmpi slt, %xor3A_2361, %lt3A_2363 : vector<16xi32>
    %add3A_2365 = arith.constant 16 : i32
    %add3A_2366 = vector.broadcast %add3A_2365 : i32 to vector<16xi32>
    %add3A_2367 = arith.addi %xor3A_2361, %add3A_2366 : vector<16xi32>
    %select_n3A_2368 = arith.select %lt3A_2364, %add3A_2367, %xor3A_2361 : vector<16xi1>, vector<16xi32>
    %broadcast_in_dim3A_2369 = vector.shape_cast %select_n3A_2368 : vector<16xi32> to vector<16x1xi32>
    %gather3A_2370 = vector.shape_cast %broadcast_in_dim3A_2369 : vector<16x1xi32> to vector<16xi32>
    %gather3A_2371 = tpu.dynamic_gather %min3A_2358[%gather3A_2370] in [0] : vector<16xf32>, vector<16xi32> -> vector<16xf32>
    %min3A_2372 = arith.minimumf %min3A_2358, %gather3A_2371 : vector<16xf32>
    %broadcast_in_dim3A_2373 = arith.constant 0.000000e+00 : f32
    %broadcast_in_dim3A_2374 = vector.broadcast %broadcast_in_dim3A_2373 : f32 to vector<16xf32>
    %get3A_2375 = arith.constant 8 : i32
    %get3A_2376 = arith.index_cast %get3A_2375 : i32 to index
    %get3A_2377 = arith.constant 0 : index
    %get3A_2378 = tpu.vector_load %arg7[%get3A_2376, %get3A_2377] {strides = array<i32>} : memref<16x128xf32, #tpu.memory_space<vmem>>, vector<1x16xf32>,
    %get3A_2379 = vector.shape_cast %get3A_2378 : vector<1x16xf32> to vector<16xf32>
    %lt3A_2380 = arith.cmpf olt, %get3A_2379, %min3A_2372 : vector<16xf32>
    %jit3A_2381 = arith.constant 1.000000e+00 : f32
    %jit3A_2382 = arith.constant 0.000000e+00 : f32
    %broadcast_in_dim3A_2383 = vector.broadcast %jit3A_2381 : f32 to vector<16xf32>
    %broadcast_in_dim3A_2384 = vector.broadcast %jit3A_2382 : f32 to vector<16xf32>
    %select_n3A_2385 = arith.select %lt3A_2380, %broadcast_in_dim3A_2383, %broadcast_in_dim3A_2384 : vector<16xi1>, vector<16xf32>
    %add3A_2386 = arith.addf %broadcast_in_dim3A_2374, %select_n3A_2385 : vector<16xf32>
    %get3A_2387 = arith.constant 8 : i32
    %get3A_2388 = arith.index_cast %get3A_2387 : i32 to index
    %get3A_2389 = arith.constant 16 : index
    %get3A_2390 = tpu.vector_load %arg7[%get3A_2388, %get3A_2389] {strides = array<i32>} : memref<16x128xf32, #tpu.memory_space<vmem>>, vector<1x16xf32>,
    %get3A_2391 = vector.shape_cast %get3A_2390 : vector<1x16xf32> to vector<16xf32>
    %lt3A_2392 = arith.cmpf olt, %get3A_2391, %min3A_2372 : vector<16xf32>
    %jit3A_2393 = arith.constant 1.000000e+00 : f32
    %jit3A_2394 = arith.constant 0.000000e+00 : f32
    %broadcast_in_dim3A_2395 = vector.broadcast %jit3A_2393 : f32 to vector<16xf32>
    %broadcast_in_dim3A_2396 = vector.broadcast %jit3A_2394 : f32 to vector<16xf32>
    %select_n3A_2397 = arith.select %lt3A_2392, %broadcast_in_dim3A_2395, %broadcast_in_dim3A_2396 : vector<16xi1>, vector<16xf32>
    %add3A_2398 = arith.addf %add3A_2386, %select_n3A_2397 : vector<16xf32>
    %get3A_2399 = arith.constant 8 : i32
    %get3A_2400 = arith.index_cast %get3A_2399 : i32 to index
    %get3A_2401 = arith.constant 32 : index
    %get3A_2402 = tpu.vector_load %arg7[%get3A_2400, %get3A_2401] {strides = array<i32>} : memref<16x128xf32, #tpu.memory_space<vmem>>, vector<1x16xf32>,
    %get3A_2403 = vector.shape_cast %get3A_2402 : vector<1x16xf32> to vector<16xf32>
    %lt3A_2404 = arith.cmpf olt, %get3A_2403, %min3A_2372 : vector<16xf32>
    %jit3A_2405 = arith.constant 1.000000e+00 : f32
    %jit3A_2406 = arith.constant 0.000000e+00 : f32
    %broadcast_in_dim3A_2407 = vector.broadcast %jit3A_2405 : f32 to vector<16xf32>
    %broadcast_in_dim3A_2408 = vector.broadcast %jit3A_2406 : f32 to vector<16xf32>
    %select_n3A_2409 = arith.select %lt3A_2404, %broadcast_in_dim3A_2407, %broadcast_in_dim3A_2408 : vector<16xi1>, vector<16xf32>
    %add3A_2410 = arith.addf %add3A_2398, %select_n3A_2409 : vector<16xf32>
    %get3A_2411 = arith.constant 8 : i32
    %get3A_2412 = arith.index_cast %get3A_2411 : i32 to index
    %get3A_2413 = arith.constant 48 : index
    %get3A_2414 = tpu.vector_load %arg7[%get3A_2412, %get3A_2413] {strides = array<i32>} : memref<16x128xf32, #tpu.memory_space<vmem>>, vector<1x16xf32>,
    %get3A_2415 = vector.shape_cast %get3A_2414 : vector<1x16xf32> to vector<16xf32>
    %lt3A_2416 = arith.cmpf olt, %get3A_2415, %min3A_2372 : vector<16xf32>
    %jit3A_2417 = arith.constant 1.000000e+00 : f32
    %jit3A_2418 = arith.constant 0.000000e+00 : f32
    %broadcast_in_dim3A_2419 = vector.broadcast %jit3A_2417 : f32 to vector<16xf32>
    %broadcast_in_dim3A_2420 = vector.broadcast %jit3A_2418 : f32 to vector<16xf32>
    %select_n3A_2421 = arith.select %lt3A_2416, %broadcast_in_dim3A_2419, %broadcast_in_dim3A_2420 : vector<16xi1>, vector<16xf32>
    %add3A_2422 = arith.addf %add3A_2410, %select_n3A_2421 : vector<16xf32>
    %get3A_2423 = arith.constant 8 : i32
    %get3A_2424 = arith.index_cast %get3A_2423 : i32 to index
    %get3A_2425 = arith.constant 64 : index
    %get3A_2426 = tpu.vector_load %arg7[%get3A_2424, %get3A_2425] {strides = array<i32>} : memref<16x128xf32, #tpu.memory_space<vmem>>, vector<1x16xf32>,
    %get3A_2427 = vector.shape_cast %get3A_2426 : vector<1x16xf32> to vector<16xf32>
    %lt3A_2428 = arith.cmpf olt, %get3A_2427, %min3A_2372 : vector<16xf32>
    %jit3A_2429 = arith.constant 1.000000e+00 : f32
    %jit3A_2430 = arith.constant 0.000000e+00 : f32
    %broadcast_in_dim3A_2431 = vector.broadcast %jit3A_2429 : f32 to vector<16xf32>
    %broadcast_in_dim3A_2432 = vector.broadcast %jit3A_2430 : f32 to vector<16xf32>
    %select_n3A_2433 = arith.select %lt3A_2428, %broadcast_in_dim3A_2431, %broadcast_in_dim3A_2432 : vector<16xi1>, vector<16xf32>
    %add3A_2434 = arith.addf %add3A_2422, %select_n3A_2433 : vector<16xf32>
    %get3A_2435 = arith.constant 8 : i32
    %get3A_2436 = arith.index_cast %get3A_2435 : i32 to index
    %get3A_2437 = arith.constant 80 : index
    %get3A_2438 = tpu.vector_load %arg7[%get3A_2436, %get3A_2437] {strides = array<i32>} : memref<16x128xf32, #tpu.memory_space<vmem>>, vector<1x16xf32>,
    %get3A_2439 = vector.shape_cast %get3A_2438 : vector<1x16xf32> to vector<16xf32>
    %lt3A_2440 = arith.cmpf olt, %get3A_2439, %min3A_2372 : vector<16xf32>
    %jit3A_2441 = arith.constant 1.000000e+00 : f32
    %jit3A_2442 = arith.constant 0.000000e+00 : f32
    %broadcast_in_dim3A_2443 = vector.broadcast %jit3A_2441 : f32 to vector<16xf32>
    %broadcast_in_dim3A_2444 = vector.broadcast %jit3A_2442 : f32 to vector<16xf32>
    %select_n3A_2445 = arith.select %lt3A_2440, %broadcast_in_dim3A_2443, %broadcast_in_dim3A_2444 : vector<16xi1>, vector<16xf32>
    %add3A_2446 = arith.addf %add3A_2434, %select_n3A_2445 : vector<16xf32>
    %get3A_2447 = arith.constant 8 : i32
    %get3A_2448 = arith.index_cast %get3A_2447 : i32 to index
    %get3A_2449 = arith.constant 96 : index
    %get3A_2450 = tpu.vector_load %arg7[%get3A_2448, %get3A_2449] {strides = array<i32>} : memref<16x128xf32, #tpu.memory_space<vmem>>, vector<1x16xf32>,
    %get3A_2451 = vector.shape_cast %get3A_2450 : vector<1x16xf32> to vector<16xf32>
    %lt3A_2452 = arith.cmpf olt, %get3A_2451, %min3A_2372 : vector<16xf32>
    %jit3A_2453 = arith.constant 1.000000e+00 : f32
    %jit3A_2454 = arith.constant 0.000000e+00 : f32
    %broadcast_in_dim3A_2455 = vector.broadcast %jit3A_2453 : f32 to vector<16xf32>
    %broadcast_in_dim3A_2456 = vector.broadcast %jit3A_2454 : f32 to vector<16xf32>
    %select_n3A_2457 = arith.select %lt3A_2452, %broadcast_in_dim3A_2455, %broadcast_in_dim3A_2456 : vector<16xi1>, vector<16xf32>
    %add3A_2458 = arith.addf %add3A_2446, %select_n3A_2457 : vector<16xf32>
    %get3A_2459 = arith.constant 8 : i32
    %get3A_2460 = arith.index_cast %get3A_2459 : i32 to index
    %get3A_2461 = arith.constant 112 : index
    %get3A_2462 = tpu.vector_load %arg7[%get3A_2460, %get3A_2461] {strides = array<i32>} : memref<16x128xf32, #tpu.memory_space<vmem>>, vector<1x16xf32>,
    %get3A_2463 = vector.shape_cast %get3A_2462 : vector<1x16xf32> to vector<16xf32>
    %lt3A_2464 = arith.cmpf olt, %get3A_2463, %min3A_2372 : vector<16xf32>
    %jit3A_2465 = arith.constant 1.000000e+00 : f32
    %jit3A_2466 = arith.constant 0.000000e+00 : f32
    %broadcast_in_dim3A_2467 = vector.broadcast %jit3A_2465 : f32 to vector<16xf32>
    %broadcast_in_dim3A_2468 = vector.broadcast %jit3A_2466 : f32 to vector<16xf32>
    %select_n3A_2469 = arith.select %lt3A_2464, %broadcast_in_dim3A_2467, %broadcast_in_dim3A_2468 : vector<16xi1>, vector<16xf32>
    %add3A_2470 = arith.addf %add3A_2458, %select_n3A_2469 : vector<16xf32>
    %xor3A_2471 = arith.constant 8 : i32
    %xor3A_2472 = vector.broadcast %xor3A_2471 : i32 to vector<16xi32>
    %xor3A_2473 = arith.xori %iota3A, %xor3A_2472 : vector<16xi32>
    %lt3A_2474 = arith.constant 0 : i32
    %lt3A_2475 = vector.broadcast %lt3A_2474 : i32 to vector<16xi32>
    %lt3A_2476 = arith.cmpi slt, %xor3A_2473, %lt3A_2475 : vector<16xi32>
    %add3A_2477 = arith.constant 16 : i32
    %add3A_2478 = vector.broadcast %add3A_2477 : i32 to vector<16xi32>
    %add3A_2479 = arith.addi %xor3A_2473, %add3A_2478 : vector<16xi32>
    %select_n3A_2480 = arith.select %lt3A_2476, %add3A_2479, %xor3A_2473 : vector<16xi1>, vector<16xi32>
    %broadcast_in_dim3A_2481 = vector.shape_cast %select_n3A_2480 : vector<16xi32> to vector<16x1xi32>
    %gather3A_2482 = vector.shape_cast %broadcast_in_dim3A_2481 : vector<16x1xi32> to vector<16xi32>
    %gather3A_2483 = tpu.dynamic_gather %add3A_2470[%gather3A_2482] in [0] : vector<16xf32>, vector<16xi32> -> vector<16xf32>
    %add3A_2484 = arith.addf %add3A_2470, %gather3A_2483 : vector<16xf32>
    %xor3A_2485 = arith.constant 4 : i32
    %xor3A_2486 = vector.broadcast %xor3A_2485 : i32 to vector<16xi32>
    %xor3A_2487 = arith.xori %iota3A, %xor3A_2486 : vector<16xi32>
    %lt3A_2488 = arith.constant 0 : i32
    %lt3A_2489 = vector.broadcast %lt3A_2488 : i32 to vector<16xi32>
    %lt3A_2490 = arith.cmpi slt, %xor3A_2487, %lt3A_2489 : vector<16xi32>
    %add3A_2491 = arith.constant 16 : i32
    %add3A_2492 = vector.broadcast %add3A_2491 : i32 to vector<16xi32>
    %add3A_2493 = arith.addi %xor3A_2487, %add3A_2492 : vector<16xi32>
    %select_n3A_2494 = arith.select %lt3A_2490, %add3A_2493, %xor3A_2487 : vector<16xi1>, vector<16xi32>
    %broadcast_in_dim3A_2495 = vector.shape_cast %select_n3A_2494 : vector<16xi32> to vector<16x1xi32>
    %gather3A_2496 = vector.shape_cast %broadcast_in_dim3A_2495 : vector<16x1xi32> to vector<16xi32>
    %gather3A_2497 = tpu.dynamic_gather %add3A_2484[%gather3A_2496] in [0] : vector<16xf32>, vector<16xi32> -> vector<16xf32>
    %add3A_2498 = arith.addf %add3A_2484, %gather3A_2497 : vector<16xf32>
    %xor3A_2499 = arith.constant 2 : i32
    %xor3A_2500 = vector.broadcast %xor3A_2499 : i32 to vector<16xi32>
    %xor3A_2501 = arith.xori %iota3A, %xor3A_2500 : vector<16xi32>
    %lt3A_2502 = arith.constant 0 : i32
    %lt3A_2503 = vector.broadcast %lt3A_2502 : i32 to vector<16xi32>
    %lt3A_2504 = arith.cmpi slt, %xor3A_2501, %lt3A_2503 : vector<16xi32>
    %add3A_2505 = arith.constant 16 : i32
    %add3A_2506 = vector.broadcast %add3A_2505 : i32 to vector<16xi32>
    %add3A_2507 = arith.addi %xor3A_2501, %add3A_2506 : vector<16xi32>
    %select_n3A_2508 = arith.select %lt3A_2504, %add3A_2507, %xor3A_2501 : vector<16xi1>, vector<16xi32>
    %broadcast_in_dim3A_2509 = vector.shape_cast %select_n3A_2508 : vector<16xi32> to vector<16x1xi32>
    %gather3A_2510 = vector.shape_cast %broadcast_in_dim3A_2509 : vector<16x1xi32> to vector<16xi32>
    %gather3A_2511 = tpu.dynamic_gather %add3A_2498[%gather3A_2510] in [0] : vector<16xf32>, vector<16xi32> -> vector<16xf32>
    %add3A_2512 = arith.addf %add3A_2498, %gather3A_2511 : vector<16xf32>
    %xor3A_2513 = arith.constant 1 : i32
    %xor3A_2514 = vector.broadcast %xor3A_2513 : i32 to vector<16xi32>
    %xor3A_2515 = arith.xori %iota3A, %xor3A_2514 : vector<16xi32>
    %lt3A_2516 = arith.constant 0 : i32
    %lt3A_2517 = vector.broadcast %lt3A_2516 : i32 to vector<16xi32>
    %lt3A_2518 = arith.cmpi slt, %xor3A_2515, %lt3A_2517 : vector<16xi32>
    %add3A_2519 = arith.constant 16 : i32
    %add3A_2520 = vector.broadcast %add3A_2519 : i32 to vector<16xi32>
    %add3A_2521 = arith.addi %xor3A_2515, %add3A_2520 : vector<16xi32>
    %select_n3A_2522 = arith.select %lt3A_2518, %add3A_2521, %xor3A_2515 : vector<16xi1>, vector<16xi32>
    %broadcast_in_dim3A_2523 = vector.shape_cast %select_n3A_2522 : vector<16xi32> to vector<16x1xi32>
    %gather3A_2524 = vector.shape_cast %broadcast_in_dim3A_2523 : vector<16x1xi32> to vector<16xi32>
    %gather3A_2525 = tpu.dynamic_gather %add3A_2512[%gather3A_2524] in [0] : vector<16xf32>, vector<16xi32> -> vector<16xf32>
    %add3A_2526 = arith.addf %add3A_2512, %gather3A_2525 : vector<16xf32>
    %lt3A_2527 = arith.constant 1.500000e+01 : f32
    %lt3A_2528 = vector.broadcast %lt3A_2527 : f32 to vector<16xf32>
    %lt3A_2529 = arith.cmpf olt, %add3A_2526, %lt3A_2528 : vector<16xf32>
    %lt3A_2530 = arith.constant 5.000000e+29 : f32
    %lt3A_2531 = vector.broadcast %lt3A_2530 : f32 to vector<16xf32>
    %lt3A_2532 = arith.cmpf olt, %min3A_2372, %lt3A_2531 : vector<16xf32>
    %jit3A_2533 = arith.constant 0.000000e+00 : f32
    %broadcast_in_dim3A_2534 = vector.broadcast %jit3A_2533 : f32 to vector<16xf32>
    %select_n3A_2535 = arith.select %lt3A_2532, %min3A_2372, %broadcast_in_dim3A_2534 : vector<16xi1>, vector<16xf32>
    %jit3A_2536 = arith.constant 0.000000e+00 : f32
    %broadcast_in_dim3A_2537 = vector.broadcast %jit3A_2536 : f32 to vector<16xf32>
    %select_n3A_2538 = arith.select %lt3A_2529, %select_n3A_2535, %broadcast_in_dim3A_2537 : vector<16xi1>, vector<16xf32>
    %get3A_2539 = arith.constant 8 : i32
    %get3A_2540 = arith.index_cast %get3A_2539 : i32 to index
    %get3A_2541 = arith.constant 0 : index
    %get3A_2542 = tpu.vector_load %arg9[%get3A_2540, %get3A_2541] {strides = array<i32>} : memref<16x16xf32, #tpu.memory_space<vmem>>, vector<1x16xf32>,
    %get3A_2543 = vector.shape_cast %get3A_2542 : vector<1x16xf32> to vector<16xf32>
    %add3A_2544 = arith.constant 1.000000e+00 : f32
    %add3A_2545 = vector.broadcast %add3A_2544 : f32 to vector<16xf32>
    %add3A_2546 = arith.addf %add3A_2545, %get3A_2543 : vector<16xf32>
    %sub3A_2547 = arith.subf %add3A_2546, %select_n3A_2538 : vector<16xf32>
    %max3A_2548 = arith.constant 0.000000e+00 : f32
    %max3A_2549 = vector.broadcast %max3A_2548 : f32 to vector<16xf32>
    %max3A_2550 = arith.maximumf %sub3A_2547, %max3A_2549 : vector<16xf32>
    %add3A_2551 = arith.addf %add3A_2269, %max3A_2550 : vector<16xf32>
    %get3A_2552 = arith.constant 9 : i32
    %get3A_2553 = arith.index_cast %get3A_2552 : i32 to index
    %get3A_2554 = arith.constant 0 : index
    %get3A_2555 = tpu.vector_load %arg8[%get3A_2553, %get3A_2554] {strides = array<i32>} : memref<16x128xf32, #tpu.memory_space<vmem>>, vector<1x16xf32>,
    %get3A_2556 = vector.shape_cast %get3A_2555 : vector<1x16xf32> to vector<16xf32>
    %get3A_2557 = arith.constant 9 : i32
    %get3A_2558 = arith.index_cast %get3A_2557 : i32 to index
    %get3A_2559 = arith.constant 16 : index
    %get3A_2560 = tpu.vector_load %arg8[%get3A_2558, %get3A_2559] {strides = array<i32>} : memref<16x128xf32, #tpu.memory_space<vmem>>, vector<1x16xf32>,
    %get3A_2561 = vector.shape_cast %get3A_2560 : vector<1x16xf32> to vector<16xf32>
    %min3A_2562 = arith.minimumf %get3A_2556, %get3A_2561 : vector<16xf32>
    %get3A_2563 = arith.constant 9 : i32
    %get3A_2564 = arith.index_cast %get3A_2563 : i32 to index
    %get3A_2565 = arith.constant 32 : index
    %get3A_2566 = tpu.vector_load %arg8[%get3A_2564, %get3A_2565] {strides = array<i32>} : memref<16x128xf32, #tpu.memory_space<vmem>>, vector<1x16xf32>,
    %get3A_2567 = vector.shape_cast %get3A_2566 : vector<1x16xf32> to vector<16xf32>
    %min3A_2568 = arith.minimumf %min3A_2562, %get3A_2567 : vector<16xf32>
    %get3A_2569 = arith.constant 9 : i32
    %get3A_2570 = arith.index_cast %get3A_2569 : i32 to index
    %get3A_2571 = arith.constant 48 : index
    %get3A_2572 = tpu.vector_load %arg8[%get3A_2570, %get3A_2571] {strides = array<i32>} : memref<16x128xf32, #tpu.memory_space<vmem>>, vector<1x16xf32>,
    %get3A_2573 = vector.shape_cast %get3A_2572 : vector<1x16xf32> to vector<16xf32>
    %min3A_2574 = arith.minimumf %min3A_2568, %get3A_2573 : vector<16xf32>
    %get3A_2575 = arith.constant 9 : i32
    %get3A_2576 = arith.index_cast %get3A_2575 : i32 to index
    %get3A_2577 = arith.constant 64 : index
    %get3A_2578 = tpu.vector_load %arg8[%get3A_2576, %get3A_2577] {strides = array<i32>} : memref<16x128xf32, #tpu.memory_space<vmem>>, vector<1x16xf32>,
    %get3A_2579 = vector.shape_cast %get3A_2578 : vector<1x16xf32> to vector<16xf32>
    %min3A_2580 = arith.minimumf %min3A_2574, %get3A_2579 : vector<16xf32>
    %get3A_2581 = arith.constant 9 : i32
    %get3A_2582 = arith.index_cast %get3A_2581 : i32 to index
    %get3A_2583 = arith.constant 80 : index
    %get3A_2584 = tpu.vector_load %arg8[%get3A_2582, %get3A_2583] {strides = array<i32>} : memref<16x128xf32, #tpu.memory_space<vmem>>, vector<1x16xf32>,
    %get3A_2585 = vector.shape_cast %get3A_2584 : vector<1x16xf32> to vector<16xf32>
    %min3A_2586 = arith.minimumf %min3A_2580, %get3A_2585 : vector<16xf32>
    %get3A_2587 = arith.constant 9 : i32
    %get3A_2588 = arith.index_cast %get3A_2587 : i32 to index
    %get3A_2589 = arith.constant 96 : index
    %get3A_2590 = tpu.vector_load %arg8[%get3A_2588, %get3A_2589] {strides = array<i32>} : memref<16x128xf32, #tpu.memory_space<vmem>>, vector<1x16xf32>,
    %get3A_2591 = vector.shape_cast %get3A_2590 : vector<1x16xf32> to vector<16xf32>
    %min3A_2592 = arith.minimumf %min3A_2586, %get3A_2591 : vector<16xf32>
    %get3A_2593 = arith.constant 9 : i32
    %get3A_2594 = arith.index_cast %get3A_2593 : i32 to index
    %get3A_2595 = arith.constant 112 : index
    %get3A_2596 = tpu.vector_load %arg8[%get3A_2594, %get3A_2595] {strides = array<i32>} : memref<16x128xf32, #tpu.memory_space<vmem>>, vector<1x16xf32>,
    %get3A_2597 = vector.shape_cast %get3A_2596 : vector<1x16xf32> to vector<16xf32>
    %min3A_2598 = arith.minimumf %min3A_2592, %get3A_2597 : vector<16xf32>
    %xor3A_2599 = arith.constant 8 : i32
    %xor3A_2600 = vector.broadcast %xor3A_2599 : i32 to vector<16xi32>
    %xor3A_2601 = arith.xori %iota3A, %xor3A_2600 : vector<16xi32>
    %lt3A_2602 = arith.constant 0 : i32
    %lt3A_2603 = vector.broadcast %lt3A_2602 : i32 to vector<16xi32>
    %lt3A_2604 = arith.cmpi slt, %xor3A_2601, %lt3A_2603 : vector<16xi32>
    %add3A_2605 = arith.constant 16 : i32
    %add3A_2606 = vector.broadcast %add3A_2605 : i32 to vector<16xi32>
    %add3A_2607 = arith.addi %xor3A_2601, %add3A_2606 : vector<16xi32>
    %select_n3A_2608 = arith.select %lt3A_2604, %add3A_2607, %xor3A_2601 : vector<16xi1>, vector<16xi32>
    %broadcast_in_dim3A_2609 = vector.shape_cast %select_n3A_2608 : vector<16xi32> to vector<16x1xi32>
    %gather3A_2610 = vector.shape_cast %broadcast_in_dim3A_2609 : vector<16x1xi32> to vector<16xi32>
    %gather3A_2611 = tpu.dynamic_gather %min3A_2598[%gather3A_2610] in [0] : vector<16xf32>, vector<16xi32> -> vector<16xf32>
    %min3A_2612 = arith.minimumf %min3A_2598, %gather3A_2611 : vector<16xf32>
    %xor3A_2613 = arith.constant 4 : i32
    %xor3A_2614 = vector.broadcast %xor3A_2613 : i32 to vector<16xi32>
    %xor3A_2615 = arith.xori %iota3A, %xor3A_2614 : vector<16xi32>
    %lt3A_2616 = arith.constant 0 : i32
    %lt3A_2617 = vector.broadcast %lt3A_2616 : i32 to vector<16xi32>
    %lt3A_2618 = arith.cmpi slt, %xor3A_2615, %lt3A_2617 : vector<16xi32>
    %add3A_2619 = arith.constant 16 : i32
    %add3A_2620 = vector.broadcast %add3A_2619 : i32 to vector<16xi32>
    %add3A_2621 = arith.addi %xor3A_2615, %add3A_2620 : vector<16xi32>
    %select_n3A_2622 = arith.select %lt3A_2618, %add3A_2621, %xor3A_2615 : vector<16xi1>, vector<16xi32>
    %broadcast_in_dim3A_2623 = vector.shape_cast %select_n3A_2622 : vector<16xi32> to vector<16x1xi32>
    %gather3A_2624 = vector.shape_cast %broadcast_in_dim3A_2623 : vector<16x1xi32> to vector<16xi32>
    %gather3A_2625 = tpu.dynamic_gather %min3A_2612[%gather3A_2624] in [0] : vector<16xf32>, vector<16xi32> -> vector<16xf32>
    %min3A_2626 = arith.minimumf %min3A_2612, %gather3A_2625 : vector<16xf32>
    %xor3A_2627 = arith.constant 2 : i32
    %xor3A_2628 = vector.broadcast %xor3A_2627 : i32 to vector<16xi32>
    %xor3A_2629 = arith.xori %iota3A, %xor3A_2628 : vector<16xi32>
    %lt3A_2630 = arith.constant 0 : i32
    %lt3A_2631 = vector.broadcast %lt3A_2630 : i32 to vector<16xi32>
    %lt3A_2632 = arith.cmpi slt, %xor3A_2629, %lt3A_2631 : vector<16xi32>
    %add3A_2633 = arith.constant 16 : i32
    %add3A_2634 = vector.broadcast %add3A_2633 : i32 to vector<16xi32>
    %add3A_2635 = arith.addi %xor3A_2629, %add3A_2634 : vector<16xi32>
    %select_n3A_2636 = arith.select %lt3A_2632, %add3A_2635, %xor3A_2629 : vector<16xi1>, vector<16xi32>
    %broadcast_in_dim3A_2637 = vector.shape_cast %select_n3A_2636 : vector<16xi32> to vector<16x1xi32>
    %gather3A_2638 = vector.shape_cast %broadcast_in_dim3A_2637 : vector<16x1xi32> to vector<16xi32>
    %gather3A_2639 = tpu.dynamic_gather %min3A_2626[%gather3A_2638] in [0] : vector<16xf32>, vector<16xi32> -> vector<16xf32>
    %min3A_2640 = arith.minimumf %min3A_2626, %gather3A_2639 : vector<16xf32>
    %xor3A_2641 = arith.constant 1 : i32
    %xor3A_2642 = vector.broadcast %xor3A_2641 : i32 to vector<16xi32>
    %xor3A_2643 = arith.xori %iota3A, %xor3A_2642 : vector<16xi32>
    %lt3A_2644 = arith.constant 0 : i32
    %lt3A_2645 = vector.broadcast %lt3A_2644 : i32 to vector<16xi32>
    %lt3A_2646 = arith.cmpi slt, %xor3A_2643, %lt3A_2645 : vector<16xi32>
    %add3A_2647 = arith.constant 16 : i32
    %add3A_2648 = vector.broadcast %add3A_2647 : i32 to vector<16xi32>
    %add3A_2649 = arith.addi %xor3A_2643, %add3A_2648 : vector<16xi32>
    %select_n3A_2650 = arith.select %lt3A_2646, %add3A_2649, %xor3A_2643 : vector<16xi1>, vector<16xi32>
    %broadcast_in_dim3A_2651 = vector.shape_cast %select_n3A_2650 : vector<16xi32> to vector<16x1xi32>
    %gather3A_2652 = vector.shape_cast %broadcast_in_dim3A_2651 : vector<16x1xi32> to vector<16xi32>
    %gather3A_2653 = tpu.dynamic_gather %min3A_2640[%gather3A_2652] in [0] : vector<16xf32>, vector<16xi32> -> vector<16xf32>
    %min3A_2654 = arith.minimumf %min3A_2640, %gather3A_2653 : vector<16xf32>
    %broadcast_in_dim3A_2655 = arith.constant 0.000000e+00 : f32
    %broadcast_in_dim3A_2656 = vector.broadcast %broadcast_in_dim3A_2655 : f32 to vector<16xf32>
    %get3A_2657 = arith.constant 9 : i32
    %get3A_2658 = arith.index_cast %get3A_2657 : i32 to index
    %get3A_2659 = arith.constant 0 : index
    %get3A_2660 = tpu.vector_load %arg7[%get3A_2658, %get3A_2659] {strides = array<i32>} : memref<16x128xf32, #tpu.memory_space<vmem>>, vector<1x16xf32>,
    %get3A_2661 = vector.shape_cast %get3A_2660 : vector<1x16xf32> to vector<16xf32>
    %lt3A_2662 = arith.cmpf olt, %get3A_2661, %min3A_2654 : vector<16xf32>
    %jit3A_2663 = arith.constant 1.000000e+00 : f32
    %jit3A_2664 = arith.constant 0.000000e+00 : f32
    %broadcast_in_dim3A_2665 = vector.broadcast %jit3A_2663 : f32 to vector<16xf32>
    %broadcast_in_dim3A_2666 = vector.broadcast %jit3A_2664 : f32 to vector<16xf32>
    %select_n3A_2667 = arith.select %lt3A_2662, %broadcast_in_dim3A_2665, %broadcast_in_dim3A_2666 : vector<16xi1>, vector<16xf32>
    %add3A_2668 = arith.addf %broadcast_in_dim3A_2656, %select_n3A_2667 : vector<16xf32>
    %get3A_2669 = arith.constant 9 : i32
    %get3A_2670 = arith.index_cast %get3A_2669 : i32 to index
    %get3A_2671 = arith.constant 16 : index
    %get3A_2672 = tpu.vector_load %arg7[%get3A_2670, %get3A_2671] {strides = array<i32>} : memref<16x128xf32, #tpu.memory_space<vmem>>, vector<1x16xf32>,
    %get3A_2673 = vector.shape_cast %get3A_2672 : vector<1x16xf32> to vector<16xf32>
    %lt3A_2674 = arith.cmpf olt, %get3A_2673, %min3A_2654 : vector<16xf32>
    %jit3A_2675 = arith.constant 1.000000e+00 : f32
    %jit3A_2676 = arith.constant 0.000000e+00 : f32
    %broadcast_in_dim3A_2677 = vector.broadcast %jit3A_2675 : f32 to vector<16xf32>
    %broadcast_in_dim3A_2678 = vector.broadcast %jit3A_2676 : f32 to vector<16xf32>
    %select_n3A_2679 = arith.select %lt3A_2674, %broadcast_in_dim3A_2677, %broadcast_in_dim3A_2678 : vector<16xi1>, vector<16xf32>
    %add3A_2680 = arith.addf %add3A_2668, %select_n3A_2679 : vector<16xf32>
    %get3A_2681 = arith.constant 9 : i32
    %get3A_2682 = arith.index_cast %get3A_2681 : i32 to index
    %get3A_2683 = arith.constant 32 : index
    %get3A_2684 = tpu.vector_load %arg7[%get3A_2682, %get3A_2683] {strides = array<i32>} : memref<16x128xf32, #tpu.memory_space<vmem>>, vector<1x16xf32>,
    %get3A_2685 = vector.shape_cast %get3A_2684 : vector<1x16xf32> to vector<16xf32>
    %lt3A_2686 = arith.cmpf olt, %get3A_2685, %min3A_2654 : vector<16xf32>
    %jit3A_2687 = arith.constant 1.000000e+00 : f32
    %jit3A_2688 = arith.constant 0.000000e+00 : f32
    %broadcast_in_dim3A_2689 = vector.broadcast %jit3A_2687 : f32 to vector<16xf32>
    %broadcast_in_dim3A_2690 = vector.broadcast %jit3A_2688 : f32 to vector<16xf32>
    %select_n3A_2691 = arith.select %lt3A_2686, %broadcast_in_dim3A_2689, %broadcast_in_dim3A_2690 : vector<16xi1>, vector<16xf32>
    %add3A_2692 = arith.addf %add3A_2680, %select_n3A_2691 : vector<16xf32>
    %get3A_2693 = arith.constant 9 : i32
    %get3A_2694 = arith.index_cast %get3A_2693 : i32 to index
    %get3A_2695 = arith.constant 48 : index
    %get3A_2696 = tpu.vector_load %arg7[%get3A_2694, %get3A_2695] {strides = array<i32>} : memref<16x128xf32, #tpu.memory_space<vmem>>, vector<1x16xf32>,
    %get3A_2697 = vector.shape_cast %get3A_2696 : vector<1x16xf32> to vector<16xf32>
    %lt3A_2698 = arith.cmpf olt, %get3A_2697, %min3A_2654 : vector<16xf32>
    %jit3A_2699 = arith.constant 1.000000e+00 : f32
    %jit3A_2700 = arith.constant 0.000000e+00 : f32
    %broadcast_in_dim3A_2701 = vector.broadcast %jit3A_2699 : f32 to vector<16xf32>
    %broadcast_in_dim3A_2702 = vector.broadcast %jit3A_2700 : f32 to vector<16xf32>
    %select_n3A_2703 = arith.select %lt3A_2698, %broadcast_in_dim3A_2701, %broadcast_in_dim3A_2702 : vector<16xi1>, vector<16xf32>
    %add3A_2704 = arith.addf %add3A_2692, %select_n3A_2703 : vector<16xf32>
    %get3A_2705 = arith.constant 9 : i32
    %get3A_2706 = arith.index_cast %get3A_2705 : i32 to index
    %get3A_2707 = arith.constant 64 : index
    %get3A_2708 = tpu.vector_load %arg7[%get3A_2706, %get3A_2707] {strides = array<i32>} : memref<16x128xf32, #tpu.memory_space<vmem>>, vector<1x16xf32>,
    %get3A_2709 = vector.shape_cast %get3A_2708 : vector<1x16xf32> to vector<16xf32>
    %lt3A_2710 = arith.cmpf olt, %get3A_2709, %min3A_2654 : vector<16xf32>
    %jit3A_2711 = arith.constant 1.000000e+00 : f32
    %jit3A_2712 = arith.constant 0.000000e+00 : f32
    %broadcast_in_dim3A_2713 = vector.broadcast %jit3A_2711 : f32 to vector<16xf32>
    %broadcast_in_dim3A_2714 = vector.broadcast %jit3A_2712 : f32 to vector<16xf32>
    %select_n3A_2715 = arith.select %lt3A_2710, %broadcast_in_dim3A_2713, %broadcast_in_dim3A_2714 : vector<16xi1>, vector<16xf32>
    %add3A_2716 = arith.addf %add3A_2704, %select_n3A_2715 : vector<16xf32>
    %get3A_2717 = arith.constant 9 : i32
    %get3A_2718 = arith.index_cast %get3A_2717 : i32 to index
    %get3A_2719 = arith.constant 80 : index
    %get3A_2720 = tpu.vector_load %arg7[%get3A_2718, %get3A_2719] {strides = array<i32>} : memref<16x128xf32, #tpu.memory_space<vmem>>, vector<1x16xf32>,
    %get3A_2721 = vector.shape_cast %get3A_2720 : vector<1x16xf32> to vector<16xf32>
    %lt3A_2722 = arith.cmpf olt, %get3A_2721, %min3A_2654 : vector<16xf32>
    %jit3A_2723 = arith.constant 1.000000e+00 : f32
    %jit3A_2724 = arith.constant 0.000000e+00 : f32
    %broadcast_in_dim3A_2725 = vector.broadcast %jit3A_2723 : f32 to vector<16xf32>
    %broadcast_in_dim3A_2726 = vector.broadcast %jit3A_2724 : f32 to vector<16xf32>
    %select_n3A_2727 = arith.select %lt3A_2722, %broadcast_in_dim3A_2725, %broadcast_in_dim3A_2726 : vector<16xi1>, vector<16xf32>
    %add3A_2728 = arith.addf %add3A_2716, %select_n3A_2727 : vector<16xf32>
    %get3A_2729 = arith.constant 9 : i32
    %get3A_2730 = arith.index_cast %get3A_2729 : i32 to index
    %get3A_2731 = arith.constant 96 : index
    %get3A_2732 = tpu.vector_load %arg7[%get3A_2730, %get3A_2731] {strides = array<i32>} : memref<16x128xf32, #tpu.memory_space<vmem>>, vector<1x16xf32>,
    %get3A_2733 = vector.shape_cast %get3A_2732 : vector<1x16xf32> to vector<16xf32>
    %lt3A_2734 = arith.cmpf olt, %get3A_2733, %min3A_2654 : vector<16xf32>
    %jit3A_2735 = arith.constant 1.000000e+00 : f32
    %jit3A_2736 = arith.constant 0.000000e+00 : f32
    %broadcast_in_dim3A_2737 = vector.broadcast %jit3A_2735 : f32 to vector<16xf32>
    %broadcast_in_dim3A_2738 = vector.broadcast %jit3A_2736 : f32 to vector<16xf32>
    %select_n3A_2739 = arith.select %lt3A_2734, %broadcast_in_dim3A_2737, %broadcast_in_dim3A_2738 : vector<16xi1>, vector<16xf32>
    %add3A_2740 = arith.addf %add3A_2728, %select_n3A_2739 : vector<16xf32>
    %get3A_2741 = arith.constant 9 : i32
    %get3A_2742 = arith.index_cast %get3A_2741 : i32 to index
    %get3A_2743 = arith.constant 112 : index
    %get3A_2744 = tpu.vector_load %arg7[%get3A_2742, %get3A_2743] {strides = array<i32>} : memref<16x128xf32, #tpu.memory_space<vmem>>, vector<1x16xf32>,
    %get3A_2745 = vector.shape_cast %get3A_2744 : vector<1x16xf32> to vector<16xf32>
    %lt3A_2746 = arith.cmpf olt, %get3A_2745, %min3A_2654 : vector<16xf32>
    %jit3A_2747 = arith.constant 1.000000e+00 : f32
    %jit3A_2748 = arith.constant 0.000000e+00 : f32
    %broadcast_in_dim3A_2749 = vector.broadcast %jit3A_2747 : f32 to vector<16xf32>
    %broadcast_in_dim3A_2750 = vector.broadcast %jit3A_2748 : f32 to vector<16xf32>
    %select_n3A_2751 = arith.select %lt3A_2746, %broadcast_in_dim3A_2749, %broadcast_in_dim3A_2750 : vector<16xi1>, vector<16xf32>
    %add3A_2752 = arith.addf %add3A_2740, %select_n3A_2751 : vector<16xf32>
    %xor3A_2753 = arith.constant 8 : i32
    %xor3A_2754 = vector.broadcast %xor3A_2753 : i32 to vector<16xi32>
    %xor3A_2755 = arith.xori %iota3A, %xor3A_2754 : vector<16xi32>
    %lt3A_2756 = arith.constant 0 : i32
    %lt3A_2757 = vector.broadcast %lt3A_2756 : i32 to vector<16xi32>
    %lt3A_2758 = arith.cmpi slt, %xor3A_2755, %lt3A_2757 : vector<16xi32>
    %add3A_2759 = arith.constant 16 : i32
    %add3A_2760 = vector.broadcast %add3A_2759 : i32 to vector<16xi32>
    %add3A_2761 = arith.addi %xor3A_2755, %add3A_2760 : vector<16xi32>
    %select_n3A_2762 = arith.select %lt3A_2758, %add3A_2761, %xor3A_2755 : vector<16xi1>, vector<16xi32>
    %broadcast_in_dim3A_2763 = vector.shape_cast %select_n3A_2762 : vector<16xi32> to vector<16x1xi32>
    %gather3A_2764 = vector.shape_cast %broadcast_in_dim3A_2763 : vector<16x1xi32> to vector<16xi32>
    %gather3A_2765 = tpu.dynamic_gather %add3A_2752[%gather3A_2764] in [0] : vector<16xf32>, vector<16xi32> -> vector<16xf32>
    %add3A_2766 = arith.addf %add3A_2752, %gather3A_2765 : vector<16xf32>
    %xor3A_2767 = arith.constant 4 : i32
    %xor3A_2768 = vector.broadcast %xor3A_2767 : i32 to vector<16xi32>
    %xor3A_2769 = arith.xori %iota3A, %xor3A_2768 : vector<16xi32>
    %lt3A_2770 = arith.constant 0 : i32
    %lt3A_2771 = vector.broadcast %lt3A_2770 : i32 to vector<16xi32>
    %lt3A_2772 = arith.cmpi slt, %xor3A_2769, %lt3A_2771 : vector<16xi32>
    %add3A_2773 = arith.constant 16 : i32
    %add3A_2774 = vector.broadcast %add3A_2773 : i32 to vector<16xi32>
    %add3A_2775 = arith.addi %xor3A_2769, %add3A_2774 : vector<16xi32>
    %select_n3A_2776 = arith.select %lt3A_2772, %add3A_2775, %xor3A_2769 : vector<16xi1>, vector<16xi32>
    %broadcast_in_dim3A_2777 = vector.shape_cast %select_n3A_2776 : vector<16xi32> to vector<16x1xi32>
    %gather3A_2778 = vector.shape_cast %broadcast_in_dim3A_2777 : vector<16x1xi32> to vector<16xi32>
    %gather3A_2779 = tpu.dynamic_gather %add3A_2766[%gather3A_2778] in [0] : vector<16xf32>, vector<16xi32> -> vector<16xf32>
    %add3A_2780 = arith.addf %add3A_2766, %gather3A_2779 : vector<16xf32>
    %xor3A_2781 = arith.constant 2 : i32
    %xor3A_2782 = vector.broadcast %xor3A_2781 : i32 to vector<16xi32>
    %xor3A_2783 = arith.xori %iota3A, %xor3A_2782 : vector<16xi32>
    %lt3A_2784 = arith.constant 0 : i32
    %lt3A_2785 = vector.broadcast %lt3A_2784 : i32 to vector<16xi32>
    %lt3A_2786 = arith.cmpi slt, %xor3A_2783, %lt3A_2785 : vector<16xi32>
    %add3A_2787 = arith.constant 16 : i32
    %add3A_2788 = vector.broadcast %add3A_2787 : i32 to vector<16xi32>
    %add3A_2789 = arith.addi %xor3A_2783, %add3A_2788 : vector<16xi32>
    %select_n3A_2790 = arith.select %lt3A_2786, %add3A_2789, %xor3A_2783 : vector<16xi1>, vector<16xi32>
    %broadcast_in_dim3A_2791 = vector.shape_cast %select_n3A_2790 : vector<16xi32> to vector<16x1xi32>
    %gather3A_2792 = vector.shape_cast %broadcast_in_dim3A_2791 : vector<16x1xi32> to vector<16xi32>
    %gather3A_2793 = tpu.dynamic_gather %add3A_2780[%gather3A_2792] in [0] : vector<16xf32>, vector<16xi32> -> vector<16xf32>
    %add3A_2794 = arith.addf %add3A_2780, %gather3A_2793 : vector<16xf32>
    %xor3A_2795 = arith.constant 1 : i32
    %xor3A_2796 = vector.broadcast %xor3A_2795 : i32 to vector<16xi32>
    %xor3A_2797 = arith.xori %iota3A, %xor3A_2796 : vector<16xi32>
    %lt3A_2798 = arith.constant 0 : i32
    %lt3A_2799 = vector.broadcast %lt3A_2798 : i32 to vector<16xi32>
    %lt3A_2800 = arith.cmpi slt, %xor3A_2797, %lt3A_2799 : vector<16xi32>
    %add3A_2801 = arith.constant 16 : i32
    %add3A_2802 = vector.broadcast %add3A_2801 : i32 to vector<16xi32>
    %add3A_2803 = arith.addi %xor3A_2797, %add3A_2802 : vector<16xi32>
    %select_n3A_2804 = arith.select %lt3A_2800, %add3A_2803, %xor3A_2797 : vector<16xi1>, vector<16xi32>
    %broadcast_in_dim3A_2805 = vector.shape_cast %select_n3A_2804 : vector<16xi32> to vector<16x1xi32>
    %gather3A_2806 = vector.shape_cast %broadcast_in_dim3A_2805 : vector<16x1xi32> to vector<16xi32>
    %gather3A_2807 = tpu.dynamic_gather %add3A_2794[%gather3A_2806] in [0] : vector<16xf32>, vector<16xi32> -> vector<16xf32>
    %add3A_2808 = arith.addf %add3A_2794, %gather3A_2807 : vector<16xf32>
    %lt3A_2809 = arith.constant 1.500000e+01 : f32
    %lt3A_2810 = vector.broadcast %lt3A_2809 : f32 to vector<16xf32>
    %lt3A_2811 = arith.cmpf olt, %add3A_2808, %lt3A_2810 : vector<16xf32>
    %lt3A_2812 = arith.constant 5.000000e+29 : f32
    %lt3A_2813 = vector.broadcast %lt3A_2812 : f32 to vector<16xf32>
    %lt3A_2814 = arith.cmpf olt, %min3A_2654, %lt3A_2813 : vector<16xf32>
    %jit3A_2815 = arith.constant 0.000000e+00 : f32
    %broadcast_in_dim3A_2816 = vector.broadcast %jit3A_2815 : f32 to vector<16xf32>
    %select_n3A_2817 = arith.select %lt3A_2814, %min3A_2654, %broadcast_in_dim3A_2816 : vector<16xi1>, vector<16xf32>
    %jit3A_2818 = arith.constant 0.000000e+00 : f32
    %broadcast_in_dim3A_2819 = vector.broadcast %jit3A_2818 : f32 to vector<16xf32>
    %select_n3A_2820 = arith.select %lt3A_2811, %select_n3A_2817, %broadcast_in_dim3A_2819 : vector<16xi1>, vector<16xf32>
    %get3A_2821 = arith.constant 9 : i32
    %get3A_2822 = arith.index_cast %get3A_2821 : i32 to index
    %get3A_2823 = arith.constant 0 : index
    %get3A_2824 = tpu.vector_load %arg9[%get3A_2822, %get3A_2823] {strides = array<i32>} : memref<16x16xf32, #tpu.memory_space<vmem>>, vector<1x16xf32>,
    %get3A_2825 = vector.shape_cast %get3A_2824 : vector<1x16xf32> to vector<16xf32>
    %add3A_2826 = arith.constant 1.000000e+00 : f32
    %add3A_2827 = vector.broadcast %add3A_2826 : f32 to vector<16xf32>
    %add3A_2828 = arith.addf %add3A_2827, %get3A_2825 : vector<16xf32>
    %sub3A_2829 = arith.subf %add3A_2828, %select_n3A_2820 : vector<16xf32>
    %max3A_2830 = arith.constant 0.000000e+00 : f32
    %max3A_2831 = vector.broadcast %max3A_2830 : f32 to vector<16xf32>
    %max3A_2832 = arith.maximumf %sub3A_2829, %max3A_2831 : vector<16xf32>
    %add3A_2833 = arith.addf %add3A_2551, %max3A_2832 : vector<16xf32>
    %get3A_2834 = arith.constant 10 : i32
    %get3A_2835 = arith.index_cast %get3A_2834 : i32 to index
    %get3A_2836 = arith.constant 0 : index
    %get3A_2837 = tpu.vector_load %arg8[%get3A_2835, %get3A_2836] {strides = array<i32>} : memref<16x128xf32, #tpu.memory_space<vmem>>, vector<1x16xf32>,
    %get3A_2838 = vector.shape_cast %get3A_2837 : vector<1x16xf32> to vector<16xf32>
    %get3A_2839 = arith.constant 10 : i32
    %get3A_2840 = arith.index_cast %get3A_2839 : i32 to index
    %get3A_2841 = arith.constant 16 : index
    %get3A_2842 = tpu.vector_load %arg8[%get3A_2840, %get3A_2841] {strides = array<i32>} : memref<16x128xf32, #tpu.memory_space<vmem>>, vector<1x16xf32>,
    %get3A_2843 = vector.shape_cast %get3A_2842 : vector<1x16xf32> to vector<16xf32>
    %min3A_2844 = arith.minimumf %get3A_2838, %get3A_2843 : vector<16xf32>
    %get3A_2845 = arith.constant 10 : i32
    %get3A_2846 = arith.index_cast %get3A_2845 : i32 to index
    %get3A_2847 = arith.constant 32 : index
    %get3A_2848 = tpu.vector_load %arg8[%get3A_2846, %get3A_2847] {strides = array<i32>} : memref<16x128xf32, #tpu.memory_space<vmem>>, vector<1x16xf32>,
    %get3A_2849 = vector.shape_cast %get3A_2848 : vector<1x16xf32> to vector<16xf32>
    %min3A_2850 = arith.minimumf %min3A_2844, %get3A_2849 : vector<16xf32>
    %get3A_2851 = arith.constant 10 : i32
    %get3A_2852 = arith.index_cast %get3A_2851 : i32 to index
    %get3A_2853 = arith.constant 48 : index
    %get3A_2854 = tpu.vector_load %arg8[%get3A_2852, %get3A_2853] {strides = array<i32>} : memref<16x128xf32, #tpu.memory_space<vmem>>, vector<1x16xf32>,
    %get3A_2855 = vector.shape_cast %get3A_2854 : vector<1x16xf32> to vector<16xf32>
    %min3A_2856 = arith.minimumf %min3A_2850, %get3A_2855 : vector<16xf32>
    %get3A_2857 = arith.constant 10 : i32
    %get3A_2858 = arith.index_cast %get3A_2857 : i32 to index
    %get3A_2859 = arith.constant 64 : index
    %get3A_2860 = tpu.vector_load %arg8[%get3A_2858, %get3A_2859] {strides = array<i32>} : memref<16x128xf32, #tpu.memory_space<vmem>>, vector<1x16xf32>,
    %get3A_2861 = vector.shape_cast %get3A_2860 : vector<1x16xf32> to vector<16xf32>
    %min3A_2862 = arith.minimumf %min3A_2856, %get3A_2861 : vector<16xf32>
    %get3A_2863 = arith.constant 10 : i32
    %get3A_2864 = arith.index_cast %get3A_2863 : i32 to index
    %get3A_2865 = arith.constant 80 : index
    %get3A_2866 = tpu.vector_load %arg8[%get3A_2864, %get3A_2865] {strides = array<i32>} : memref<16x128xf32, #tpu.memory_space<vmem>>, vector<1x16xf32>,
    %get3A_2867 = vector.shape_cast %get3A_2866 : vector<1x16xf32> to vector<16xf32>
    %min3A_2868 = arith.minimumf %min3A_2862, %get3A_2867 : vector<16xf32>
    %get3A_2869 = arith.constant 10 : i32
    %get3A_2870 = arith.index_cast %get3A_2869 : i32 to index
    %get3A_2871 = arith.constant 96 : index
    %get3A_2872 = tpu.vector_load %arg8[%get3A_2870, %get3A_2871] {strides = array<i32>} : memref<16x128xf32, #tpu.memory_space<vmem>>, vector<1x16xf32>,
    %get3A_2873 = vector.shape_cast %get3A_2872 : vector<1x16xf32> to vector<16xf32>
    %min3A_2874 = arith.minimumf %min3A_2868, %get3A_2873 : vector<16xf32>
    %get3A_2875 = arith.constant 10 : i32
    %get3A_2876 = arith.index_cast %get3A_2875 : i32 to index
    %get3A_2877 = arith.constant 112 : index
    %get3A_2878 = tpu.vector_load %arg8[%get3A_2876, %get3A_2877] {strides = array<i32>} : memref<16x128xf32, #tpu.memory_space<vmem>>, vector<1x16xf32>,
    %get3A_2879 = vector.shape_cast %get3A_2878 : vector<1x16xf32> to vector<16xf32>
    %min3A_2880 = arith.minimumf %min3A_2874, %get3A_2879 : vector<16xf32>
    %xor3A_2881 = arith.constant 8 : i32
    %xor3A_2882 = vector.broadcast %xor3A_2881 : i32 to vector<16xi32>
    %xor3A_2883 = arith.xori %iota3A, %xor3A_2882 : vector<16xi32>
    %lt3A_2884 = arith.constant 0 : i32
    %lt3A_2885 = vector.broadcast %lt3A_2884 : i32 to vector<16xi32>
    %lt3A_2886 = arith.cmpi slt, %xor3A_2883, %lt3A_2885 : vector<16xi32>
    %add3A_2887 = arith.constant 16 : i32
    %add3A_2888 = vector.broadcast %add3A_2887 : i32 to vector<16xi32>
    %add3A_2889 = arith.addi %xor3A_2883, %add3A_2888 : vector<16xi32>
    %select_n3A_2890 = arith.select %lt3A_2886, %add3A_2889, %xor3A_2883 : vector<16xi1>, vector<16xi32>
    %broadcast_in_dim3A_2891 = vector.shape_cast %select_n3A_2890 : vector<16xi32> to vector<16x1xi32>
    %gather3A_2892 = vector.shape_cast %broadcast_in_dim3A_2891 : vector<16x1xi32> to vector<16xi32>
    %gather3A_2893 = tpu.dynamic_gather %min3A_2880[%gather3A_2892] in [0] : vector<16xf32>, vector<16xi32> -> vector<16xf32>
    %min3A_2894 = arith.minimumf %min3A_2880, %gather3A_2893 : vector<16xf32>
    %xor3A_2895 = arith.constant 4 : i32
    %xor3A_2896 = vector.broadcast %xor3A_2895 : i32 to vector<16xi32>
    %xor3A_2897 = arith.xori %iota3A, %xor3A_2896 : vector<16xi32>
    %lt3A_2898 = arith.constant 0 : i32
    %lt3A_2899 = vector.broadcast %lt3A_2898 : i32 to vector<16xi32>
    %lt3A_2900 = arith.cmpi slt, %xor3A_2897, %lt3A_2899 : vector<16xi32>
    %add3A_2901 = arith.constant 16 : i32
    %add3A_2902 = vector.broadcast %add3A_2901 : i32 to vector<16xi32>
    %add3A_2903 = arith.addi %xor3A_2897, %add3A_2902 : vector<16xi32>
    %select_n3A_2904 = arith.select %lt3A_2900, %add3A_2903, %xor3A_2897 : vector<16xi1>, vector<16xi32>
    %broadcast_in_dim3A_2905 = vector.shape_cast %select_n3A_2904 : vector<16xi32> to vector<16x1xi32>
    %gather3A_2906 = vector.shape_cast %broadcast_in_dim3A_2905 : vector<16x1xi32> to vector<16xi32>
    %gather3A_2907 = tpu.dynamic_gather %min3A_2894[%gather3A_2906] in [0] : vector<16xf32>, vector<16xi32> -> vector<16xf32>
    %min3A_2908 = arith.minimumf %min3A_2894, %gather3A_2907 : vector<16xf32>
    %xor3A_2909 = arith.constant 2 : i32
    %xor3A_2910 = vector.broadcast %xor3A_2909 : i32 to vector<16xi32>
    %xor3A_2911 = arith.xori %iota3A, %xor3A_2910 : vector<16xi32>
    %lt3A_2912 = arith.constant 0 : i32
    %lt3A_2913 = vector.broadcast %lt3A_2912 : i32 to vector<16xi32>
    %lt3A_2914 = arith.cmpi slt, %xor3A_2911, %lt3A_2913 : vector<16xi32>
    %add3A_2915 = arith.constant 16 : i32
    %add3A_2916 = vector.broadcast %add3A_2915 : i32 to vector<16xi32>
    %add3A_2917 = arith.addi %xor3A_2911, %add3A_2916 : vector<16xi32>
    %select_n3A_2918 = arith.select %lt3A_2914, %add3A_2917, %xor3A_2911 : vector<16xi1>, vector<16xi32>
    %broadcast_in_dim3A_2919 = vector.shape_cast %select_n3A_2918 : vector<16xi32> to vector<16x1xi32>
    %gather3A_2920 = vector.shape_cast %broadcast_in_dim3A_2919 : vector<16x1xi32> to vector<16xi32>
    %gather3A_2921 = tpu.dynamic_gather %min3A_2908[%gather3A_2920] in [0] : vector<16xf32>, vector<16xi32> -> vector<16xf32>
    %min3A_2922 = arith.minimumf %min3A_2908, %gather3A_2921 : vector<16xf32>
    %xor3A_2923 = arith.constant 1 : i32
    %xor3A_2924 = vector.broadcast %xor3A_2923 : i32 to vector<16xi32>
    %xor3A_2925 = arith.xori %iota3A, %xor3A_2924 : vector<16xi32>
    %lt3A_2926 = arith.constant 0 : i32
    %lt3A_2927 = vector.broadcast %lt3A_2926 : i32 to vector<16xi32>
    %lt3A_2928 = arith.cmpi slt, %xor3A_2925, %lt3A_2927 : vector<16xi32>
    %add3A_2929 = arith.constant 16 : i32
    %add3A_2930 = vector.broadcast %add3A_2929 : i32 to vector<16xi32>
    %add3A_2931 = arith.addi %xor3A_2925, %add3A_2930 : vector<16xi32>
    %select_n3A_2932 = arith.select %lt3A_2928, %add3A_2931, %xor3A_2925 : vector<16xi1>, vector<16xi32>
    %broadcast_in_dim3A_2933 = vector.shape_cast %select_n3A_2932 : vector<16xi32> to vector<16x1xi32>
    %gather3A_2934 = vector.shape_cast %broadcast_in_dim3A_2933 : vector<16x1xi32> to vector<16xi32>
    %gather3A_2935 = tpu.dynamic_gather %min3A_2922[%gather3A_2934] in [0] : vector<16xf32>, vector<16xi32> -> vector<16xf32>
    %min3A_2936 = arith.minimumf %min3A_2922, %gather3A_2935 : vector<16xf32>
    %broadcast_in_dim3A_2937 = arith.constant 0.000000e+00 : f32
    %broadcast_in_dim3A_2938 = vector.broadcast %broadcast_in_dim3A_2937 : f32 to vector<16xf32>
    %get3A_2939 = arith.constant 10 : i32
    %get3A_2940 = arith.index_cast %get3A_2939 : i32 to index
    %get3A_2941 = arith.constant 0 : index
    %get3A_2942 = tpu.vector_load %arg7[%get3A_2940, %get3A_2941] {strides = array<i32>} : memref<16x128xf32, #tpu.memory_space<vmem>>, vector<1x16xf32>,
    %get3A_2943 = vector.shape_cast %get3A_2942 : vector<1x16xf32> to vector<16xf32>
    %lt3A_2944 = arith.cmpf olt, %get3A_2943, %min3A_2936 : vector<16xf32>
    %jit3A_2945 = arith.constant 1.000000e+00 : f32
    %jit3A_2946 = arith.constant 0.000000e+00 : f32
    %broadcast_in_dim3A_2947 = vector.broadcast %jit3A_2945 : f32 to vector<16xf32>
    %broadcast_in_dim3A_2948 = vector.broadcast %jit3A_2946 : f32 to vector<16xf32>
    %select_n3A_2949 = arith.select %lt3A_2944, %broadcast_in_dim3A_2947, %broadcast_in_dim3A_2948 : vector<16xi1>, vector<16xf32>
    %add3A_2950 = arith.addf %broadcast_in_dim3A_2938, %select_n3A_2949 : vector<16xf32>
    %get3A_2951 = arith.constant 10 : i32
    %get3A_2952 = arith.index_cast %get3A_2951 : i32 to index
    %get3A_2953 = arith.constant 16 : index
    %get3A_2954 = tpu.vector_load %arg7[%get3A_2952, %get3A_2953] {strides = array<i32>} : memref<16x128xf32, #tpu.memory_space<vmem>>, vector<1x16xf32>,
    %get3A_2955 = vector.shape_cast %get3A_2954 : vector<1x16xf32> to vector<16xf32>
    %lt3A_2956 = arith.cmpf olt, %get3A_2955, %min3A_2936 : vector<16xf32>
    %jit3A_2957 = arith.constant 1.000000e+00 : f32
    %jit3A_2958 = arith.constant 0.000000e+00 : f32
    %broadcast_in_dim3A_2959 = vector.broadcast %jit3A_2957 : f32 to vector<16xf32>
    %broadcast_in_dim3A_2960 = vector.broadcast %jit3A_2958 : f32 to vector<16xf32>
    %select_n3A_2961 = arith.select %lt3A_2956, %broadcast_in_dim3A_2959, %broadcast_in_dim3A_2960 : vector<16xi1>, vector<16xf32>
    %add3A_2962 = arith.addf %add3A_2950, %select_n3A_2961 : vector<16xf32>
    %get3A_2963 = arith.constant 10 : i32
    %get3A_2964 = arith.index_cast %get3A_2963 : i32 to index
    %get3A_2965 = arith.constant 32 : index
    %get3A_2966 = tpu.vector_load %arg7[%get3A_2964, %get3A_2965] {strides = array<i32>} : memref<16x128xf32, #tpu.memory_space<vmem>>, vector<1x16xf32>,
    %get3A_2967 = vector.shape_cast %get3A_2966 : vector<1x16xf32> to vector<16xf32>
    %lt3A_2968 = arith.cmpf olt, %get3A_2967, %min3A_2936 : vector<16xf32>
    %jit3A_2969 = arith.constant 1.000000e+00 : f32
    %jit3A_2970 = arith.constant 0.000000e+00 : f32
    %broadcast_in_dim3A_2971 = vector.broadcast %jit3A_2969 : f32 to vector<16xf32>
    %broadcast_in_dim3A_2972 = vector.broadcast %jit3A_2970 : f32 to vector<16xf32>
    %select_n3A_2973 = arith.select %lt3A_2968, %broadcast_in_dim3A_2971, %broadcast_in_dim3A_2972 : vector<16xi1>, vector<16xf32>
    %add3A_2974 = arith.addf %add3A_2962, %select_n3A_2973 : vector<16xf32>
    %get3A_2975 = arith.constant 10 : i32
    %get3A_2976 = arith.index_cast %get3A_2975 : i32 to index
    %get3A_2977 = arith.constant 48 : index
    %get3A_2978 = tpu.vector_load %arg7[%get3A_2976, %get3A_2977] {strides = array<i32>} : memref<16x128xf32, #tpu.memory_space<vmem>>, vector<1x16xf32>,
    %get3A_2979 = vector.shape_cast %get3A_2978 : vector<1x16xf32> to vector<16xf32>
    %lt3A_2980 = arith.cmpf olt, %get3A_2979, %min3A_2936 : vector<16xf32>
    %jit3A_2981 = arith.constant 1.000000e+00 : f32
    %jit3A_2982 = arith.constant 0.000000e+00 : f32
    %broadcast_in_dim3A_2983 = vector.broadcast %jit3A_2981 : f32 to vector<16xf32>
    %broadcast_in_dim3A_2984 = vector.broadcast %jit3A_2982 : f32 to vector<16xf32>
    %select_n3A_2985 = arith.select %lt3A_2980, %broadcast_in_dim3A_2983, %broadcast_in_dim3A_2984 : vector<16xi1>, vector<16xf32>
    %add3A_2986 = arith.addf %add3A_2974, %select_n3A_2985 : vector<16xf32>
    %get3A_2987 = arith.constant 10 : i32
    %get3A_2988 = arith.index_cast %get3A_2987 : i32 to index
    %get3A_2989 = arith.constant 64 : index
    %get3A_2990 = tpu.vector_load %arg7[%get3A_2988, %get3A_2989] {strides = array<i32>} : memref<16x128xf32, #tpu.memory_space<vmem>>, vector<1x16xf32>,
    %get3A_2991 = vector.shape_cast %get3A_2990 : vector<1x16xf32> to vector<16xf32>
    %lt3A_2992 = arith.cmpf olt, %get3A_2991, %min3A_2936 : vector<16xf32>
    %jit3A_2993 = arith.constant 1.000000e+00 : f32
    %jit3A_2994 = arith.constant 0.000000e+00 : f32
    %broadcast_in_dim3A_2995 = vector.broadcast %jit3A_2993 : f32 to vector<16xf32>
    %broadcast_in_dim3A_2996 = vector.broadcast %jit3A_2994 : f32 to vector<16xf32>
    %select_n3A_2997 = arith.select %lt3A_2992, %broadcast_in_dim3A_2995, %broadcast_in_dim3A_2996 : vector<16xi1>, vector<16xf32>
    %add3A_2998 = arith.addf %add3A_2986, %select_n3A_2997 : vector<16xf32>
    %get3A_2999 = arith.constant 10 : i32
    %get3A_3000 = arith.index_cast %get3A_2999 : i32 to index
    %get3A_3001 = arith.constant 80 : index
    %get3A_3002 = tpu.vector_load %arg7[%get3A_3000, %get3A_3001] {strides = array<i32>} : memref<16x128xf32, #tpu.memory_space<vmem>>, vector<1x16xf32>,
    %get3A_3003 = vector.shape_cast %get3A_3002 : vector<1x16xf32> to vector<16xf32>
    %lt3A_3004 = arith.cmpf olt, %get3A_3003, %min3A_2936 : vector<16xf32>
    %jit3A_3005 = arith.constant 1.000000e+00 : f32
    %jit3A_3006 = arith.constant 0.000000e+00 : f32
    %broadcast_in_dim3A_3007 = vector.broadcast %jit3A_3005 : f32 to vector<16xf32>
    %broadcast_in_dim3A_3008 = vector.broadcast %jit3A_3006 : f32 to vector<16xf32>
    %select_n3A_3009 = arith.select %lt3A_3004, %broadcast_in_dim3A_3007, %broadcast_in_dim3A_3008 : vector<16xi1>, vector<16xf32>
    %add3A_3010 = arith.addf %add3A_2998, %select_n3A_3009 : vector<16xf32>
    %get3A_3011 = arith.constant 10 : i32
    %get3A_3012 = arith.index_cast %get3A_3011 : i32 to index
    %get3A_3013 = arith.constant 96 : index
    %get3A_3014 = tpu.vector_load %arg7[%get3A_3012, %get3A_3013] {strides = array<i32>} : memref<16x128xf32, #tpu.memory_space<vmem>>, vector<1x16xf32>,
    %get3A_3015 = vector.shape_cast %get3A_3014 : vector<1x16xf32> to vector<16xf32>
    %lt3A_3016 = arith.cmpf olt, %get3A_3015, %min3A_2936 : vector<16xf32>
    %jit3A_3017 = arith.constant 1.000000e+00 : f32
    %jit3A_3018 = arith.constant 0.000000e+00 : f32
    %broadcast_in_dim3A_3019 = vector.broadcast %jit3A_3017 : f32 to vector<16xf32>
    %broadcast_in_dim3A_3020 = vector.broadcast %jit3A_3018 : f32 to vector<16xf32>
    %select_n3A_3021 = arith.select %lt3A_3016, %broadcast_in_dim3A_3019, %broadcast_in_dim3A_3020 : vector<16xi1>, vector<16xf32>
    %add3A_3022 = arith.addf %add3A_3010, %select_n3A_3021 : vector<16xf32>
    %get3A_3023 = arith.constant 10 : i32
    %get3A_3024 = arith.index_cast %get3A_3023 : i32 to index
    %get3A_3025 = arith.constant 112 : index
    %get3A_3026 = tpu.vector_load %arg7[%get3A_3024, %get3A_3025] {strides = array<i32>} : memref<16x128xf32, #tpu.memory_space<vmem>>, vector<1x16xf32>,
    %get3A_3027 = vector.shape_cast %get3A_3026 : vector<1x16xf32> to vector<16xf32>
    %lt3A_3028 = arith.cmpf olt, %get3A_3027, %min3A_2936 : vector<16xf32>
    %jit3A_3029 = arith.constant 1.000000e+00 : f32
    %jit3A_3030 = arith.constant 0.000000e+00 : f32
    %broadcast_in_dim3A_3031 = vector.broadcast %jit3A_3029 : f32 to vector<16xf32>
    %broadcast_in_dim3A_3032 = vector.broadcast %jit3A_3030 : f32 to vector<16xf32>
    %select_n3A_3033 = arith.select %lt3A_3028, %broadcast_in_dim3A_3031, %broadcast_in_dim3A_3032 : vector<16xi1>, vector<16xf32>
    %add3A_3034 = arith.addf %add3A_3022, %select_n3A_3033 : vector<16xf32>
    %xor3A_3035 = arith.constant 8 : i32
    %xor3A_3036 = vector.broadcast %xor3A_3035 : i32 to vector<16xi32>
    %xor3A_3037 = arith.xori %iota3A, %xor3A_3036 : vector<16xi32>
    %lt3A_3038 = arith.constant 0 : i32
    %lt3A_3039 = vector.broadcast %lt3A_3038 : i32 to vector<16xi32>
    %lt3A_3040 = arith.cmpi slt, %xor3A_3037, %lt3A_3039 : vector<16xi32>
    %add3A_3041 = arith.constant 16 : i32
    %add3A_3042 = vector.broadcast %add3A_3041 : i32 to vector<16xi32>
    %add3A_3043 = arith.addi %xor3A_3037, %add3A_3042 : vector<16xi32>
    %select_n3A_3044 = arith.select %lt3A_3040, %add3A_3043, %xor3A_3037 : vector<16xi1>, vector<16xi32>
    %broadcast_in_dim3A_3045 = vector.shape_cast %select_n3A_3044 : vector<16xi32> to vector<16x1xi32>
    %gather3A_3046 = vector.shape_cast %broadcast_in_dim3A_3045 : vector<16x1xi32> to vector<16xi32>
    %gather3A_3047 = tpu.dynamic_gather %add3A_3034[%gather3A_3046] in [0] : vector<16xf32>, vector<16xi32> -> vector<16xf32>
    %add3A_3048 = arith.addf %add3A_3034, %gather3A_3047 : vector<16xf32>
    %xor3A_3049 = arith.constant 4 : i32
    %xor3A_3050 = vector.broadcast %xor3A_3049 : i32 to vector<16xi32>
    %xor3A_3051 = arith.xori %iota3A, %xor3A_3050 : vector<16xi32>
    %lt3A_3052 = arith.constant 0 : i32
    %lt3A_3053 = vector.broadcast %lt3A_3052 : i32 to vector<16xi32>
    %lt3A_3054 = arith.cmpi slt, %xor3A_3051, %lt3A_3053 : vector<16xi32>
    %add3A_3055 = arith.constant 16 : i32
    %add3A_3056 = vector.broadcast %add3A_3055 : i32 to vector<16xi32>
    %add3A_3057 = arith.addi %xor3A_3051, %add3A_3056 : vector<16xi32>
    %select_n3A_3058 = arith.select %lt3A_3054, %add3A_3057, %xor3A_3051 : vector<16xi1>, vector<16xi32>
    %broadcast_in_dim3A_3059 = vector.shape_cast %select_n3A_3058 : vector<16xi32> to vector<16x1xi32>
    %gather3A_3060 = vector.shape_cast %broadcast_in_dim3A_3059 : vector<16x1xi32> to vector<16xi32>
    %gather3A_3061 = tpu.dynamic_gather %add3A_3048[%gather3A_3060] in [0] : vector<16xf32>, vector<16xi32> -> vector<16xf32>
    %add3A_3062 = arith.addf %add3A_3048, %gather3A_3061 : vector<16xf32>
    %xor3A_3063 = arith.constant 2 : i32
    %xor3A_3064 = vector.broadcast %xor3A_3063 : i32 to vector<16xi32>
    %xor3A_3065 = arith.xori %iota3A, %xor3A_3064 : vector<16xi32>
    %lt3A_3066 = arith.constant 0 : i32
    %lt3A_3067 = vector.broadcast %lt3A_3066 : i32 to vector<16xi32>
    %lt3A_3068 = arith.cmpi slt, %xor3A_3065, %lt3A_3067 : vector<16xi32>
    %add3A_3069 = arith.constant 16 : i32
    %add3A_3070 = vector.broadcast %add3A_3069 : i32 to vector<16xi32>
    %add3A_3071 = arith.addi %xor3A_3065, %add3A_3070 : vector<16xi32>
    %select_n3A_3072 = arith.select %lt3A_3068, %add3A_3071, %xor3A_3065 : vector<16xi1>, vector<16xi32>
    %broadcast_in_dim3A_3073 = vector.shape_cast %select_n3A_3072 : vector<16xi32> to vector<16x1xi32>
    %gather3A_3074 = vector.shape_cast %broadcast_in_dim3A_3073 : vector<16x1xi32> to vector<16xi32>
    %gather3A_3075 = tpu.dynamic_gather %add3A_3062[%gather3A_3074] in [0] : vector<16xf32>, vector<16xi32> -> vector<16xf32>
    %add3A_3076 = arith.addf %add3A_3062, %gather3A_3075 : vector<16xf32>
    %xor3A_3077 = arith.constant 1 : i32
    %xor3A_3078 = vector.broadcast %xor3A_3077 : i32 to vector<16xi32>
    %xor3A_3079 = arith.xori %iota3A, %xor3A_3078 : vector<16xi32>
    %lt3A_3080 = arith.constant 0 : i32
    %lt3A_3081 = vector.broadcast %lt3A_3080 : i32 to vector<16xi32>
    %lt3A_3082 = arith.cmpi slt, %xor3A_3079, %lt3A_3081 : vector<16xi32>
    %add3A_3083 = arith.constant 16 : i32
    %add3A_3084 = vector.broadcast %add3A_3083 : i32 to vector<16xi32>
    %add3A_3085 = arith.addi %xor3A_3079, %add3A_3084 : vector<16xi32>
    %select_n3A_3086 = arith.select %lt3A_3082, %add3A_3085, %xor3A_3079 : vector<16xi1>, vector<16xi32>
    %broadcast_in_dim3A_3087 = vector.shape_cast %select_n3A_3086 : vector<16xi32> to vector<16x1xi32>
    %gather3A_3088 = vector.shape_cast %broadcast_in_dim3A_3087 : vector<16x1xi32> to vector<16xi32>
    %gather3A_3089 = tpu.dynamic_gather %add3A_3076[%gather3A_3088] in [0] : vector<16xf32>, vector<16xi32> -> vector<16xf32>
    %add3A_3090 = arith.addf %add3A_3076, %gather3A_3089 : vector<16xf32>
    %lt3A_3091 = arith.constant 1.500000e+01 : f32
    %lt3A_3092 = vector.broadcast %lt3A_3091 : f32 to vector<16xf32>
    %lt3A_3093 = arith.cmpf olt, %add3A_3090, %lt3A_3092 : vector<16xf32>
    %lt3A_3094 = arith.constant 5.000000e+29 : f32
    %lt3A_3095 = vector.broadcast %lt3A_3094 : f32 to vector<16xf32>
    %lt3A_3096 = arith.cmpf olt, %min3A_2936, %lt3A_3095 : vector<16xf32>
    %jit3A_3097 = arith.constant 0.000000e+00 : f32
    %broadcast_in_dim3A_3098 = vector.broadcast %jit3A_3097 : f32 to vector<16xf32>
    %select_n3A_3099 = arith.select %lt3A_3096, %min3A_2936, %broadcast_in_dim3A_3098 : vector<16xi1>, vector<16xf32>
    %jit3A_3100 = arith.constant 0.000000e+00 : f32
    %broadcast_in_dim3A_3101 = vector.broadcast %jit3A_3100 : f32 to vector<16xf32>
    %select_n3A_3102 = arith.select %lt3A_3093, %select_n3A_3099, %broadcast_in_dim3A_3101 : vector<16xi1>, vector<16xf32>
    %get3A_3103 = arith.constant 10 : i32
    %get3A_3104 = arith.index_cast %get3A_3103 : i32 to index
    %get3A_3105 = arith.constant 0 : index
    %get3A_3106 = tpu.vector_load %arg9[%get3A_3104, %get3A_3105] {strides = array<i32>} : memref<16x16xf32, #tpu.memory_space<vmem>>, vector<1x16xf32>,
    %get3A_3107 = vector.shape_cast %get3A_3106 : vector<1x16xf32> to vector<16xf32>
    %add3A_3108 = arith.constant 1.000000e+00 : f32
    %add3A_3109 = vector.broadcast %add3A_3108 : f32 to vector<16xf32>
    %add3A_3110 = arith.addf %add3A_3109, %get3A_3107 : vector<16xf32>
    %sub3A_3111 = arith.subf %add3A_3110, %select_n3A_3102 : vector<16xf32>
    %max3A_3112 = arith.constant 0.000000e+00 : f32
    %max3A_3113 = vector.broadcast %max3A_3112 : f32 to vector<16xf32>
    %max3A_3114 = arith.maximumf %sub3A_3111, %max3A_3113 : vector<16xf32>
    %add3A_3115 = arith.addf %add3A_2833, %max3A_3114 : vector<16xf32>
    %get3A_3116 = arith.constant 11 : i32
    %get3A_3117 = arith.index_cast %get3A_3116 : i32 to index
    %get3A_3118 = arith.constant 0 : index
    %get3A_3119 = tpu.vector_load %arg8[%get3A_3117, %get3A_3118] {strides = array<i32>} : memref<16x128xf32, #tpu.memory_space<vmem>>, vector<1x16xf32>,
    %get3A_3120 = vector.shape_cast %get3A_3119 : vector<1x16xf32> to vector<16xf32>
    %get3A_3121 = arith.constant 11 : i32
    %get3A_3122 = arith.index_cast %get3A_3121 : i32 to index
    %get3A_3123 = arith.constant 16 : index
    %get3A_3124 = tpu.vector_load %arg8[%get3A_3122, %get3A_3123] {strides = array<i32>} : memref<16x128xf32, #tpu.memory_space<vmem>>, vector<1x16xf32>,
    %get3A_3125 = vector.shape_cast %get3A_3124 : vector<1x16xf32> to vector<16xf32>
    %min3A_3126 = arith.minimumf %get3A_3120, %get3A_3125 : vector<16xf32>
    %get3A_3127 = arith.constant 11 : i32
    %get3A_3128 = arith.index_cast %get3A_3127 : i32 to index
    %get3A_3129 = arith.constant 32 : index
    %get3A_3130 = tpu.vector_load %arg8[%get3A_3128, %get3A_3129] {strides = array<i32>} : memref<16x128xf32, #tpu.memory_space<vmem>>, vector<1x16xf32>,
    %get3A_3131 = vector.shape_cast %get3A_3130 : vector<1x16xf32> to vector<16xf32>
    %min3A_3132 = arith.minimumf %min3A_3126, %get3A_3131 : vector<16xf32>
    %get3A_3133 = arith.constant 11 : i32
    %get3A_3134 = arith.index_cast %get3A_3133 : i32 to index
    %get3A_3135 = arith.constant 48 : index
    %get3A_3136 = tpu.vector_load %arg8[%get3A_3134, %get3A_3135] {strides = array<i32>} : memref<16x128xf32, #tpu.memory_space<vmem>>, vector<1x16xf32>,
    %get3A_3137 = vector.shape_cast %get3A_3136 : vector<1x16xf32> to vector<16xf32>
    %min3A_3138 = arith.minimumf %min3A_3132, %get3A_3137 : vector<16xf32>
    %get3A_3139 = arith.constant 11 : i32
    %get3A_3140 = arith.index_cast %get3A_3139 : i32 to index
    %get3A_3141 = arith.constant 64 : index
    %get3A_3142 = tpu.vector_load %arg8[%get3A_3140, %get3A_3141] {strides = array<i32>} : memref<16x128xf32, #tpu.memory_space<vmem>>, vector<1x16xf32>,
    %get3A_3143 = vector.shape_cast %get3A_3142 : vector<1x16xf32> to vector<16xf32>
    %min3A_3144 = arith.minimumf %min3A_3138, %get3A_3143 : vector<16xf32>
    %get3A_3145 = arith.constant 11 : i32
    %get3A_3146 = arith.index_cast %get3A_3145 : i32 to index
    %get3A_3147 = arith.constant 80 : index
    %get3A_3148 = tpu.vector_load %arg8[%get3A_3146, %get3A_3147] {strides = array<i32>} : memref<16x128xf32, #tpu.memory_space<vmem>>, vector<1x16xf32>,
    %get3A_3149 = vector.shape_cast %get3A_3148 : vector<1x16xf32> to vector<16xf32>
    %min3A_3150 = arith.minimumf %min3A_3144, %get3A_3149 : vector<16xf32>
    %get3A_3151 = arith.constant 11 : i32
    %get3A_3152 = arith.index_cast %get3A_3151 : i32 to index
    %get3A_3153 = arith.constant 96 : index
    %get3A_3154 = tpu.vector_load %arg8[%get3A_3152, %get3A_3153] {strides = array<i32>} : memref<16x128xf32, #tpu.memory_space<vmem>>, vector<1x16xf32>,
    %get3A_3155 = vector.shape_cast %get3A_3154 : vector<1x16xf32> to vector<16xf32>
    %min3A_3156 = arith.minimumf %min3A_3150, %get3A_3155 : vector<16xf32>
    %get3A_3157 = arith.constant 11 : i32
    %get3A_3158 = arith.index_cast %get3A_3157 : i32 to index
    %get3A_3159 = arith.constant 112 : index
    %get3A_3160 = tpu.vector_load %arg8[%get3A_3158, %get3A_3159] {strides = array<i32>} : memref<16x128xf32, #tpu.memory_space<vmem>>, vector<1x16xf32>,
    %get3A_3161 = vector.shape_cast %get3A_3160 : vector<1x16xf32> to vector<16xf32>
    %min3A_3162 = arith.minimumf %min3A_3156, %get3A_3161 : vector<16xf32>
    %xor3A_3163 = arith.constant 8 : i32
    %xor3A_3164 = vector.broadcast %xor3A_3163 : i32 to vector<16xi32>
    %xor3A_3165 = arith.xori %iota3A, %xor3A_3164 : vector<16xi32>
    %lt3A_3166 = arith.constant 0 : i32
    %lt3A_3167 = vector.broadcast %lt3A_3166 : i32 to vector<16xi32>
    %lt3A_3168 = arith.cmpi slt, %xor3A_3165, %lt3A_3167 : vector<16xi32>
    %add3A_3169 = arith.constant 16 : i32
    %add3A_3170 = vector.broadcast %add3A_3169 : i32 to vector<16xi32>
    %add3A_3171 = arith.addi %xor3A_3165, %add3A_3170 : vector<16xi32>
    %select_n3A_3172 = arith.select %lt3A_3168, %add3A_3171, %xor3A_3165 : vector<16xi1>, vector<16xi32>
    %broadcast_in_dim3A_3173 = vector.shape_cast %select_n3A_3172 : vector<16xi32> to vector<16x1xi32>
    %gather3A_3174 = vector.shape_cast %broadcast_in_dim3A_3173 : vector<16x1xi32> to vector<16xi32>
    %gather3A_3175 = tpu.dynamic_gather %min3A_3162[%gather3A_3174] in [0] : vector<16xf32>, vector<16xi32> -> vector<16xf32>
    %min3A_3176 = arith.minimumf %min3A_3162, %gather3A_3175 : vector<16xf32>
    %xor3A_3177 = arith.constant 4 : i32
    %xor3A_3178 = vector.broadcast %xor3A_3177 : i32 to vector<16xi32>
    %xor3A_3179 = arith.xori %iota3A, %xor3A_3178 : vector<16xi32>
    %lt3A_3180 = arith.constant 0 : i32
    %lt3A_3181 = vector.broadcast %lt3A_3180 : i32 to vector<16xi32>
    %lt3A_3182 = arith.cmpi slt, %xor3A_3179, %lt3A_3181 : vector<16xi32>
    %add3A_3183 = arith.constant 16 : i32
    %add3A_3184 = vector.broadcast %add3A_3183 : i32 to vector<16xi32>
    %add3A_3185 = arith.addi %xor3A_3179, %add3A_3184 : vector<16xi32>
    %select_n3A_3186 = arith.select %lt3A_3182, %add3A_3185, %xor3A_3179 : vector<16xi1>, vector<16xi32>
    %broadcast_in_dim3A_3187 = vector.shape_cast %select_n3A_3186 : vector<16xi32> to vector<16x1xi32>
    %gather3A_3188 = vector.shape_cast %broadcast_in_dim3A_3187 : vector<16x1xi32> to vector<16xi32>
    %gather3A_3189 = tpu.dynamic_gather %min3A_3176[%gather3A_3188] in [0] : vector<16xf32>, vector<16xi32> -> vector<16xf32>
    %min3A_3190 = arith.minimumf %min3A_3176, %gather3A_3189 : vector<16xf32>
    %xor3A_3191 = arith.constant 2 : i32
    %xor3A_3192 = vector.broadcast %xor3A_3191 : i32 to vector<16xi32>
    %xor3A_3193 = arith.xori %iota3A, %xor3A_3192 : vector<16xi32>
    %lt3A_3194 = arith.constant 0 : i32
    %lt3A_3195 = vector.broadcast %lt3A_3194 : i32 to vector<16xi32>
    %lt3A_3196 = arith.cmpi slt, %xor3A_3193, %lt3A_3195 : vector<16xi32>
    %add3A_3197 = arith.constant 16 : i32
    %add3A_3198 = vector.broadcast %add3A_3197 : i32 to vector<16xi32>
    %add3A_3199 = arith.addi %xor3A_3193, %add3A_3198 : vector<16xi32>
    %select_n3A_3200 = arith.select %lt3A_3196, %add3A_3199, %xor3A_3193 : vector<16xi1>, vector<16xi32>
    %broadcast_in_dim3A_3201 = vector.shape_cast %select_n3A_3200 : vector<16xi32> to vector<16x1xi32>
    %gather3A_3202 = vector.shape_cast %broadcast_in_dim3A_3201 : vector<16x1xi32> to vector<16xi32>
    %gather3A_3203 = tpu.dynamic_gather %min3A_3190[%gather3A_3202] in [0] : vector<16xf32>, vector<16xi32> -> vector<16xf32>
    %min3A_3204 = arith.minimumf %min3A_3190, %gather3A_3203 : vector<16xf32>
    %xor3A_3205 = arith.constant 1 : i32
    %xor3A_3206 = vector.broadcast %xor3A_3205 : i32 to vector<16xi32>
    %xor3A_3207 = arith.xori %iota3A, %xor3A_3206 : vector<16xi32>
    %lt3A_3208 = arith.constant 0 : i32
    %lt3A_3209 = vector.broadcast %lt3A_3208 : i32 to vector<16xi32>
    %lt3A_3210 = arith.cmpi slt, %xor3A_3207, %lt3A_3209 : vector<16xi32>
    %add3A_3211 = arith.constant 16 : i32
    %add3A_3212 = vector.broadcast %add3A_3211 : i32 to vector<16xi32>
    %add3A_3213 = arith.addi %xor3A_3207, %add3A_3212 : vector<16xi32>
    %select_n3A_3214 = arith.select %lt3A_3210, %add3A_3213, %xor3A_3207 : vector<16xi1>, vector<16xi32>
    %broadcast_in_dim3A_3215 = vector.shape_cast %select_n3A_3214 : vector<16xi32> to vector<16x1xi32>
    %gather3A_3216 = vector.shape_cast %broadcast_in_dim3A_3215 : vector<16x1xi32> to vector<16xi32>
    %gather3A_3217 = tpu.dynamic_gather %min3A_3204[%gather3A_3216] in [0] : vector<16xf32>, vector<16xi32> -> vector<16xf32>
    %min3A_3218 = arith.minimumf %min3A_3204, %gather3A_3217 : vector<16xf32>
    %broadcast_in_dim3A_3219 = arith.constant 0.000000e+00 : f32
    %broadcast_in_dim3A_3220 = vector.broadcast %broadcast_in_dim3A_3219 : f32 to vector<16xf32>
    %get3A_3221 = arith.constant 11 : i32
    %get3A_3222 = arith.index_cast %get3A_3221 : i32 to index
    %get3A_3223 = arith.constant 0 : index
    %get3A_3224 = tpu.vector_load %arg7[%get3A_3222, %get3A_3223] {strides = array<i32>} : memref<16x128xf32, #tpu.memory_space<vmem>>, vector<1x16xf32>,
    %get3A_3225 = vector.shape_cast %get3A_3224 : vector<1x16xf32> to vector<16xf32>
    %lt3A_3226 = arith.cmpf olt, %get3A_3225, %min3A_3218 : vector<16xf32>
    %jit3A_3227 = arith.constant 1.000000e+00 : f32
    %jit3A_3228 = arith.constant 0.000000e+00 : f32
    %broadcast_in_dim3A_3229 = vector.broadcast %jit3A_3227 : f32 to vector<16xf32>
    %broadcast_in_dim3A_3230 = vector.broadcast %jit3A_3228 : f32 to vector<16xf32>
    %select_n3A_3231 = arith.select %lt3A_3226, %broadcast_in_dim3A_3229, %broadcast_in_dim3A_3230 : vector<16xi1>, vector<16xf32>
    %add3A_3232 = arith.addf %broadcast_in_dim3A_3220, %select_n3A_3231 : vector<16xf32>
    %get3A_3233 = arith.constant 11 : i32
    %get3A_3234 = arith.index_cast %get3A_3233 : i32 to index
    %get3A_3235 = arith.constant 16 : index
    %get3A_3236 = tpu.vector_load %arg7[%get3A_3234, %get3A_3235] {strides = array<i32>} : memref<16x128xf32, #tpu.memory_space<vmem>>, vector<1x16xf32>,
    %get3A_3237 = vector.shape_cast %get3A_3236 : vector<1x16xf32> to vector<16xf32>
    %lt3A_3238 = arith.cmpf olt, %get3A_3237, %min3A_3218 : vector<16xf32>
    %jit3A_3239 = arith.constant 1.000000e+00 : f32
    %jit3A_3240 = arith.constant 0.000000e+00 : f32
    %broadcast_in_dim3A_3241 = vector.broadcast %jit3A_3239 : f32 to vector<16xf32>
    %broadcast_in_dim3A_3242 = vector.broadcast %jit3A_3240 : f32 to vector<16xf32>
    %select_n3A_3243 = arith.select %lt3A_3238, %broadcast_in_dim3A_3241, %broadcast_in_dim3A_3242 : vector<16xi1>, vector<16xf32>
    %add3A_3244 = arith.addf %add3A_3232, %select_n3A_3243 : vector<16xf32>
    %get3A_3245 = arith.constant 11 : i32
    %get3A_3246 = arith.index_cast %get3A_3245 : i32 to index
    %get3A_3247 = arith.constant 32 : index
    %get3A_3248 = tpu.vector_load %arg7[%get3A_3246, %get3A_3247] {strides = array<i32>} : memref<16x128xf32, #tpu.memory_space<vmem>>, vector<1x16xf32>,
    %get3A_3249 = vector.shape_cast %get3A_3248 : vector<1x16xf32> to vector<16xf32>
    %lt3A_3250 = arith.cmpf olt, %get3A_3249, %min3A_3218 : vector<16xf32>
    %jit3A_3251 = arith.constant 1.000000e+00 : f32
    %jit3A_3252 = arith.constant 0.000000e+00 : f32
    %broadcast_in_dim3A_3253 = vector.broadcast %jit3A_3251 : f32 to vector<16xf32>
    %broadcast_in_dim3A_3254 = vector.broadcast %jit3A_3252 : f32 to vector<16xf32>
    %select_n3A_3255 = arith.select %lt3A_3250, %broadcast_in_dim3A_3253, %broadcast_in_dim3A_3254 : vector<16xi1>, vector<16xf32>
    %add3A_3256 = arith.addf %add3A_3244, %select_n3A_3255 : vector<16xf32>
    %get3A_3257 = arith.constant 11 : i32
    %get3A_3258 = arith.index_cast %get3A_3257 : i32 to index
    %get3A_3259 = arith.constant 48 : index
    %get3A_3260 = tpu.vector_load %arg7[%get3A_3258, %get3A_3259] {strides = array<i32>} : memref<16x128xf32, #tpu.memory_space<vmem>>, vector<1x16xf32>,
    %get3A_3261 = vector.shape_cast %get3A_3260 : vector<1x16xf32> to vector<16xf32>
    %lt3A_3262 = arith.cmpf olt, %get3A_3261, %min3A_3218 : vector<16xf32>
    %jit3A_3263 = arith.constant 1.000000e+00 : f32
    %jit3A_3264 = arith.constant 0.000000e+00 : f32
    %broadcast_in_dim3A_3265 = vector.broadcast %jit3A_3263 : f32 to vector<16xf32>
    %broadcast_in_dim3A_3266 = vector.broadcast %jit3A_3264 : f32 to vector<16xf32>
    %select_n3A_3267 = arith.select %lt3A_3262, %broadcast_in_dim3A_3265, %broadcast_in_dim3A_3266 : vector<16xi1>, vector<16xf32>
    %add3A_3268 = arith.addf %add3A_3256, %select_n3A_3267 : vector<16xf32>
    %get3A_3269 = arith.constant 11 : i32
    %get3A_3270 = arith.index_cast %get3A_3269 : i32 to index
    %get3A_3271 = arith.constant 64 : index
    %get3A_3272 = tpu.vector_load %arg7[%get3A_3270, %get3A_3271] {strides = array<i32>} : memref<16x128xf32, #tpu.memory_space<vmem>>, vector<1x16xf32>,
    %get3A_3273 = vector.shape_cast %get3A_3272 : vector<1x16xf32> to vector<16xf32>
    %lt3A_3274 = arith.cmpf olt, %get3A_3273, %min3A_3218 : vector<16xf32>
    %jit3A_3275 = arith.constant 1.000000e+00 : f32
    %jit3A_3276 = arith.constant 0.000000e+00 : f32
    %broadcast_in_dim3A_3277 = vector.broadcast %jit3A_3275 : f32 to vector<16xf32>
    %broadcast_in_dim3A_3278 = vector.broadcast %jit3A_3276 : f32 to vector<16xf32>
    %select_n3A_3279 = arith.select %lt3A_3274, %broadcast_in_dim3A_3277, %broadcast_in_dim3A_3278 : vector<16xi1>, vector<16xf32>
    %add3A_3280 = arith.addf %add3A_3268, %select_n3A_3279 : vector<16xf32>
    %get3A_3281 = arith.constant 11 : i32
    %get3A_3282 = arith.index_cast %get3A_3281 : i32 to index
    %get3A_3283 = arith.constant 80 : index
    %get3A_3284 = tpu.vector_load %arg7[%get3A_3282, %get3A_3283] {strides = array<i32>} : memref<16x128xf32, #tpu.memory_space<vmem>>, vector<1x16xf32>,
    %get3A_3285 = vector.shape_cast %get3A_3284 : vector<1x16xf32> to vector<16xf32>
    %lt3A_3286 = arith.cmpf olt, %get3A_3285, %min3A_3218 : vector<16xf32>
    %jit3A_3287 = arith.constant 1.000000e+00 : f32
    %jit3A_3288 = arith.constant 0.000000e+00 : f32
    %broadcast_in_dim3A_3289 = vector.broadcast %jit3A_3287 : f32 to vector<16xf32>
    %broadcast_in_dim3A_3290 = vector.broadcast %jit3A_3288 : f32 to vector<16xf32>
    %select_n3A_3291 = arith.select %lt3A_3286, %broadcast_in_dim3A_3289, %broadcast_in_dim3A_3290 : vector<16xi1>, vector<16xf32>
    %add3A_3292 = arith.addf %add3A_3280, %select_n3A_3291 : vector<16xf32>
    %get3A_3293 = arith.constant 11 : i32
    %get3A_3294 = arith.index_cast %get3A_3293 : i32 to index
    %get3A_3295 = arith.constant 96 : index
    %get3A_3296 = tpu.vector_load %arg7[%get3A_3294, %get3A_3295] {strides = array<i32>} : memref<16x128xf32, #tpu.memory_space<vmem>>, vector<1x16xf32>,
    %get3A_3297 = vector.shape_cast %get3A_3296 : vector<1x16xf32> to vector<16xf32>
    %lt3A_3298 = arith.cmpf olt, %get3A_3297, %min3A_3218 : vector<16xf32>
    %jit3A_3299 = arith.constant 1.000000e+00 : f32
    %jit3A_3300 = arith.constant 0.000000e+00 : f32
    %broadcast_in_dim3A_3301 = vector.broadcast %jit3A_3299 : f32 to vector<16xf32>
    %broadcast_in_dim3A_3302 = vector.broadcast %jit3A_3300 : f32 to vector<16xf32>
    %select_n3A_3303 = arith.select %lt3A_3298, %broadcast_in_dim3A_3301, %broadcast_in_dim3A_3302 : vector<16xi1>, vector<16xf32>
    %add3A_3304 = arith.addf %add3A_3292, %select_n3A_3303 : vector<16xf32>
    %get3A_3305 = arith.constant 11 : i32
    %get3A_3306 = arith.index_cast %get3A_3305 : i32 to index
    %get3A_3307 = arith.constant 112 : index
    %get3A_3308 = tpu.vector_load %arg7[%get3A_3306, %get3A_3307] {strides = array<i32>} : memref<16x128xf32, #tpu.memory_space<vmem>>, vector<1x16xf32>,
    %get3A_3309 = vector.shape_cast %get3A_3308 : vector<1x16xf32> to vector<16xf32>
    %lt3A_3310 = arith.cmpf olt, %get3A_3309, %min3A_3218 : vector<16xf32>
    %jit3A_3311 = arith.constant 1.000000e+00 : f32
    %jit3A_3312 = arith.constant 0.000000e+00 : f32
    %broadcast_in_dim3A_3313 = vector.broadcast %jit3A_3311 : f32 to vector<16xf32>
    %broadcast_in_dim3A_3314 = vector.broadcast %jit3A_3312 : f32 to vector<16xf32>
    %select_n3A_3315 = arith.select %lt3A_3310, %broadcast_in_dim3A_3313, %broadcast_in_dim3A_3314 : vector<16xi1>, vector<16xf32>
    %add3A_3316 = arith.addf %add3A_3304, %select_n3A_3315 : vector<16xf32>
    %xor3A_3317 = arith.constant 8 : i32
    %xor3A_3318 = vector.broadcast %xor3A_3317 : i32 to vector<16xi32>
    %xor3A_3319 = arith.xori %iota3A, %xor3A_3318 : vector<16xi32>
    %lt3A_3320 = arith.constant 0 : i32
    %lt3A_3321 = vector.broadcast %lt3A_3320 : i32 to vector<16xi32>
    %lt3A_3322 = arith.cmpi slt, %xor3A_3319, %lt3A_3321 : vector<16xi32>
    %add3A_3323 = arith.constant 16 : i32
    %add3A_3324 = vector.broadcast %add3A_3323 : i32 to vector<16xi32>
    %add3A_3325 = arith.addi %xor3A_3319, %add3A_3324 : vector<16xi32>
    %select_n3A_3326 = arith.select %lt3A_3322, %add3A_3325, %xor3A_3319 : vector<16xi1>, vector<16xi32>
    %broadcast_in_dim3A_3327 = vector.shape_cast %select_n3A_3326 : vector<16xi32> to vector<16x1xi32>
    %gather3A_3328 = vector.shape_cast %broadcast_in_dim3A_3327 : vector<16x1xi32> to vector<16xi32>
    %gather3A_3329 = tpu.dynamic_gather %add3A_3316[%gather3A_3328] in [0] : vector<16xf32>, vector<16xi32> -> vector<16xf32>
    %add3A_3330 = arith.addf %add3A_3316, %gather3A_3329 : vector<16xf32>
    %xor3A_3331 = arith.constant 4 : i32
    %xor3A_3332 = vector.broadcast %xor3A_3331 : i32 to vector<16xi32>
    %xor3A_3333 = arith.xori %iota3A, %xor3A_3332 : vector<16xi32>
    %lt3A_3334 = arith.constant 0 : i32
    %lt3A_3335 = vector.broadcast %lt3A_3334 : i32 to vector<16xi32>
    %lt3A_3336 = arith.cmpi slt, %xor3A_3333, %lt3A_3335 : vector<16xi32>
    %add3A_3337 = arith.constant 16 : i32
    %add3A_3338 = vector.broadcast %add3A_3337 : i32 to vector<16xi32>
    %add3A_3339 = arith.addi %xor3A_3333, %add3A_3338 : vector<16xi32>
    %select_n3A_3340 = arith.select %lt3A_3336, %add3A_3339, %xor3A_3333 : vector<16xi1>, vector<16xi32>
    %broadcast_in_dim3A_3341 = vector.shape_cast %select_n3A_3340 : vector<16xi32> to vector<16x1xi32>
    %gather3A_3342 = vector.shape_cast %broadcast_in_dim3A_3341 : vector<16x1xi32> to vector<16xi32>
    %gather3A_3343 = tpu.dynamic_gather %add3A_3330[%gather3A_3342] in [0] : vector<16xf32>, vector<16xi32> -> vector<16xf32>
    %add3A_3344 = arith.addf %add3A_3330, %gather3A_3343 : vector<16xf32>
    %xor3A_3345 = arith.constant 2 : i32
    %xor3A_3346 = vector.broadcast %xor3A_3345 : i32 to vector<16xi32>
    %xor3A_3347 = arith.xori %iota3A, %xor3A_3346 : vector<16xi32>
    %lt3A_3348 = arith.constant 0 : i32
    %lt3A_3349 = vector.broadcast %lt3A_3348 : i32 to vector<16xi32>
    %lt3A_3350 = arith.cmpi slt, %xor3A_3347, %lt3A_3349 : vector<16xi32>
    %add3A_3351 = arith.constant 16 : i32
    %add3A_3352 = vector.broadcast %add3A_3351 : i32 to vector<16xi32>
    %add3A_3353 = arith.addi %xor3A_3347, %add3A_3352 : vector<16xi32>
    %select_n3A_3354 = arith.select %lt3A_3350, %add3A_3353, %xor3A_3347 : vector<16xi1>, vector<16xi32>
    %broadcast_in_dim3A_3355 = vector.shape_cast %select_n3A_3354 : vector<16xi32> to vector<16x1xi32>
    %gather3A_3356 = vector.shape_cast %broadcast_in_dim3A_3355 : vector<16x1xi32> to vector<16xi32>
    %gather3A_3357 = tpu.dynamic_gather %add3A_3344[%gather3A_3356] in [0] : vector<16xf32>, vector<16xi32> -> vector<16xf32>
    %add3A_3358 = arith.addf %add3A_3344, %gather3A_3357 : vector<16xf32>
    %xor3A_3359 = arith.constant 1 : i32
    %xor3A_3360 = vector.broadcast %xor3A_3359 : i32 to vector<16xi32>
    %xor3A_3361 = arith.xori %iota3A, %xor3A_3360 : vector<16xi32>
    %lt3A_3362 = arith.constant 0 : i32
    %lt3A_3363 = vector.broadcast %lt3A_3362 : i32 to vector<16xi32>
    %lt3A_3364 = arith.cmpi slt, %xor3A_3361, %lt3A_3363 : vector<16xi32>
    %add3A_3365 = arith.constant 16 : i32
    %add3A_3366 = vector.broadcast %add3A_3365 : i32 to vector<16xi32>
    %add3A_3367 = arith.addi %xor3A_3361, %add3A_3366 : vector<16xi32>
    %select_n3A_3368 = arith.select %lt3A_3364, %add3A_3367, %xor3A_3361 : vector<16xi1>, vector<16xi32>
    %broadcast_in_dim3A_3369 = vector.shape_cast %select_n3A_3368 : vector<16xi32> to vector<16x1xi32>
    %gather3A_3370 = vector.shape_cast %broadcast_in_dim3A_3369 : vector<16x1xi32> to vector<16xi32>
    %gather3A_3371 = tpu.dynamic_gather %add3A_3358[%gather3A_3370] in [0] : vector<16xf32>, vector<16xi32> -> vector<16xf32>
    %add3A_3372 = arith.addf %add3A_3358, %gather3A_3371 : vector<16xf32>
    %lt3A_3373 = arith.constant 1.500000e+01 : f32
    %lt3A_3374 = vector.broadcast %lt3A_3373 : f32 to vector<16xf32>
    %lt3A_3375 = arith.cmpf olt, %add3A_3372, %lt3A_3374 : vector<16xf32>
    %lt3A_3376 = arith.constant 5.000000e+29 : f32
    %lt3A_3377 = vector.broadcast %lt3A_3376 : f32 to vector<16xf32>
    %lt3A_3378 = arith.cmpf olt, %min3A_3218, %lt3A_3377 : vector<16xf32>
    %jit3A_3379 = arith.constant 0.000000e+00 : f32
    %broadcast_in_dim3A_3380 = vector.broadcast %jit3A_3379 : f32 to vector<16xf32>
    %select_n3A_3381 = arith.select %lt3A_3378, %min3A_3218, %broadcast_in_dim3A_3380 : vector<16xi1>, vector<16xf32>
    %jit3A_3382 = arith.constant 0.000000e+00 : f32
    %broadcast_in_dim3A_3383 = vector.broadcast %jit3A_3382 : f32 to vector<16xf32>
    %select_n3A_3384 = arith.select %lt3A_3375, %select_n3A_3381, %broadcast_in_dim3A_3383 : vector<16xi1>, vector<16xf32>
    %get3A_3385 = arith.constant 11 : i32
    %get3A_3386 = arith.index_cast %get3A_3385 : i32 to index
    %get3A_3387 = arith.constant 0 : index
    %get3A_3388 = tpu.vector_load %arg9[%get3A_3386, %get3A_3387] {strides = array<i32>} : memref<16x16xf32, #tpu.memory_space<vmem>>, vector<1x16xf32>,
    %get3A_3389 = vector.shape_cast %get3A_3388 : vector<1x16xf32> to vector<16xf32>
    %add3A_3390 = arith.constant 1.000000e+00 : f32
    %add3A_3391 = vector.broadcast %add3A_3390 : f32 to vector<16xf32>
    %add3A_3392 = arith.addf %add3A_3391, %get3A_3389 : vector<16xf32>
    %sub3A_3393 = arith.subf %add3A_3392, %select_n3A_3384 : vector<16xf32>
    %max3A_3394 = arith.constant 0.000000e+00 : f32
    %max3A_3395 = vector.broadcast %max3A_3394 : f32 to vector<16xf32>
    %max3A_3396 = arith.maximumf %sub3A_3393, %max3A_3395 : vector<16xf32>
    %add3A_3397 = arith.addf %add3A_3115, %max3A_3396 : vector<16xf32>
    %get3A_3398 = arith.constant 12 : i32
    %get3A_3399 = arith.index_cast %get3A_3398 : i32 to index
    %get3A_3400 = arith.constant 0 : index
    %get3A_3401 = tpu.vector_load %arg8[%get3A_3399, %get3A_3400] {strides = array<i32>} : memref<16x128xf32, #tpu.memory_space<vmem>>, vector<1x16xf32>,
    %get3A_3402 = vector.shape_cast %get3A_3401 : vector<1x16xf32> to vector<16xf32>
    %get3A_3403 = arith.constant 12 : i32
    %get3A_3404 = arith.index_cast %get3A_3403 : i32 to index
    %get3A_3405 = arith.constant 16 : index
    %get3A_3406 = tpu.vector_load %arg8[%get3A_3404, %get3A_3405] {strides = array<i32>} : memref<16x128xf32, #tpu.memory_space<vmem>>, vector<1x16xf32>,
    %get3A_3407 = vector.shape_cast %get3A_3406 : vector<1x16xf32> to vector<16xf32>
    %min3A_3408 = arith.minimumf %get3A_3402, %get3A_3407 : vector<16xf32>
    %get3A_3409 = arith.constant 12 : i32
    %get3A_3410 = arith.index_cast %get3A_3409 : i32 to index
    %get3A_3411 = arith.constant 32 : index
    %get3A_3412 = tpu.vector_load %arg8[%get3A_3410, %get3A_3411] {strides = array<i32>} : memref<16x128xf32, #tpu.memory_space<vmem>>, vector<1x16xf32>,
    %get3A_3413 = vector.shape_cast %get3A_3412 : vector<1x16xf32> to vector<16xf32>
    %min3A_3414 = arith.minimumf %min3A_3408, %get3A_3413 : vector<16xf32>
    %get3A_3415 = arith.constant 12 : i32
    %get3A_3416 = arith.index_cast %get3A_3415 : i32 to index
    %get3A_3417 = arith.constant 48 : index
    %get3A_3418 = tpu.vector_load %arg8[%get3A_3416, %get3A_3417] {strides = array<i32>} : memref<16x128xf32, #tpu.memory_space<vmem>>, vector<1x16xf32>,
    %get3A_3419 = vector.shape_cast %get3A_3418 : vector<1x16xf32> to vector<16xf32>
    %min3A_3420 = arith.minimumf %min3A_3414, %get3A_3419 : vector<16xf32>
    %get3A_3421 = arith.constant 12 : i32
    %get3A_3422 = arith.index_cast %get3A_3421 : i32 to index
    %get3A_3423 = arith.constant 64 : index
    %get3A_3424 = tpu.vector_load %arg8[%get3A_3422, %get3A_3423] {strides = array<i32>} : memref<16x128xf32, #tpu.memory_space<vmem>>, vector<1x16xf32>,
    %get3A_3425 = vector.shape_cast %get3A_3424 : vector<1x16xf32> to vector<16xf32>
    %min3A_3426 = arith.minimumf %min3A_3420, %get3A_3425 : vector<16xf32>
    %get3A_3427 = arith.constant 12 : i32
    %get3A_3428 = arith.index_cast %get3A_3427 : i32 to index
    %get3A_3429 = arith.constant 80 : index
    %get3A_3430 = tpu.vector_load %arg8[%get3A_3428, %get3A_3429] {strides = array<i32>} : memref<16x128xf32, #tpu.memory_space<vmem>>, vector<1x16xf32>,
    %get3A_3431 = vector.shape_cast %get3A_3430 : vector<1x16xf32> to vector<16xf32>
    %min3A_3432 = arith.minimumf %min3A_3426, %get3A_3431 : vector<16xf32>
    %get3A_3433 = arith.constant 12 : i32
    %get3A_3434 = arith.index_cast %get3A_3433 : i32 to index
    %get3A_3435 = arith.constant 96 : index
    %get3A_3436 = tpu.vector_load %arg8[%get3A_3434, %get3A_3435] {strides = array<i32>} : memref<16x128xf32, #tpu.memory_space<vmem>>, vector<1x16xf32>,
    %get3A_3437 = vector.shape_cast %get3A_3436 : vector<1x16xf32> to vector<16xf32>
    %min3A_3438 = arith.minimumf %min3A_3432, %get3A_3437 : vector<16xf32>
    %get3A_3439 = arith.constant 12 : i32
    %get3A_3440 = arith.index_cast %get3A_3439 : i32 to index
    %get3A_3441 = arith.constant 112 : index
    %get3A_3442 = tpu.vector_load %arg8[%get3A_3440, %get3A_3441] {strides = array<i32>} : memref<16x128xf32, #tpu.memory_space<vmem>>, vector<1x16xf32>,
    %get3A_3443 = vector.shape_cast %get3A_3442 : vector<1x16xf32> to vector<16xf32>
    %min3A_3444 = arith.minimumf %min3A_3438, %get3A_3443 : vector<16xf32>
    %xor3A_3445 = arith.constant 8 : i32
    %xor3A_3446 = vector.broadcast %xor3A_3445 : i32 to vector<16xi32>
    %xor3A_3447 = arith.xori %iota3A, %xor3A_3446 : vector<16xi32>
    %lt3A_3448 = arith.constant 0 : i32
    %lt3A_3449 = vector.broadcast %lt3A_3448 : i32 to vector<16xi32>
    %lt3A_3450 = arith.cmpi slt, %xor3A_3447, %lt3A_3449 : vector<16xi32>
    %add3A_3451 = arith.constant 16 : i32
    %add3A_3452 = vector.broadcast %add3A_3451 : i32 to vector<16xi32>
    %add3A_3453 = arith.addi %xor3A_3447, %add3A_3452 : vector<16xi32>
    %select_n3A_3454 = arith.select %lt3A_3450, %add3A_3453, %xor3A_3447 : vector<16xi1>, vector<16xi32>
    %broadcast_in_dim3A_3455 = vector.shape_cast %select_n3A_3454 : vector<16xi32> to vector<16x1xi32>
    %gather3A_3456 = vector.shape_cast %broadcast_in_dim3A_3455 : vector<16x1xi32> to vector<16xi32>
    %gather3A_3457 = tpu.dynamic_gather %min3A_3444[%gather3A_3456] in [0] : vector<16xf32>, vector<16xi32> -> vector<16xf32>
    %min3A_3458 = arith.minimumf %min3A_3444, %gather3A_3457 : vector<16xf32>
    %xor3A_3459 = arith.constant 4 : i32
    %xor3A_3460 = vector.broadcast %xor3A_3459 : i32 to vector<16xi32>
    %xor3A_3461 = arith.xori %iota3A, %xor3A_3460 : vector<16xi32>
    %lt3A_3462 = arith.constant 0 : i32
    %lt3A_3463 = vector.broadcast %lt3A_3462 : i32 to vector<16xi32>
    %lt3A_3464 = arith.cmpi slt, %xor3A_3461, %lt3A_3463 : vector<16xi32>
    %add3A_3465 = arith.constant 16 : i32
    %add3A_3466 = vector.broadcast %add3A_3465 : i32 to vector<16xi32>
    %add3A_3467 = arith.addi %xor3A_3461, %add3A_3466 : vector<16xi32>
    %select_n3A_3468 = arith.select %lt3A_3464, %add3A_3467, %xor3A_3461 : vector<16xi1>, vector<16xi32>
    %broadcast_in_dim3A_3469 = vector.shape_cast %select_n3A_3468 : vector<16xi32> to vector<16x1xi32>
    %gather3A_3470 = vector.shape_cast %broadcast_in_dim3A_3469 : vector<16x1xi32> to vector<16xi32>
    %gather3A_3471 = tpu.dynamic_gather %min3A_3458[%gather3A_3470] in [0] : vector<16xf32>, vector<16xi32> -> vector<16xf32>
    %min3A_3472 = arith.minimumf %min3A_3458, %gather3A_3471 : vector<16xf32>
    %xor3A_3473 = arith.constant 2 : i32
    %xor3A_3474 = vector.broadcast %xor3A_3473 : i32 to vector<16xi32>
    %xor3A_3475 = arith.xori %iota3A, %xor3A_3474 : vector<16xi32>
    %lt3A_3476 = arith.constant 0 : i32
    %lt3A_3477 = vector.broadcast %lt3A_3476 : i32 to vector<16xi32>
    %lt3A_3478 = arith.cmpi slt, %xor3A_3475, %lt3A_3477 : vector<16xi32>
    %add3A_3479 = arith.constant 16 : i32
    %add3A_3480 = vector.broadcast %add3A_3479 : i32 to vector<16xi32>
    %add3A_3481 = arith.addi %xor3A_3475, %add3A_3480 : vector<16xi32>
    %select_n3A_3482 = arith.select %lt3A_3478, %add3A_3481, %xor3A_3475 : vector<16xi1>, vector<16xi32>
    %broadcast_in_dim3A_3483 = vector.shape_cast %select_n3A_3482 : vector<16xi32> to vector<16x1xi32>
    %gather3A_3484 = vector.shape_cast %broadcast_in_dim3A_3483 : vector<16x1xi32> to vector<16xi32>
    %gather3A_3485 = tpu.dynamic_gather %min3A_3472[%gather3A_3484] in [0] : vector<16xf32>, vector<16xi32> -> vector<16xf32>
    %min3A_3486 = arith.minimumf %min3A_3472, %gather3A_3485 : vector<16xf32>
    %xor3A_3487 = arith.constant 1 : i32
    %xor3A_3488 = vector.broadcast %xor3A_3487 : i32 to vector<16xi32>
    %xor3A_3489 = arith.xori %iota3A, %xor3A_3488 : vector<16xi32>
    %lt3A_3490 = arith.constant 0 : i32
    %lt3A_3491 = vector.broadcast %lt3A_3490 : i32 to vector<16xi32>
    %lt3A_3492 = arith.cmpi slt, %xor3A_3489, %lt3A_3491 : vector<16xi32>
    %add3A_3493 = arith.constant 16 : i32
    %add3A_3494 = vector.broadcast %add3A_3493 : i32 to vector<16xi32>
    %add3A_3495 = arith.addi %xor3A_3489, %add3A_3494 : vector<16xi32>
    %select_n3A_3496 = arith.select %lt3A_3492, %add3A_3495, %xor3A_3489 : vector<16xi1>, vector<16xi32>
    %broadcast_in_dim3A_3497 = vector.shape_cast %select_n3A_3496 : vector<16xi32> to vector<16x1xi32>
    %gather3A_3498 = vector.shape_cast %broadcast_in_dim3A_3497 : vector<16x1xi32> to vector<16xi32>
    %gather3A_3499 = tpu.dynamic_gather %min3A_3486[%gather3A_3498] in [0] : vector<16xf32>, vector<16xi32> -> vector<16xf32>
    %min3A_3500 = arith.minimumf %min3A_3486, %gather3A_3499 : vector<16xf32>
    %broadcast_in_dim3A_3501 = arith.constant 0.000000e+00 : f32
    %broadcast_in_dim3A_3502 = vector.broadcast %broadcast_in_dim3A_3501 : f32 to vector<16xf32>
    %get3A_3503 = arith.constant 12 : i32
    %get3A_3504 = arith.index_cast %get3A_3503 : i32 to index
    %get3A_3505 = arith.constant 0 : index
    %get3A_3506 = tpu.vector_load %arg7[%get3A_3504, %get3A_3505] {strides = array<i32>} : memref<16x128xf32, #tpu.memory_space<vmem>>, vector<1x16xf32>,
    %get3A_3507 = vector.shape_cast %get3A_3506 : vector<1x16xf32> to vector<16xf32>
    %lt3A_3508 = arith.cmpf olt, %get3A_3507, %min3A_3500 : vector<16xf32>
    %jit3A_3509 = arith.constant 1.000000e+00 : f32
    %jit3A_3510 = arith.constant 0.000000e+00 : f32
    %broadcast_in_dim3A_3511 = vector.broadcast %jit3A_3509 : f32 to vector<16xf32>
    %broadcast_in_dim3A_3512 = vector.broadcast %jit3A_3510 : f32 to vector<16xf32>
    %select_n3A_3513 = arith.select %lt3A_3508, %broadcast_in_dim3A_3511, %broadcast_in_dim3A_3512 : vector<16xi1>, vector<16xf32>
    %add3A_3514 = arith.addf %broadcast_in_dim3A_3502, %select_n3A_3513 : vector<16xf32>
    %get3A_3515 = arith.constant 12 : i32
    %get3A_3516 = arith.index_cast %get3A_3515 : i32 to index
    %get3A_3517 = arith.constant 16 : index
    %get3A_3518 = tpu.vector_load %arg7[%get3A_3516, %get3A_3517] {strides = array<i32>} : memref<16x128xf32, #tpu.memory_space<vmem>>, vector<1x16xf32>,
    %get3A_3519 = vector.shape_cast %get3A_3518 : vector<1x16xf32> to vector<16xf32>
    %lt3A_3520 = arith.cmpf olt, %get3A_3519, %min3A_3500 : vector<16xf32>
    %jit3A_3521 = arith.constant 1.000000e+00 : f32
    %jit3A_3522 = arith.constant 0.000000e+00 : f32
    %broadcast_in_dim3A_3523 = vector.broadcast %jit3A_3521 : f32 to vector<16xf32>
    %broadcast_in_dim3A_3524 = vector.broadcast %jit3A_3522 : f32 to vector<16xf32>
    %select_n3A_3525 = arith.select %lt3A_3520, %broadcast_in_dim3A_3523, %broadcast_in_dim3A_3524 : vector<16xi1>, vector<16xf32>
    %add3A_3526 = arith.addf %add3A_3514, %select_n3A_3525 : vector<16xf32>
    %get3A_3527 = arith.constant 12 : i32
    %get3A_3528 = arith.index_cast %get3A_3527 : i32 to index
    %get3A_3529 = arith.constant 32 : index
    %get3A_3530 = tpu.vector_load %arg7[%get3A_3528, %get3A_3529] {strides = array<i32>} : memref<16x128xf32, #tpu.memory_space<vmem>>, vector<1x16xf32>,
    %get3A_3531 = vector.shape_cast %get3A_3530 : vector<1x16xf32> to vector<16xf32>
    %lt3A_3532 = arith.cmpf olt, %get3A_3531, %min3A_3500 : vector<16xf32>
    %jit3A_3533 = arith.constant 1.000000e+00 : f32
    %jit3A_3534 = arith.constant 0.000000e+00 : f32
    %broadcast_in_dim3A_3535 = vector.broadcast %jit3A_3533 : f32 to vector<16xf32>
    %broadcast_in_dim3A_3536 = vector.broadcast %jit3A_3534 : f32 to vector<16xf32>
    %select_n3A_3537 = arith.select %lt3A_3532, %broadcast_in_dim3A_3535, %broadcast_in_dim3A_3536 : vector<16xi1>, vector<16xf32>
    %add3A_3538 = arith.addf %add3A_3526, %select_n3A_3537 : vector<16xf32>
    %get3A_3539 = arith.constant 12 : i32
    %get3A_3540 = arith.index_cast %get3A_3539 : i32 to index
    %get3A_3541 = arith.constant 48 : index
    %get3A_3542 = tpu.vector_load %arg7[%get3A_3540, %get3A_3541] {strides = array<i32>} : memref<16x128xf32, #tpu.memory_space<vmem>>, vector<1x16xf32>,
    %get3A_3543 = vector.shape_cast %get3A_3542 : vector<1x16xf32> to vector<16xf32>
    %lt3A_3544 = arith.cmpf olt, %get3A_3543, %min3A_3500 : vector<16xf32>
    %jit3A_3545 = arith.constant 1.000000e+00 : f32
    %jit3A_3546 = arith.constant 0.000000e+00 : f32
    %broadcast_in_dim3A_3547 = vector.broadcast %jit3A_3545 : f32 to vector<16xf32>
    %broadcast_in_dim3A_3548 = vector.broadcast %jit3A_3546 : f32 to vector<16xf32>
    %select_n3A_3549 = arith.select %lt3A_3544, %broadcast_in_dim3A_3547, %broadcast_in_dim3A_3548 : vector<16xi1>, vector<16xf32>
    %add3A_3550 = arith.addf %add3A_3538, %select_n3A_3549 : vector<16xf32>
    %get3A_3551 = arith.constant 12 : i32
    %get3A_3552 = arith.index_cast %get3A_3551 : i32 to index
    %get3A_3553 = arith.constant 64 : index
    %get3A_3554 = tpu.vector_load %arg7[%get3A_3552, %get3A_3553] {strides = array<i32>} : memref<16x128xf32, #tpu.memory_space<vmem>>, vector<1x16xf32>,
    %get3A_3555 = vector.shape_cast %get3A_3554 : vector<1x16xf32> to vector<16xf32>
    %lt3A_3556 = arith.cmpf olt, %get3A_3555, %min3A_3500 : vector<16xf32>
    %jit3A_3557 = arith.constant 1.000000e+00 : f32
    %jit3A_3558 = arith.constant 0.000000e+00 : f32
    %broadcast_in_dim3A_3559 = vector.broadcast %jit3A_3557 : f32 to vector<16xf32>
    %broadcast_in_dim3A_3560 = vector.broadcast %jit3A_3558 : f32 to vector<16xf32>
    %select_n3A_3561 = arith.select %lt3A_3556, %broadcast_in_dim3A_3559, %broadcast_in_dim3A_3560 : vector<16xi1>, vector<16xf32>
    %add3A_3562 = arith.addf %add3A_3550, %select_n3A_3561 : vector<16xf32>
    %get3A_3563 = arith.constant 12 : i32
    %get3A_3564 = arith.index_cast %get3A_3563 : i32 to index
    %get3A_3565 = arith.constant 80 : index
    %get3A_3566 = tpu.vector_load %arg7[%get3A_3564, %get3A_3565] {strides = array<i32>} : memref<16x128xf32, #tpu.memory_space<vmem>>, vector<1x16xf32>,
    %get3A_3567 = vector.shape_cast %get3A_3566 : vector<1x16xf32> to vector<16xf32>
    %lt3A_3568 = arith.cmpf olt, %get3A_3567, %min3A_3500 : vector<16xf32>
    %jit3A_3569 = arith.constant 1.000000e+00 : f32
    %jit3A_3570 = arith.constant 0.000000e+00 : f32
    %broadcast_in_dim3A_3571 = vector.broadcast %jit3A_3569 : f32 to vector<16xf32>
    %broadcast_in_dim3A_3572 = vector.broadcast %jit3A_3570 : f32 to vector<16xf32>
    %select_n3A_3573 = arith.select %lt3A_3568, %broadcast_in_dim3A_3571, %broadcast_in_dim3A_3572 : vector<16xi1>, vector<16xf32>
    %add3A_3574 = arith.addf %add3A_3562, %select_n3A_3573 : vector<16xf32>
    %get3A_3575 = arith.constant 12 : i32
    %get3A_3576 = arith.index_cast %get3A_3575 : i32 to index
    %get3A_3577 = arith.constant 96 : index
    %get3A_3578 = tpu.vector_load %arg7[%get3A_3576, %get3A_3577] {strides = array<i32>} : memref<16x128xf32, #tpu.memory_space<vmem>>, vector<1x16xf32>,
    %get3A_3579 = vector.shape_cast %get3A_3578 : vector<1x16xf32> to vector<16xf32>
    %lt3A_3580 = arith.cmpf olt, %get3A_3579, %min3A_3500 : vector<16xf32>
    %jit3A_3581 = arith.constant 1.000000e+00 : f32
    %jit3A_3582 = arith.constant 0.000000e+00 : f32
    %broadcast_in_dim3A_3583 = vector.broadcast %jit3A_3581 : f32 to vector<16xf32>
    %broadcast_in_dim3A_3584 = vector.broadcast %jit3A_3582 : f32 to vector<16xf32>
    %select_n3A_3585 = arith.select %lt3A_3580, %broadcast_in_dim3A_3583, %broadcast_in_dim3A_3584 : vector<16xi1>, vector<16xf32>
    %add3A_3586 = arith.addf %add3A_3574, %select_n3A_3585 : vector<16xf32>
    %get3A_3587 = arith.constant 12 : i32
    %get3A_3588 = arith.index_cast %get3A_3587 : i32 to index
    %get3A_3589 = arith.constant 112 : index
    %get3A_3590 = tpu.vector_load %arg7[%get3A_3588, %get3A_3589] {strides = array<i32>} : memref<16x128xf32, #tpu.memory_space<vmem>>, vector<1x16xf32>,
    %get3A_3591 = vector.shape_cast %get3A_3590 : vector<1x16xf32> to vector<16xf32>
    %lt3A_3592 = arith.cmpf olt, %get3A_3591, %min3A_3500 : vector<16xf32>
    %jit3A_3593 = arith.constant 1.000000e+00 : f32
    %jit3A_3594 = arith.constant 0.000000e+00 : f32
    %broadcast_in_dim3A_3595 = vector.broadcast %jit3A_3593 : f32 to vector<16xf32>
    %broadcast_in_dim3A_3596 = vector.broadcast %jit3A_3594 : f32 to vector<16xf32>
    %select_n3A_3597 = arith.select %lt3A_3592, %broadcast_in_dim3A_3595, %broadcast_in_dim3A_3596 : vector<16xi1>, vector<16xf32>
    %add3A_3598 = arith.addf %add3A_3586, %select_n3A_3597 : vector<16xf32>
    %xor3A_3599 = arith.constant 8 : i32
    %xor3A_3600 = vector.broadcast %xor3A_3599 : i32 to vector<16xi32>
    %xor3A_3601 = arith.xori %iota3A, %xor3A_3600 : vector<16xi32>
    %lt3A_3602 = arith.constant 0 : i32
    %lt3A_3603 = vector.broadcast %lt3A_3602 : i32 to vector<16xi32>
    %lt3A_3604 = arith.cmpi slt, %xor3A_3601, %lt3A_3603 : vector<16xi32>
    %add3A_3605 = arith.constant 16 : i32
    %add3A_3606 = vector.broadcast %add3A_3605 : i32 to vector<16xi32>
    %add3A_3607 = arith.addi %xor3A_3601, %add3A_3606 : vector<16xi32>
    %select_n3A_3608 = arith.select %lt3A_3604, %add3A_3607, %xor3A_3601 : vector<16xi1>, vector<16xi32>
    %broadcast_in_dim3A_3609 = vector.shape_cast %select_n3A_3608 : vector<16xi32> to vector<16x1xi32>
    %gather3A_3610 = vector.shape_cast %broadcast_in_dim3A_3609 : vector<16x1xi32> to vector<16xi32>
    %gather3A_3611 = tpu.dynamic_gather %add3A_3598[%gather3A_3610] in [0] : vector<16xf32>, vector<16xi32> -> vector<16xf32>
    %add3A_3612 = arith.addf %add3A_3598, %gather3A_3611 : vector<16xf32>
    %xor3A_3613 = arith.constant 4 : i32
    %xor3A_3614 = vector.broadcast %xor3A_3613 : i32 to vector<16xi32>
    %xor3A_3615 = arith.xori %iota3A, %xor3A_3614 : vector<16xi32>
    %lt3A_3616 = arith.constant 0 : i32
    %lt3A_3617 = vector.broadcast %lt3A_3616 : i32 to vector<16xi32>
    %lt3A_3618 = arith.cmpi slt, %xor3A_3615, %lt3A_3617 : vector<16xi32>
    %add3A_3619 = arith.constant 16 : i32
    %add3A_3620 = vector.broadcast %add3A_3619 : i32 to vector<16xi32>
    %add3A_3621 = arith.addi %xor3A_3615, %add3A_3620 : vector<16xi32>
    %select_n3A_3622 = arith.select %lt3A_3618, %add3A_3621, %xor3A_3615 : vector<16xi1>, vector<16xi32>
    %broadcast_in_dim3A_3623 = vector.shape_cast %select_n3A_3622 : vector<16xi32> to vector<16x1xi32>
    %gather3A_3624 = vector.shape_cast %broadcast_in_dim3A_3623 : vector<16x1xi32> to vector<16xi32>
    %gather3A_3625 = tpu.dynamic_gather %add3A_3612[%gather3A_3624] in [0] : vector<16xf32>, vector<16xi32> -> vector<16xf32>
    %add3A_3626 = arith.addf %add3A_3612, %gather3A_3625 : vector<16xf32>
    %xor3A_3627 = arith.constant 2 : i32
    %xor3A_3628 = vector.broadcast %xor3A_3627 : i32 to vector<16xi32>
    %xor3A_3629 = arith.xori %iota3A, %xor3A_3628 : vector<16xi32>
    %lt3A_3630 = arith.constant 0 : i32
    %lt3A_3631 = vector.broadcast %lt3A_3630 : i32 to vector<16xi32>
    %lt3A_3632 = arith.cmpi slt, %xor3A_3629, %lt3A_3631 : vector<16xi32>
    %add3A_3633 = arith.constant 16 : i32
    %add3A_3634 = vector.broadcast %add3A_3633 : i32 to vector<16xi32>
    %add3A_3635 = arith.addi %xor3A_3629, %add3A_3634 : vector<16xi32>
    %select_n3A_3636 = arith.select %lt3A_3632, %add3A_3635, %xor3A_3629 : vector<16xi1>, vector<16xi32>
    %broadcast_in_dim3A_3637 = vector.shape_cast %select_n3A_3636 : vector<16xi32> to vector<16x1xi32>
    %gather3A_3638 = vector.shape_cast %broadcast_in_dim3A_3637 : vector<16x1xi32> to vector<16xi32>
    %gather3A_3639 = tpu.dynamic_gather %add3A_3626[%gather3A_3638] in [0] : vector<16xf32>, vector<16xi32> -> vector<16xf32>
    %add3A_3640 = arith.addf %add3A_3626, %gather3A_3639 : vector<16xf32>
    %xor3A_3641 = arith.constant 1 : i32
    %xor3A_3642 = vector.broadcast %xor3A_3641 : i32 to vector<16xi32>
    %xor3A_3643 = arith.xori %iota3A, %xor3A_3642 : vector<16xi32>
    %lt3A_3644 = arith.constant 0 : i32
    %lt3A_3645 = vector.broadcast %lt3A_3644 : i32 to vector<16xi32>
    %lt3A_3646 = arith.cmpi slt, %xor3A_3643, %lt3A_3645 : vector<16xi32>
    %add3A_3647 = arith.constant 16 : i32
    %add3A_3648 = vector.broadcast %add3A_3647 : i32 to vector<16xi32>
    %add3A_3649 = arith.addi %xor3A_3643, %add3A_3648 : vector<16xi32>
    %select_n3A_3650 = arith.select %lt3A_3646, %add3A_3649, %xor3A_3643 : vector<16xi1>, vector<16xi32>
    %broadcast_in_dim3A_3651 = vector.shape_cast %select_n3A_3650 : vector<16xi32> to vector<16x1xi32>
    %gather3A_3652 = vector.shape_cast %broadcast_in_dim3A_3651 : vector<16x1xi32> to vector<16xi32>
    %gather3A_3653 = tpu.dynamic_gather %add3A_3640[%gather3A_3652] in [0] : vector<16xf32>, vector<16xi32> -> vector<16xf32>
    %add3A_3654 = arith.addf %add3A_3640, %gather3A_3653 : vector<16xf32>
    %lt3A_3655 = arith.constant 1.500000e+01 : f32
    %lt3A_3656 = vector.broadcast %lt3A_3655 : f32 to vector<16xf32>
    %lt3A_3657 = arith.cmpf olt, %add3A_3654, %lt3A_3656 : vector<16xf32>
    %lt3A_3658 = arith.constant 5.000000e+29 : f32
    %lt3A_3659 = vector.broadcast %lt3A_3658 : f32 to vector<16xf32>
    %lt3A_3660 = arith.cmpf olt, %min3A_3500, %lt3A_3659 : vector<16xf32>
    %jit3A_3661 = arith.constant 0.000000e+00 : f32
    %broadcast_in_dim3A_3662 = vector.broadcast %jit3A_3661 : f32 to vector<16xf32>
    %select_n3A_3663 = arith.select %lt3A_3660, %min3A_3500, %broadcast_in_dim3A_3662 : vector<16xi1>, vector<16xf32>
    %jit3A_3664 = arith.constant 0.000000e+00 : f32
    %broadcast_in_dim3A_3665 = vector.broadcast %jit3A_3664 : f32 to vector<16xf32>
    %select_n3A_3666 = arith.select %lt3A_3657, %select_n3A_3663, %broadcast_in_dim3A_3665 : vector<16xi1>, vector<16xf32>
    %get3A_3667 = arith.constant 12 : i32
    %get3A_3668 = arith.index_cast %get3A_3667 : i32 to index
    %get3A_3669 = arith.constant 0 : index
    %get3A_3670 = tpu.vector_load %arg9[%get3A_3668, %get3A_3669] {strides = array<i32>} : memref<16x16xf32, #tpu.memory_space<vmem>>, vector<1x16xf32>,
    %get3A_3671 = vector.shape_cast %get3A_3670 : vector<1x16xf32> to vector<16xf32>
    %add3A_3672 = arith.constant 1.000000e+00 : f32
    %add3A_3673 = vector.broadcast %add3A_3672 : f32 to vector<16xf32>
    %add3A_3674 = arith.addf %add3A_3673, %get3A_3671 : vector<16xf32>
    %sub3A_3675 = arith.subf %add3A_3674, %select_n3A_3666 : vector<16xf32>
    %max3A_3676 = arith.constant 0.000000e+00 : f32
    %max3A_3677 = vector.broadcast %max3A_3676 : f32 to vector<16xf32>
    %max3A_3678 = arith.maximumf %sub3A_3675, %max3A_3677 : vector<16xf32>
    %add3A_3679 = arith.addf %add3A_3397, %max3A_3678 : vector<16xf32>
    %get3A_3680 = arith.constant 13 : i32
    %get3A_3681 = arith.index_cast %get3A_3680 : i32 to index
    %get3A_3682 = arith.constant 0 : index
    %get3A_3683 = tpu.vector_load %arg8[%get3A_3681, %get3A_3682] {strides = array<i32>} : memref<16x128xf32, #tpu.memory_space<vmem>>, vector<1x16xf32>,
    %get3A_3684 = vector.shape_cast %get3A_3683 : vector<1x16xf32> to vector<16xf32>
    %get3A_3685 = arith.constant 13 : i32
    %get3A_3686 = arith.index_cast %get3A_3685 : i32 to index
    %get3A_3687 = arith.constant 16 : index
    %get3A_3688 = tpu.vector_load %arg8[%get3A_3686, %get3A_3687] {strides = array<i32>} : memref<16x128xf32, #tpu.memory_space<vmem>>, vector<1x16xf32>,
    %get3A_3689 = vector.shape_cast %get3A_3688 : vector<1x16xf32> to vector<16xf32>
    %min3A_3690 = arith.minimumf %get3A_3684, %get3A_3689 : vector<16xf32>
    %get3A_3691 = arith.constant 13 : i32
    %get3A_3692 = arith.index_cast %get3A_3691 : i32 to index
    %get3A_3693 = arith.constant 32 : index
    %get3A_3694 = tpu.vector_load %arg8[%get3A_3692, %get3A_3693] {strides = array<i32>} : memref<16x128xf32, #tpu.memory_space<vmem>>, vector<1x16xf32>,
    %get3A_3695 = vector.shape_cast %get3A_3694 : vector<1x16xf32> to vector<16xf32>
    %min3A_3696 = arith.minimumf %min3A_3690, %get3A_3695 : vector<16xf32>
    %get3A_3697 = arith.constant 13 : i32
    %get3A_3698 = arith.index_cast %get3A_3697 : i32 to index
    %get3A_3699 = arith.constant 48 : index
    %get3A_3700 = tpu.vector_load %arg8[%get3A_3698, %get3A_3699] {strides = array<i32>} : memref<16x128xf32, #tpu.memory_space<vmem>>, vector<1x16xf32>,
    %get3A_3701 = vector.shape_cast %get3A_3700 : vector<1x16xf32> to vector<16xf32>
    %min3A_3702 = arith.minimumf %min3A_3696, %get3A_3701 : vector<16xf32>
    %get3A_3703 = arith.constant 13 : i32
    %get3A_3704 = arith.index_cast %get3A_3703 : i32 to index
    %get3A_3705 = arith.constant 64 : index
    %get3A_3706 = tpu.vector_load %arg8[%get3A_3704, %get3A_3705] {strides = array<i32>} : memref<16x128xf32, #tpu.memory_space<vmem>>, vector<1x16xf32>,
    %get3A_3707 = vector.shape_cast %get3A_3706 : vector<1x16xf32> to vector<16xf32>
    %min3A_3708 = arith.minimumf %min3A_3702, %get3A_3707 : vector<16xf32>
    %get3A_3709 = arith.constant 13 : i32
    %get3A_3710 = arith.index_cast %get3A_3709 : i32 to index
    %get3A_3711 = arith.constant 80 : index
    %get3A_3712 = tpu.vector_load %arg8[%get3A_3710, %get3A_3711] {strides = array<i32>} : memref<16x128xf32, #tpu.memory_space<vmem>>, vector<1x16xf32>,
    %get3A_3713 = vector.shape_cast %get3A_3712 : vector<1x16xf32> to vector<16xf32>
    %min3A_3714 = arith.minimumf %min3A_3708, %get3A_3713 : vector<16xf32>
    %get3A_3715 = arith.constant 13 : i32
    %get3A_3716 = arith.index_cast %get3A_3715 : i32 to index
    %get3A_3717 = arith.constant 96 : index
    %get3A_3718 = tpu.vector_load %arg8[%get3A_3716, %get3A_3717] {strides = array<i32>} : memref<16x128xf32, #tpu.memory_space<vmem>>, vector<1x16xf32>,
    %get3A_3719 = vector.shape_cast %get3A_3718 : vector<1x16xf32> to vector<16xf32>
    %min3A_3720 = arith.minimumf %min3A_3714, %get3A_3719 : vector<16xf32>
    %get3A_3721 = arith.constant 13 : i32
    %get3A_3722 = arith.index_cast %get3A_3721 : i32 to index
    %get3A_3723 = arith.constant 112 : index
    %get3A_3724 = tpu.vector_load %arg8[%get3A_3722, %get3A_3723] {strides = array<i32>} : memref<16x128xf32, #tpu.memory_space<vmem>>, vector<1x16xf32>,
    %get3A_3725 = vector.shape_cast %get3A_3724 : vector<1x16xf32> to vector<16xf32>
    %min3A_3726 = arith.minimumf %min3A_3720, %get3A_3725 : vector<16xf32>
    %xor3A_3727 = arith.constant 8 : i32
    %xor3A_3728 = vector.broadcast %xor3A_3727 : i32 to vector<16xi32>
    %xor3A_3729 = arith.xori %iota3A, %xor3A_3728 : vector<16xi32>
    %lt3A_3730 = arith.constant 0 : i32
    %lt3A_3731 = vector.broadcast %lt3A_3730 : i32 to vector<16xi32>
    %lt3A_3732 = arith.cmpi slt, %xor3A_3729, %lt3A_3731 : vector<16xi32>
    %add3A_3733 = arith.constant 16 : i32
    %add3A_3734 = vector.broadcast %add3A_3733 : i32 to vector<16xi32>
    %add3A_3735 = arith.addi %xor3A_3729, %add3A_3734 : vector<16xi32>
    %select_n3A_3736 = arith.select %lt3A_3732, %add3A_3735, %xor3A_3729 : vector<16xi1>, vector<16xi32>
    %broadcast_in_dim3A_3737 = vector.shape_cast %select_n3A_3736 : vector<16xi32> to vector<16x1xi32>
    %gather3A_3738 = vector.shape_cast %broadcast_in_dim3A_3737 : vector<16x1xi32> to vector<16xi32>
    %gather3A_3739 = tpu.dynamic_gather %min3A_3726[%gather3A_3738] in [0] : vector<16xf32>, vector<16xi32> -> vector<16xf32>
    %min3A_3740 = arith.minimumf %min3A_3726, %gather3A_3739 : vector<16xf32>
    %xor3A_3741 = arith.constant 4 : i32
    %xor3A_3742 = vector.broadcast %xor3A_3741 : i32 to vector<16xi32>
    %xor3A_3743 = arith.xori %iota3A, %xor3A_3742 : vector<16xi32>
    %lt3A_3744 = arith.constant 0 : i32
    %lt3A_3745 = vector.broadcast %lt3A_3744 : i32 to vector<16xi32>
    %lt3A_3746 = arith.cmpi slt, %xor3A_3743, %lt3A_3745 : vector<16xi32>
    %add3A_3747 = arith.constant 16 : i32
    %add3A_3748 = vector.broadcast %add3A_3747 : i32 to vector<16xi32>
    %add3A_3749 = arith.addi %xor3A_3743, %add3A_3748 : vector<16xi32>
    %select_n3A_3750 = arith.select %lt3A_3746, %add3A_3749, %xor3A_3743 : vector<16xi1>, vector<16xi32>
    %broadcast_in_dim3A_3751 = vector.shape_cast %select_n3A_3750 : vector<16xi32> to vector<16x1xi32>
    %gather3A_3752 = vector.shape_cast %broadcast_in_dim3A_3751 : vector<16x1xi32> to vector<16xi32>
    %gather3A_3753 = tpu.dynamic_gather %min3A_3740[%gather3A_3752] in [0] : vector<16xf32>, vector<16xi32> -> vector<16xf32>
    %min3A_3754 = arith.minimumf %min3A_3740, %gather3A_3753 : vector<16xf32>
    %xor3A_3755 = arith.constant 2 : i32
    %xor3A_3756 = vector.broadcast %xor3A_3755 : i32 to vector<16xi32>
    %xor3A_3757 = arith.xori %iota3A, %xor3A_3756 : vector<16xi32>
    %lt3A_3758 = arith.constant 0 : i32
    %lt3A_3759 = vector.broadcast %lt3A_3758 : i32 to vector<16xi32>
    %lt3A_3760 = arith.cmpi slt, %xor3A_3757, %lt3A_3759 : vector<16xi32>
    %add3A_3761 = arith.constant 16 : i32
    %add3A_3762 = vector.broadcast %add3A_3761 : i32 to vector<16xi32>
    %add3A_3763 = arith.addi %xor3A_3757, %add3A_3762 : vector<16xi32>
    %select_n3A_3764 = arith.select %lt3A_3760, %add3A_3763, %xor3A_3757 : vector<16xi1>, vector<16xi32>
    %broadcast_in_dim3A_3765 = vector.shape_cast %select_n3A_3764 : vector<16xi32> to vector<16x1xi32>
    %gather3A_3766 = vector.shape_cast %broadcast_in_dim3A_3765 : vector<16x1xi32> to vector<16xi32>
    %gather3A_3767 = tpu.dynamic_gather %min3A_3754[%gather3A_3766] in [0] : vector<16xf32>, vector<16xi32> -> vector<16xf32>
    %min3A_3768 = arith.minimumf %min3A_3754, %gather3A_3767 : vector<16xf32>
    %xor3A_3769 = arith.constant 1 : i32
    %xor3A_3770 = vector.broadcast %xor3A_3769 : i32 to vector<16xi32>
    %xor3A_3771 = arith.xori %iota3A, %xor3A_3770 : vector<16xi32>
    %lt3A_3772 = arith.constant 0 : i32
    %lt3A_3773 = vector.broadcast %lt3A_3772 : i32 to vector<16xi32>
    %lt3A_3774 = arith.cmpi slt, %xor3A_3771, %lt3A_3773 : vector<16xi32>
    %add3A_3775 = arith.constant 16 : i32
    %add3A_3776 = vector.broadcast %add3A_3775 : i32 to vector<16xi32>
    %add3A_3777 = arith.addi %xor3A_3771, %add3A_3776 : vector<16xi32>
    %select_n3A_3778 = arith.select %lt3A_3774, %add3A_3777, %xor3A_3771 : vector<16xi1>, vector<16xi32>
    %broadcast_in_dim3A_3779 = vector.shape_cast %select_n3A_3778 : vector<16xi32> to vector<16x1xi32>
    %gather3A_3780 = vector.shape_cast %broadcast_in_dim3A_3779 : vector<16x1xi32> to vector<16xi32>
    %gather3A_3781 = tpu.dynamic_gather %min3A_3768[%gather3A_3780] in [0] : vector<16xf32>, vector<16xi32> -> vector<16xf32>
    %min3A_3782 = arith.minimumf %min3A_3768, %gather3A_3781 : vector<16xf32>
    %broadcast_in_dim3A_3783 = arith.constant 0.000000e+00 : f32
    %broadcast_in_dim3A_3784 = vector.broadcast %broadcast_in_dim3A_3783 : f32 to vector<16xf32>
    %get3A_3785 = arith.constant 13 : i32
    %get3A_3786 = arith.index_cast %get3A_3785 : i32 to index
    %get3A_3787 = arith.constant 0 : index
    %get3A_3788 = tpu.vector_load %arg7[%get3A_3786, %get3A_3787] {strides = array<i32>} : memref<16x128xf32, #tpu.memory_space<vmem>>, vector<1x16xf32>,
    %get3A_3789 = vector.shape_cast %get3A_3788 : vector<1x16xf32> to vector<16xf32>
    %lt3A_3790 = arith.cmpf olt, %get3A_3789, %min3A_3782 : vector<16xf32>
    %jit3A_3791 = arith.constant 1.000000e+00 : f32
    %jit3A_3792 = arith.constant 0.000000e+00 : f32
    %broadcast_in_dim3A_3793 = vector.broadcast %jit3A_3791 : f32 to vector<16xf32>
    %broadcast_in_dim3A_3794 = vector.broadcast %jit3A_3792 : f32 to vector<16xf32>
    %select_n3A_3795 = arith.select %lt3A_3790, %broadcast_in_dim3A_3793, %broadcast_in_dim3A_3794 : vector<16xi1>, vector<16xf32>
    %add3A_3796 = arith.addf %broadcast_in_dim3A_3784, %select_n3A_3795 : vector<16xf32>
    %get3A_3797 = arith.constant 13 : i32
    %get3A_3798 = arith.index_cast %get3A_3797 : i32 to index
    %get3A_3799 = arith.constant 16 : index
    %get3A_3800 = tpu.vector_load %arg7[%get3A_3798, %get3A_3799] {strides = array<i32>} : memref<16x128xf32, #tpu.memory_space<vmem>>, vector<1x16xf32>,
    %get3A_3801 = vector.shape_cast %get3A_3800 : vector<1x16xf32> to vector<16xf32>
    %lt3A_3802 = arith.cmpf olt, %get3A_3801, %min3A_3782 : vector<16xf32>
    %jit3A_3803 = arith.constant 1.000000e+00 : f32
    %jit3A_3804 = arith.constant 0.000000e+00 : f32
    %broadcast_in_dim3A_3805 = vector.broadcast %jit3A_3803 : f32 to vector<16xf32>
    %broadcast_in_dim3A_3806 = vector.broadcast %jit3A_3804 : f32 to vector<16xf32>
    %select_n3A_3807 = arith.select %lt3A_3802, %broadcast_in_dim3A_3805, %broadcast_in_dim3A_3806 : vector<16xi1>, vector<16xf32>
    %add3A_3808 = arith.addf %add3A_3796, %select_n3A_3807 : vector<16xf32>
    %get3A_3809 = arith.constant 13 : i32
    %get3A_3810 = arith.index_cast %get3A_3809 : i32 to index
    %get3A_3811 = arith.constant 32 : index
    %get3A_3812 = tpu.vector_load %arg7[%get3A_3810, %get3A_3811] {strides = array<i32>} : memref<16x128xf32, #tpu.memory_space<vmem>>, vector<1x16xf32>,
    %get3A_3813 = vector.shape_cast %get3A_3812 : vector<1x16xf32> to vector<16xf32>
    %lt3A_3814 = arith.cmpf olt, %get3A_3813, %min3A_3782 : vector<16xf32>
    %jit3A_3815 = arith.constant 1.000000e+00 : f32
    %jit3A_3816 = arith.constant 0.000000e+00 : f32
    %broadcast_in_dim3A_3817 = vector.broadcast %jit3A_3815 : f32 to vector<16xf32>
    %broadcast_in_dim3A_3818 = vector.broadcast %jit3A_3816 : f32 to vector<16xf32>
    %select_n3A_3819 = arith.select %lt3A_3814, %broadcast_in_dim3A_3817, %broadcast_in_dim3A_3818 : vector<16xi1>, vector<16xf32>
    %add3A_3820 = arith.addf %add3A_3808, %select_n3A_3819 : vector<16xf32>
    %get3A_3821 = arith.constant 13 : i32
    %get3A_3822 = arith.index_cast %get3A_3821 : i32 to index
    %get3A_3823 = arith.constant 48 : index
    %get3A_3824 = tpu.vector_load %arg7[%get3A_3822, %get3A_3823] {strides = array<i32>} : memref<16x128xf32, #tpu.memory_space<vmem>>, vector<1x16xf32>,
    %get3A_3825 = vector.shape_cast %get3A_3824 : vector<1x16xf32> to vector<16xf32>
    %lt3A_3826 = arith.cmpf olt, %get3A_3825, %min3A_3782 : vector<16xf32>
    %jit3A_3827 = arith.constant 1.000000e+00 : f32
    %jit3A_3828 = arith.constant 0.000000e+00 : f32
    %broadcast_in_dim3A_3829 = vector.broadcast %jit3A_3827 : f32 to vector<16xf32>
    %broadcast_in_dim3A_3830 = vector.broadcast %jit3A_3828 : f32 to vector<16xf32>
    %select_n3A_3831 = arith.select %lt3A_3826, %broadcast_in_dim3A_3829, %broadcast_in_dim3A_3830 : vector<16xi1>, vector<16xf32>
    %add3A_3832 = arith.addf %add3A_3820, %select_n3A_3831 : vector<16xf32>
    %get3A_3833 = arith.constant 13 : i32
    %get3A_3834 = arith.index_cast %get3A_3833 : i32 to index
    %get3A_3835 = arith.constant 64 : index
    %get3A_3836 = tpu.vector_load %arg7[%get3A_3834, %get3A_3835] {strides = array<i32>} : memref<16x128xf32, #tpu.memory_space<vmem>>, vector<1x16xf32>,
    %get3A_3837 = vector.shape_cast %get3A_3836 : vector<1x16xf32> to vector<16xf32>
    %lt3A_3838 = arith.cmpf olt, %get3A_3837, %min3A_3782 : vector<16xf32>
    %jit3A_3839 = arith.constant 1.000000e+00 : f32
    %jit3A_3840 = arith.constant 0.000000e+00 : f32
    %broadcast_in_dim3A_3841 = vector.broadcast %jit3A_3839 : f32 to vector<16xf32>
    %broadcast_in_dim3A_3842 = vector.broadcast %jit3A_3840 : f32 to vector<16xf32>
    %select_n3A_3843 = arith.select %lt3A_3838, %broadcast_in_dim3A_3841, %broadcast_in_dim3A_3842 : vector<16xi1>, vector<16xf32>
    %add3A_3844 = arith.addf %add3A_3832, %select_n3A_3843 : vector<16xf32>
    %get3A_3845 = arith.constant 13 : i32
    %get3A_3846 = arith.index_cast %get3A_3845 : i32 to index
    %get3A_3847 = arith.constant 80 : index
    %get3A_3848 = tpu.vector_load %arg7[%get3A_3846, %get3A_3847] {strides = array<i32>} : memref<16x128xf32, #tpu.memory_space<vmem>>, vector<1x16xf32>,
    %get3A_3849 = vector.shape_cast %get3A_3848 : vector<1x16xf32> to vector<16xf32>
    %lt3A_3850 = arith.cmpf olt, %get3A_3849, %min3A_3782 : vector<16xf32>
    %jit3A_3851 = arith.constant 1.000000e+00 : f32
    %jit3A_3852 = arith.constant 0.000000e+00 : f32
    %broadcast_in_dim3A_3853 = vector.broadcast %jit3A_3851 : f32 to vector<16xf32>
    %broadcast_in_dim3A_3854 = vector.broadcast %jit3A_3852 : f32 to vector<16xf32>
    %select_n3A_3855 = arith.select %lt3A_3850, %broadcast_in_dim3A_3853, %broadcast_in_dim3A_3854 : vector<16xi1>, vector<16xf32>
    %add3A_3856 = arith.addf %add3A_3844, %select_n3A_3855 : vector<16xf32>
    %get3A_3857 = arith.constant 13 : i32
    %get3A_3858 = arith.index_cast %get3A_3857 : i32 to index
    %get3A_3859 = arith.constant 96 : index
    %get3A_3860 = tpu.vector_load %arg7[%get3A_3858, %get3A_3859] {strides = array<i32>} : memref<16x128xf32, #tpu.memory_space<vmem>>, vector<1x16xf32>,
    %get3A_3861 = vector.shape_cast %get3A_3860 : vector<1x16xf32> to vector<16xf32>
    %lt3A_3862 = arith.cmpf olt, %get3A_3861, %min3A_3782 : vector<16xf32>
    %jit3A_3863 = arith.constant 1.000000e+00 : f32
    %jit3A_3864 = arith.constant 0.000000e+00 : f32
    %broadcast_in_dim3A_3865 = vector.broadcast %jit3A_3863 : f32 to vector<16xf32>
    %broadcast_in_dim3A_3866 = vector.broadcast %jit3A_3864 : f32 to vector<16xf32>
    %select_n3A_3867 = arith.select %lt3A_3862, %broadcast_in_dim3A_3865, %broadcast_in_dim3A_3866 : vector<16xi1>, vector<16xf32>
    %add3A_3868 = arith.addf %add3A_3856, %select_n3A_3867 : vector<16xf32>
    %get3A_3869 = arith.constant 13 : i32
    %get3A_3870 = arith.index_cast %get3A_3869 : i32 to index
    %get3A_3871 = arith.constant 112 : index
    %get3A_3872 = tpu.vector_load %arg7[%get3A_3870, %get3A_3871] {strides = array<i32>} : memref<16x128xf32, #tpu.memory_space<vmem>>, vector<1x16xf32>,
    %get3A_3873 = vector.shape_cast %get3A_3872 : vector<1x16xf32> to vector<16xf32>
    %lt3A_3874 = arith.cmpf olt, %get3A_3873, %min3A_3782 : vector<16xf32>
    %jit3A_3875 = arith.constant 1.000000e+00 : f32
    %jit3A_3876 = arith.constant 0.000000e+00 : f32
    %broadcast_in_dim3A_3877 = vector.broadcast %jit3A_3875 : f32 to vector<16xf32>
    %broadcast_in_dim3A_3878 = vector.broadcast %jit3A_3876 : f32 to vector<16xf32>
    %select_n3A_3879 = arith.select %lt3A_3874, %broadcast_in_dim3A_3877, %broadcast_in_dim3A_3878 : vector<16xi1>, vector<16xf32>
    %add3A_3880 = arith.addf %add3A_3868, %select_n3A_3879 : vector<16xf32>
    %xor3A_3881 = arith.constant 8 : i32
    %xor3A_3882 = vector.broadcast %xor3A_3881 : i32 to vector<16xi32>
    %xor3A_3883 = arith.xori %iota3A, %xor3A_3882 : vector<16xi32>
    %lt3A_3884 = arith.constant 0 : i32
    %lt3A_3885 = vector.broadcast %lt3A_3884 : i32 to vector<16xi32>
    %lt3A_3886 = arith.cmpi slt, %xor3A_3883, %lt3A_3885 : vector<16xi32>
    %add3A_3887 = arith.constant 16 : i32
    %add3A_3888 = vector.broadcast %add3A_3887 : i32 to vector<16xi32>
    %add3A_3889 = arith.addi %xor3A_3883, %add3A_3888 : vector<16xi32>
    %select_n3A_3890 = arith.select %lt3A_3886, %add3A_3889, %xor3A_3883 : vector<16xi1>, vector<16xi32>
    %broadcast_in_dim3A_3891 = vector.shape_cast %select_n3A_3890 : vector<16xi32> to vector<16x1xi32>
    %gather3A_3892 = vector.shape_cast %broadcast_in_dim3A_3891 : vector<16x1xi32> to vector<16xi32>
    %gather3A_3893 = tpu.dynamic_gather %add3A_3880[%gather3A_3892] in [0] : vector<16xf32>, vector<16xi32> -> vector<16xf32>
    %add3A_3894 = arith.addf %add3A_3880, %gather3A_3893 : vector<16xf32>
    %xor3A_3895 = arith.constant 4 : i32
    %xor3A_3896 = vector.broadcast %xor3A_3895 : i32 to vector<16xi32>
    %xor3A_3897 = arith.xori %iota3A, %xor3A_3896 : vector<16xi32>
    %lt3A_3898 = arith.constant 0 : i32
    %lt3A_3899 = vector.broadcast %lt3A_3898 : i32 to vector<16xi32>
    %lt3A_3900 = arith.cmpi slt, %xor3A_3897, %lt3A_3899 : vector<16xi32>
    %add3A_3901 = arith.constant 16 : i32
    %add3A_3902 = vector.broadcast %add3A_3901 : i32 to vector<16xi32>
    %add3A_3903 = arith.addi %xor3A_3897, %add3A_3902 : vector<16xi32>
    %select_n3A_3904 = arith.select %lt3A_3900, %add3A_3903, %xor3A_3897 : vector<16xi1>, vector<16xi32>
    %broadcast_in_dim3A_3905 = vector.shape_cast %select_n3A_3904 : vector<16xi32> to vector<16x1xi32>
    %gather3A_3906 = vector.shape_cast %broadcast_in_dim3A_3905 : vector<16x1xi32> to vector<16xi32>
    %gather3A_3907 = tpu.dynamic_gather %add3A_3894[%gather3A_3906] in [0] : vector<16xf32>, vector<16xi32> -> vector<16xf32>
    %add3A_3908 = arith.addf %add3A_3894, %gather3A_3907 : vector<16xf32>
    %xor3A_3909 = arith.constant 2 : i32
    %xor3A_3910 = vector.broadcast %xor3A_3909 : i32 to vector<16xi32>
    %xor3A_3911 = arith.xori %iota3A, %xor3A_3910 : vector<16xi32>
    %lt3A_3912 = arith.constant 0 : i32
    %lt3A_3913 = vector.broadcast %lt3A_3912 : i32 to vector<16xi32>
    %lt3A_3914 = arith.cmpi slt, %xor3A_3911, %lt3A_3913 : vector<16xi32>
    %add3A_3915 = arith.constant 16 : i32
    %add3A_3916 = vector.broadcast %add3A_3915 : i32 to vector<16xi32>
    %add3A_3917 = arith.addi %xor3A_3911, %add3A_3916 : vector<16xi32>
    %select_n3A_3918 = arith.select %lt3A_3914, %add3A_3917, %xor3A_3911 : vector<16xi1>, vector<16xi32>
    %broadcast_in_dim3A_3919 = vector.shape_cast %select_n3A_3918 : vector<16xi32> to vector<16x1xi32>
    %gather3A_3920 = vector.shape_cast %broadcast_in_dim3A_3919 : vector<16x1xi32> to vector<16xi32>
    %gather3A_3921 = tpu.dynamic_gather %add3A_3908[%gather3A_3920] in [0] : vector<16xf32>, vector<16xi32> -> vector<16xf32>
    %add3A_3922 = arith.addf %add3A_3908, %gather3A_3921 : vector<16xf32>
    %xor3A_3923 = arith.constant 1 : i32
    %xor3A_3924 = vector.broadcast %xor3A_3923 : i32 to vector<16xi32>
    %xor3A_3925 = arith.xori %iota3A, %xor3A_3924 : vector<16xi32>
    %lt3A_3926 = arith.constant 0 : i32
    %lt3A_3927 = vector.broadcast %lt3A_3926 : i32 to vector<16xi32>
    %lt3A_3928 = arith.cmpi slt, %xor3A_3925, %lt3A_3927 : vector<16xi32>
    %add3A_3929 = arith.constant 16 : i32
    %add3A_3930 = vector.broadcast %add3A_3929 : i32 to vector<16xi32>
    %add3A_3931 = arith.addi %xor3A_3925, %add3A_3930 : vector<16xi32>
    %select_n3A_3932 = arith.select %lt3A_3928, %add3A_3931, %xor3A_3925 : vector<16xi1>, vector<16xi32>
    %broadcast_in_dim3A_3933 = vector.shape_cast %select_n3A_3932 : vector<16xi32> to vector<16x1xi32>
    %gather3A_3934 = vector.shape_cast %broadcast_in_dim3A_3933 : vector<16x1xi32> to vector<16xi32>
    %gather3A_3935 = tpu.dynamic_gather %add3A_3922[%gather3A_3934] in [0] : vector<16xf32>, vector<16xi32> -> vector<16xf32>
    %add3A_3936 = arith.addf %add3A_3922, %gather3A_3935 : vector<16xf32>
    %lt3A_3937 = arith.constant 1.500000e+01 : f32
    %lt3A_3938 = vector.broadcast %lt3A_3937 : f32 to vector<16xf32>
    %lt3A_3939 = arith.cmpf olt, %add3A_3936, %lt3A_3938 : vector<16xf32>
    %lt3A_3940 = arith.constant 5.000000e+29 : f32
    %lt3A_3941 = vector.broadcast %lt3A_3940 : f32 to vector<16xf32>
    %lt3A_3942 = arith.cmpf olt, %min3A_3782, %lt3A_3941 : vector<16xf32>
    %jit3A_3943 = arith.constant 0.000000e+00 : f32
    %broadcast_in_dim3A_3944 = vector.broadcast %jit3A_3943 : f32 to vector<16xf32>
    %select_n3A_3945 = arith.select %lt3A_3942, %min3A_3782, %broadcast_in_dim3A_3944 : vector<16xi1>, vector<16xf32>
    %jit3A_3946 = arith.constant 0.000000e+00 : f32
    %broadcast_in_dim3A_3947 = vector.broadcast %jit3A_3946 : f32 to vector<16xf32>
    %select_n3A_3948 = arith.select %lt3A_3939, %select_n3A_3945, %broadcast_in_dim3A_3947 : vector<16xi1>, vector<16xf32>
    %get3A_3949 = arith.constant 13 : i32
    %get3A_3950 = arith.index_cast %get3A_3949 : i32 to index
    %get3A_3951 = arith.constant 0 : index
    %get3A_3952 = tpu.vector_load %arg9[%get3A_3950, %get3A_3951] {strides = array<i32>} : memref<16x16xf32, #tpu.memory_space<vmem>>, vector<1x16xf32>,
    %get3A_3953 = vector.shape_cast %get3A_3952 : vector<1x16xf32> to vector<16xf32>
    %add3A_3954 = arith.constant 1.000000e+00 : f32
    %add3A_3955 = vector.broadcast %add3A_3954 : f32 to vector<16xf32>
    %add3A_3956 = arith.addf %add3A_3955, %get3A_3953 : vector<16xf32>
    %sub3A_3957 = arith.subf %add3A_3956, %select_n3A_3948 : vector<16xf32>
    %max3A_3958 = arith.constant 0.000000e+00 : f32
    %max3A_3959 = vector.broadcast %max3A_3958 : f32 to vector<16xf32>
    %max3A_3960 = arith.maximumf %sub3A_3957, %max3A_3959 : vector<16xf32>
    %add3A_3961 = arith.addf %add3A_3679, %max3A_3960 : vector<16xf32>
    %get3A_3962 = arith.constant 14 : i32
    %get3A_3963 = arith.index_cast %get3A_3962 : i32 to index
    %get3A_3964 = arith.constant 0 : index
    %get3A_3965 = tpu.vector_load %arg8[%get3A_3963, %get3A_3964] {strides = array<i32>} : memref<16x128xf32, #tpu.memory_space<vmem>>, vector<1x16xf32>,
    %get3A_3966 = vector.shape_cast %get3A_3965 : vector<1x16xf32> to vector<16xf32>
    %get3A_3967 = arith.constant 14 : i32
    %get3A_3968 = arith.index_cast %get3A_3967 : i32 to index
    %get3A_3969 = arith.constant 16 : index
    %get3A_3970 = tpu.vector_load %arg8[%get3A_3968, %get3A_3969] {strides = array<i32>} : memref<16x128xf32, #tpu.memory_space<vmem>>, vector<1x16xf32>,
    %get3A_3971 = vector.shape_cast %get3A_3970 : vector<1x16xf32> to vector<16xf32>
    %min3A_3972 = arith.minimumf %get3A_3966, %get3A_3971 : vector<16xf32>
    %get3A_3973 = arith.constant 14 : i32
    %get3A_3974 = arith.index_cast %get3A_3973 : i32 to index
    %get3A_3975 = arith.constant 32 : index
    %get3A_3976 = tpu.vector_load %arg8[%get3A_3974, %get3A_3975] {strides = array<i32>} : memref<16x128xf32, #tpu.memory_space<vmem>>, vector<1x16xf32>,
    %get3A_3977 = vector.shape_cast %get3A_3976 : vector<1x16xf32> to vector<16xf32>
    %min3A_3978 = arith.minimumf %min3A_3972, %get3A_3977 : vector<16xf32>
    %get3A_3979 = arith.constant 14 : i32
    %get3A_3980 = arith.index_cast %get3A_3979 : i32 to index
    %get3A_3981 = arith.constant 48 : index
    %get3A_3982 = tpu.vector_load %arg8[%get3A_3980, %get3A_3981] {strides = array<i32>} : memref<16x128xf32, #tpu.memory_space<vmem>>, vector<1x16xf32>,
    %get3A_3983 = vector.shape_cast %get3A_3982 : vector<1x16xf32> to vector<16xf32>
    %min3A_3984 = arith.minimumf %min3A_3978, %get3A_3983 : vector<16xf32>
    %get3A_3985 = arith.constant 14 : i32
    %get3A_3986 = arith.index_cast %get3A_3985 : i32 to index
    %get3A_3987 = arith.constant 64 : index
    %get3A_3988 = tpu.vector_load %arg8[%get3A_3986, %get3A_3987] {strides = array<i32>} : memref<16x128xf32, #tpu.memory_space<vmem>>, vector<1x16xf32>,
    %get3A_3989 = vector.shape_cast %get3A_3988 : vector<1x16xf32> to vector<16xf32>
    %min3A_3990 = arith.minimumf %min3A_3984, %get3A_3989 : vector<16xf32>
    %get3A_3991 = arith.constant 14 : i32
    %get3A_3992 = arith.index_cast %get3A_3991 : i32 to index
    %get3A_3993 = arith.constant 80 : index
    %get3A_3994 = tpu.vector_load %arg8[%get3A_3992, %get3A_3993] {strides = array<i32>} : memref<16x128xf32, #tpu.memory_space<vmem>>, vector<1x16xf32>,
    %get3A_3995 = vector.shape_cast %get3A_3994 : vector<1x16xf32> to vector<16xf32>
    %min3A_3996 = arith.minimumf %min3A_3990, %get3A_3995 : vector<16xf32>
    %get3A_3997 = arith.constant 14 : i32
    %get3A_3998 = arith.index_cast %get3A_3997 : i32 to index
    %get3A_3999 = arith.constant 96 : index
    %get3A_4000 = tpu.vector_load %arg8[%get3A_3998, %get3A_3999] {strides = array<i32>} : memref<16x128xf32, #tpu.memory_space<vmem>>, vector<1x16xf32>,
    %get3A_4001 = vector.shape_cast %get3A_4000 : vector<1x16xf32> to vector<16xf32>
    %min3A_4002 = arith.minimumf %min3A_3996, %get3A_4001 : vector<16xf32>
    %get3A_4003 = arith.constant 14 : i32
    %get3A_4004 = arith.index_cast %get3A_4003 : i32 to index
    %get3A_4005 = arith.constant 112 : index
    %get3A_4006 = tpu.vector_load %arg8[%get3A_4004, %get3A_4005] {strides = array<i32>} : memref<16x128xf32, #tpu.memory_space<vmem>>, vector<1x16xf32>,
    %get3A_4007 = vector.shape_cast %get3A_4006 : vector<1x16xf32> to vector<16xf32>
    %min3A_4008 = arith.minimumf %min3A_4002, %get3A_4007 : vector<16xf32>
    %xor3A_4009 = arith.constant 8 : i32
    %xor3A_4010 = vector.broadcast %xor3A_4009 : i32 to vector<16xi32>
    %xor3A_4011 = arith.xori %iota3A, %xor3A_4010 : vector<16xi32>
    %lt3A_4012 = arith.constant 0 : i32
    %lt3A_4013 = vector.broadcast %lt3A_4012 : i32 to vector<16xi32>
    %lt3A_4014 = arith.cmpi slt, %xor3A_4011, %lt3A_4013 : vector<16xi32>
    %add3A_4015 = arith.constant 16 : i32
    %add3A_4016 = vector.broadcast %add3A_4015 : i32 to vector<16xi32>
    %add3A_4017 = arith.addi %xor3A_4011, %add3A_4016 : vector<16xi32>
    %select_n3A_4018 = arith.select %lt3A_4014, %add3A_4017, %xor3A_4011 : vector<16xi1>, vector<16xi32>
    %broadcast_in_dim3A_4019 = vector.shape_cast %select_n3A_4018 : vector<16xi32> to vector<16x1xi32>
    %gather3A_4020 = vector.shape_cast %broadcast_in_dim3A_4019 : vector<16x1xi32> to vector<16xi32>
    %gather3A_4021 = tpu.dynamic_gather %min3A_4008[%gather3A_4020] in [0] : vector<16xf32>, vector<16xi32> -> vector<16xf32>
    %min3A_4022 = arith.minimumf %min3A_4008, %gather3A_4021 : vector<16xf32>
    %xor3A_4023 = arith.constant 4 : i32
    %xor3A_4024 = vector.broadcast %xor3A_4023 : i32 to vector<16xi32>
    %xor3A_4025 = arith.xori %iota3A, %xor3A_4024 : vector<16xi32>
    %lt3A_4026 = arith.constant 0 : i32
    %lt3A_4027 = vector.broadcast %lt3A_4026 : i32 to vector<16xi32>
    %lt3A_4028 = arith.cmpi slt, %xor3A_4025, %lt3A_4027 : vector<16xi32>
    %add3A_4029 = arith.constant 16 : i32
    %add3A_4030 = vector.broadcast %add3A_4029 : i32 to vector<16xi32>
    %add3A_4031 = arith.addi %xor3A_4025, %add3A_4030 : vector<16xi32>
    %select_n3A_4032 = arith.select %lt3A_4028, %add3A_4031, %xor3A_4025 : vector<16xi1>, vector<16xi32>
    %broadcast_in_dim3A_4033 = vector.shape_cast %select_n3A_4032 : vector<16xi32> to vector<16x1xi32>
    %gather3A_4034 = vector.shape_cast %broadcast_in_dim3A_4033 : vector<16x1xi32> to vector<16xi32>
    %gather3A_4035 = tpu.dynamic_gather %min3A_4022[%gather3A_4034] in [0] : vector<16xf32>, vector<16xi32> -> vector<16xf32>
    %min3A_4036 = arith.minimumf %min3A_4022, %gather3A_4035 : vector<16xf32>
    %xor3A_4037 = arith.constant 2 : i32
    %xor3A_4038 = vector.broadcast %xor3A_4037 : i32 to vector<16xi32>
    %xor3A_4039 = arith.xori %iota3A, %xor3A_4038 : vector<16xi32>
    %lt3A_4040 = arith.constant 0 : i32
    %lt3A_4041 = vector.broadcast %lt3A_4040 : i32 to vector<16xi32>
    %lt3A_4042 = arith.cmpi slt, %xor3A_4039, %lt3A_4041 : vector<16xi32>
    %add3A_4043 = arith.constant 16 : i32
    %add3A_4044 = vector.broadcast %add3A_4043 : i32 to vector<16xi32>
    %add3A_4045 = arith.addi %xor3A_4039, %add3A_4044 : vector<16xi32>
    %select_n3A_4046 = arith.select %lt3A_4042, %add3A_4045, %xor3A_4039 : vector<16xi1>, vector<16xi32>
    %broadcast_in_dim3A_4047 = vector.shape_cast %select_n3A_4046 : vector<16xi32> to vector<16x1xi32>
    %gather3A_4048 = vector.shape_cast %broadcast_in_dim3A_4047 : vector<16x1xi32> to vector<16xi32>
    %gather3A_4049 = tpu.dynamic_gather %min3A_4036[%gather3A_4048] in [0] : vector<16xf32>, vector<16xi32> -> vector<16xf32>
    %min3A_4050 = arith.minimumf %min3A_4036, %gather3A_4049 : vector<16xf32>
    %xor3A_4051 = arith.constant 1 : i32
    %xor3A_4052 = vector.broadcast %xor3A_4051 : i32 to vector<16xi32>
    %xor3A_4053 = arith.xori %iota3A, %xor3A_4052 : vector<16xi32>
    %lt3A_4054 = arith.constant 0 : i32
    %lt3A_4055 = vector.broadcast %lt3A_4054 : i32 to vector<16xi32>
    %lt3A_4056 = arith.cmpi slt, %xor3A_4053, %lt3A_4055 : vector<16xi32>
    %add3A_4057 = arith.constant 16 : i32
    %add3A_4058 = vector.broadcast %add3A_4057 : i32 to vector<16xi32>
    %add3A_4059 = arith.addi %xor3A_4053, %add3A_4058 : vector<16xi32>
    %select_n3A_4060 = arith.select %lt3A_4056, %add3A_4059, %xor3A_4053 : vector<16xi1>, vector<16xi32>
    %broadcast_in_dim3A_4061 = vector.shape_cast %select_n3A_4060 : vector<16xi32> to vector<16x1xi32>
    %gather3A_4062 = vector.shape_cast %broadcast_in_dim3A_4061 : vector<16x1xi32> to vector<16xi32>
    %gather3A_4063 = tpu.dynamic_gather %min3A_4050[%gather3A_4062] in [0] : vector<16xf32>, vector<16xi32> -> vector<16xf32>
    %min3A_4064 = arith.minimumf %min3A_4050, %gather3A_4063 : vector<16xf32>
    %broadcast_in_dim3A_4065 = arith.constant 0.000000e+00 : f32
    %broadcast_in_dim3A_4066 = vector.broadcast %broadcast_in_dim3A_4065 : f32 to vector<16xf32>
    %get3A_4067 = arith.constant 14 : i32
    %get3A_4068 = arith.index_cast %get3A_4067 : i32 to index
    %get3A_4069 = arith.constant 0 : index
    %get3A_4070 = tpu.vector_load %arg7[%get3A_4068, %get3A_4069] {strides = array<i32>} : memref<16x128xf32, #tpu.memory_space<vmem>>, vector<1x16xf32>,
    %get3A_4071 = vector.shape_cast %get3A_4070 : vector<1x16xf32> to vector<16xf32>
    %lt3A_4072 = arith.cmpf olt, %get3A_4071, %min3A_4064 : vector<16xf32>
    %jit3A_4073 = arith.constant 1.000000e+00 : f32
    %jit3A_4074 = arith.constant 0.000000e+00 : f32
    %broadcast_in_dim3A_4075 = vector.broadcast %jit3A_4073 : f32 to vector<16xf32>
    %broadcast_in_dim3A_4076 = vector.broadcast %jit3A_4074 : f32 to vector<16xf32>
    %select_n3A_4077 = arith.select %lt3A_4072, %broadcast_in_dim3A_4075, %broadcast_in_dim3A_4076 : vector<16xi1>, vector<16xf32>
    %add3A_4078 = arith.addf %broadcast_in_dim3A_4066, %select_n3A_4077 : vector<16xf32>
    %get3A_4079 = arith.constant 14 : i32
    %get3A_4080 = arith.index_cast %get3A_4079 : i32 to index
    %get3A_4081 = arith.constant 16 : index
    %get3A_4082 = tpu.vector_load %arg7[%get3A_4080, %get3A_4081] {strides = array<i32>} : memref<16x128xf32, #tpu.memory_space<vmem>>, vector<1x16xf32>,
    %get3A_4083 = vector.shape_cast %get3A_4082 : vector<1x16xf32> to vector<16xf32>
    %lt3A_4084 = arith.cmpf olt, %get3A_4083, %min3A_4064 : vector<16xf32>
    %jit3A_4085 = arith.constant 1.000000e+00 : f32
    %jit3A_4086 = arith.constant 0.000000e+00 : f32
    %broadcast_in_dim3A_4087 = vector.broadcast %jit3A_4085 : f32 to vector<16xf32>
    %broadcast_in_dim3A_4088 = vector.broadcast %jit3A_4086 : f32 to vector<16xf32>
    %select_n3A_4089 = arith.select %lt3A_4084, %broadcast_in_dim3A_4087, %broadcast_in_dim3A_4088 : vector<16xi1>, vector<16xf32>
    %add3A_4090 = arith.addf %add3A_4078, %select_n3A_4089 : vector<16xf32>
    %get3A_4091 = arith.constant 14 : i32
    %get3A_4092 = arith.index_cast %get3A_4091 : i32 to index
    %get3A_4093 = arith.constant 32 : index
    %get3A_4094 = tpu.vector_load %arg7[%get3A_4092, %get3A_4093] {strides = array<i32>} : memref<16x128xf32, #tpu.memory_space<vmem>>, vector<1x16xf32>,
    %get3A_4095 = vector.shape_cast %get3A_4094 : vector<1x16xf32> to vector<16xf32>
    %lt3A_4096 = arith.cmpf olt, %get3A_4095, %min3A_4064 : vector<16xf32>
    %jit3A_4097 = arith.constant 1.000000e+00 : f32
    %jit3A_4098 = arith.constant 0.000000e+00 : f32
    %broadcast_in_dim3A_4099 = vector.broadcast %jit3A_4097 : f32 to vector<16xf32>
    %broadcast_in_dim3A_4100 = vector.broadcast %jit3A_4098 : f32 to vector<16xf32>
    %select_n3A_4101 = arith.select %lt3A_4096, %broadcast_in_dim3A_4099, %broadcast_in_dim3A_4100 : vector<16xi1>, vector<16xf32>
    %add3A_4102 = arith.addf %add3A_4090, %select_n3A_4101 : vector<16xf32>
    %get3A_4103 = arith.constant 14 : i32
    %get3A_4104 = arith.index_cast %get3A_4103 : i32 to index
    %get3A_4105 = arith.constant 48 : index
    %get3A_4106 = tpu.vector_load %arg7[%get3A_4104, %get3A_4105] {strides = array<i32>} : memref<16x128xf32, #tpu.memory_space<vmem>>, vector<1x16xf32>,
    %get3A_4107 = vector.shape_cast %get3A_4106 : vector<1x16xf32> to vector<16xf32>
    %lt3A_4108 = arith.cmpf olt, %get3A_4107, %min3A_4064 : vector<16xf32>
    %jit3A_4109 = arith.constant 1.000000e+00 : f32
    %jit3A_4110 = arith.constant 0.000000e+00 : f32
    %broadcast_in_dim3A_4111 = vector.broadcast %jit3A_4109 : f32 to vector<16xf32>
    %broadcast_in_dim3A_4112 = vector.broadcast %jit3A_4110 : f32 to vector<16xf32>
    %select_n3A_4113 = arith.select %lt3A_4108, %broadcast_in_dim3A_4111, %broadcast_in_dim3A_4112 : vector<16xi1>, vector<16xf32>
    %add3A_4114 = arith.addf %add3A_4102, %select_n3A_4113 : vector<16xf32>
    %get3A_4115 = arith.constant 14 : i32
    %get3A_4116 = arith.index_cast %get3A_4115 : i32 to index
    %get3A_4117 = arith.constant 64 : index
    %get3A_4118 = tpu.vector_load %arg7[%get3A_4116, %get3A_4117] {strides = array<i32>} : memref<16x128xf32, #tpu.memory_space<vmem>>, vector<1x16xf32>,
    %get3A_4119 = vector.shape_cast %get3A_4118 : vector<1x16xf32> to vector<16xf32>
    %lt3A_4120 = arith.cmpf olt, %get3A_4119, %min3A_4064 : vector<16xf32>
    %jit3A_4121 = arith.constant 1.000000e+00 : f32
    %jit3A_4122 = arith.constant 0.000000e+00 : f32
    %broadcast_in_dim3A_4123 = vector.broadcast %jit3A_4121 : f32 to vector<16xf32>
    %broadcast_in_dim3A_4124 = vector.broadcast %jit3A_4122 : f32 to vector<16xf32>
    %select_n3A_4125 = arith.select %lt3A_4120, %broadcast_in_dim3A_4123, %broadcast_in_dim3A_4124 : vector<16xi1>, vector<16xf32>
    %add3A_4126 = arith.addf %add3A_4114, %select_n3A_4125 : vector<16xf32>
    %get3A_4127 = arith.constant 14 : i32
    %get3A_4128 = arith.index_cast %get3A_4127 : i32 to index
    %get3A_4129 = arith.constant 80 : index
    %get3A_4130 = tpu.vector_load %arg7[%get3A_4128, %get3A_4129] {strides = array<i32>} : memref<16x128xf32, #tpu.memory_space<vmem>>, vector<1x16xf32>,
    %get3A_4131 = vector.shape_cast %get3A_4130 : vector<1x16xf32> to vector<16xf32>
    %lt3A_4132 = arith.cmpf olt, %get3A_4131, %min3A_4064 : vector<16xf32>
    %jit3A_4133 = arith.constant 1.000000e+00 : f32
    %jit3A_4134 = arith.constant 0.000000e+00 : f32
    %broadcast_in_dim3A_4135 = vector.broadcast %jit3A_4133 : f32 to vector<16xf32>
    %broadcast_in_dim3A_4136 = vector.broadcast %jit3A_4134 : f32 to vector<16xf32>
    %select_n3A_4137 = arith.select %lt3A_4132, %broadcast_in_dim3A_4135, %broadcast_in_dim3A_4136 : vector<16xi1>, vector<16xf32>
    %add3A_4138 = arith.addf %add3A_4126, %select_n3A_4137 : vector<16xf32>
    %get3A_4139 = arith.constant 14 : i32
    %get3A_4140 = arith.index_cast %get3A_4139 : i32 to index
    %get3A_4141 = arith.constant 96 : index
    %get3A_4142 = tpu.vector_load %arg7[%get3A_4140, %get3A_4141] {strides = array<i32>} : memref<16x128xf32, #tpu.memory_space<vmem>>, vector<1x16xf32>,
    %get3A_4143 = vector.shape_cast %get3A_4142 : vector<1x16xf32> to vector<16xf32>
    %lt3A_4144 = arith.cmpf olt, %get3A_4143, %min3A_4064 : vector<16xf32>
    %jit3A_4145 = arith.constant 1.000000e+00 : f32
    %jit3A_4146 = arith.constant 0.000000e+00 : f32
    %broadcast_in_dim3A_4147 = vector.broadcast %jit3A_4145 : f32 to vector<16xf32>
    %broadcast_in_dim3A_4148 = vector.broadcast %jit3A_4146 : f32 to vector<16xf32>
    %select_n3A_4149 = arith.select %lt3A_4144, %broadcast_in_dim3A_4147, %broadcast_in_dim3A_4148 : vector<16xi1>, vector<16xf32>
    %add3A_4150 = arith.addf %add3A_4138, %select_n3A_4149 : vector<16xf32>
    %get3A_4151 = arith.constant 14 : i32
    %get3A_4152 = arith.index_cast %get3A_4151 : i32 to index
    %get3A_4153 = arith.constant 112 : index
    %get3A_4154 = tpu.vector_load %arg7[%get3A_4152, %get3A_4153] {strides = array<i32>} : memref<16x128xf32, #tpu.memory_space<vmem>>, vector<1x16xf32>,
    %get3A_4155 = vector.shape_cast %get3A_4154 : vector<1x16xf32> to vector<16xf32>
    %lt3A_4156 = arith.cmpf olt, %get3A_4155, %min3A_4064 : vector<16xf32>
    %jit3A_4157 = arith.constant 1.000000e+00 : f32
    %jit3A_4158 = arith.constant 0.000000e+00 : f32
    %broadcast_in_dim3A_4159 = vector.broadcast %jit3A_4157 : f32 to vector<16xf32>
    %broadcast_in_dim3A_4160 = vector.broadcast %jit3A_4158 : f32 to vector<16xf32>
    %select_n3A_4161 = arith.select %lt3A_4156, %broadcast_in_dim3A_4159, %broadcast_in_dim3A_4160 : vector<16xi1>, vector<16xf32>
    %add3A_4162 = arith.addf %add3A_4150, %select_n3A_4161 : vector<16xf32>
    %xor3A_4163 = arith.constant 8 : i32
    %xor3A_4164 = vector.broadcast %xor3A_4163 : i32 to vector<16xi32>
    %xor3A_4165 = arith.xori %iota3A, %xor3A_4164 : vector<16xi32>
    %lt3A_4166 = arith.constant 0 : i32
    %lt3A_4167 = vector.broadcast %lt3A_4166 : i32 to vector<16xi32>
    %lt3A_4168 = arith.cmpi slt, %xor3A_4165, %lt3A_4167 : vector<16xi32>
    %add3A_4169 = arith.constant 16 : i32
    %add3A_4170 = vector.broadcast %add3A_4169 : i32 to vector<16xi32>
    %add3A_4171 = arith.addi %xor3A_4165, %add3A_4170 : vector<16xi32>
    %select_n3A_4172 = arith.select %lt3A_4168, %add3A_4171, %xor3A_4165 : vector<16xi1>, vector<16xi32>
    %broadcast_in_dim3A_4173 = vector.shape_cast %select_n3A_4172 : vector<16xi32> to vector<16x1xi32>
    %gather3A_4174 = vector.shape_cast %broadcast_in_dim3A_4173 : vector<16x1xi32> to vector<16xi32>
    %gather3A_4175 = tpu.dynamic_gather %add3A_4162[%gather3A_4174] in [0] : vector<16xf32>, vector<16xi32> -> vector<16xf32>
    %add3A_4176 = arith.addf %add3A_4162, %gather3A_4175 : vector<16xf32>
    %xor3A_4177 = arith.constant 4 : i32
    %xor3A_4178 = vector.broadcast %xor3A_4177 : i32 to vector<16xi32>
    %xor3A_4179 = arith.xori %iota3A, %xor3A_4178 : vector<16xi32>
    %lt3A_4180 = arith.constant 0 : i32
    %lt3A_4181 = vector.broadcast %lt3A_4180 : i32 to vector<16xi32>
    %lt3A_4182 = arith.cmpi slt, %xor3A_4179, %lt3A_4181 : vector<16xi32>
    %add3A_4183 = arith.constant 16 : i32
    %add3A_4184 = vector.broadcast %add3A_4183 : i32 to vector<16xi32>
    %add3A_4185 = arith.addi %xor3A_4179, %add3A_4184 : vector<16xi32>
    %select_n3A_4186 = arith.select %lt3A_4182, %add3A_4185, %xor3A_4179 : vector<16xi1>, vector<16xi32>
    %broadcast_in_dim3A_4187 = vector.shape_cast %select_n3A_4186 : vector<16xi32> to vector<16x1xi32>
    %gather3A_4188 = vector.shape_cast %broadcast_in_dim3A_4187 : vector<16x1xi32> to vector<16xi32>
    %gather3A_4189 = tpu.dynamic_gather %add3A_4176[%gather3A_4188] in [0] : vector<16xf32>, vector<16xi32> -> vector<16xf32>
    %add3A_4190 = arith.addf %add3A_4176, %gather3A_4189 : vector<16xf32>
    %xor3A_4191 = arith.constant 2 : i32
    %xor3A_4192 = vector.broadcast %xor3A_4191 : i32 to vector<16xi32>
    %xor3A_4193 = arith.xori %iota3A, %xor3A_4192 : vector<16xi32>
    %lt3A_4194 = arith.constant 0 : i32
    %lt3A_4195 = vector.broadcast %lt3A_4194 : i32 to vector<16xi32>
    %lt3A_4196 = arith.cmpi slt, %xor3A_4193, %lt3A_4195 : vector<16xi32>
    %add3A_4197 = arith.constant 16 : i32
    %add3A_4198 = vector.broadcast %add3A_4197 : i32 to vector<16xi32>
    %add3A_4199 = arith.addi %xor3A_4193, %add3A_4198 : vector<16xi32>
    %select_n3A_4200 = arith.select %lt3A_4196, %add3A_4199, %xor3A_4193 : vector<16xi1>, vector<16xi32>
    %broadcast_in_dim3A_4201 = vector.shape_cast %select_n3A_4200 : vector<16xi32> to vector<16x1xi32>
    %gather3A_4202 = vector.shape_cast %broadcast_in_dim3A_4201 : vector<16x1xi32> to vector<16xi32>
    %gather3A_4203 = tpu.dynamic_gather %add3A_4190[%gather3A_4202] in [0] : vector<16xf32>, vector<16xi32> -> vector<16xf32>
    %add3A_4204 = arith.addf %add3A_4190, %gather3A_4203 : vector<16xf32>
    %xor3A_4205 = arith.constant 1 : i32
    %xor3A_4206 = vector.broadcast %xor3A_4205 : i32 to vector<16xi32>
    %xor3A_4207 = arith.xori %iota3A, %xor3A_4206 : vector<16xi32>
    %lt3A_4208 = arith.constant 0 : i32
    %lt3A_4209 = vector.broadcast %lt3A_4208 : i32 to vector<16xi32>
    %lt3A_4210 = arith.cmpi slt, %xor3A_4207, %lt3A_4209 : vector<16xi32>
    %add3A_4211 = arith.constant 16 : i32
    %add3A_4212 = vector.broadcast %add3A_4211 : i32 to vector<16xi32>
    %add3A_4213 = arith.addi %xor3A_4207, %add3A_4212 : vector<16xi32>
    %select_n3A_4214 = arith.select %lt3A_4210, %add3A_4213, %xor3A_4207 : vector<16xi1>, vector<16xi32>
    %broadcast_in_dim3A_4215 = vector.shape_cast %select_n3A_4214 : vector<16xi32> to vector<16x1xi32>
    %gather3A_4216 = vector.shape_cast %broadcast_in_dim3A_4215 : vector<16x1xi32> to vector<16xi32>
    %gather3A_4217 = tpu.dynamic_gather %add3A_4204[%gather3A_4216] in [0] : vector<16xf32>, vector<16xi32> -> vector<16xf32>
    %add3A_4218 = arith.addf %add3A_4204, %gather3A_4217 : vector<16xf32>
    %lt3A_4219 = arith.constant 1.500000e+01 : f32
    %lt3A_4220 = vector.broadcast %lt3A_4219 : f32 to vector<16xf32>
    %lt3A_4221 = arith.cmpf olt, %add3A_4218, %lt3A_4220 : vector<16xf32>
    %lt3A_4222 = arith.constant 5.000000e+29 : f32
    %lt3A_4223 = vector.broadcast %lt3A_4222 : f32 to vector<16xf32>
    %lt3A_4224 = arith.cmpf olt, %min3A_4064, %lt3A_4223 : vector<16xf32>
    %jit3A_4225 = arith.constant 0.000000e+00 : f32
    %broadcast_in_dim3A_4226 = vector.broadcast %jit3A_4225 : f32 to vector<16xf32>
    %select_n3A_4227 = arith.select %lt3A_4224, %min3A_4064, %broadcast_in_dim3A_4226 : vector<16xi1>, vector<16xf32>
    %jit3A_4228 = arith.constant 0.000000e+00 : f32
    %broadcast_in_dim3A_4229 = vector.broadcast %jit3A_4228 : f32 to vector<16xf32>
    %select_n3A_4230 = arith.select %lt3A_4221, %select_n3A_4227, %broadcast_in_dim3A_4229 : vector<16xi1>, vector<16xf32>
    %get3A_4231 = arith.constant 14 : i32
    %get3A_4232 = arith.index_cast %get3A_4231 : i32 to index
    %get3A_4233 = arith.constant 0 : index
    %get3A_4234 = tpu.vector_load %arg9[%get3A_4232, %get3A_4233] {strides = array<i32>} : memref<16x16xf32, #tpu.memory_space<vmem>>, vector<1x16xf32>,
    %get3A_4235 = vector.shape_cast %get3A_4234 : vector<1x16xf32> to vector<16xf32>
    %add3A_4236 = arith.constant 1.000000e+00 : f32
    %add3A_4237 = vector.broadcast %add3A_4236 : f32 to vector<16xf32>
    %add3A_4238 = arith.addf %add3A_4237, %get3A_4235 : vector<16xf32>
    %sub3A_4239 = arith.subf %add3A_4238, %select_n3A_4230 : vector<16xf32>
    %max3A_4240 = arith.constant 0.000000e+00 : f32
    %max3A_4241 = vector.broadcast %max3A_4240 : f32 to vector<16xf32>
    %max3A_4242 = arith.maximumf %sub3A_4239, %max3A_4241 : vector<16xf32>
    %add3A_4243 = arith.addf %add3A_3961, %max3A_4242 : vector<16xf32>
    %get3A_4244 = arith.constant 15 : i32
    %get3A_4245 = arith.index_cast %get3A_4244 : i32 to index
    %get3A_4246 = arith.constant 0 : index
    %get3A_4247 = tpu.vector_load %arg8[%get3A_4245, %get3A_4246] {strides = array<i32>} : memref<16x128xf32, #tpu.memory_space<vmem>>, vector<1x16xf32>,
    %get3A_4248 = vector.shape_cast %get3A_4247 : vector<1x16xf32> to vector<16xf32>
    %get3A_4249 = arith.constant 15 : i32
    %get3A_4250 = arith.index_cast %get3A_4249 : i32 to index
    %get3A_4251 = arith.constant 16 : index
    %get3A_4252 = tpu.vector_load %arg8[%get3A_4250, %get3A_4251] {strides = array<i32>} : memref<16x128xf32, #tpu.memory_space<vmem>>, vector<1x16xf32>,
    %get3A_4253 = vector.shape_cast %get3A_4252 : vector<1x16xf32> to vector<16xf32>
    %min3A_4254 = arith.minimumf %get3A_4248, %get3A_4253 : vector<16xf32>
    %get3A_4255 = arith.constant 15 : i32
    %get3A_4256 = arith.index_cast %get3A_4255 : i32 to index
    %get3A_4257 = arith.constant 32 : index
    %get3A_4258 = tpu.vector_load %arg8[%get3A_4256, %get3A_4257] {strides = array<i32>} : memref<16x128xf32, #tpu.memory_space<vmem>>, vector<1x16xf32>,
    %get3A_4259 = vector.shape_cast %get3A_4258 : vector<1x16xf32> to vector<16xf32>
    %min3A_4260 = arith.minimumf %min3A_4254, %get3A_4259 : vector<16xf32>
    %get3A_4261 = arith.constant 15 : i32
    %get3A_4262 = arith.index_cast %get3A_4261 : i32 to index
    %get3A_4263 = arith.constant 48 : index
    %get3A_4264 = tpu.vector_load %arg8[%get3A_4262, %get3A_4263] {strides = array<i32>} : memref<16x128xf32, #tpu.memory_space<vmem>>, vector<1x16xf32>,
    %get3A_4265 = vector.shape_cast %get3A_4264 : vector<1x16xf32> to vector<16xf32>
    %min3A_4266 = arith.minimumf %min3A_4260, %get3A_4265 : vector<16xf32>
    %get3A_4267 = arith.constant 15 : i32
    %get3A_4268 = arith.index_cast %get3A_4267 : i32 to index
    %get3A_4269 = arith.constant 64 : index
    %get3A_4270 = tpu.vector_load %arg8[%get3A_4268, %get3A_4269] {strides = array<i32>} : memref<16x128xf32, #tpu.memory_space<vmem>>, vector<1x16xf32>,
    %get3A_4271 = vector.shape_cast %get3A_4270 : vector<1x16xf32> to vector<16xf32>
    %min3A_4272 = arith.minimumf %min3A_4266, %get3A_4271 : vector<16xf32>
    %get3A_4273 = arith.constant 15 : i32
    %get3A_4274 = arith.index_cast %get3A_4273 : i32 to index
    %get3A_4275 = arith.constant 80 : index
    %get3A_4276 = tpu.vector_load %arg8[%get3A_4274, %get3A_4275] {strides = array<i32>} : memref<16x128xf32, #tpu.memory_space<vmem>>, vector<1x16xf32>,
    %get3A_4277 = vector.shape_cast %get3A_4276 : vector<1x16xf32> to vector<16xf32>
    %min3A_4278 = arith.minimumf %min3A_4272, %get3A_4277 : vector<16xf32>
    %get3A_4279 = arith.constant 15 : i32
    %get3A_4280 = arith.index_cast %get3A_4279 : i32 to index
    %get3A_4281 = arith.constant 96 : index
    %get3A_4282 = tpu.vector_load %arg8[%get3A_4280, %get3A_4281] {strides = array<i32>} : memref<16x128xf32, #tpu.memory_space<vmem>>, vector<1x16xf32>,
    %get3A_4283 = vector.shape_cast %get3A_4282 : vector<1x16xf32> to vector<16xf32>
    %min3A_4284 = arith.minimumf %min3A_4278, %get3A_4283 : vector<16xf32>
    %get3A_4285 = arith.constant 15 : i32
    %get3A_4286 = arith.index_cast %get3A_4285 : i32 to index
    %get3A_4287 = arith.constant 112 : index
    %get3A_4288 = tpu.vector_load %arg8[%get3A_4286, %get3A_4287] {strides = array<i32>} : memref<16x128xf32, #tpu.memory_space<vmem>>, vector<1x16xf32>,
    %get3A_4289 = vector.shape_cast %get3A_4288 : vector<1x16xf32> to vector<16xf32>
    %min3A_4290 = arith.minimumf %min3A_4284, %get3A_4289 : vector<16xf32>
    %xor3A_4291 = arith.constant 8 : i32
    %xor3A_4292 = vector.broadcast %xor3A_4291 : i32 to vector<16xi32>
    %xor3A_4293 = arith.xori %iota3A, %xor3A_4292 : vector<16xi32>
    %lt3A_4294 = arith.constant 0 : i32
    %lt3A_4295 = vector.broadcast %lt3A_4294 : i32 to vector<16xi32>
    %lt3A_4296 = arith.cmpi slt, %xor3A_4293, %lt3A_4295 : vector<16xi32>
    %add3A_4297 = arith.constant 16 : i32
    %add3A_4298 = vector.broadcast %add3A_4297 : i32 to vector<16xi32>
    %add3A_4299 = arith.addi %xor3A_4293, %add3A_4298 : vector<16xi32>
    %select_n3A_4300 = arith.select %lt3A_4296, %add3A_4299, %xor3A_4293 : vector<16xi1>, vector<16xi32>
    %broadcast_in_dim3A_4301 = vector.shape_cast %select_n3A_4300 : vector<16xi32> to vector<16x1xi32>
    %gather3A_4302 = vector.shape_cast %broadcast_in_dim3A_4301 : vector<16x1xi32> to vector<16xi32>
    %gather3A_4303 = tpu.dynamic_gather %min3A_4290[%gather3A_4302] in [0] : vector<16xf32>, vector<16xi32> -> vector<16xf32>
    %min3A_4304 = arith.minimumf %min3A_4290, %gather3A_4303 : vector<16xf32>
    %xor3A_4305 = arith.constant 4 : i32
    %xor3A_4306 = vector.broadcast %xor3A_4305 : i32 to vector<16xi32>
    %xor3A_4307 = arith.xori %iota3A, %xor3A_4306 : vector<16xi32>
    %lt3A_4308 = arith.constant 0 : i32
    %lt3A_4309 = vector.broadcast %lt3A_4308 : i32 to vector<16xi32>
    %lt3A_4310 = arith.cmpi slt, %xor3A_4307, %lt3A_4309 : vector<16xi32>
    %add3A_4311 = arith.constant 16 : i32
    %add3A_4312 = vector.broadcast %add3A_4311 : i32 to vector<16xi32>
    %add3A_4313 = arith.addi %xor3A_4307, %add3A_4312 : vector<16xi32>
    %select_n3A_4314 = arith.select %lt3A_4310, %add3A_4313, %xor3A_4307 : vector<16xi1>, vector<16xi32>
    %broadcast_in_dim3A_4315 = vector.shape_cast %select_n3A_4314 : vector<16xi32> to vector<16x1xi32>
    %gather3A_4316 = vector.shape_cast %broadcast_in_dim3A_4315 : vector<16x1xi32> to vector<16xi32>
    %gather3A_4317 = tpu.dynamic_gather %min3A_4304[%gather3A_4316] in [0] : vector<16xf32>, vector<16xi32> -> vector<16xf32>
    %min3A_4318 = arith.minimumf %min3A_4304, %gather3A_4317 : vector<16xf32>
    %xor3A_4319 = arith.constant 2 : i32
    %xor3A_4320 = vector.broadcast %xor3A_4319 : i32 to vector<16xi32>
    %xor3A_4321 = arith.xori %iota3A, %xor3A_4320 : vector<16xi32>
    %lt3A_4322 = arith.constant 0 : i32
    %lt3A_4323 = vector.broadcast %lt3A_4322 : i32 to vector<16xi32>
    %lt3A_4324 = arith.cmpi slt, %xor3A_4321, %lt3A_4323 : vector<16xi32>
    %add3A_4325 = arith.constant 16 : i32
    %add3A_4326 = vector.broadcast %add3A_4325 : i32 to vector<16xi32>
    %add3A_4327 = arith.addi %xor3A_4321, %add3A_4326 : vector<16xi32>
    %select_n3A_4328 = arith.select %lt3A_4324, %add3A_4327, %xor3A_4321 : vector<16xi1>, vector<16xi32>
    %broadcast_in_dim3A_4329 = vector.shape_cast %select_n3A_4328 : vector<16xi32> to vector<16x1xi32>
    %gather3A_4330 = vector.shape_cast %broadcast_in_dim3A_4329 : vector<16x1xi32> to vector<16xi32>
    %gather3A_4331 = tpu.dynamic_gather %min3A_4318[%gather3A_4330] in [0] : vector<16xf32>, vector<16xi32> -> vector<16xf32>
    %min3A_4332 = arith.minimumf %min3A_4318, %gather3A_4331 : vector<16xf32>
    %xor3A_4333 = arith.constant 1 : i32
    %xor3A_4334 = vector.broadcast %xor3A_4333 : i32 to vector<16xi32>
    %xor3A_4335 = arith.xori %iota3A, %xor3A_4334 : vector<16xi32>
    %lt3A_4336 = arith.constant 0 : i32
    %lt3A_4337 = vector.broadcast %lt3A_4336 : i32 to vector<16xi32>
    %lt3A_4338 = arith.cmpi slt, %xor3A_4335, %lt3A_4337 : vector<16xi32>
    %add3A_4339 = arith.constant 16 : i32
    %add3A_4340 = vector.broadcast %add3A_4339 : i32 to vector<16xi32>
    %add3A_4341 = arith.addi %xor3A_4335, %add3A_4340 : vector<16xi32>
    %select_n3A_4342 = arith.select %lt3A_4338, %add3A_4341, %xor3A_4335 : vector<16xi1>, vector<16xi32>
    %broadcast_in_dim3A_4343 = vector.shape_cast %select_n3A_4342 : vector<16xi32> to vector<16x1xi32>
    %gather3A_4344 = vector.shape_cast %broadcast_in_dim3A_4343 : vector<16x1xi32> to vector<16xi32>
    %gather3A_4345 = tpu.dynamic_gather %min3A_4332[%gather3A_4344] in [0] : vector<16xf32>, vector<16xi32> -> vector<16xf32>
    %min3A_4346 = arith.minimumf %min3A_4332, %gather3A_4345 : vector<16xf32>
    %broadcast_in_dim3A_4347 = arith.constant 0.000000e+00 : f32
    %broadcast_in_dim3A_4348 = vector.broadcast %broadcast_in_dim3A_4347 : f32 to vector<16xf32>
    %get3A_4349 = arith.constant 15 : i32
    %get3A_4350 = arith.index_cast %get3A_4349 : i32 to index
    %get3A_4351 = arith.constant 0 : index
    %get3A_4352 = tpu.vector_load %arg7[%get3A_4350, %get3A_4351] {strides = array<i32>} : memref<16x128xf32, #tpu.memory_space<vmem>>, vector<1x16xf32>,
    %get3A_4353 = vector.shape_cast %get3A_4352 : vector<1x16xf32> to vector<16xf32>
    %lt3A_4354 = arith.cmpf olt, %get3A_4353, %min3A_4346 : vector<16xf32>
    %jit3A_4355 = arith.constant 1.000000e+00 : f32
    %jit3A_4356 = arith.constant 0.000000e+00 : f32
    %broadcast_in_dim3A_4357 = vector.broadcast %jit3A_4355 : f32 to vector<16xf32>
    %broadcast_in_dim3A_4358 = vector.broadcast %jit3A_4356 : f32 to vector<16xf32>
    %select_n3A_4359 = arith.select %lt3A_4354, %broadcast_in_dim3A_4357, %broadcast_in_dim3A_4358 : vector<16xi1>, vector<16xf32>
    %add3A_4360 = arith.addf %broadcast_in_dim3A_4348, %select_n3A_4359 : vector<16xf32>
    %get3A_4361 = arith.constant 15 : i32
    %get3A_4362 = arith.index_cast %get3A_4361 : i32 to index
    %get3A_4363 = arith.constant 16 : index
    %get3A_4364 = tpu.vector_load %arg7[%get3A_4362, %get3A_4363] {strides = array<i32>} : memref<16x128xf32, #tpu.memory_space<vmem>>, vector<1x16xf32>,
    %get3A_4365 = vector.shape_cast %get3A_4364 : vector<1x16xf32> to vector<16xf32>
    %lt3A_4366 = arith.cmpf olt, %get3A_4365, %min3A_4346 : vector<16xf32>
    %jit3A_4367 = arith.constant 1.000000e+00 : f32
    %jit3A_4368 = arith.constant 0.000000e+00 : f32
    %broadcast_in_dim3A_4369 = vector.broadcast %jit3A_4367 : f32 to vector<16xf32>
    %broadcast_in_dim3A_4370 = vector.broadcast %jit3A_4368 : f32 to vector<16xf32>
    %select_n3A_4371 = arith.select %lt3A_4366, %broadcast_in_dim3A_4369, %broadcast_in_dim3A_4370 : vector<16xi1>, vector<16xf32>
    %add3A_4372 = arith.addf %add3A_4360, %select_n3A_4371 : vector<16xf32>
    %get3A_4373 = arith.constant 15 : i32
    %get3A_4374 = arith.index_cast %get3A_4373 : i32 to index
    %get3A_4375 = arith.constant 32 : index
    %get3A_4376 = tpu.vector_load %arg7[%get3A_4374, %get3A_4375] {strides = array<i32>} : memref<16x128xf32, #tpu.memory_space<vmem>>, vector<1x16xf32>,
    %get3A_4377 = vector.shape_cast %get3A_4376 : vector<1x16xf32> to vector<16xf32>
    %lt3A_4378 = arith.cmpf olt, %get3A_4377, %min3A_4346 : vector<16xf32>
    %jit3A_4379 = arith.constant 1.000000e+00 : f32
    %jit3A_4380 = arith.constant 0.000000e+00 : f32
    %broadcast_in_dim3A_4381 = vector.broadcast %jit3A_4379 : f32 to vector<16xf32>
    %broadcast_in_dim3A_4382 = vector.broadcast %jit3A_4380 : f32 to vector<16xf32>
    %select_n3A_4383 = arith.select %lt3A_4378, %broadcast_in_dim3A_4381, %broadcast_in_dim3A_4382 : vector<16xi1>, vector<16xf32>
    %add3A_4384 = arith.addf %add3A_4372, %select_n3A_4383 : vector<16xf32>
    %get3A_4385 = arith.constant 15 : i32
    %get3A_4386 = arith.index_cast %get3A_4385 : i32 to index
    %get3A_4387 = arith.constant 48 : index
    %get3A_4388 = tpu.vector_load %arg7[%get3A_4386, %get3A_4387] {strides = array<i32>} : memref<16x128xf32, #tpu.memory_space<vmem>>, vector<1x16xf32>,
    %get3A_4389 = vector.shape_cast %get3A_4388 : vector<1x16xf32> to vector<16xf32>
    %lt3A_4390 = arith.cmpf olt, %get3A_4389, %min3A_4346 : vector<16xf32>
    %jit3A_4391 = arith.constant 1.000000e+00 : f32
    %jit3A_4392 = arith.constant 0.000000e+00 : f32
    %broadcast_in_dim3A_4393 = vector.broadcast %jit3A_4391 : f32 to vector<16xf32>
    %broadcast_in_dim3A_4394 = vector.broadcast %jit3A_4392 : f32 to vector<16xf32>
    %select_n3A_4395 = arith.select %lt3A_4390, %broadcast_in_dim3A_4393, %broadcast_in_dim3A_4394 : vector<16xi1>, vector<16xf32>
    %add3A_4396 = arith.addf %add3A_4384, %select_n3A_4395 : vector<16xf32>
    %get3A_4397 = arith.constant 15 : i32
    %get3A_4398 = arith.index_cast %get3A_4397 : i32 to index
    %get3A_4399 = arith.constant 64 : index
    %get3A_4400 = tpu.vector_load %arg7[%get3A_4398, %get3A_4399] {strides = array<i32>} : memref<16x128xf32, #tpu.memory_space<vmem>>, vector<1x16xf32>,
    %get3A_4401 = vector.shape_cast %get3A_4400 : vector<1x16xf32> to vector<16xf32>
    %lt3A_4402 = arith.cmpf olt, %get3A_4401, %min3A_4346 : vector<16xf32>
    %jit3A_4403 = arith.constant 1.000000e+00 : f32
    %jit3A_4404 = arith.constant 0.000000e+00 : f32
    %broadcast_in_dim3A_4405 = vector.broadcast %jit3A_4403 : f32 to vector<16xf32>
    %broadcast_in_dim3A_4406 = vector.broadcast %jit3A_4404 : f32 to vector<16xf32>
    %select_n3A_4407 = arith.select %lt3A_4402, %broadcast_in_dim3A_4405, %broadcast_in_dim3A_4406 : vector<16xi1>, vector<16xf32>
    %add3A_4408 = arith.addf %add3A_4396, %select_n3A_4407 : vector<16xf32>
    %get3A_4409 = arith.constant 15 : i32
    %get3A_4410 = arith.index_cast %get3A_4409 : i32 to index
    %get3A_4411 = arith.constant 80 : index
    %get3A_4412 = tpu.vector_load %arg7[%get3A_4410, %get3A_4411] {strides = array<i32>} : memref<16x128xf32, #tpu.memory_space<vmem>>, vector<1x16xf32>,
    %get3A_4413 = vector.shape_cast %get3A_4412 : vector<1x16xf32> to vector<16xf32>
    %lt3A_4414 = arith.cmpf olt, %get3A_4413, %min3A_4346 : vector<16xf32>
    %jit3A_4415 = arith.constant 1.000000e+00 : f32
    %jit3A_4416 = arith.constant 0.000000e+00 : f32
    %broadcast_in_dim3A_4417 = vector.broadcast %jit3A_4415 : f32 to vector<16xf32>
    %broadcast_in_dim3A_4418 = vector.broadcast %jit3A_4416 : f32 to vector<16xf32>
    %select_n3A_4419 = arith.select %lt3A_4414, %broadcast_in_dim3A_4417, %broadcast_in_dim3A_4418 : vector<16xi1>, vector<16xf32>
    %add3A_4420 = arith.addf %add3A_4408, %select_n3A_4419 : vector<16xf32>
    %get3A_4421 = arith.constant 15 : i32
    %get3A_4422 = arith.index_cast %get3A_4421 : i32 to index
    %get3A_4423 = arith.constant 96 : index
    %get3A_4424 = tpu.vector_load %arg7[%get3A_4422, %get3A_4423] {strides = array<i32>} : memref<16x128xf32, #tpu.memory_space<vmem>>, vector<1x16xf32>,
    %get3A_4425 = vector.shape_cast %get3A_4424 : vector<1x16xf32> to vector<16xf32>
    %lt3A_4426 = arith.cmpf olt, %get3A_4425, %min3A_4346 : vector<16xf32>
    %jit3A_4427 = arith.constant 1.000000e+00 : f32
    %jit3A_4428 = arith.constant 0.000000e+00 : f32
    %broadcast_in_dim3A_4429 = vector.broadcast %jit3A_4427 : f32 to vector<16xf32>
    %broadcast_in_dim3A_4430 = vector.broadcast %jit3A_4428 : f32 to vector<16xf32>
    %select_n3A_4431 = arith.select %lt3A_4426, %broadcast_in_dim3A_4429, %broadcast_in_dim3A_4430 : vector<16xi1>, vector<16xf32>
    %add3A_4432 = arith.addf %add3A_4420, %select_n3A_4431 : vector<16xf32>
    %get3A_4433 = arith.constant 15 : i32
    %get3A_4434 = arith.index_cast %get3A_4433 : i32 to index
    %get3A_4435 = arith.constant 112 : index
    %get3A_4436 = tpu.vector_load %arg7[%get3A_4434, %get3A_4435] {strides = array<i32>} : memref<16x128xf32, #tpu.memory_space<vmem>>, vector<1x16xf32>,
    %get3A_4437 = vector.shape_cast %get3A_4436 : vector<1x16xf32> to vector<16xf32>
    %lt3A_4438 = arith.cmpf olt, %get3A_4437, %min3A_4346 : vector<16xf32>
    %jit3A_4439 = arith.constant 1.000000e+00 : f32
    %jit3A_4440 = arith.constant 0.000000e+00 : f32
    %broadcast_in_dim3A_4441 = vector.broadcast %jit3A_4439 : f32 to vector<16xf32>
    %broadcast_in_dim3A_4442 = vector.broadcast %jit3A_4440 : f32 to vector<16xf32>
    %select_n3A_4443 = arith.select %lt3A_4438, %broadcast_in_dim3A_4441, %broadcast_in_dim3A_4442 : vector<16xi1>, vector<16xf32>
    %add3A_4444 = arith.addf %add3A_4432, %select_n3A_4443 : vector<16xf32>
    %xor3A_4445 = arith.constant 8 : i32
    %xor3A_4446 = vector.broadcast %xor3A_4445 : i32 to vector<16xi32>
    %xor3A_4447 = arith.xori %iota3A, %xor3A_4446 : vector<16xi32>
    %lt3A_4448 = arith.constant 0 : i32
    %lt3A_4449 = vector.broadcast %lt3A_4448 : i32 to vector<16xi32>
    %lt3A_4450 = arith.cmpi slt, %xor3A_4447, %lt3A_4449 : vector<16xi32>
    %add3A_4451 = arith.constant 16 : i32
    %add3A_4452 = vector.broadcast %add3A_4451 : i32 to vector<16xi32>
    %add3A_4453 = arith.addi %xor3A_4447, %add3A_4452 : vector<16xi32>
    %select_n3A_4454 = arith.select %lt3A_4450, %add3A_4453, %xor3A_4447 : vector<16xi1>, vector<16xi32>
    %broadcast_in_dim3A_4455 = vector.shape_cast %select_n3A_4454 : vector<16xi32> to vector<16x1xi32>
    %gather3A_4456 = vector.shape_cast %broadcast_in_dim3A_4455 : vector<16x1xi32> to vector<16xi32>
    %gather3A_4457 = tpu.dynamic_gather %add3A_4444[%gather3A_4456] in [0] : vector<16xf32>, vector<16xi32> -> vector<16xf32>
    %add3A_4458 = arith.addf %add3A_4444, %gather3A_4457 : vector<16xf32>
    %xor3A_4459 = arith.constant 4 : i32
    %xor3A_4460 = vector.broadcast %xor3A_4459 : i32 to vector<16xi32>
    %xor3A_4461 = arith.xori %iota3A, %xor3A_4460 : vector<16xi32>
    %lt3A_4462 = arith.constant 0 : i32
    %lt3A_4463 = vector.broadcast %lt3A_4462 : i32 to vector<16xi32>
    %lt3A_4464 = arith.cmpi slt, %xor3A_4461, %lt3A_4463 : vector<16xi32>
    %add3A_4465 = arith.constant 16 : i32
    %add3A_4466 = vector.broadcast %add3A_4465 : i32 to vector<16xi32>
    %add3A_4467 = arith.addi %xor3A_4461, %add3A_4466 : vector<16xi32>
    %select_n3A_4468 = arith.select %lt3A_4464, %add3A_4467, %xor3A_4461 : vector<16xi1>, vector<16xi32>
    %broadcast_in_dim3A_4469 = vector.shape_cast %select_n3A_4468 : vector<16xi32> to vector<16x1xi32>
    %gather3A_4470 = vector.shape_cast %broadcast_in_dim3A_4469 : vector<16x1xi32> to vector<16xi32>
    %gather3A_4471 = tpu.dynamic_gather %add3A_4458[%gather3A_4470] in [0] : vector<16xf32>, vector<16xi32> -> vector<16xf32>
    %add3A_4472 = arith.addf %add3A_4458, %gather3A_4471 : vector<16xf32>
    %xor3A_4473 = arith.constant 2 : i32
    %xor3A_4474 = vector.broadcast %xor3A_4473 : i32 to vector<16xi32>
    %xor3A_4475 = arith.xori %iota3A, %xor3A_4474 : vector<16xi32>
    %lt3A_4476 = arith.constant 0 : i32
    %lt3A_4477 = vector.broadcast %lt3A_4476 : i32 to vector<16xi32>
    %lt3A_4478 = arith.cmpi slt, %xor3A_4475, %lt3A_4477 : vector<16xi32>
    %add3A_4479 = arith.constant 16 : i32
    %add3A_4480 = vector.broadcast %add3A_4479 : i32 to vector<16xi32>
    %add3A_4481 = arith.addi %xor3A_4475, %add3A_4480 : vector<16xi32>
    %select_n3A_4482 = arith.select %lt3A_4478, %add3A_4481, %xor3A_4475 : vector<16xi1>, vector<16xi32>
    %broadcast_in_dim3A_4483 = vector.shape_cast %select_n3A_4482 : vector<16xi32> to vector<16x1xi32>
    %gather3A_4484 = vector.shape_cast %broadcast_in_dim3A_4483 : vector<16x1xi32> to vector<16xi32>
    %gather3A_4485 = tpu.dynamic_gather %add3A_4472[%gather3A_4484] in [0] : vector<16xf32>, vector<16xi32> -> vector<16xf32>
    %add3A_4486 = arith.addf %add3A_4472, %gather3A_4485 : vector<16xf32>
    %xor3A_4487 = arith.constant 1 : i32
    %xor3A_4488 = vector.broadcast %xor3A_4487 : i32 to vector<16xi32>
    %xor3A_4489 = arith.xori %iota3A, %xor3A_4488 : vector<16xi32>
    %lt3A_4490 = arith.constant 0 : i32
    %lt3A_4491 = vector.broadcast %lt3A_4490 : i32 to vector<16xi32>
    %lt3A_4492 = arith.cmpi slt, %xor3A_4489, %lt3A_4491 : vector<16xi32>
    %add3A_4493 = arith.constant 16 : i32
    %add3A_4494 = vector.broadcast %add3A_4493 : i32 to vector<16xi32>
    %add3A_4495 = arith.addi %xor3A_4489, %add3A_4494 : vector<16xi32>
    %select_n3A_4496 = arith.select %lt3A_4492, %add3A_4495, %xor3A_4489 : vector<16xi1>, vector<16xi32>
    %broadcast_in_dim3A_4497 = vector.shape_cast %select_n3A_4496 : vector<16xi32> to vector<16x1xi32>
    %gather3A_4498 = vector.shape_cast %broadcast_in_dim3A_4497 : vector<16x1xi32> to vector<16xi32>
    %gather3A_4499 = tpu.dynamic_gather %add3A_4486[%gather3A_4498] in [0] : vector<16xf32>, vector<16xi32> -> vector<16xf32>
    %add3A_4500 = arith.addf %add3A_4486, %gather3A_4499 : vector<16xf32>
    %lt3A_4501 = arith.constant 1.500000e+01 : f32
    %lt3A_4502 = vector.broadcast %lt3A_4501 : f32 to vector<16xf32>
    %lt3A_4503 = arith.cmpf olt, %add3A_4500, %lt3A_4502 : vector<16xf32>
    %lt3A_4504 = arith.constant 5.000000e+29 : f32
    %lt3A_4505 = vector.broadcast %lt3A_4504 : f32 to vector<16xf32>
    %lt3A_4506 = arith.cmpf olt, %min3A_4346, %lt3A_4505 : vector<16xf32>
    %jit3A_4507 = arith.constant 0.000000e+00 : f32
    %broadcast_in_dim3A_4508 = vector.broadcast %jit3A_4507 : f32 to vector<16xf32>
    %select_n3A_4509 = arith.select %lt3A_4506, %min3A_4346, %broadcast_in_dim3A_4508 : vector<16xi1>, vector<16xf32>
    %jit3A_4510 = arith.constant 0.000000e+00 : f32
    %broadcast_in_dim3A_4511 = vector.broadcast %jit3A_4510 : f32 to vector<16xf32>
    %select_n3A_4512 = arith.select %lt3A_4503, %select_n3A_4509, %broadcast_in_dim3A_4511 : vector<16xi1>, vector<16xf32>
    %get3A_4513 = arith.constant 15 : i32
    %get3A_4514 = arith.index_cast %get3A_4513 : i32 to index
    %get3A_4515 = arith.constant 0 : index
    %get3A_4516 = tpu.vector_load %arg9[%get3A_4514, %get3A_4515] {strides = array<i32>} : memref<16x16xf32, #tpu.memory_space<vmem>>, vector<1x16xf32>,
    %get3A_4517 = vector.shape_cast %get3A_4516 : vector<1x16xf32> to vector<16xf32>
    %add3A_4518 = arith.constant 1.000000e+00 : f32
    %add3A_4519 = vector.broadcast %add3A_4518 : f32 to vector<16xf32>
    %add3A_4520 = arith.addf %add3A_4519, %get3A_4517 : vector<16xf32>
    %sub3A_4521 = arith.subf %add3A_4520, %select_n3A_4512 : vector<16xf32>
    %max3A_4522 = arith.constant 0.000000e+00 : f32
    %max3A_4523 = vector.broadcast %max3A_4522 : f32 to vector<16xf32>
    %max3A_4524 = arith.maximumf %sub3A_4521, %max3A_4523 : vector<16xf32>
    %add3A_4525 = arith.addf %add3A_4243, %max3A_4524 : vector<16xf32>
    %swap3A = arith.constant 0 : index
    %swap3A_4526 = tpu.vector_load %arg10[%swap3A] {strides = array<i32>} : memref<16xf32, #tpu.memory_space<vmem>>, vector<16xf32>,
    %swap3A_4527 = vector.shape_cast %swap3A_4526 : vector<16xf32> to vector<16xf32>
    %swap3A_4528 = vector.shape_cast %add3A_4525 : vector<16xf32> to vector<16xf32>
    tpu.vector_store %arg10[%swap3A], %swap3A_4528 {strides = array<i32>} : memref<16xf32, #tpu.memory_space<vmem>>, vector<16xf32>,
    "tpu.region"() ({
      %run_scoped3A = tpu.sem_alloc : memref<!tpu.dma_semaphore, #tpu.memory_space<semaphore_mem>>
      %dma_start3A_4531 = arith.constant 0 : i32
      %dma_start3A_4532 = tpu.memref_slice %arg5[%arg1, %dma_start3A_4531] : memref<16x16xf32, #tpu.memory_space<hbm>> -> memref<1x16xf32, #tpu.memory_space<hbm>>
      %dma_start3A_4533 = tpu.memref_squeeze %dma_start3A_4532 : memref<1x16xf32, #tpu.memory_space<hbm>> -> memref<16xf32, #tpu.memory_space<hbm>>
      %dma_start3A_4534 = arith.constant 0 : i32
      %dma_start3A_4535 = tpu.memref_slice %arg5[%arg1, %dma_start3A_4534] : memref<16x16xf32, #tpu.memory_space<hbm>> -> memref<1x16xf32, #tpu.memory_space<hbm>>
      %dma_start3A_4536 = tpu.memref_squeeze %dma_start3A_4535 : memref<1x16xf32, #tpu.memory_space<hbm>> -> memref<16xf32, #tpu.memory_space<hbm>>
      tpu.enqueue_dma source(%arg10 : memref<16xf32, #tpu.memory_space<vmem>>) target(%dma_start3A_4536 : memref<16xf32, #tpu.memory_space<hbm>>) target_semaphore(%run_scoped3A : memref<!tpu.dma_semaphore, #tpu.memory_space<semaphore_mem>>)
      %dma_wait3A_4537 = arith.constant 0 : i32
      %dma_wait3A_4538 = tpu.memref_slice %arg5[%arg1, %dma_wait3A_4537] : memref<16x16xf32, #tpu.memory_space<hbm>> -> memref<1x16xf32, #tpu.memory_space<hbm>>
      %dma_wait3A_4539 = tpu.memref_squeeze %dma_wait3A_4538 : memref<1x16xf32, #tpu.memory_space<hbm>> -> memref<16xf32, #tpu.memory_space<hbm>>
      %dma_wait3A_4540 = arith.constant 0 : i32
      %dma_wait3A_4541 = tpu.memref_slice %arg5[%arg1, %dma_wait3A_4540] : memref<16x16xf32, #tpu.memory_space<hbm>> -> memref<1x16xf32, #tpu.memory_space<hbm>>
      %dma_wait3A_4542 = tpu.memref_squeeze %dma_wait3A_4541 : memref<1x16xf32, #tpu.memory_space<hbm>> -> memref<16xf32, #tpu.memory_space<hbm>>
      tpu.wait_dma2 semaphore(%run_scoped3A : memref<!tpu.dma_semaphore, #tpu.memory_space<semaphore_mem>>) src(%arg10 : memref<16xf32, #tpu.memory_space<vmem>>) dst(%dma_wait3A_4542 : memref<16xf32, #tpu.memory_space<hbm>>)
      tpu.yield
    }) : () -> ()
    %barrier3A = arith.constant 0 : index
    tpu.barrier barrier_id(%barrier3A)
    %eq3A = arith.constant 0 : i32
    %eq3A_4529 = arith.cmpi eq, %arg1, %eq3A : i32
    %convert_element_type3A = arith.extui %eq3A_4529 : i1 to i32
    %cond3A = arith.constant 0 : i32
    %cond3A_4530 = arith.cmpi ne, %convert_element_type3A, %cond3A : i32
    scf.if %cond3A_4530 {
      "tpu.region"() ({
        %run_scoped3A = tpu.sem_alloc : memref<!tpu.dma_semaphore, #tpu.memory_space<semaphore_mem>>
        tpu.enqueue_dma source(%arg5 : memref<16x16xf32, #tpu.memory_space<hbm>>) target(%arg11 : memref<16x16xf32, #tpu.memory_space<vmem>>) target_semaphore(%run_scoped3A : memref<!tpu.dma_semaphore, #tpu.memory_space<semaphore_mem>>)
        tpu.wait_dma2 semaphore(%run_scoped3A : memref<!tpu.dma_semaphore, #tpu.memory_space<semaphore_mem>>) src(%arg5 : memref<16x16xf32, #tpu.memory_space<hbm>>) dst(%arg11 : memref<16x16xf32, #tpu.memory_space<vmem>>)
        tpu.yield
      }) : () -> ()
      %get3A_4531 = arith.constant 0 : i32
      %get3A_4532 = arith.index_cast %get3A_4531 : i32 to index
      %get3A_4533 = arith.constant 0 : index
      %get3A_4534 = tpu.vector_load %arg11[%get3A_4532, %get3A_4533] {strides = array<i32>} : memref<16x16xf32, #tpu.memory_space<vmem>>, vector<1x16xf32>,
      %get3A_4535 = vector.shape_cast %get3A_4534 : vector<1x16xf32> to vector<16xf32>
      %get3A_4536 = arith.constant 1 : i32
      %get3A_4537 = arith.index_cast %get3A_4536 : i32 to index
      %get3A_4538 = arith.constant 0 : index
      %get3A_4539 = tpu.vector_load %arg11[%get3A_4537, %get3A_4538] {strides = array<i32>} : memref<16x16xf32, #tpu.memory_space<vmem>>, vector<1x16xf32>,
      %get3A_4540 = vector.shape_cast %get3A_4539 : vector<1x16xf32> to vector<16xf32>
      %add3A_4541 = arith.addf %get3A_4535, %get3A_4540 : vector<16xf32>
      %get3A_4542 = arith.constant 2 : i32
      %get3A_4543 = arith.index_cast %get3A_4542 : i32 to index
      %get3A_4544 = arith.constant 0 : index
      %get3A_4545 = tpu.vector_load %arg11[%get3A_4543, %get3A_4544] {strides = array<i32>} : memref<16x16xf32, #tpu.memory_space<vmem>>, vector<1x16xf32>,
      %get3A_4546 = vector.shape_cast %get3A_4545 : vector<1x16xf32> to vector<16xf32>
      %add3A_4547 = arith.addf %add3A_4541, %get3A_4546 : vector<16xf32>
      %get3A_4548 = arith.constant 3 : i32
      %get3A_4549 = arith.index_cast %get3A_4548 : i32 to index
      %get3A_4550 = arith.constant 0 : index
      %get3A_4551 = tpu.vector_load %arg11[%get3A_4549, %get3A_4550] {strides = array<i32>} : memref<16x16xf32, #tpu.memory_space<vmem>>, vector<1x16xf32>,
      %get3A_4552 = vector.shape_cast %get3A_4551 : vector<1x16xf32> to vector<16xf32>
      %add3A_4553 = arith.addf %add3A_4547, %get3A_4552 : vector<16xf32>
      %get3A_4554 = arith.constant 4 : i32
      %get3A_4555 = arith.index_cast %get3A_4554 : i32 to index
      %get3A_4556 = arith.constant 0 : index
      %get3A_4557 = tpu.vector_load %arg11[%get3A_4555, %get3A_4556] {strides = array<i32>} : memref<16x16xf32, #tpu.memory_space<vmem>>, vector<1x16xf32>,
      %get3A_4558 = vector.shape_cast %get3A_4557 : vector<1x16xf32> to vector<16xf32>
      %add3A_4559 = arith.addf %add3A_4553, %get3A_4558 : vector<16xf32>
      %get3A_4560 = arith.constant 5 : i32
      %get3A_4561 = arith.index_cast %get3A_4560 : i32 to index
      %get3A_4562 = arith.constant 0 : index
      %get3A_4563 = tpu.vector_load %arg11[%get3A_4561, %get3A_4562] {strides = array<i32>} : memref<16x16xf32, #tpu.memory_space<vmem>>, vector<1x16xf32>,
      %get3A_4564 = vector.shape_cast %get3A_4563 : vector<1x16xf32> to vector<16xf32>
      %add3A_4565 = arith.addf %add3A_4559, %get3A_4564 : vector<16xf32>
      %get3A_4566 = arith.constant 6 : i32
      %get3A_4567 = arith.index_cast %get3A_4566 : i32 to index
      %get3A_4568 = arith.constant 0 : index
      %get3A_4569 = tpu.vector_load %arg11[%get3A_4567, %get3A_4568] {strides = array<i32>} : memref<16x16xf32, #tpu.memory_space<vmem>>, vector<1x16xf32>,
      %get3A_4570 = vector.shape_cast %get3A_4569 : vector<1x16xf32> to vector<16xf32>
      %add3A_4571 = arith.addf %add3A_4565, %get3A_4570 : vector<16xf32>
      %get3A_4572 = arith.constant 7 : i32
      %get3A_4573 = arith.index_cast %get3A_4572 : i32 to index
      %get3A_4574 = arith.constant 0 : index
      %get3A_4575 = tpu.vector_load %arg11[%get3A_4573, %get3A_4574] {strides = array<i32>} : memref<16x16xf32, #tpu.memory_space<vmem>>, vector<1x16xf32>,
      %get3A_4576 = vector.shape_cast %get3A_4575 : vector<1x16xf32> to vector<16xf32>
      %add3A_4577 = arith.addf %add3A_4571, %get3A_4576 : vector<16xf32>
      %get3A_4578 = arith.constant 8 : i32
      %get3A_4579 = arith.index_cast %get3A_4578 : i32 to index
      %get3A_4580 = arith.constant 0 : index
      %get3A_4581 = tpu.vector_load %arg11[%get3A_4579, %get3A_4580] {strides = array<i32>} : memref<16x16xf32, #tpu.memory_space<vmem>>, vector<1x16xf32>,
      %get3A_4582 = vector.shape_cast %get3A_4581 : vector<1x16xf32> to vector<16xf32>
      %add3A_4583 = arith.addf %add3A_4577, %get3A_4582 : vector<16xf32>
      %get3A_4584 = arith.constant 9 : i32
      %get3A_4585 = arith.index_cast %get3A_4584 : i32 to index
      %get3A_4586 = arith.constant 0 : index
      %get3A_4587 = tpu.vector_load %arg11[%get3A_4585, %get3A_4586] {strides = array<i32>} : memref<16x16xf32, #tpu.memory_space<vmem>>, vector<1x16xf32>,
      %get3A_4588 = vector.shape_cast %get3A_4587 : vector<1x16xf32> to vector<16xf32>
      %add3A_4589 = arith.addf %add3A_4583, %get3A_4588 : vector<16xf32>
      %get3A_4590 = arith.constant 10 : i32
      %get3A_4591 = arith.index_cast %get3A_4590 : i32 to index
      %get3A_4592 = arith.constant 0 : index
      %get3A_4593 = tpu.vector_load %arg11[%get3A_4591, %get3A_4592] {strides = array<i32>} : memref<16x16xf32, #tpu.memory_space<vmem>>, vector<1x16xf32>,
      %get3A_4594 = vector.shape_cast %get3A_4593 : vector<1x16xf32> to vector<16xf32>
      %add3A_4595 = arith.addf %add3A_4589, %get3A_4594 : vector<16xf32>
      %get3A_4596 = arith.constant 11 : i32
      %get3A_4597 = arith.index_cast %get3A_4596 : i32 to index
      %get3A_4598 = arith.constant 0 : index
      %get3A_4599 = tpu.vector_load %arg11[%get3A_4597, %get3A_4598] {strides = array<i32>} : memref<16x16xf32, #tpu.memory_space<vmem>>, vector<1x16xf32>,
      %get3A_4600 = vector.shape_cast %get3A_4599 : vector<1x16xf32> to vector<16xf32>
      %add3A_4601 = arith.addf %add3A_4595, %get3A_4600 : vector<16xf32>
      %get3A_4602 = arith.constant 12 : i32
      %get3A_4603 = arith.index_cast %get3A_4602 : i32 to index
      %get3A_4604 = arith.constant 0 : index
      %get3A_4605 = tpu.vector_load %arg11[%get3A_4603, %get3A_4604] {strides = array<i32>} : memref<16x16xf32, #tpu.memory_space<vmem>>, vector<1x16xf32>,
      %get3A_4606 = vector.shape_cast %get3A_4605 : vector<1x16xf32> to vector<16xf32>
      %add3A_4607 = arith.addf %add3A_4601, %get3A_4606 : vector<16xf32>
      %get3A_4608 = arith.constant 13 : i32
      %get3A_4609 = arith.index_cast %get3A_4608 : i32 to index
      %get3A_4610 = arith.constant 0 : index
      %get3A_4611 = tpu.vector_load %arg11[%get3A_4609, %get3A_4610] {strides = array<i32>} : memref<16x16xf32, #tpu.memory_space<vmem>>, vector<1x16xf32>,
      %get3A_4612 = vector.shape_cast %get3A_4611 : vector<1x16xf32> to vector<16xf32>
      %add3A_4613 = arith.addf %add3A_4607, %get3A_4612 : vector<16xf32>
      %get3A_4614 = arith.constant 14 : i32
      %get3A_4615 = arith.index_cast %get3A_4614 : i32 to index
      %get3A_4616 = arith.constant 0 : index
      %get3A_4617 = tpu.vector_load %arg11[%get3A_4615, %get3A_4616] {strides = array<i32>} : memref<16x16xf32, #tpu.memory_space<vmem>>, vector<1x16xf32>,
      %get3A_4618 = vector.shape_cast %get3A_4617 : vector<1x16xf32> to vector<16xf32>
      %add3A_4619 = arith.addf %add3A_4613, %get3A_4618 : vector<16xf32>
      %get3A_4620 = arith.constant 15 : i32
      %get3A_4621 = arith.index_cast %get3A_4620 : i32 to index
      %get3A_4622 = arith.constant 0 : index
      %get3A_4623 = tpu.vector_load %arg11[%get3A_4621, %get3A_4622] {strides = array<i32>} : memref<16x16xf32, #tpu.memory_space<vmem>>, vector<1x16xf32>,
      %get3A_4624 = vector.shape_cast %get3A_4623 : vector<1x16xf32> to vector<16xf32>
      %add3A_4625 = arith.addf %add3A_4619, %get3A_4624 : vector<16xf32>
      %mul3A_4626 = arith.constant 3.906250e-03 : f32
      %mul3A_4627 = vector.broadcast %mul3A_4626 : f32 to vector<16xf32>
      %mul3A_4628 = arith.mulf %add3A_4625, %mul3A_4627 : vector<16xf32>
      %swap3A_4629 = arith.constant 0 : index
      %swap3A_4630 = tpu.vector_load %arg10[%swap3A_4629] {strides = array<i32>} : memref<16xf32, #tpu.memory_space<vmem>>, vector<16xf32>,
      %swap3A_4631 = vector.shape_cast %swap3A_4630 : vector<16xf32> to vector<16xf32>
      %swap3A_4632 = vector.shape_cast %mul3A_4628 : vector<16xf32> to vector<16xf32>
      tpu.vector_store %arg10[%swap3A_4629], %swap3A_4632 {strides = array<i32>} : memref<16xf32, #tpu.memory_space<vmem>>, vector<16xf32>,
      "tpu.region"() ({
        %run_scoped3A = tpu.sem_alloc : memref<!tpu.dma_semaphore, #tpu.memory_space<semaphore_mem>>
        tpu.enqueue_dma source(%arg10 : memref<16xf32, #tpu.memory_space<vmem>>) target(%arg6 : memref<16xf32, #tpu.memory_space<hbm>>) target_semaphore(%run_scoped3A : memref<!tpu.dma_semaphore, #tpu.memory_space<semaphore_mem>>)
        tpu.wait_dma2 semaphore(%run_scoped3A : memref<!tpu.dma_semaphore, #tpu.memory_space<semaphore_mem>>) src(%arg10 : memref<16xf32, #tpu.memory_space<vmem>>) dst(%arg6 : memref<16xf32, #tpu.memory_space<hbm>>)
        tpu.yield
      }) : () -> ()
    } else {
    }
    return
  }
}

module attributes {stable_mosaic.version = 14 : i64} {
  func.func @_prep_body(%arg0: memref<256x128xf32, #tpu.memory_space<vmem>>, %arg1: memref<128x128xf32, #tpu.memory_space<vmem>>, %arg2: memref<256x128xf32, #tpu.memory_space<vmem>>, %arg3: memref<256x128xf32, #tpu.memory_space<vmem>>, %arg4: memref<256x16xf32, #tpu.memory_space<vmem>>) attributes {dimension_semantics = [], scalar_prefetch = 0 : i64, scratch_operands = 0 : i64, tpu.core_type = #tpu.core_type<tc>} {
    %get3A = arith.constant 0 : index
    %get3A_0 = arith.constant 0 : index
    %get3A_1 = vector.load %arg0[%get3A, %get3A_0] : memref<256x128xf32, #tpu.memory_space<vmem>>, vector<256x128xf32>
    %get3A_2 = arith.constant 0 : index
    %get3A_3 = arith.constant 0 : index
    %get3A_4 = vector.load %arg1[%get3A_2, %get3A_3] : memref<128x128xf32, #tpu.memory_space<vmem>>, vector<128x128xf32>
    %mul3A = arith.mulf %get3A_1, %get3A_1 : vector<256x128xf32>
    %reduce_sum3A = arith.constant dense<0.000000e+00> : vector<256xf32>
    %reduce_sum3A_5 = vector.multi_reduction <add>, %mul3A, %reduce_sum3A [1] : vector<256x128xf32> to vector<256xf32>
    %broadcast_in_dim3A = vector.shape_cast %reduce_sum3A_5 : vector<256xf32> to vector<256x1xf32>
    %broadcast_in_dim3A_6 = arith.constant 1.000000e+00 : f32
    %broadcast_in_dim3A_7 = vector.broadcast %broadcast_in_dim3A_6 : f32 to vector<1x128xf32>
    %mul3A_8 = arith.mulf %get3A_4, %get3A_4 : vector<128x128xf32>
    %dot_general3A = arith.constant dense<0.000000e+00> : vector<1x128xf32>
    %dot_general3A_9 = tpu.matmul %broadcast_in_dim3A_7, %mul3A_8, %dot_general3A {dimension_numbers = #tpu.dot_dimension_numbers<[1], [1], [0], [0], [0, 0, 1, 0], [], []>, precision = #tpu.contract_precision<fp32>, transpose_lhs_hint = false} : vector<1x128xf32>, vector<128x128xf32>, vector<1x128xf32> -> vector<1x128xf32>
    %dot_general3A_10 = arith.constant dense<0.000000e+00> : vector<256x128xf32>
    %dot_general3A_11 = tpu.matmul %get3A_1, %get3A_4, %dot_general3A_10 {dimension_numbers = #tpu.dot_dimension_numbers<[1], [1], [0], [0], [0, 0, 1, 0], [], []>, precision = #tpu.contract_precision<fp32>, transpose_lhs_hint = false} : vector<256x128xf32>, vector<128x128xf32>, vector<256x128xf32> -> vector<256x128xf32>
    %add3A = vector.broadcast %broadcast_in_dim3A : vector<256x1xf32> to vector<256x128xf32>
    %add3A_12 = vector.broadcast %dot_general3A_9 : vector<1x128xf32> to vector<256x128xf32>
    %add3A_13 = arith.addf %add3A, %add3A_12 : vector<256x128xf32>
    %mul3A_14 = arith.constant 2.000000e+00 : f32
    %mul3A_15 = vector.broadcast %mul3A_14 : f32 to vector<256x128xf32>
    %mul3A_16 = arith.mulf %mul3A_15, %dot_general3A_11 : vector<256x128xf32>
    %sub3A = arith.subf %add3A_13, %mul3A_16 : vector<256x128xf32>
    %max3A = arith.constant 0.000000e+00 : f32
    %max3A_17 = vector.broadcast %max3A : f32 to vector<256x128xf32>
    %max3A_18 = arith.maximumf %sub3A, %max3A_17 : vector<256x128xf32>
    %sqrt3A = math.sqrt %max3A_18 : vector<256x128xf32>
    %dot_general3A_19 = arith.constant dense<0.000000e+00> : vector<128x128xf32>
    %dot_general3A_20 = tpu.matmul %get3A_4, %get3A_4, %dot_general3A_19 {dimension_numbers = #tpu.dot_dimension_numbers<[1], [1], [0], [0], [0, 0, 1, 0], [], []>, precision = #tpu.contract_precision<fp32>, transpose_lhs_hint = false} : vector<128x128xf32>, vector<128x128xf32>, vector<128x128xf32> -> vector<128x128xf32>
    %mul3A_21 = arith.mulf %get3A_4, %get3A_4 : vector<128x128xf32>
    %dot_general3A_22 = arith.constant dense<0.000000e+00> : vector<128x1xf32>
    %dot_general3A_23 = tpu.matmul %mul3A_21, %broadcast_in_dim3A_7, %dot_general3A_22 {dimension_numbers = #tpu.dot_dimension_numbers<[1], [1], [0], [0], [0, 0, 1, 0], [], []>, precision = #tpu.contract_precision<fp32>, transpose_lhs_hint = false} : vector<128x128xf32>, vector<1x128xf32>, vector<128x1xf32> -> vector<128x1xf32>
    %add3A_24 = vector.broadcast %dot_general3A_23 : vector<128x1xf32> to vector<128x128xf32>
    %add3A_25 = vector.broadcast %dot_general3A_9 : vector<1x128xf32> to vector<128x128xf32>
    %add3A_26 = arith.addf %add3A_24, %add3A_25 : vector<128x128xf32>
    %mul3A_27 = arith.constant 2.000000e+00 : f32
    %mul3A_28 = vector.broadcast %mul3A_27 : f32 to vector<128x128xf32>
    %mul3A_29 = arith.mulf %mul3A_28, %dot_general3A_20 : vector<128x128xf32>
    %sub3A_30 = arith.subf %add3A_26, %mul3A_29 : vector<128x128xf32>
    %max3A_31 = arith.constant 0.000000e+00 : f32
    %max3A_32 = vector.broadcast %max3A_31 : f32 to vector<128x128xf32>
    %max3A_33 = arith.maximumf %sub3A_30, %max3A_32 : vector<128x128xf32>
    %iota3A = tpu.iota {dimensions = array<i32: 0>} : vector<128x128xi32>
    %iota3A_34 = tpu.iota {dimensions = array<i32: 1>} : vector<128x128xi32>
    %eq3A = arith.cmpi eq, %iota3A, %iota3A_34 : vector<128x128xi32>
    %jit3A = arith.constant 0.000000e+00 : f32
    %broadcast_in_dim3A_35 = vector.broadcast %jit3A : f32 to vector<128x128xf32>
    %select_n3A = arith.select %eq3A, %broadcast_in_dim3A_35, %max3A_33 : vector<128x128xi1>, vector<128x128xf32>
    %broadcast_in_dim3A_36 = arith.constant 0.000000e+00 : f32
    %broadcast_in_dim3A_37 = vector.broadcast %broadcast_in_dim3A_36 : f32 to vector<128x128xf32>
    %reduce_min3A = arith.constant dense<0x7F800000> : vector<128xf32>
    %reduce_min3A_38 = vector.multi_reduction <minimumf>, %select_n3A, %reduce_min3A [1] : vector<128x128xf32> to vector<128xf32>
    %broadcast_in_dim3A_39 = vector.shape_cast %reduce_min3A_38 : vector<128xf32> to vector<128x1xf32>
    %eq3A_40 = vector.broadcast %broadcast_in_dim3A_39 : vector<128x1xf32> to vector<128x128xf32>
    %eq3A_41 = arith.cmpf oeq, %select_n3A, %eq3A_40 : vector<128x128xf32>
    %jit3A_42 = arith.constant 129 : i32
    %broadcast_in_dim3A_43 = vector.broadcast %jit3A_42 : i32 to vector<128x128xi32>
    %select_n3A_44 = arith.select %eq3A_41, %iota3A_34, %broadcast_in_dim3A_43 : vector<128x128xi1>, vector<128x128xi32>
    %reduce_min3A_45 = arith.constant dense<2147483647> : vector<128xi32>
    %reduce_min3A_46 = vector.multi_reduction <minsi>, %select_n3A_44, %reduce_min3A_45 [1] : vector<128x128xi32> to vector<128xi32>
    %broadcast_in_dim3A_47 = vector.shape_cast %reduce_min3A_46 : vector<128xi32> to vector<128x1xi32>
    %eq3A_48 = vector.broadcast %broadcast_in_dim3A_47 : vector<128x1xi32> to vector<128x128xi32>
    %eq3A_49 = arith.cmpi eq, %iota3A_34, %eq3A_48 : vector<128x128xi32>
    %jit3A_50 = arith.constant 1.000000e+00 : f32
    %broadcast_in_dim3A_51 = vector.broadcast %jit3A_50 : f32 to vector<128x128xf32>
    %select_n3A_52 = arith.select %eq3A_49, %broadcast_in_dim3A_51, %broadcast_in_dim3A_37 : vector<128x128xi1>, vector<128x128xf32>
    %jit3A_53 = arith.constant 1.000000e+30 : f32
    %broadcast_in_dim3A_54 = vector.broadcast %jit3A_53 : f32 to vector<128x128xf32>
    %select_n3A_55 = arith.select %eq3A_49, %broadcast_in_dim3A_54, %select_n3A : vector<128x128xi1>, vector<128x128xf32>
    %reduce_min3A_56 = arith.constant dense<0x7F800000> : vector<128xf32>
    %reduce_min3A_57 = vector.multi_reduction <minimumf>, %select_n3A_55, %reduce_min3A_56 [1] : vector<128x128xf32> to vector<128xf32>
    %broadcast_in_dim3A_58 = vector.shape_cast %reduce_min3A_57 : vector<128xf32> to vector<128x1xf32>
    %eq3A_59 = vector.broadcast %broadcast_in_dim3A_58 : vector<128x1xf32> to vector<128x128xf32>
    %eq3A_60 = arith.cmpf oeq, %select_n3A_55, %eq3A_59 : vector<128x128xf32>
    %jit3A_61 = arith.constant 129 : i32
    %broadcast_in_dim3A_62 = vector.broadcast %jit3A_61 : i32 to vector<128x128xi32>
    %select_n3A_63 = arith.select %eq3A_60, %iota3A_34, %broadcast_in_dim3A_62 : vector<128x128xi1>, vector<128x128xi32>
    %reduce_min3A_64 = arith.constant dense<2147483647> : vector<128xi32>
    %reduce_min3A_65 = vector.multi_reduction <minsi>, %select_n3A_63, %reduce_min3A_64 [1] : vector<128x128xi32> to vector<128xi32>
    %broadcast_in_dim3A_66 = vector.shape_cast %reduce_min3A_65 : vector<128xi32> to vector<128x1xi32>
    %eq3A_67 = vector.broadcast %broadcast_in_dim3A_66 : vector<128x1xi32> to vector<128x128xi32>
    %eq3A_68 = arith.cmpi eq, %iota3A_34, %eq3A_67 : vector<128x128xi32>
    %jit3A_69 = arith.constant 1.000000e+00 : f32
    %broadcast_in_dim3A_70 = vector.broadcast %jit3A_69 : f32 to vector<128x128xf32>
    %select_n3A_71 = arith.select %eq3A_68, %broadcast_in_dim3A_70, %select_n3A_52 : vector<128x128xi1>, vector<128x128xf32>
    %jit3A_72 = arith.constant 1.000000e+30 : f32
    %broadcast_in_dim3A_73 = vector.broadcast %jit3A_72 : f32 to vector<128x128xf32>
    %select_n3A_74 = arith.select %eq3A_68, %broadcast_in_dim3A_73, %select_n3A_55 : vector<128x128xi1>, vector<128x128xf32>
    %reduce_min3A_75 = arith.constant dense<0x7F800000> : vector<128xf32>
    %reduce_min3A_76 = vector.multi_reduction <minimumf>, %select_n3A_74, %reduce_min3A_75 [1] : vector<128x128xf32> to vector<128xf32>
    %broadcast_in_dim3A_77 = vector.shape_cast %reduce_min3A_76 : vector<128xf32> to vector<128x1xf32>
    %eq3A_78 = vector.broadcast %broadcast_in_dim3A_77 : vector<128x1xf32> to vector<128x128xf32>
    %eq3A_79 = arith.cmpf oeq, %select_n3A_74, %eq3A_78 : vector<128x128xf32>
    %jit3A_80 = arith.constant 129 : i32
    %broadcast_in_dim3A_81 = vector.broadcast %jit3A_80 : i32 to vector<128x128xi32>
    %select_n3A_82 = arith.select %eq3A_79, %iota3A_34, %broadcast_in_dim3A_81 : vector<128x128xi1>, vector<128x128xi32>
    %reduce_min3A_83 = arith.constant dense<2147483647> : vector<128xi32>
    %reduce_min3A_84 = vector.multi_reduction <minsi>, %select_n3A_82, %reduce_min3A_83 [1] : vector<128x128xi32> to vector<128xi32>
    %broadcast_in_dim3A_85 = vector.shape_cast %reduce_min3A_84 : vector<128xi32> to vector<128x1xi32>
    %eq3A_86 = vector.broadcast %broadcast_in_dim3A_85 : vector<128x1xi32> to vector<128x128xi32>
    %eq3A_87 = arith.cmpi eq, %iota3A_34, %eq3A_86 : vector<128x128xi32>
    %jit3A_88 = arith.constant 1.000000e+00 : f32
    %broadcast_in_dim3A_89 = vector.broadcast %jit3A_88 : f32 to vector<128x128xf32>
    %select_n3A_90 = arith.select %eq3A_87, %broadcast_in_dim3A_89, %select_n3A_71 : vector<128x128xi1>, vector<128x128xf32>
    %sub3A_91 = arith.constant 1.000000e+00 : f32
    %sub3A_92 = vector.broadcast %sub3A_91 : f32 to vector<128x128xf32>
    %sub3A_93 = arith.subf %sub3A_92, %select_n3A_90 : vector<128x128xf32>
    %iota3A_94 = tpu.iota {dimensions = array<i32: 0>} : vector<256x128xi32>
    %iota3A_95 = tpu.iota {dimensions = array<i32: 1>} : vector<256x128xi32>
    %jit3A_96 = arith.constant 2 : i32
    %div3A = vector.broadcast %jit3A_96 : i32 to vector<256x128xi32>
    %div3A_97 = arith.divsi %iota3A_94, %div3A : vector<256x128xi32>
    %sign3A = arith.constant 0 : i32
    %sign3A_98 = vector.broadcast %sign3A : i32 to vector<256x128xi32>
    %sign3A_99 = arith.cmpi sgt, %iota3A_94, %sign3A_98 : vector<256x128xi32>
    %sign3A_100 = arith.extui %sign3A_99 : vector<256x128xi1> to vector<256x128xi32>
    %sign3A_101 = arith.constant 0 : i32
    %sign3A_102 = vector.broadcast %sign3A_101 : i32 to vector<256x128xi32>
    %sign3A_103 = arith.cmpi slt, %iota3A_94, %sign3A_102 : vector<256x128xi32>
    %sign3A_104 = arith.extui %sign3A_103 : vector<256x128xi1> to vector<256x128xi32>
    %sign3A_105 = arith.subi %sign3A_100, %sign3A_104 : vector<256x128xi32>
    %sign3A_106 = arith.constant 0 : i32
    %sign3A_107 = arith.cmpi sgt, %jit3A_96, %sign3A_106 : i32
    %sign3A_108 = arith.extui %sign3A_107 : i1 to i32
    %sign3A_109 = arith.constant 0 : i32
    %sign3A_110 = arith.cmpi slt, %jit3A_96, %sign3A_109 : i32
    %sign3A_111 = arith.extui %sign3A_110 : i1 to i32
    %sign3A_112 = arith.subi %sign3A_108, %sign3A_111 : i32
    %ne3A = vector.broadcast %sign3A_112 : i32 to vector<256x128xi32>
    %ne3A_113 = arith.cmpi ne, %sign3A_105, %ne3A : vector<256x128xi32>
    %rem3A = vector.broadcast %jit3A_96 : i32 to vector<256x128xi32>
    %rem3A_114 = arith.remsi %iota3A_94, %rem3A : vector<256x128xi32>
    %ne3A_115 = arith.constant 0 : i32
    %ne3A_116 = vector.broadcast %ne3A_115 : i32 to vector<256x128xi32>
    %ne3A_117 = arith.cmpi ne, %rem3A_114, %ne3A_116 : vector<256x128xi32>
    %and3A = arith.andi %ne3A_113, %ne3A_117 : vector<256x128xi1>
    %sub3A_118 = arith.constant 1 : i32
    %sub3A_119 = vector.broadcast %sub3A_118 : i32 to vector<256x128xi32>
    %sub3A_120 = arith.subi %div3A_97, %sub3A_119 : vector<256x128xi32>
    %select_n3A_121 = arith.select %and3A, %sub3A_120, %div3A_97 : vector<256x128xi1>, vector<256x128xi32>
    %eq3A_122 = arith.cmpi eq, %iota3A_95, %select_n3A_121 : vector<256x128xi32>
    %convert_element_type3A = arith.extui %eq3A_122 : vector<256x128xi1> to vector<256x128xi32>
    %convert_element_type3A_123 = arith.sitofp %convert_element_type3A : vector<256x128xi32> to vector<256x128xf32>
    %dot_general3A_124 = arith.constant dense<0.000000e+00> : vector<256x128xf32>
    %dot_general3A_125 = tpu.matmul %convert_element_type3A_123, %sub3A_93, %dot_general3A_124 {dimension_numbers = #tpu.dot_dimension_numbers<[1], [1], [0], [0], [0, 0, 1, 0], [], []>, transpose_lhs_hint = false} : vector<256x128xf32>, vector<128x128xf32>, vector<256x128xf32> -> vector<256x128xf32>
    %eq3A_126 = arith.cmpi eq, %iota3A_95, %select_n3A_121 : vector<256x128xi32>
    %jit3A_127 = arith.constant 0.000000e+00 : f32
    %broadcast_in_dim3A_128 = vector.broadcast %jit3A_127 : f32 to vector<256x128xf32>
    %select_n3A_129 = arith.select %eq3A_126, %sqrt3A, %broadcast_in_dim3A_128 : vector<256x128xi1>, vector<256x128xf32>
    %reduce_sum3A_130 = arith.constant dense<0.000000e+00> : vector<256xf32>
    %reduce_sum3A_131 = vector.multi_reduction <add>, %select_n3A_129, %reduce_sum3A_130 [1] : vector<256x128xf32> to vector<256xf32>
    %broadcast_in_dim3A_132 = vector.shape_cast %reduce_sum3A_131 : vector<256xf32> to vector<256x1xf32>
    %broadcast_in_dim3A_133 = vector.shape_cast %broadcast_in_dim3A_132 : vector<256x1xf32> to vector<256x1xf32>
    %broadcast_in_dim3A_134 = vector.broadcast %broadcast_in_dim3A_133 : vector<256x1xf32> to vector<256x16xf32>
    %swap3A = arith.constant 0 : index
    %swap3A_135 = arith.constant 0 : index
    %swap3A_136 = vector.load %arg4[%swap3A, %swap3A_135] : memref<256x16xf32, #tpu.memory_space<vmem>>, vector<256x16xf32>
    tpu.vector_store %arg4[%swap3A, %swap3A_135], %broadcast_in_dim3A_134 {strides = array<i32>} : memref<256x16xf32, #tpu.memory_space<vmem>>, vector<256x16xf32>,
    %jit3A_137 = arith.constant 1.000000e+30 : f32
    %broadcast_in_dim3A_138 = vector.broadcast %jit3A_137 : f32 to vector<256x128xf32>
    %select_n3A_139 = arith.select %eq3A_126, %broadcast_in_dim3A_138, %sqrt3A : vector<256x128xi1>, vector<256x128xf32>
    %swap3A_140 = arith.constant 0 : index
    %swap3A_141 = arith.constant 0 : index
    %swap3A_142 = vector.load %arg2[%swap3A_140, %swap3A_141] : memref<256x128xf32, #tpu.memory_space<vmem>>, vector<256x128xf32>
    tpu.vector_store %arg2[%swap3A_140, %swap3A_141], %select_n3A_139 {strides = array<i32>} : memref<256x128xf32, #tpu.memory_space<vmem>>, vector<256x128xf32>,
    %gt3A = arith.constant 5.000000e-01 : f32
    %gt3A_143 = vector.broadcast %gt3A : f32 to vector<256x128xf32>
    %gt3A_144 = arith.cmpf ogt, %dot_general3A_125, %gt3A_143 : vector<256x128xf32>
    %jit3A_145 = arith.constant 1.000000e+30 : f32
    %broadcast_in_dim3A_146 = vector.broadcast %jit3A_145 : f32 to vector<256x128xf32>
    %select_n3A_147 = arith.select %gt3A_144, %select_n3A_139, %broadcast_in_dim3A_146 : vector<256x128xi1>, vector<256x128xf32>
    %swap3A_148 = arith.constant 0 : index
    %swap3A_149 = arith.constant 0 : index
    %swap3A_150 = vector.load %arg3[%swap3A_148, %swap3A_149] : memref<256x128xf32, #tpu.memory_space<vmem>>, vector<256x128xf32>
    tpu.vector_store %arg3[%swap3A_148, %swap3A_149], %select_n3A_147 {strides = array<i32>} : memref<256x128xf32, #tpu.memory_space<vmem>>, vector<256x128xf32>,
    return
  }
}

</mosaic_0001>

<sc_bundles>
// kernel: kernel.4.cloned.1.call-start
scs
__scs_entry_jumppad:
0x0: {  	(pc) =	sbr.rel $0x88, $3  }
0x1: {  	(tag) =	ssettag $0x0;
	lr =	simm.s32 $0x1  }
0x2: {  	[smem:$0x3F9F] =	sst lr;
	_ =	strace $0xD0000000  }
0x3: {  	_ = 	snop  }
0x4: {  	_ = 	snop  }
0x5: {  	_ = 	snop  }
0x6: {  	_ = 	snop  }
0x7: {  	_ = 	snop  }
__scs_overlays_trampoline_lowered:
0x8: {  	[smem:$0x3FAE] =	sst s0  }
0x9: {  	[smem:$0x3FAF] =	sst s1  }
0xa: {  	[smem:$0x3FB0] =	sst s2  }
0xb: {  	[smem:$0x3FB1] =	sst s3  }
0xc: {  	[smem:$0x3FB2] =	sst s4  }
0xd: {  	[smem:$0x3FB3] =	sst s5  }
0xe: {  	[smem:$0x3FB4] =	sst s6  }
0xf: {  	[smem:$0x3FB5] =	sst s7  }
0x10: {  	[smem:$0x3FB6] =	sst s8  }
0x11: {  	[smem:$0x3FB7] =	sst s9;
	s0 =	simm.s32 @!p0 $0x0  }
0x12: {  	s1 =	sld [smem:$0x3F9D];
	s0 =	simm.s32 @p0 $0x1  }
0x13: {  	[smem:$0x3FB8] =	sst s0;
	s0 =	simm.s32 @!p1 $0x0  }
0x14: {  	s2 =	sld [smem:$0x3F9C];
	s0 =	simm.s32 @p1 $0x1  }
0x15: {  	[smem:$0x3FB9] =	sst s0;
	s0 =	simm.s32 @!p2 $0x0  }
0x16: {  	s3 =	sld [smem:$0x3FDB];
	s0 =	simm.s32 @p2 $0x1  }
0x17: {  	s4 =	simm.s32 $0x1BF5;
	[smem:$0x3FBB] =	sst s0  }
0x18: {  	s0 =	sld [smem:$0x3F9E];
	_ =	swait.ge [sflag:s4], $0x0  }
0x19: {  	s7 =	sld [smem:$0x3F9F]  }
0x1a: {  	s8 =	sadd.s32 $0xFFFFE003, lr  }
0x1b: {  	s9 =	sadd.s32 $0xFFFFFEF7, lr;
	s5 =	simm.s32 $0xFFFFFFFF;
	p2 =	slt.u32 s8, $0xFFFFF086  }
0x1c: {  	p1 =	slt.u32 s9, $0xF7A;
	s5 =	simm.s32 @!p2 $0x0  }
0x1d: {  	s5 =	simm.s32 @p1 $0x1;
	p0 =	seq.s32 s7, s2  }
0x1e: {  	s7 =	smul.u32 @!p0 $0xF7A, s2;
	p2 =	seq.s32 @!p0 s5, $0x0  }
0x1f: {  	s9 =	smul.u32 $0xF7A, s1;
	s8 =	simm.s32 @!p0 $0x1BF5;
	p2 =	por !p2, p0  }
0x20: {  	[sflag:s8] =	ssyncset.s32 @!p0 $0xFFFFF086;
	s6 =	sadd.s32 @!p0 s3, s7;
	s7 =	simm.s32 @!p0 $0x108  }
0x21: {  	s3 =	sadd.s32 s3, s9;
	s6 =	sadd.s32 @!p0 $0x88, s6;
	s7 =	simm.s32 @p2 $0x1082  }
0x22: {  	[simem:s7], [sflag:s8] =	dma.local @!p0 [hbm:s6], $0xF7A  }
0x23: {  	s9 =	sor.u32 $0xD0000000, s2;
	s6 =	simm.s32 $0x108;
	_ =	swait.ge @!p0 [sflag:s8], $0x0  }
0x24: {  	s3 =	sadd.s32 $0x88, s3;
	s6 =	simm.s32 @!p1 $0x1082;
	[sflag:s4] =	ssyncset.s32 $0xFFFFF086  }
0x25: {  	[simem:s6], [sflag:s4] =	dma.local [hbm:s3], $0xF7A  }
0x26: {  	[smem:$0x3F9F] =	sst s1;
	(tag) =	ssettag s2;
	_ =	strace s9  }
0x27: {  	s1 =	sld [smem:$0x3FAF]  }
0x28: {  	s2 =	sld [smem:$0x3FB0]  }
0x29: {  	s4 =	sld [smem:$0x3FB2]  }
0x2a: {  	p0 =	seq.s32 s5, $0x0;
	s5 =	sld [smem:$0x3FB3]  }
0x2b: {  	s6 =	sld [smem:$0x3FB4]  }
0x2c: {  	s7 =	sld [smem:$0x3FB5]  }
0x2d: {  	s3 =	simm.s32 $0x108;
	s8 =	sld [smem:$0x3FB6]  }
0x2e: {  	s3 =	simm.s32 @!p0 $0x1082;
	s9 =	sld [smem:$0x3FB7]  }
0x2f: {  	lr =	sadd.s32 s0, s3;
	s0 =	sld [smem:$0x3FAE]  }
0x30: {  	s3 =	sld [smem:$0x3FB1]  }
0x31: {  	[smem:$0x3FBA] =	sst s10  }
0x32: {  	s10 =	sld [smem:$0x3FB8];
	_ =	sdelay $0x3  }
0x33: {  	p0 =	seq.s32 s10, $0x1;
	s10 =	sld [smem:$0x3FBA];
	_ =	sdelay $0x3  }
0x34: {  	[smem:$0x3FBA] =	sst s10  }
0x35: {  	s10 =	sld [smem:$0x3FB9];
	_ =	sdelay $0x3  }
0x36: {  	p1 =	seq.s32 s10, $0x1;
	s10 =	sld [smem:$0x3FBA];
	_ =	sdelay $0x3  }
0x37: {  	[smem:$0x3FBA] =	sst s10  }
0x38: {  	s10 =	sld [smem:$0x3FBB]  }
0x39: {  	_ = 	snop;
	(pc) =	sbr.ind lr, $3  }
0x3a: {  	_ = 	snop  }
0x3b: {  	_ = 	snop  }
0x3c: {  	p2 =	seq.s32 s10, $0x1;
	s10 =	sld [smem:$0x3FBA]  }
0x3d: {  	_ =	shalt  }
0x3e: {  	_ =	shalt  }
0x3f: {  	_ =	shalt  }
0x40: {  	_ =	shalt  }
0x41: {  	_ =	shalt  }
0x42: {  	_ =	shalt  }
0x43: {  	_ =	shalt  }
0x44: {  	_ =	shalt  }
0x45: {  	_ =	shalt  }
0x46: {  	_ =	shalt  }
0x47: {  	_ =	shalt  }
0x48: {  	_ =	shalt  }
0x49: {  	_ =	shalt  }
0x4a: {  	_ =	shalt  }
0x4b: {  	_ =	shalt  }
0x4c: {  	_ =	shalt  }
0x4d: {  	_ =	shalt  }
0x4e: {  	_ =	shalt  }
0x4f: {  	_ =	shalt  }
0x50: {  	_ =	shalt  }
0x51: {  	_ =	shalt  }
0x52: {  	_ =	shalt  }
0x53: {  	_ =	shalt  }
0x54: {  	_ =	shalt  }
0x55: {  	_ =	shalt  }
0x56: {  	_ =	shalt  }
0x57: {  	_ =	shalt  }
0x58: {  	_ =	shalt  }
0x59: {  	_ =	shalt  }
0x5a: {  	_ =	shalt  }
0x5b: {  	_ =	shalt  }
0x5c: {  	_ =	shalt  }
0x5d: {  	_ =	shalt  }
0x5e: {  	_ =	shalt  }
0x5f: {  	_ =	shalt  }
0x60: {  	_ =	shalt  }
0x61: {  	_ =	shalt  }
0x62: {  	_ =	shalt  }
0x63: {  	_ =	shalt  }
0x64: {  	_ =	shalt  }
0x65: {  	_ =	shalt  }
0x66: {  	_ =	shalt  }
0x67: {  	_ =	shalt  }
0x68: {  	_ =	shalt  }
0x69: {  	_ =	shalt  }
0x6a: {  	_ =	shalt  }
0x6b: {  	_ =	shalt  }
0x6c: {  	_ =	shalt  }
0x6d: {  	_ =	shalt  }
0x6e: {  	_ =	shalt  }
0x6f: {  	_ =	shalt  }
0x70: {  	_ =	shalt  }
0x71: {  	_ =	shalt  }
0x72: {  	_ =	shalt  }
0x73: {  	_ =	shalt  }
0x74: {  	_ =	shalt  }
0x75: {  	_ =	shalt  }
0x76: {  	_ =	shalt  }
0x77: {  	_ =	shalt  }
0x78: {  	_ =	shalt  }
0x79: {  	_ =	shalt  }
0x7a: {  	_ =	shalt  }
0x7b: {  	_ =	shalt  }
0x7c: {  	_ =	shalt  }
0x7d: {  	_ =	shalt  }
0x7e: {  	_ =	shalt  }
0x7f: {  	_ =	shalt  }
0x80: {  	_ =	shalt  }
0x81: {  	_ =	shalt  }
0x82: {  	_ =	shalt  }
0x83: {  	_ =	shalt  }
0x84: {  	_ =	shalt  }
0x85: {  	_ =	shalt  }
0x86: {  	_ =	shalt  }
0x87: {  	_ =	shalt  }
.Lfunc_end0:
.L_simem_size_0:
called_computation_lowered:
.L_overlay_start_0:
0x88: {  	s0 =	sld [smem:$0x3FD9]  }
0x89: {  	s1 =	sld [smem:$0x3FFE];
	_ =	sdelay $0x3  }
0x8a: {  	s0 =	sadd.s32 s1, s0  }
0x8b: {  	[smem:$0x3FC6] =	sst s0  }
0x8c: {  	_ = 	snop  }
0x8d: {  	s0 =	sld [smem:$0x3FD0];
	(tm) =	ssettm $0x1  }
0x8e: {  	s16 =	sld [smem:$0x3FFB];
	_ =	sdelay $0x3  }
0x8f: {  	_ =	strace s16  }
0x90: {  	s1 =	sld [smem:$0x3FFC];
	_ =	sdelay $0x3  }
0x91: {  	_ =	strace s1  }
0x92: {  	s1 =	sld [smem:$0x3FFD];
	_ =	sdelay $0x3  }
0x93: {  	_ =	strace s1  }
0x94: {  	_ =	strace $0x8FFFFFFF  }
0x95: {  	s17 =	sld [smem:$0x3FDB];
	_ =	sdelay $0x1  }
0x96: {  	s2 =	simm.s32 $_scs_section_size  }
0x97: {  	s3 =	simm.s32 $_size__tile_overlayer_lowered;
	s4 =	simm.s32 $_tile_overlayer_lowered  }
0x98: {  	s20 =	simm.s32 $0x1BFF;
	s19 =	sshll.u32 s4, $0x1;
	s1 =	sadd.s32 s2, s17  }
0x99: {  	s5 =	simm.s32 $0x0;
	s18 =	sshll.u32 s3, $0x1;
	s3 =	sadd.s32 s19, s1  }
0x9a: {  	[timem:s5], [sflag:s20] =	dma.local [hbm:s3], s18  }
0x9b: {  	_ =	swait.ge [sflag:s20], s18  }
0x9c: {  	s2 =	ssub.s32 $0x0, s18;
	[sflag:s20] =	ssyncset.done $0x0  }
0x9d: {  	[sflag:s20] =	ssyncadd.s32 s2;
	_ =	sdelay $0x1  }
0x9e: {  	s21 =	simm.s32 $0x1B8B  }
0x9f: {  	_ =	swait.ge [sflag:s21], $0x1  }
0xa0: {  	[sflag:s21] =	ssyncset.done $0x0  }
0xa1: {  	s23 =	simm.s32 $0x1B8E;
	s22 =	sld [smem:$0x3FFE];
	[sflag:s21] =	ssyncadd.s32 $0xFFFFFFFF  }
0xa2: {  	s24 =	simm.s32 $execute0_lowered;
	[smem:$0x3FD2] =	sst s23  }
0xa3: {  	s3 =	sshll.u32 s24, $0x1;
	_ =	strace $0x80000046;
	[dreg:$0x1] =	wrdreg $0xFFFFFFFF  }
0xa4: {  	s25 =	simm.s32 $_size_execute0_lowered;
	s1 =	sadd.s32 s1, s3;
	[dreg:$0x0] =	wrdreg $0x0  }
0xa5: {  	s3 =	sshll.u32 s25, $0x1;
	[dreg:$0x2] =	wrdreg s1  }
0xa6: {  	[dreg:$0x3] =	wrdreg s3  }
0xa7: {  	[dreg:$0x4] =	wrdreg $0xC0  }
0xa8: {  	_ =	task [dreg:s5], $0x5FFFF  }
0xa9: {  	[dreg:$0x1] =	wrdreg $0xFFFFFFFF  }
0xaa: {  	[dreg:$0x0] =	wrdreg $0x60  }
0xab: {  	[dreg:$0x2] =	wrdreg s22  }
0xac: {  	[dreg:$0x3] =	wrdreg s0  }
0xad: {  	[dreg:$0x4] =	wrdreg $0x9  }
0xae: {  	_ =	task.clear_ibuf [dreg:s5], $0x5FFFF;
	_ =	strace $0x90000046  }
0xaf: {  	s26 =	simm.s32 $0x9;
	_ =	strace $0x80000048  }
0xb0: {  	_ =	swait.ge [sflag:s26], $0x1  }
0xb1: {  	[sflag:s26] =	ssyncadd.s32 $0xFFFFFFFF  }
0xb2: {  	_ =	strace $0x90000048  }
0xb3: {  	_ =	sfence  }
0xb4: {  	s28 =	sld [smem:$0x0];
	_ =	sdelay $0x1  }
0xb5: {  	s29 =	srdreg.scid  }
0xb6: {  	s30 =	sshll.u32 s29, $0xD;
	s31 =	sshrl.u32 s29, $0x2  }
0xb7: {  	s2 =	sand.u32 $0x4000, s30;
	s1 =	sand.u32 $0x1, s29;
	s0 =	sadd.s32 s31, s28  }
0xb8: {  	s1 =	sor.u32 s2, s1;
	s0 =	sshll.u32 s0, $0x11  }
0xb9: {  	s0 =	sor.u32 s0, s1  }
0xba: {  	s0 =	sadd.s32 $0x8F2B, s0  }
0xbb: {  	[sflag:s0] =	ssyncadd.remote.s32 $0x1  }
0xbc: {  	_ =	sfence.sel $0xFFFF  }
0xbd: {  	[dreg:$0x0] =	wrdreg $0xFFFFFFFF;
	(pc) =	sbr.abs _section_cstart, $3  }
0xbe: {  	[dreg:$0x1] =	wrdreg $0xFFFFFFFF  }
0xbf: {  	_ =	task.clear_ibuf [dreg:s5], $0x2FFFF;
	_ =	strace $0x9FFFFFFF  }
0xc0: {  	(tm) =	ssettm $0x7FFFFFFF  }
0xc1: {  	_ =	shalt  }
tec
execute0_lowered:
.L_overlay_start_1:
0x0: {  	(tag) =	ssettag $0x1  }
0x1: {  	s4 =	rddreg [dreg:$0x0];
	s2 =	stileid.u32  }
0x2: {  	s1 =	rddreg [dreg:$0x1];
	s3 =	simm.s32 $0x0;
	s5 =	sshll.u32 s2, $0x8  }
0x3: {  	[smem:$0x7FF] =	sst s3;
	s5 =	sadd.s32 s5, s4  }
0x4: {  	s0 =	rddreg [dreg:$0x2];
	_ =	strace $0x80000047;
	s6 =	sadd.s32 $0x1400, s5  }
0x5: {  	[tilespmem:s3], [sflag:$0x1] =	stream.linear.gather [hbm4b:s6+s3], $0x800, $0x38;
	[tilespmem:$0x2080] =	vst v63  }
0x6: {  	s7 =	simm.s32 $0x800;
	s23 =	sadd.s32 $0x2400, s5  }
0x7: {  	[tilespmem:s7], [sflag:$0x2] =	stream.linear.gather [hbm4b:s23+s3], $0x800, $0x38;
	[tilespmem:$0x2080] =	vst v63  }
0x8: {  	s24 =	simm.s32 $0x1000;
	s25 =	simm.s32 $0x1;
	s5 =	sadd.s32 $0x3400, s5  }
0x9: {  	[tilespmem:s24], [sflag:$0x3] =	stream.linear.gather [hbm4b:s5+s3], $0x800, $0x38;
	[tilespmem:$0x2080] =	vst v63  }
0xa: {  	_ =	swait.ge [sflag:s25], $0x800  }
0xb: {  	[sflag:s25] =	ssyncset.done $0x0  }
0xc: {  	s26 =	simm.s32 $0x2;
	[sflag:s25] =	ssyncadd.s32 $0xFFFFF800  }
0xd: {  	_ =	swait.ge [sflag:s26], $0x800  }
0xe: {  	[sflag:s26] =	ssyncset.done $0x0  }
0xf: {  	s28 =	simm.s32 $0x3;
	[sflag:s26] =	ssyncadd.s32 $0xFFFFF800  }
0x10: {  	_ =	swait.ge [sflag:s28], $0x800  }
0x11: {  	[sflag:s28] =	ssyncset.done $0x0  }
0x12: {  	[sflag:s28] =	ssyncadd.s32 $0xFFFFF800  }
0x13: {  	v0 =	vld [tilespmem:$0x800]  }
0x14: {  	v1 =	vld [tilespmem:$0x810]  }
0x15: {  	v2 =	vld [tilespmem:$0x820]  }
0x16: {  	v6 =	vimm.s32 $0xFEDCBA98;
	v3 =	vld [tilespmem:$0x830]  }
0x17: {  	v12 =	vimm.s32 $0x76543210;
	v16 =	vimm.s32 $0xBA98FEDC;
	v4 =	vld [tilespmem:$0x840]  }
0x18: {  	v18 =	vimm.s32 $0x32107654;
	v21 =	vimm.s32 $0xDCFE98BA;
	v5 =	vld [tilespmem:$0x850]  }
0x19: {  	v22 =	vimm.s32 $0x54761032;
	v6 =	vunpack.c.l.s4.s8 v6;
	v11 =	vld [tilespmem:$0x860];
	v0 =	vmin.f32 v0, v1  }
0x1a: {  	v25 =	vimm.s32 $0xEFCDAB89;
	v13 =	vld [tilespmem:$0x870];
	v0 =	vmin.f32 v0, v2;
	v2 =	vunpack.c.l.s4.s8 v12  }
0x1b: {  	v19 =	vunpack.c.l.s4.s8 v18;
	v14 =	vunpack.c.0.s8.s32 v6;
	v7 =	vld [tilespmem:$0x0];
	v0 =	vmin.f32 v0, v3  }
0x1c: {  	v17 =	vunpack.c.l.s4.s8 v16;
	v9 =	vld [tilespmem:$0x10];
	v0 =	vmin.f32 v0, v4;
	v2 =	vunpack.c.0.s8.s32 v2  }
0x1d: {  	v15 =	vand.u32 $0xF, v14;
	v28 =	vld [tilespmem:$0x20];
	v3 =	vunpack.c.0.s8.s32 v19;
	v0 =	vmin.f32 v0, v5  }
0x1e: {  	v30 =	vld [tilespmem:$0x880];
	v0 =	vmin.f32 v0, v11;
	v1 =	vcombine.low v15, v2;
	v2 =	vunpack.c.0.s8.s32 v17  }
0x1f: {  	v6 =	vunpack.c.l.s4.s8 v22;
	v31 =	vld [tilespmem:$0x890];
	v5 =	vunpack.c.l.s4.s8 v21;
	v0 =	vmin.f32 v0, v13  }
0x20: {  	v8 =	vimm.s32 $0x67452301;
	v14 =	vld [tilespmem:$0x8B0];
	v20 =	vperm.xlane v0, v1;
	v2 =	vcombine.low v3, v2  }
0x21: {  	v26 =	vunpack.c.l.s4.s8 v25;
	v24 =	vunpack.c.0.s8.s32 v6;
	v16 =	vld [tilespmem:$0x8D0];
	v23 =	vunpack.c.0.s8.s32 v5  }
0x22: {  	v27 =	vunpack.c.l.s4.s8 v8;
	v32 =	vld [tilespmem:$0x8E0];
	v0 =	vmin.f32 v0, v20;
	v3 =	vand.u32 $0xF, v2  }
0x23: {  	v34 =	vld [tilespmem:$0x8F0];
	v4 =	vcombine.low v24, v23;
	v10 =	vperm.xlane v0, v3  }
0x24: {  	v29 =	vunpack.c.0.s8.s32 v26;
	v6 =	vunpack.c.0.s8.s32 v27;
	v35 =	vld [tilespmem:$0x50]  }
0x25: {  	v38 =	vld [tilespmem:$0x70];
	v2 =	vand.u32 $0xF, v4;
	v0 =	vmin.f32 v0, v10  }
0x26: {  	v5 =	vcombine.low v6, v29;
	v13 =	vld [tilespmem:$0x8A0];
	v10 =	vperm.xlane v0, v2  }
0x27: {  	v40 =	vld [tilespmem:$0x80]  }
0x28: {  	v15 =	vld [tilespmem:$0x8C0];
	v10 =	vmin.f32 v0, v10;
	v0 =	vand.u32 $0xF, v5  }
0x29: {  	v44 =	vld [tilespmem:$0x900];
	v5 =	vperm.xlane v10, v0  }
0x2a: {  	v45 =	vld [tilespmem:$0x910];
	v4 =	vmin.f32 v30, v31  }
0x2b: {  	v11 =	vld [tilespmem:$0x30];
	v33 =	vmin.f32 v4, v13;
	v4 =	vimm.f32 $0.0e+00;
	v5 =	vmin.f32 v10, v5  }
0x2c: {  	v12 =	vld [tilespmem:$0x40];
	vm0 =	vlt.f32 v7, v5;
	vm1 =	vlt.f32 v9, v5;
	v7 =	vmin.f32 v33, v14  }
0x2d: {  	v46 =	vld [tilespmem:$0x920];
	v36 =	vsel vm0, $0x3F800000, v4;
	v37 =	vsel vm1, $0x3F800000, v4;
	v7 =	vmin.f32 v7, v15  }
0x2e: {  	v48 =	vld [tilespmem:$0x930];
	vm14 =	vlt.f32 v28, v5;
	v13 =	vadd.f32 v37, v36;
	v7 =	vmin.f32 v7, v16  }
0x2f: {  	v18 =	vld [tilespmem:$0x940];
	v39 =	vsel vm14, $0x3F800000, v4;
	v6 =	vmin.f32 v7, v32  }
0x30: {  	v17 =	vld [tilespmem:$0x60];
	vm15 =	vlt.f32 v11, v5;
	v41 =	vadd.f32 v39, v13;
	v6 =	vmin.f32 v6, v34  }
0x31: {  	v50 =	vld [tilespmem:$0x950];
	vm4 =	vlt.f32 v12, v5;
	v11 =	vsel vm15, $0x3F800000, v4;
	v43 =	vperm.xlane v6, v1  }
0x32: {  	v53 =	vld [tilespmem:$0x960];
	vm5 =	vlt.f32 v35, v5;
	v7 =	vadd.f32 v11, v41;
	v11 =	vmin.f32 v44, v45  }
0x33: {  	v55 =	vld [tilespmem:$0x970];
	v12 =	vsel vm4, $0x3F800000, v4;
	v6 =	vmin.f32 v6, v43;
	v54 =	vmin.f32 v11, v46  }
0x34: {  	v42 =	vld [tilespmem:$0x90];
	v7 =	vadd.f32 v12, v7;
	v47 =	vperm.xlane v6, v3;
	v8 =	vmin.f32 v54, v48  }
0x35: {  	v59 =	vld [tilespmem:$0xA0];
	vm6 =	vlt.f32 v17, v5;
	v49 =	vsel vm5, $0x3F800000, v4;
	v8 =	vmin.f32 v8, v18  }
0x36: {  	v61 =	vld [tilespmem:$0xB0];
	v7 =	vadd.f32 v49, v7;
	v6 =	vmin.f32 v6, v47;
	v8 =	vmin.f32 v8, v50  }
0x37: {  	v62 =	vld [tilespmem:$0xC0];
	v51 =	vsel vm6, $0x3F800000, v4;
	v52 =	vperm.xlane v6, v2;
	v8 =	vmin.f32 v8, v53  }
0x38: {  	v25 =	vld [tilespmem:$0xF0];
	vm7 =	vlt.f32 v38, v5;
	v7 =	vadd.f32 v51, v7;
	v8 =	vmin.f32 v8, v55  }
0x39: {  	v21 =	vld [tilespmem:$0xD0];
	v56 =	vsel vm7, $0x3F800000, v4;
	v6 =	vmin.f32 v6, v52;
	v22 =	vperm.xlane v8, v1  }
0x3a: {  	v23 =	vld [tilespmem:$0xE0];
	v57 =	vadd.f32 v56, v7;
	v58 =	vperm.xlane v6, v0  }
0x3b: {  	v27 =	vld [tilespmem:$0x100];
	v8 =	vmin.f32 v8, v22  }
0x3c: {  	v30 =	vld [tilespmem:$0x110];
	v60 =	vperm.xlane v57, v1;
	v7 =	vmin.f32 v6, v58;
	v26 =	vperm.xlane v8, v3  }
0x3d: {  	v31 =	vld [tilespmem:$0x120];
	vm8 =	vlt.f32 v40, v7;
	vm9 =	vlt.f32 v42, v7;
	vm10 =	vlt.f32 v59, v7  }
0x3e: {  	v35 =	vld [tilespmem:$0x130];
	vm11 =	vlt.f32 v61, v7;
	vm12 =	vlt.f32 v62, v7;
	vm13 =	vlt.f32 v21, v7  }
0x3f: {  	v38 =	vld [tilespmem:$0x150];
	vm14 =	vlt.f32 v23, v7;
	vm15 =	vlt.f32 v25, v7;
	v63 =	vsel vm8, $0x3F800000, v4  }
0x40: {  	v36 =	vld [tilespmem:$0x140];
	v20 =	vsel vm9, $0x3F800000, v4;
	v9 =	vadd.f32 v57, v60;
	v6 =	vmin.f32 v8, v26  }
0x41: {  	v42 =	vld [tilespmem:$0x990];
	v24 =	vsel vm10, $0x3F800000, v4;
	v11 =	vadd.f32 v20, v63;
	v34 =	vperm.xlane v6, v2  }
0x42: {  	v29 =	vsel vm11, $0x3F800000, v4;
	v33 =	vsel vm12, $0x3F800000, v4;
	v20 =	vld [tilespmem:$0x980];
	v28 =	vperm.xlane v9, v3  }
0x43: {  	v44 =	vld [tilespmem:$0x9A0];
	v19 =	vsel vm13, $0x3F800000, v4;
	v11 =	vadd.f32 v24, v11;
	v6 =	vmin.f32 v6, v34  }
0x44: {  	v55 =	vld [tilespmem:$0x170];
	v41 =	vsel vm14, $0x3F800000, v4;
	v32 =	vadd.f32 v9, v28;
	v39 =	vperm.xlane v6, v0  }
0x45: {  	v40 =	vld [tilespmem:$0x160];
	v43 =	vsel vm15, $0x3F800000, v4;
	vm13 =	vlt.f32 v5, $5.000000080e+29;
	v11 =	vadd.f32 v29, v11  }
0x46: {  	v47 =	vld [tilespmem:$0x9B0];
	vm15 =	vlt.f32 v7, $5.000000080e+29;
	v37 =	vperm.xlane v32, v2;
	v8 =	vmin.f32 v6, v39  }
0x47: {  	v48 =	vld [tilespmem:$0x9C0];
	v6 =	vmin.f32 v20, v42;
	v9 =	vadd.f32 v33, v11;
	vm4 =	vlt.f32 v27, v8  }
0x48: {  	v23 =	vld [tilespmem:$0x9D0];
	vm5 =	vlt.f32 v30, v8;
	vm6 =	vlt.f32 v31, v8;
	vm7 =	vlt.f32 v35, v8  }
0x49: {  	v50 =	vld [tilespmem:$0x9E0];
	v6 =	vmin.f32 v6, v44;
	vm8 =	vlt.f32 v36, v8;
	vm9 =	vlt.f32 v38, v8  }
0x4a: {  	v52 =	vld [tilespmem:$0x9F0];
	vm10 =	vlt.f32 v40, v8;
	vm11 =	vlt.f32 v55, v8;
	v45 =	vsel vm4, $0x3F800000, v4  }
0x4b: {  	v46 =	vsel vm5, $0x3F800000, v4;
	v6 =	vmin.f32 v6, v47;
	v9 =	vadd.f32 v19, v9  }
0x4c: {  	v15 =	vadd.f32 v32, v37;
	v13 =	vadd.f32 v46, v45;
	v6 =	vmin.f32 v6, v48  }
0x4d: {  	v29 =	vld [tilespmem:$0xA10];
	v22 =	vsel vm6, $0x3F800000, v4;
	v6 =	vmin.f32 v6, v23;
	v9 =	vadd.f32 v41, v9  }
0x4e: {  	v27 =	vld [tilespmem:$0xA00];
	v51 =	vsel vm7, $0x3F800000, v4;
	v13 =	vadd.f32 v22, v13;
	v6 =	vmin.f32 v6, v50  }
0x4f: {  	v31 =	vld [tilespmem:$0xA20];
	v54 =	vsel vm8, $0x3F800000, v4;
	v6 =	vmin.f32 v6, v52;
	v9 =	vadd.f32 v43, v9  }
0x50: {  	v58 =	vld [tilespmem:$0x1000];
	v49 =	vperm.xlane v15, v0;
	v13 =	vadd.f32 v51, v13;
	v61 =	vperm.xlane v6, v1  }
0x51: {  	v33 =	vld [tilespmem:$0xA30];
	v57 =	vsel vm9, $0x3F800000, v4;
	v60 =	vsel vm10, $0x3F800000, v4;
	v21 =	vperm.xlane v9, v1  }
0x52: {  	v62 =	vld [tilespmem:$0x180];
	v14 =	vadd.f32 v15, v49;
	v56 =	vadd.f32 v54, v13;
	v6 =	vmin.f32 v6, v61  }
0x53: {  	v25 =	vld [tilespmem:$0x1A0];
	v16 =	vmin.f32 v27, v29;
	v26 =	vperm.xlane v6, v3;
	v9 =	vadd.f32 v9, v21  }
0x54: {  	v63 =	vld [tilespmem:$0x190];
	v24 =	vsel vm11, $0x3F800000, v4;
	v11 =	vmin.f32 v16, v31;
	v10 =	vadd.f32 v57, v56  }
0x55: {  	v34 =	vld [tilespmem:$0xA40];
	vm12 =	vlt.f32 v14, $1.500000000e+01;
	v6 =	vmin.f32 v6, v26;
	v53 =	vperm.xlane v9, v3  }
0x56: {  	v40 =	vld [tilespmem:$0x1B0];
	v11 =	vmin.f32 v11, v33;
	v10 =	vadd.f32 v60, v10;
	v32 =	vperm.xlane v6, v2  }
0x57: {  	v47 =	vld [tilespmem:$0x1D0];
	vm0 =	vmand vm12, vm13;
	v13 =	vadd.f32 $1.000000000e+00, v58;
	v9 =	vadd.f32 v9, v53  }
0x58: {  	v43 =	vld [tilespmem:$0x1C0];
	v5 =	vnsel vm0, $0x0, v5;
	v10 =	vadd.f32 v24, v10;
	v6 =	vmin.f32 v6, v32  }
0x59: {  	v48 =	vld [tilespmem:$0x1E0];
	v5 =	vsub.f32 v13, v5;
	v37 =	vperm.xlane v6, v0;
	v59 =	vperm.xlane v9, v2  }
0x5a: {  	v39 =	vld [tilespmem:$0xA70];
	v11 =	vmin.f32 v11, v34;
	vm12 =	vlt.f32 v8, $5.000000080e+29;
	v30 =	vperm.xlane v10, v1  }
0x5b: {  	v51 =	vld [tilespmem:$0x1F0];
	v27 =	vmax.f32 v5, $0.0e+00;
	v6 =	vmin.f32 v6, v37;
	v9 =	vadd.f32 v9, v59  }
0x5c: {  	v35 =	vld [tilespmem:$0xA50];
	v10 =	vadd.f32 v10, v30;
	vm4 =	vlt.f32 v62, v6;
	vm2 =	vlt.f32 v63, v6  }
0x5d: {  	v38 =	vld [tilespmem:$0xA60];
	vm5 =	vlt.f32 v25, v6;
	vm6 =	vlt.f32 v40, v6;
	vm7 =	vlt.f32 v43, v6  }
0x5e: {  	v44 =	vld [tilespmem:$0x1080];
	vm8 =	vlt.f32 v47, v6;
	vm9 =	vlt.f32 v48, v6;
	v41 =	vsel vm4, $0x3F800000, v4  }
0x5f: {  	v55 =	vld [tilespmem:$0x210];
	v42 =	vsel vm2, $0x3F800000, v4;
	v28 =	vperm.xlane v9, v0;
	v36 =	vperm.xlane v10, v3  }
0x60: {  	v52 =	vld [tilespmem:$0x200];
	vm11 =	vlt.f32 v51, v6;
	v46 =	vsel vm5, $0x3F800000, v4;
	v12 =	vadd.f32 v42, v41  }
0x61: {  	v29 =	vld [tilespmem:$0xAC0];
	v50 =	vsel vm6, $0x3F800000, v4;
	v9 =	vadd.f32 v9, v28;
	v10 =	vadd.f32 v10, v36  }
0x62: {  	v62 =	vld [tilespmem:$0xA80];
	v17 =	vsel vm7, $0x3F800000, v4;
	v57 =	vsel vm8, $0x3F800000, v4;
	v12 =	vadd.f32 v46, v12  }
0x63: {  	v63 =	vld [tilespmem:$0xA90];
	vm14 =	vlt.f32 v9, $1.500000000e+01;
	v9 =	vmin.f32 v11, v35;
	v45 =	vperm.xlane v10, v2  }
0x64: {  	v31 =	vld [tilespmem:$0xAD0];
	v61 =	vsel vm9, $0x3F800000, v4;
	v24 =	vsel vm11, $0x3F800000, v4;
	v9 =	vmin.f32 v9, v38  }
0x65: {  	v26 =	vld [tilespmem:$0xAA0];
	v12 =	vadd.f32 v50, v12;
	v9 =	vmin.f32 v9, v39;
	v10 =	vadd.f32 v10, v45  }
0x66: {  	v28 =	vld [tilespmem:$0xAB0];
	v11 =	vadd.f32 $1.000000000e+00, v44;
	vm0 =	vmand vm14, vm15;
	v49 =	vperm.xlane v9, v1  }
0x67: {  	v38 =	vld [tilespmem:$0x1100];
	v7 =	vnsel vm0, $0x0, v7;
	v12 =	vadd.f32 v17, v12;
	v53 =	vperm.xlane v10, v0  }
0x68: {  	v50 =	vld [tilespmem:$0xB10];
	v7 =	vsub.f32 v11, v7;
	v11 =	vmin.f32 v62, v63;
	v9 =	vmin.f32 v9, v49  }
0x69: {  	v12 =	vadd.f32 v57, v12;
	v49 =	vld [tilespmem:$0xB00];
	v54 =	vperm.xlane v9, v3;
	v10 =	vadd.f32 v10, v53  }
0x6a: {  	vm11 =	vlt.f32 v6, $5.000000080e+29;
	v11 =	vmin.f32 v11, v26;
	v7 =	vmax.f32 v7, $0.0e+00;
	v53 =	vld [tilespmem:$0xB20]  }
0x6b: {  	v9 =	vmin.f32 v9, v54;
	vm10 =	vlt.f32 v10, $1.500000000e+01;
	v10 =	vadd.f32 v61, v12;
	v54 =	vld [tilespmem:$0xB30]  }
0x6c: {  	v58 =	vld [tilespmem:$0x230];
	v13 =	vadd.f32 $1.000000000e+00, v38;
	v59 =	vperm.xlane v9, v2;
	vm13 =	vmand vm10, vm12  }
0x6d: {  	v57 =	vld [tilespmem:$0xB40];
	v11 =	vmin.f32 v11, v28;
	v10 =	vadd.f32 v24, v10;
	v8 =	vnsel vm13, $0x0, v8  }
0x6e: {  	v56 =	vld [tilespmem:$0x220];
	v14 =	vmin.f32 v49, v50;
	v9 =	vmin.f32 v9, v59;
	v8 =	vsub.f32 v13, v8  }
0x6f: {  	v34 =	vld [tilespmem:$0xAE0];
	v14 =	vmin.f32 v14, v53;
	v25 =	vperm.xlane v9, v0;
	v30 =	vperm.xlane v10, v1  }
0x70: {  	v35 =	vld [tilespmem:$0xAF0];
	v7 =	vadd.f32 v7, v27;
	v8 =	vmax.f32 v8, $0.0e+00;
	v14 =	vmin.f32 v14, v54  }
0x71: {  	v60 =	vld [tilespmem:$0x240];
	v5 =	vmin.f32 v9, v25;
	v10 =	vadd.f32 v10, v30;
	v9 =	vmin.f32 v11, v29  }
0x72: {  	v37 =	vld [tilespmem:$0x250];
	v13 =	vmin.f32 v14, v57;
	vm14 =	vlt.f32 v52, v5;
	vm15 =	vlt.f32 v55, v5  }
0x73: {  	v23 =	vld [tilespmem:$0x2A0];
	vm4 =	vlt.f32 v56, v5;
	v9 =	vmin.f32 v9, v31;
	v32 =	vsel vm14, $0x3F800000, v4  }
0x74: {  	v40 =	vld [tilespmem:$0x260];
	v33 =	vsel vm15, $0x3F800000, v4;
	v39 =	vperm.xlane v10, v3;
	v9 =	vmin.f32 v9, v34  }
0x75: {  	v42 =	vld [tilespmem:$0x270];
	vm5 =	vlt.f32 v58, v5;
	v20 =	vadd.f32 v33, v32;
	v9 =	vmin.f32 v9, v35  }
0x76: {  	v24 =	vld [tilespmem:$0x1180];
	v36 =	vsel vm4, $0x3F800000, v4;
	v10 =	vadd.f32 v10, v39;
	v45 =	vperm.xlane v9, v1  }
0x77: {  	v46 =	vld [tilespmem:$0x290];
	vm6 =	vlt.f32 v60, v5;
	vm7 =	vlt.f32 v37, v5;
	v16 =	vadd.f32 v36, v20  }
0x78: {  	v62 =	vld [tilespmem:$0xB70];
	v18 =	vsel vm5, $0x3F800000, v4;
	v47 =	vperm.xlane v10, v2;
	v9 =	vmin.f32 v9, v45  }
0x79: {  	v59 =	vld [tilespmem:$0xB50];
	vm8 =	vlt.f32 v40, v5;
	v41 =	vadd.f32 v18, v16;
	v52 =	vperm.xlane v9, v3  }
0x7a: {  	vm9 =	vlt.f32 v42, v5;
	v60 =	vld [tilespmem:$0xB60];
	v43 =	vsel vm6, $0x3F800000, v4;
	v10 =	vadd.f32 v10, v47  }
0x7b: {  	v14 =	vadd.f32 $1.000000000e+00, v24;
	v24 =	vld [tilespmem:$0x1200];
	v11 =	vadd.f32 v43, v41;
	v9 =	vmin.f32 v9, v52  }
0x7c: {  	v44 =	vld [tilespmem:$0x280];
	v48 =	vsel vm7, $0x3F800000, v4;
	v55 =	vperm.xlane v10, v0;
	v58 =	vperm.xlane v9, v2  }
0x7d: {  	v27 =	vld [tilespmem:$0x2B0];
	v51 =	vsel vm8, $0x3F800000, v4;
	v56 =	vsel vm9, $0x3F800000, v4;
	v11 =	vadd.f32 v48, v11  }
0x7e: {  	v29 =	vld [tilespmem:$0x2C0];
	v25 =	vmin.f32 v13, v59;
	v10 =	vadd.f32 v10, v55;
	v17 =	vmin.f32 v9, v58  }
0x7f: {  	v31 =	vld [tilespmem:$0x2D0];
	v9 =	vadd.f32 v8, v7;
	v7 =	vmin.f32 v25, v60;
	v11 =	vadd.f32 v51, v11  }
0x80: {  	v33 =	vld [tilespmem:$0x2E0];
	v21 =	vadd.f32 $1.000000000e+00, v24;
	v63 =	vperm.xlane v17, v0;
	v7 =	vmin.f32 v7, v62  }
0x81: {  	v36 =	vld [tilespmem:$0x2F0];
	vm10 =	vlt.f32 v10, $1.500000000e+01;
	v32 =	vperm.xlane v7, v1;
	v11 =	vadd.f32 v56, v11  }
0x82: {  	v8 =	vmin.f32 v17, v63;
	vm0 =	vmand vm10, vm11;
	vm11 =	vlt.f32 v5, $5.000000080e+29  }
0x83: {  	v38 =	vld [tilespmem:$0x300];
	vm12 =	vlt.f32 v44, v8;
	vm13 =	vlt.f32 v46, v8;
	vm14 =	vlt.f32 v23, v8  }
0x84: {  	v54 =	vld [tilespmem:$0xBA0];
	v7 =	vmin.f32 v7, v32;
	vm15 =	vlt.f32 v27, v8;
	v6 =	vnsel vm0, $0x0, v6  }
0x85: {  	v52 =	vld [tilespmem:$0xB90];
	vm4 =	vlt.f32 v29, v8;
	vm5 =	vlt.f32 v31, v8;
	v61 =	vperm.xlane v11, v1  }
0x86: {  	v51 =	vld [tilespmem:$0xB80];
	vm6 =	vlt.f32 v33, v8;
	vm8 =	vlt.f32 v36, v8;
	v28 =	vsel vm12, $0x3F800000, v4  }
0x87: {  	v57 =	vld [tilespmem:$0xBC0];
	v30 =	vsel vm13, $0x3F800000, v4;
	v35 =	vsel vm14, $0x3F800000, v4;
	v22 =	vadd.f32 v11, v61  }
0x88: {  	v56 =	vld [tilespmem:$0xBB0];
	v37 =	vperm.xlane v7, v3;
	v39 =	vsel vm15, $0x3F800000, v4;
	v16 =	vsel vm4, $0x3F800000, v4  }
0x89: {  	v40 =	vld [tilespmem:$0x310];
	v46 =	vsel vm5, $0x3F800000, v4;
	v6 =	vsub.f32 v14, v6;
	v26 =	vperm.xlane v22, v3  }
0x8a: {  	v60 =	vld [tilespmem:$0xBD0];
	v50 =	vsel vm6, $0x3F800000, v4;
	v53 =	vsel vm8, $0x3F800000, v4;
	v13 =	vadd.f32 v30, v28  }
0x8b: {  	v7 =	vmin.f32 v7, v37;
	v11 =	vmin.f32 v51, v52;
	v61 =	vld [tilespmem:$0xBE0];
	v10 =	vadd.f32 v22, v26  }
0x8c: {  	v63 =	vld [tilespmem:$0xBF0];
	v13 =	vadd.f32 v35, v13;
	v43 =	vperm.xlane v7, v2;
	v11 =	vmin.f32 v11, v54  }
0x8d: {  	v45 =	vld [tilespmem:$0x340];
	v6 =	vmax.f32 v6, $0.0e+00;
	v11 =	vmin.f32 v11, v56;
	v34 =	vperm.xlane v10, v2  }
0x8e: {  	v41 =	vld [tilespmem:$0x320];
	v13 =	vadd.f32 v39, v13;
	v7 =	vmin.f32 v7, v43;
	v11 =	vmin.f32 v11, v57  }
0x8f: {  	v44 =	vld [tilespmem:$0x330];
	v48 =	vperm.xlane v7, v0;
	v11 =	vmin.f32 v11, v60;
	v10 =	vadd.f32 v10, v34  }
0x90: {  	v6 =	vadd.f32 v6, v9;
	v13 =	vadd.f32 v16, v13;
	v11 =	vmin.f32 v11, v61  }
0x91: {  	v47 =	vld [tilespmem:$0x350];
	v7 =	vmin.f32 v7, v48;
	v11 =	vmin.f32 v11, v63;
	v42 =	vperm.xlane v10, v0  }
0x92: {  	v13 =	vadd.f32 v46, v13;
	vm9 =	vlt.f32 v38, v7;
	v18 =	vperm.xlane v11, v1  }
0x93: {  	v49 =	vld [tilespmem:$0x360];
	vm10 =	vlt.f32 v40, v7;
	vm12 =	vlt.f32 v41, v7;
	v10 =	vadd.f32 v10, v42  }
0x94: {  	v24 =	vld [tilespmem:$0xC50];
	vm13 =	vlt.f32 v44, v7;
	vm14 =	vlt.f32 v45, v7;
	v11 =	vmin.f32 v11, v18  }
0x95: {  	v17 =	vld [tilespmem:$0x1300];
	v37 =	vperm.xlane v11, v3;
	vm7 =	vlt.f32 v10, $1.500000000e+01;
	v10 =	vadd.f32 v50, v13  }
0x96: {  	v27 =	vld [tilespmem:$0x370];
	vm15 =	vlt.f32 v47, v7;
	v55 =	vsel vm9, $0x3F800000, v4;
	v19 =	vsel vm10, $0x3F800000, v4  }
0x97: {  	v33 =	vld [tilespmem:$0x390];
	v11 =	vmin.f32 v11, v37;
	v13 =	vadd.f32 v19, v55;
	v10 =	vadd.f32 v53, v10  }
0x98: {  	v36 =	vld [tilespmem:$0x3B0];
	v59 =	vsel vm12, $0x3F800000, v4;
	v43 =	vperm.xlane v11, v2;
	vm0 =	vmand vm7, vm11  }
0x99: {  	v28 =	vld [tilespmem:$0x1280];
	v13 =	vadd.f32 v59, v13;
	v5 =	vnsel vm0, $0x0, v5;
	v58 =	vperm.xlane v10, v1  }
0x9a: {  	v30 =	vld [tilespmem:$0x380];
	vm4 =	vlt.f32 v49, v7;
	v62 =	vsel vm13, $0x3F800000, v4;
	v5 =	vsub.f32 v21, v5  }
0x9b: {  	v51 =	vld [tilespmem:$0xC70];
	v47 =	vmin.f32 v11, v43;
	v13 =	vadd.f32 v62, v13;
	v10 =	vadd.f32 v10, v58  }
0x9c: {  	v52 =	vld [tilespmem:$0x3D0];
	vm5 =	vlt.f32 v27, v7;
	v26 =	vsel vm14, $0x3F800000, v4;
	v21 =	vperm.xlane v47, v0  }
0x9d: {  	v34 =	vld [tilespmem:$0x3A0];
	v5 =	vmax.f32 v5, $0.0e+00;
	v13 =	vadd.f32 v26, v13;
	v25 =	vperm.xlane v10, v3  }
0x9e: {  	v54 =	vld [tilespmem:$0x3E0];
	v29 =	vsel vm15, $0x3F800000, v4;
	v5 =	vadd.f32 v5, v6;
	v6 =	vmin.f32 v47, v21  }
0x9f: {  	v38 =	vld [tilespmem:$0x3C0];
	vm8 =	vlt.f32 v30, v6;
	v13 =	vadd.f32 v29, v13;
	v10 =	vadd.f32 v10, v25  }
0xa0: {  	v40 =	vld [tilespmem:$0xC00];
	v32 =	vsel vm4, $0x3F800000, v4;
	vm9 =	vlt.f32 v33, v6;
	v53 =	vsel vm8, $0x3F800000, v4  }
0xa1: {  	v42 =	vld [tilespmem:$0xC10];
	v19 =	vsel vm9, $0x3F800000, v4;
	v13 =	vadd.f32 v32, v13;
	v31 =	vperm.xlane v10, v2  }
0xa2: {  	v16 =	vld [tilespmem:$0x580];
	v35 =	vsel vm5, $0x3F800000, v4;
	vm10 =	vlt.f32 v34, v6;
	v9 =	vadd.f32 v19, v53  }
0xa3: {  	v48 =	vld [tilespmem:$0xC40];
	v58 =	vsel vm10, $0x3F800000, v4;
	v13 =	vadd.f32 v35, v13;
	v10 =	vadd.f32 v10, v31  }
0xa4: {  	v63 =	vld [tilespmem:$0x420];
	vm7 =	vlt.f32 v8, $5.000000080e+29;
	vm11 =	vlt.f32 v36, v6;
	v9 =	vadd.f32 v58, v9  }
0xa5: {  	v44 =	vld [tilespmem:$0xC20];
	v60 =	vsel vm11, $0x3F800000, v4;
	v41 =	vperm.xlane v13, v1;
	v39 =	vperm.xlane v10, v0  }
0xa6: {  	v46 =	vld [tilespmem:$0xC30];
	v49 =	vmin.f32 v40, v42;
	vm12 =	vlt.f32 v38, v6;
	v9 =	vadd.f32 v60, v9  }
0xa7: {  	v55 =	vld [tilespmem:$0x3F0];
	v29 =	vsel vm12, $0x3F800000, v4;
	v45 =	vadd.f32 v13, v41;
	v10 =	vadd.f32 v10, v39  }
0xa8: {  	v50 =	vld [tilespmem:$0xC60];
	vm13 =	vlt.f32 v52, v6;
	vm14 =	vlt.f32 v54, v6;
	v9 =	vadd.f32 v29, v9  }
0xa9: {  	v43 =	vld [tilespmem:$0xCB0];
	v33 =	vsel vm13, $0x3F800000, v4;
	v13 =	vperm.xlane v45, v3;
	vm6 =	vlt.f32 v10, $1.500000000e+01  }
0xaa: {  	v59 =	vld [tilespmem:$0x400];
	v36 =	vsel vm14, $0x3F800000, v4;
	v9 =	vadd.f32 v33, v9;
	vm0 =	vmand vm6, vm7  }
0xab: {  	v62 =	vld [tilespmem:$0x410];
	v13 =	vadd.f32 v45, v13;
	v25 =	vnsel vm0, $0x0, v8;
	v8 =	vmin.f32 v49, v44  }
0xac: {  	v38 =	vld [tilespmem:$0xC80];
	vm5 =	vlt.f32 v55, v6;
	v9 =	vadd.f32 v36, v9;
	v8 =	vmin.f32 v8, v46  }
0xad: {  	v40 =	vsel vm5, $0x3F800000, v4;
	v39 =	vld [tilespmem:$0xC90];
	v57 =	vperm.xlane v13, v2;
	v8 =	vmin.f32 v8, v48  }
0xae: {  	v47 =	vld [tilespmem:$0xCD0];
	v9 =	vadd.f32 v40, v9;
	v56 =	vmin.f32 v8, v24  }
0xaf: {  	v41 =	vld [tilespmem:$0xCA0];
	v13 =	vadd.f32 v13, v57;
	v15 =	vmin.f32 v56, v50  }
0xb0: {  	v12 =	vadd.f32 $1.000000000e+00, v28;
	v26 =	vld [tilespmem:$0x540];
	v46 =	vperm.xlane v9, v1;
	v10 =	vmin.f32 v15, v51  }
0xb1: {  	v30 =	vld [tilespmem:$0x430];
	v28 =	vperm.xlane v13, v0;
	v61 =	vperm.xlane v10, v1  }
0xb2: {  	v17 =	vadd.f32 $1.000000000e+00, v17;
	v55 =	vld [tilespmem:$0xD00];
	v12 =	vsub.f32 v12, v25;
	v11 =	vmin.f32 v38, v39  }
0xb3: {  	v45 =	vld [tilespmem:$0xCC0];
	v9 =	vadd.f32 v9, v46;
	v13 =	vadd.f32 v13, v28;
	v10 =	vmin.f32 v10, v61  }
0xb4: {  	vm4 =	vlt.f32 v7, $5.000000080e+29;
	v11 =	vmin.f32 v11, v41;
	v56 =	vld [tilespmem:$0xD10];
	v31 =	vperm.xlane v10, v3  }
0xb5: {  	v34 =	vld [tilespmem:$0x450];
	v12 =	vmax.f32 v12, $0.0e+00;
	v53 =	vperm.xlane v9, v3;
	vm15 =	vlt.f32 v13, $1.500000000e+01  }
0xb6: {  	v58 =	vld [tilespmem:$0xD20];
	v11 =	vmin.f32 v11, v43;
	vm0 =	vmand vm15, vm4;
	v10 =	vmin.f32 v10, v31  }
0xb7: {  	v9 =	vadd.f32 v9, v53;
	v44 =	vnsel vm0, $0x0, v7;
	v7 =	vld [tilespmem:$0x1400];
	v37 =	vperm.xlane v10, v2  }
0xb8: {  	v52 =	vld [tilespmem:$0x480];
	v12 =	vadd.f32 v12, v5;
	v11 =	vmin.f32 v11, v45;
	v17 =	vsub.f32 v17, v44  }
0xb9: {  	v48 =	vld [tilespmem:$0xCE0];
	v60 =	vperm.xlane v9, v2;
	v13 =	vmin.f32 v55, v56;
	v10 =	vmin.f32 v10, v37  }
0xba: {  	v49 =	vld [tilespmem:$0xCF0];
	vm15 =	vlt.f32 v6, $5.000000080e+29;
	v17 =	vmax.f32 v17, $0.0e+00;
	v42 =	vperm.xlane v10, v0  }
0xbb: {  	v32 =	vld [tilespmem:$0x440];
	v13 =	vmin.f32 v13, v58;
	v9 =	vadd.f32 v9, v60;
	v12 =	vadd.f32 v17, v12  }
0xbc: {  	v35 =	vld [tilespmem:$0x460];
	v7 =	vadd.f32 $1.000000000e+00, v7;
	v5 =	vmin.f32 v10, v42;
	v10 =	vmin.f32 v11, v47  }
0xbd: {  	v50 =	vld [tilespmem:$0x470];
	vm6 =	vlt.f32 v59, v5;
	vm7 =	vlt.f32 v62, v5;
	vm8 =	vlt.f32 v63, v5  }
0xbe: {  	v10 =	vmin.f32 v10, v48;
	v59 =	vld [tilespmem:$0xD30];
	v15 =	vsel vm6, $0x3F800000, v4;
	v19 =	vsel vm7, $0x3F800000, v4  }
0xbf: {  	v61 =	vld [tilespmem:$0xD40];
	vm9 =	vlt.f32 v30, v5;
	v10 =	vmin.f32 v10, v49;
	v15 =	vadd.f32 v19, v15  }
0xc0: {  	vm10 =	vlt.f32 v32, v5;
	v63 =	vld [tilespmem:$0xD50];
	v51 =	vsel vm8, $0x3F800000, v4;
	v20 =	vperm.xlane v10, v1  }
0xc1: {  	v28 =	vld [tilespmem:$0xD60];
	vm11 =	vlt.f32 v34, v5;
	vm12 =	vlt.f32 v35, v5;
	v15 =	vadd.f32 v51, v15  }
0xc2: {  	v29 =	vld [tilespmem:$0xD70];
	vm13 =	vlt.f32 v50, v5;
	v54 =	vsel vm9, $0x3F800000, v4;
	v10 =	vmin.f32 v10, v20  }
0xc3: {  	v40 =	vld [tilespmem:$0x4E0];
	v62 =	vperm.xlane v10, v3;
	v13 =	vmin.f32 v13, v59;
	v15 =	vadd.f32 v54, v15  }
0xc4: {  	v39 =	vld [tilespmem:$0x4D0];
	v32 =	vperm.xlane v9, v0;
	v57 =	vsel vm10, $0x3F800000, v4;
	v13 =	vmin.f32 v13, v61  }
0xc5: {  	v8 =	vld [tilespmem:$0x1380];
	v10 =	vmin.f32 v10, v62;
	v13 =	vmin.f32 v13, v63;
	v15 =	vadd.f32 v57, v15  }
0xc6: {  	v46 =	vld [tilespmem:$0x500];
	v23 =	vsel vm11, $0x3F800000, v4;
	v30 =	vperm.xlane v10, v2;
	v13 =	vmin.f32 v13, v28  }
0xc7: {  	v31 =	vld [tilespmem:$0x490];
	v9 =	vadd.f32 v9, v32;
	v13 =	vmin.f32 v13, v29;
	v15 =	vadd.f32 v23, v15  }
0xc8: {  	v34 =	vld [tilespmem:$0x4A0];
	v27 =	vsel vm12, $0x3F800000, v4;
	v10 =	vmin.f32 v10, v30;
	v41 =	vperm.xlane v13, v1  }
0xc9: {  	v35 =	vld [tilespmem:$0x4B0];
	vm14 =	vlt.f32 v9, $1.500000000e+01;
	v36 =	vperm.xlane v10, v0;
	v15 =	vadd.f32 v27, v15  }
0xca: {  	v37 =	vld [tilespmem:$0x4C0];
	v33 =	vsel vm13, $0x3F800000, v4;
	vm0 =	vmand vm14, vm15;
	v9 =	vmin.f32 v13, v41  }
0xcb: {  	v56 =	vld [tilespmem:$0x560];
	v10 =	vmin.f32 v10, v36;
	v45 =	vperm.xlane v9, v3;
	v15 =	vadd.f32 v33, v15  }
0xcc: {  	v17 =	vld [tilespmem:$0x5C0];
	v6 =	vnsel vm0, $0x0, v6;
	v27 =	vadd.f32 $1.000000000e+00, v8;
	vm4 =	vlt.f32 v52, v10  }
0xcd: {  	v42 =	vld [tilespmem:$0x4F0];
	vm5 =	vlt.f32 v31, v10;
	v9 =	vmin.f32 v9, v45;
	v38 =	vperm.xlane v15, v1  }
0xce: {  	v11 =	vld [tilespmem:$0x1480];
	vm6 =	vlt.f32 v34, v10;
	vm7 =	vlt.f32 v35, v10;
	v50 =	vperm.xlane v9, v2  }
0xcf: {  	v47 =	vld [tilespmem:$0x510];
	vm8 =	vlt.f32 v37, v10;
	vm9 =	vlt.f32 v39, v10;
	v15 =	vadd.f32 v15, v38  }
0xd0: {  	v49 =	vld [tilespmem:$0x520];
	v43 =	vsel vm4, $0x3F800000, v4;
	v21 =	vsel vm5, $0x3F800000, v4;
	v9 =	vmin.f32 v9, v50  }
0xd1: {  	v32 =	vld [tilespmem:$0xDA0];
	v18 =	vadd.f32 v21, v43;
	v55 =	vperm.xlane v9, v0;
	v44 =	vperm.xlane v15, v3  }
0xd2: {  	v51 =	vld [tilespmem:$0x530];
	vm12 =	vlt.f32 v40, v10;
	vm14 =	vlt.f32 v42, v10;
	v48 =	vsel vm6, $0x3F800000, v4  }
0xd3: {  	v59 =	vld [tilespmem:$0xD80];
	v9 =	vmin.f32 v9, v55;
	v13 =	vadd.f32 v15, v44;
	v15 =	vadd.f32 v48, v18  }
0xd4: {  	v54 =	vld [tilespmem:$0x550];
	v53 =	vsel vm7, $0x3F800000, v4;
	vm10 =	vlt.f32 v46, v9;
	vm11 =	vlt.f32 v47, v9  }
0xd5: {  	v62 =	vld [tilespmem:$0xD90];
	v60 =	vsel vm10, $0x3F800000, v4;
	v61 =	vsel vm11, $0x3F800000, v4;
	v15 =	vadd.f32 v53, v15  }
0xd6: {  	v57 =	vld [tilespmem:$0x570];
	v20 =	vsel vm8, $0x3F800000, v4;
	vm13 =	vlt.f32 v49, v9;
	v14 =	vadd.f32 v61, v60  }
0xd7: {  	v29 =	vld [tilespmem:$0x6C0];
	v6 =	vsub.f32 v27, v6;
	v33 =	vsel vm13, $0x3F800000, v4;
	v15 =	vadd.f32 v20, v15  }
0xd8: {  	v8 =	vld [tilespmem:$0x1500];
	v28 =	vsel vm9, $0x3F800000, v4;
	vm15 =	vlt.f32 v51, v9;
	v14 =	vadd.f32 v33, v14  }
0xd9: {  	v36 =	vld [tilespmem:$0xDC0];
	v18 =	vsel vm15, $0x3F800000, v4;
	v52 =	vperm.xlane v13, v2;
	v15 =	vadd.f32 v28, v15  }
0xda: {  	v34 =	vld [tilespmem:$0xDB0];
	v63 =	vsel vm12, $0x3F800000, v4;
	vm4 =	vlt.f32 v26, v9;
	v14 =	vadd.f32 v18, v14  }
0xdb: {  	v37 =	vld [tilespmem:$0xDD0];
	v26 =	vsel vm4, $0x3F800000, v4;
	v13 =	vadd.f32 v13, v52;
	v15 =	vadd.f32 v63, v15  }
0xdc: {  	v40 =	vld [tilespmem:$0xDF0];
	v35 =	vsel vm14, $0x3F800000, v4;
	vm7 =	vlt.f32 v54, v9;
	v14 =	vadd.f32 v26, v14  }
0xdd: {  	v42 =	vld [tilespmem:$0x590];
	v41 =	vsel vm7, $0x3F800000, v4;
	v58 =	vperm.xlane v13, v0;
	v15 =	vadd.f32 v35, v15  }
0xde: {  	v31 =	vld [tilespmem:$0x5B0];
	v21 =	vmin.f32 v59, v62;
	vm8 =	vlt.f32 v56, v9;
	v14 =	vadd.f32 v41, v14  }
0xdf: {  	v27 =	vld [tilespmem:$0x660];
	v25 =	vsel vm8, $0x3F800000, v4;
	v13 =	vadd.f32 v13, v58;
	v39 =	vperm.xlane v15, v1  }
0xe0: {  	v43 =	vmin.f32 v21, v32;
	v38 =	vld [tilespmem:$0xDE0];
	vm9 =	vlt.f32 v57, v9;
	v14 =	vadd.f32 v25, v14  }
0xe1: {  	v45 =	vld [tilespmem:$0xE00];
	v19 =	vsel vm9, $0x3F800000, v4;
	vm5 =	vlt.f32 v13, $1.500000000e+01;
	v13 =	vadd.f32 v15, v39  }
0xe2: {  	v11 =	vadd.f32 $1.000000000e+00, v11;
	v59 =	vld [tilespmem:$0xE60];
	v15 =	vmin.f32 v43, v34;
	v14 =	vadd.f32 v19, v14  }
0xe3: {  	vm6 =	vlt.f32 v5, $5.000000080e+29;
	v62 =	vld [tilespmem:$0x5E0];
	v15 =	vmin.f32 v15, v36;
	v30 =	vperm.xlane v13, v3  }
0xe4: {  	v6 =	vmax.f32 v6, $0.0e+00;
	v50 =	vld [tilespmem:$0xE20];
	v15 =	vmin.f32 v15, v37;
	v48 =	vperm.xlane v14, v1  }
0xe5: {  	v55 =	vld [tilespmem:$0xE40];
	vm0 =	vmand vm5, vm6;
	v15 =	vmin.f32 v15, v38;
	v13 =	vadd.f32 v13, v30  }
0xe6: {  	v47 =	vld [tilespmem:$0xE10];
	v5 =	vnsel vm0, $0x0, v5;
	v15 =	vmin.f32 v15, v40;
	v53 =	vadd.f32 v14, v48  }
0xe7: {  	v44 =	vld [tilespmem:$0x5A0];
	v5 =	vsub.f32 v7, v5;
	v49 =	vperm.xlane v15, v1;
	v46 =	vperm.xlane v13, v2  }
0xe8: {  	v6 =	vadd.f32 v6, v12;
	v8 =	vadd.f32 $1.000000000e+00, v8;
	v52 =	vld [tilespmem:$0xE30];
	v58 =	vperm.xlane v53, v3  }
0xe9: {  	v57 =	vld [tilespmem:$0xE50];
	v5 =	vmax.f32 v5, $0.0e+00;
	v54 =	vmin.f32 v15, v49;
	v51 =	vadd.f32 v13, v46  }
0xea: {  	v60 =	vld [tilespmem:$0xE70];
	v6 =	vadd.f32 v5, v6;
	v56 =	vperm.xlane v54, v3;
	v5 =	vadd.f32 v53, v58  }
0xeb: {  	vm11 =	vlt.f32 v10, $5.000000080e+29;
	v18 =	vmin.f32 v45, v47;
	v48 =	vld [tilespmem:$0xE90];
	v19 =	vperm.xlane v51, v0  }
0xec: {  	v18 =	vmin.f32 v18, v50;
	v46 =	vld [tilespmem:$0xE80];
	v14 =	vmin.f32 v54, v56;
	v33 =	vperm.xlane v5, v2  }
0xed: {  	v20 =	vld [tilespmem:$0x5D0];
	v13 =	vmin.f32 v18, v52;
	v61 =	vperm.xlane v14, v2;
	v7 =	vadd.f32 v51, v19  }
0xee: {  	v50 =	vld [tilespmem:$0xEA0];
	vm6 =	vlt.f32 v9, $5.000000080e+29;
	v32 =	vmin.f32 v13, v55;
	v13 =	vadd.f32 v5, v33  }
0xef: {  	v63 =	vld [tilespmem:$0x5F0];
	v12 =	vmin.f32 v14, v61;
	vm10 =	vlt.f32 v7, $1.500000000e+01;
	v7 =	vmin.f32 v32, v57  }
0xf0: {  	v26 =	vld [tilespmem:$0x670];
	v35 =	vperm.xlane v12, v0;
	v40 =	vperm.xlane v13, v0;
	v7 =	vmin.f32 v7, v59  }
0xf1: {  	v34 =	vld [tilespmem:$0x600];
	vm0 =	vmand vm10, vm11;
	v59 =	vmin.f32 v46, v48;
	v7 =	vmin.f32 v7, v60  }
0xf2: {  	v39 =	vld [tilespmem:$0x630];
	v10 =	vnsel vm0, $0x0, v10;
	v5 =	vmin.f32 v12, v35;
	v38 =	vperm.xlane v7, v1  }
0xf3: {  	v36 =	vld [tilespmem:$0x610];
	vm12 =	vlt.f32 v16, v5;
	vm13 =	vlt.f32 v42, v5;
	vm14 =	vlt.f32 v44, v5  }
0xf4: {  	v37 =	vld [tilespmem:$0x620];
	v10 =	vsub.f32 v11, v10;
	v44 =	vadd.f32 v13, v40;
	vm15 =	vlt.f32 v31, v5  }
0xf5: {  	v52 =	vld [tilespmem:$0xEB0];
	vm5 =	vlt.f32 v17, v5;
	vm7 =	vlt.f32 v20, v5;
	vm8 =	vlt.f32 v62, v5  }
0xf6: {  	v54 =	vld [tilespmem:$0xEC0];
	vm9 =	vlt.f32 v63, v5;
	v41 =	vsel vm12, $0x3F800000, v4;
	v42 =	vsel vm13, $0x3F800000, v4  }
0xf7: {  	v56 =	vld [tilespmem:$0xED0];
	v45 =	vsel vm14, $0x3F800000, v4;
	v23 =	vsel vm15, $0x3F800000, v4;
	v7 =	vmin.f32 v7, v38  }
0xf8: {  	v33 =	vld [tilespmem:$0x6A0];
	v17 =	vsel vm5, $0x3F800000, v4;
	v24 =	vadd.f32 v42, v41;
	v43 =	vperm.xlane v7, v3  }
0xf9: {  	v14 =	vld [tilespmem:$0x680];
	v55 =	vsel vm7, $0x3F800000, v4;
	v58 =	vsel vm8, $0x3F800000, v4;
	v61 =	vsel vm9, $0x3F800000, v4  }
0xfa: {  	v57 =	vld [tilespmem:$0xEE0];
	vm4 =	vlt.f32 v44, $1.500000000e+01;
	v13 =	vadd.f32 v45, v24;
	v7 =	vmin.f32 v7, v43  }
0xfb: {  	v48 =	vld [tilespmem:$0xF60];
	v10 =	vmax.f32 v10, $0.0e+00;
	vm0 =	vmand vm4, vm6;
	v47 =	vperm.xlane v7, v2  }
0xfc: {  	v60 =	vld [tilespmem:$0xEF0];
	v9 =	vnsel vm0, $0x0, v9;
	v49 =	vadd.f32 v23, v13;
	v13 =	vmin.f32 v59, v50  }
0xfd: {  	v12 =	vld [tilespmem:$0x650];
	v9 =	vsub.f32 v8, v9;
	v13 =	vmin.f32 v13, v52;
	v51 =	vmin.f32 v7, v47  }
0xfe: {  	v35 =	vld [tilespmem:$0xF00];
	v11 =	vadd.f32 v17, v49;
	v13 =	vmin.f32 v13, v54;
	v53 =	vperm.xlane v51, v0  }
0xff: {  	v16 =	vld [tilespmem:$0x640];
	v9 =	vmax.f32 v9, $0.0e+00;
	v7 =	vadd.f32 v10, v6;
	v10 =	vmin.f32 v13, v56  }
0x100: {  	v63 =	vld [tilespmem:$0x690];
	v11 =	vadd.f32 v55, v11;
	v10 =	vmin.f32 v10, v57;
	v6 =	vmin.f32 v51, v53  }
0x101: {  	v40 =	vld [tilespmem:$0xF20];
	v10 =	vmin.f32 v10, v60;
	vm10 =	vlt.f32 v34, v6;
	vm11 =	vlt.f32 v36, v6  }
0x102: {  	v41 =	vld [tilespmem:$0xF30];
	v11 =	vadd.f32 v58, v11;
	vm12 =	vlt.f32 v37, v6;
	vm13 =	vlt.f32 v39, v6  }
0x103: {  	v36 =	vld [tilespmem:$0xF10];
	v39 =	vperm.xlane v10, v1;
	v62 =	vsel vm10, $0x3F800000, v4;
	v32 =	vsel vm11, $0x3F800000, v4  }
0x104: {  	v45 =	vld [tilespmem:$0xF50];
	vm14 =	vlt.f32 v16, v6;
	vm15 =	vlt.f32 v12, v6;
	v18 =	vadd.f32 v32, v62  }
0x105: {  	v43 =	vld [tilespmem:$0xF40];
	v19 =	vsel vm12, $0x3F800000, v4;
	v11 =	vadd.f32 v61, v11;
	v10 =	vmin.f32 v10, v39  }
0x106: {  	v52 =	vld [tilespmem:$0xF80];
	vm4 =	vlt.f32 v27, v6;
	v44 =	vperm.xlane v10, v3;
	v18 =	vadd.f32 v19, v18  }
0x107: {  	v49 =	vld [tilespmem:$0xF70];
	vm5 =	vlt.f32 v26, v6;
	v38 =	vsel vm13, $0x3F800000, v4;
	v37 =	vperm.xlane v11, v1  }
0x108: {  	v54 =	vld [tilespmem:$0xF90];
	v10 =	vmin.f32 v10, v44;
	v15 =	vmin.f32 v35, v36;
	v18 =	vadd.f32 v38, v18  }
0x109: {  	v56 =	vld [tilespmem:$0xFA0];
	v11 =	vadd.f32 v11, v37;
	v51 =	vperm.xlane v10, v2;
	v15 =	vmin.f32 v15, v40  }
0x10a: {  	v34 =	vld [tilespmem:$0x6B0];
	v42 =	vsel vm14, $0x3F800000, v4;
	v47 =	vsel vm15, $0x3F800000, v4;
	v15 =	vmin.f32 v15, v41  }
0x10b: {  	v58 =	vld [tilespmem:$0xFB0];
	v18 =	vadd.f32 v42, v18;
	v46 =	vperm.xlane v11, v3;
	v10 =	vmin.f32 v10, v51  }
0x10c: {  	v50 =	vsel vm4, $0x3F800000, v4;
	v32 =	vld [tilespmem:$0x6D0];
	v15 =	vmin.f32 v15, v43;
	v57 =	vperm.xlane v10, v0  }
0x10d: {  	v36 =	vld [tilespmem:$0x6E0];
	v61 =	vmin.f32 v15, v45;
	v18 =	vadd.f32 v47, v18;
	v11 =	vadd.f32 v11, v46  }
0x10e: {  	v59 =	vsel vm5, $0x3F800000, v4;
	v37 =	vld [tilespmem:$0x6F0];
	v8 =	vmin.f32 v10, v57;
	v10 =	vmin.f32 v61, v48  }
0x10f: {  	v60 =	vld [tilespmem:$0xFC0];
	v53 =	vadd.f32 v50, v18;
	v55 =	vperm.xlane v11, v2;
	vm6 =	vlt.f32 v14, v8  }
0x110: {  	v62 =	vld [tilespmem:$0xFD0];
	vm7 =	vlt.f32 v63, v8;
	v63 =	vmin.f32 v52, v54;
	vm8 =	vlt.f32 v33, v8  }
0x111: {  	v24 =	vld [tilespmem:$0xFE0];
	v10 =	vmin.f32 v10, v49;
	vm9 =	vlt.f32 v34, v8;
	vm10 =	vlt.f32 v29, v8  }
0x112: {  	v26 =	vld [tilespmem:$0xFF0];
	vm11 =	vlt.f32 v32, v8;
	vm12 =	vlt.f32 v36, v8;
	v14 =	vmin.f32 v63, v56  }
0x113: {  	vm5 =	vlt.f32 v37, v8;
	v25 =	vsel vm6, $0x3F800000, v4;
	v14 =	vmin.f32 v14, v58  }
0x114: {  	v22 =	vsel vm7, $0x3F800000, v4;
	v28 =	vsel vm8, $0x3F800000, v4;
	v27 =	vmin.f32 v14, v60  }
0x115: {  	v30 =	vperm.xlane v10, v1;
	v13 =	vsel vm9, $0x3F800000, v4;
	v12 =	vmin.f32 v27, v62  }
0x116: {  	v16 =	vsel vm10, $0x3F800000, v4;
	v19 =	vadd.f32 v22, v25;
	v12 =	vmin.f32 v12, v24  }
0x117: {  	v18 =	vadd.f32 v59, v53;
	v10 =	vmin.f32 v10, v30;
	v12 =	vmin.f32 v12, v26  }
0x118: {  	v14 =	vadd.f32 v28, v19;
	v33 =	vperm.xlane v10, v3;
	v34 =	vperm.xlane v12, v1  }
0x119: {  	v39 =	vld [tilespmem:$0x700];
	v41 =	vsel vm11, $0x3F800000, v4;
	v11 =	vadd.f32 v11, v55;
	v31 =	vperm.xlane v18, v1  }
0x11a: {  	v40 =	vld [tilespmem:$0x710];
	v13 =	vadd.f32 v13, v14;
	v10 =	vmin.f32 v10, v33;
	v12 =	vmin.f32 v12, v34  }
0x11b: {  	v43 =	vld [tilespmem:$0x720];
	v15 =	vadd.f32 v18, v31;
	v19 =	vperm.xlane v10, v2;
	v20 =	vperm.xlane v12, v3  }
0x11c: {  	v48 =	vld [tilespmem:$0x730];
	v47 =	vsel vm12, $0x3F800000, v4;
	v35 =	vperm.xlane v11, v0;
	v13 =	vadd.f32 v16, v13  }
0x11d: {  	v53 =	vld [tilespmem:$0x740];
	v38 =	vperm.xlane v15, v3;
	v10 =	vmin.f32 v10, v19;
	v12 =	vmin.f32 v12, v20  }
0x11e: {  	v45 =	vld [tilespmem:$0x780];
	v42 =	vperm.xlane v10, v0;
	v13 =	vadd.f32 v41, v13;
	v44 =	vperm.xlane v12, v2  }
0x11f: {  	v46 =	vld [tilespmem:$0x790];
	v61 =	vsel vm5, $0x3F800000, v4;
	v11 =	vadd.f32 v11, v35;
	v15 =	vadd.f32 v15, v38  }
0x120: {  	v10 =	vmin.f32 v10, v42;
	v13 =	vadd.f32 v47, v13;
	v12 =	vmin.f32 v12, v44  }
0x121: {  	v51 =	vld [tilespmem:$0x7A0];
	vm13 =	vlt.f32 v39, v10;
	vm14 =	vlt.f32 v40, v10;
	v49 =	vperm.xlane v12, v0  }
0x122: {  	v58 =	vld [tilespmem:$0x750];
	vm15 =	vlt.f32 v43, v10;
	vm7 =	vlt.f32 v48, v10;
	vm9 =	vlt.f32 v53, v10  }
0x123: {  	v54 =	vld [tilespmem:$0x7B0];
	v50 =	vsel vm13, $0x3F800000, v4;
	v52 =	vsel vm14, $0x3F800000, v4;
	v12 =	vmin.f32 v12, v49  }
0x124: {  	v20 =	vadd.f32 v52, v50;
	vm4 =	vlt.f32 v45, v12;
	vm6 =	vlt.f32 v46, v12  }
0x125: {  	v60 =	vld [tilespmem:$0x7C0];
	v22 =	vsel vm15, $0x3F800000, v4;
	v55 =	vsel vm4, $0x3F800000, v4;
	v57 =	vsel vm6, $0x3F800000, v4  }
0x126: {  	v62 =	vld [tilespmem:$0x760];
	v56 =	vadd.f32 v22, v20;
	vm8 =	vlt.f32 v51, v12;
	v18 =	vadd.f32 v57, v55  }
0x127: {  	v24 =	vld [tilespmem:$0x7D0];
	vm11 =	vlt.f32 v58, v10;
	v59 =	vsel vm7, $0x3F800000, v4;
	v63 =	vsel vm8, $0x3F800000, v4  }
0x128: {  	v26 =	vld [tilespmem:$0x770];
	v14 =	vadd.f32 v59, v56;
	vm10 =	vlt.f32 v54, v12;
	v18 =	vadd.f32 v63, v18  }
0x129: {  	v29 =	vld [tilespmem:$0x7E0];
	v13 =	vadd.f32 v61, v13;
	v25 =	vsel vm9, $0x3F800000, v4;
	v27 =	vsel vm10, $0x3F800000, v4  }
0x12a: {  	vm12 =	vlt.f32 v60, v12;
	v14 =	vadd.f32 v25, v14;
	v28 =	vadd.f32 v27, v18  }
0x12b: {  	v33 =	vld [tilespmem:$0x7F0];
	v31 =	vsel vm11, $0x3F800000, v4;
	vm13 =	vlt.f32 v62, v10;
	v32 =	vsel vm12, $0x3F800000, v4  }
0x12c: {  	vm14 =	vlt.f32 v24, v12;
	v14 =	vadd.f32 v31, v14;
	v16 =	vadd.f32 v32, v28  }
0x12d: {  	vm15 =	vlt.f32 v26, v10;
	v34 =	vsel vm13, $0x3F800000, v4;
	v35 =	vsel vm14, $0x3F800000, v4  }
0x12e: {  	vm4 =	vlt.f32 v29, v12;
	v14 =	vadd.f32 v34, v14;
	v16 =	vadd.f32 v35, v16  }
0x12f: {  	v37 =	vsel vm15, $0x3F800000, v4;
	v30 =	vperm.xlane v13, v1;
	v38 =	vsel vm4, $0x3F800000, v4  }
0x130: {  	vm5 =	vlt.f32 v33, v12;
	v14 =	vadd.f32 v37, v14;
	v16 =	vadd.f32 v38, v16  }
0x131: {  	v36 =	vperm.xlane v15, v2;
	v13 =	vadd.f32 v13, v30;
	v4 =	vsel vm5, $0x3F800000, v4  }
0x132: {  	v7 =	vadd.f32 v9, v7;
	v40 =	vperm.xlane v14, v1;
	v4 =	vadd.f32 v4, v16  }
0x133: {  	v43 =	vld [tilespmem:$0x1580];
	v15 =	vadd.f32 v15, v36;
	vm7 =	vlt.f32 v5, $5.000000080e+29;
	v39 =	vperm.xlane v13, v3  }
0x134: {  	vm9 =	vlt.f32 v6, $5.000000080e+29;
	v14 =	vadd.f32 v14, v40;
	v1 =	vperm.xlane v4, v1  }
0x135: {  	vm11 =	vlt.f32 v8, $5.000000080e+29;
	vm13 =	vlt.f32 v10, $5.000000080e+29;
	v41 =	vadd.f32 v13, v39  }
0x136: {  	v44 =	vld [tilespmem:$0x1600];
	v42 =	vperm.xlane v15, v0;
	v46 =	vperm.xlane v14, v3;
	v1 =	vadd.f32 v4, v1  }
0x137: {  	vm15 =	vlt.f32 v12, $5.000000080e+29;
	vm6 =	vlt.f32 v11, $1.500000000e+01;
	v45 =	vperm.xlane v41, v2  }
0x138: {  	v49 =	vld [tilespmem:$0x1680];
	v11 =	vadd.f32 $1.000000000e+00, v43;
	v4 =	vadd.f32 v14, v46;
	v3 =	vperm.xlane v1, v3  }
0x139: {  	vm0 =	vmand vm6, vm7;
	v13 =	vadd.f32 v15, v42;
	v9 =	vadd.f32 v41, v45  }
0x13a: {  	v56 =	vld [tilespmem:$0x1780];
	v5 =	vnsel vm0, $0x0, v5;
	v50 =	vperm.xlane v4, v2;
	v1 =	vadd.f32 v1, v3  }
0x13b: {  	v48 =	vadd.f32 $1.000000000e+00, v44;
	v5 =	vsub.f32 v11, v5;
	v47 =	vperm.xlane v9, v0  }
0x13c: {  	vm8 =	vlt.f32 v13, $1.500000000e+01;
	v3 =	vadd.f32 v4, v50;
	v2 =	vperm.xlane v1, v2  }
0x13d: {  	v55 =	vadd.f32 $1.000000000e+00, v49;
	vm0 =	vmand vm8, vm9;
	v9 =	vadd.f32 v9, v47  }
0x13e: {  	v53 =	vld [tilespmem:$0x1700];
	v6 =	vnsel vm0, $0x0, v6;
	v52 =	vperm.xlane v3, v0;
	v1 =	vadd.f32 v1, v2  }
0x13f: {  	v61 =	vadd.f32 $1.000000000e+00, v56;
	v6 =	vsub.f32 v48, v6;
	vm10 =	vlt.f32 v9, $1.500000000e+01  }
0x140: {  	vm0 =	vmand vm10, vm11;
	v3 =	vadd.f32 v3, v52;
	v0 =	vperm.xlane v1, v0  }
0x141: {  	v51 =	vmax.f32 v5, $0.0e+00;
	v6 =	vmax.f32 v6, $0.0e+00;
	v54 =	vnsel vm0, $0x0, v8  }
0x142: {  	v4 =	vadd.f32 v51, v7;
	vm12 =	vlt.f32 v3, $1.500000000e+01;
	v0 =	vadd.f32 v1, v0  }
0x143: {  	v57 =	vsub.f32 v55, v54;
	v2 =	vadd.f32 $1.000000000e+00, v53;
	vm0 =	vmand vm12, vm13  }
0x144: {  	v4 =	vadd.f32 v6, v4;
	v59 =	vnsel vm0, $0x0, v10;
	vm14 =	vlt.f32 v0, $1.500000000e+01  }
0x145: {  	v58 =	vmax.f32 v57, $0.0e+00;
	v60 =	vsub.f32 v2, v59;
	vm0 =	vmand vm14, vm15  }
0x146: {  	v1 =	vadd.f32 v58, v4;
	v62 =	vnsel vm0, $0x0, v12  }
0x147: {  	v0 =	vmax.f32 v60, $0.0e+00;
	v2 =	vsub.f32 v61, v62  }
0x148: {  	v0 =	vadd.f32 v0, v1  }
0x149: {  	v63 =	vmax.f32 v2, $0.0e+00  }
0x14a: {  	v0 =	vadd.f32 v63, v0  }
0x14b: {  	s29 =	sshll.u32 s2, $0x4;
	s4 =	sadd.s32 $0x4400, s4  }
0x14c: {  	s30 =	simm.s32 $0x1800;
	s31 =	simm.s32 $0x4;
	s5 =	sadd.s32 s4, s29;
	[tilespmem:$0x1800] =	vst v0  }
0x14d: {  	[hbm4b:s5+s3] =	stream.linear.scatter [tilespmem:s30], [sflag:$0x4], $0x80, $0x38;
	[tilespmem:$0x2080] =	vst v63  }
0x14e: {  	_ =	swait.ge [sflag:s31], $0x80  }
0x14f: {  	[sflag:s31] =	ssyncset.done $0x0  }
0x150: {  	[sflag:s31] =	ssyncadd.s32 $0xFFFFFF80  }
0x151: {  	p0 =	sne.s32 s2, $0x0;
	[bflag:$0x0] =	sbarrier.arrive $0xFFFF  }
0x152: {  	_ =	sfence.sel @p0 $0x180000  }
0x153: {  	[bflag:$0x0] =	sbarrier.arrive @p0 $0xFFFF  }
0x154: {  	_ =	strace @p0 $0x90000047  }
0x155: {  	s2 =	simm.s32 @!p0 $0x0;
	s3 =	simm.s32 @!p0 $0x1880;
	[bflag:$0x2] =	sbarrier.arrive @p0 $0xFFFF  }
0x156: {  	[tilespmem:s3], [sflag:$0x4] =	stream.linear.gather @!p0 [hbm4b:s4+s2], $0x800, $0x38;
	[tilespmem:$0x2080] =	vst v63  }
0x157: {  	s3 =	simm.s32 @!p0 $0x4  }
0x158: {  	_ =	swait.ge @!p0 [sflag:s3], $0x800  }
0x159: {  	[sflag:s3] =	ssyncset.done @!p0 $0x0  }
0x15a: {  	[sflag:s3] =	ssyncadd.s32 @!p0 $0xFFFFF800  }
0x15b: {  	v0 =	vld @!p0 [tilespmem:$0x1880]  }
0x15c: {  	v1 =	vld @!p0 [tilespmem:$0x1900];
	_ =	sdelay $0x1  }
0x15d: {  	v2 =	vld @!p0 [tilespmem:$0x1980];
	_ =	sdelay $0x1  }
0x15e: {  	v3 =	vld @!p0 [tilespmem:$0x1A00]  }
0x15f: {  	v0 =	vadd.f32 @!p0 v1, v0  }
0x160: {  	v1 =	vld @!p0 [tilespmem:$0x1A80]  }
0x161: {  	v0 =	vadd.f32 @!p0 v2, v0  }
0x162: {  	v2 =	vld @!p0 [tilespmem:$0x1B00]  }
0x163: {  	v0 =	vadd.f32 @!p0 v3, v0  }
0x164: {  	v3 =	vld @!p0 [tilespmem:$0x1B80]  }
0x165: {  	v0 =	vadd.f32 @!p0 v1, v0  }
0x166: {  	v1 =	vld @!p0 [tilespmem:$0x1C00]  }
0x167: {  	v0 =	vadd.f32 @!p0 v2, v0  }
0x168: {  	v2 =	vld @!p0 [tilespmem:$0x1C80]  }
0x169: {  	v0 =	vadd.f32 @!p0 v3, v0  }
0x16a: {  	v3 =	vld @!p0 [tilespmem:$0x1D00]  }
0x16b: {  	v0 =	vadd.f32 @!p0 v1, v0  }
0x16c: {  	v1 =	vld @!p0 [tilespmem:$0x1D80]  }
0x16d: {  	v0 =	vadd.f32 @!p0 v2, v0  }
0x16e: {  	v2 =	vld @!p0 [tilespmem:$0x1E00]  }
0x16f: {  	v0 =	vadd.f32 @!p0 v3, v0  }
0x170: {  	v3 =	vld @!p0 [tilespmem:$0x1E80]  }
0x171: {  	v0 =	vadd.f32 @!p0 v1, v0  }
0x172: {  	v1 =	vld @!p0 [tilespmem:$0x1F00]  }
0x173: {  	v0 =	vadd.f32 @!p0 v2, v0  }
0x174: {  	v2 =	vld @!p0 [tilespmem:$0x1F80]  }
0x175: {  	v0 =	vadd.f32 @!p0 v3, v0  }
0x176: {  	v3 =	vld @!p0 [tilespmem:$0x2000]  }
0x177: {  	v0 =	vadd.f32 @!p0 v1, v0;
	_ =	sdelay $0x1  }
0x178: {  	v0 =	vadd.f32 @!p0 v2, v0;
	_ =	sdelay $0x1  }
0x179: {  	v0 =	vadd.f32 @!p0 v3, v0;
	_ =	sdelay $0x1  }
0x17a: {  	v0 =	vmul.f32 @!p0 $3.906250000e-03, v0;
	_ =	sdelay $0x1  }
0x17b: {  	s4 =	simm.s32 @!p0 $0x1800;
	[tilespmem:$0x1800] =	vst @!p0 v0  }
0x17c: {  	[hbm4b:s1+s2] =	stream.linear.scatter @!p0 [tilespmem:s4], [sflag:$0x4], $0x80, $0x38;
	[tilespmem:$0x2080] =	vst v63  }
0x17d: {  	_ =	swait.ge @!p0 [sflag:s3], $0x80  }
0x17e: {  	[sflag:s3] =	ssyncset.done @!p0 $0x0  }
0x17f: {  	[sflag:s3] =	ssyncadd.s32 @!p0 $0xFFFFFF80  }
0x180: {  	_ =	sfence.sel @!p0 $0x180000  }
0x181: {  	[bflag:$0x0] =	sbarrier.arrive @!p0 $0xFFFF  }
0x182: {  	_ =	strace @!p0 $0x90000047  }
0x183: {  	s0 =	sadd.s32 @!p0 $0x100000, s0;
	[bflag:$0x2] =	sbarrier.arrive @!p0 $0xFFFF  }
0x184: {  	[sflag:s0] =	ssyncadd.tile.s32 @!p0 $0x1;
	_ =	shalt  }
.Lfunc_end2:
_tile_overlayer_lowered:
.L_overlay_start_2:
0x185: {  	(tag) =	ssettag $0x2  }
0x186: {  	s0 =	rddreg [dreg:$0x0];
	s2 =	stileid.u32  }
0x187: {  	s1 =	rddreg [dreg:$0x1];
	p0 =	sne.s32 s2, $0x0  }
0x188: {  	s3 =	rddreg [dreg:$0x2];
	[bflag:$0x3] =	sbarrier.arrive $0xFFFF;
	s2 =	simm.s32 @!p0 $0x1C04  }
0x189: {  	[timem:s3], [sflag:s2] =	dma.local @!p0 [hbm:s0], s1  }
0x18a: {  	s0 =	simm.s32 @!p0 $0x4  }
0x18b: {  	_ =	swait.ge @!p0 [sflag:s0], s1  }
0x18c: {  	s1 =	ssub.s32 @!p0 $0x0, s1;
	[sflag:s0] =	ssyncset.done @!p0 $0x0  }
0x18d: {  	[sflag:s0] =	ssyncadd.s32 @!p0 s1  }
0x18e: {  	[bflag:$0x3] =	sbarrier.arrive $0xFFFF  }
0x18f: {  	_ =	shalt  }

</sc_bundles>
